<compile_context>
chip_gen: v7x
topology: tpu7x:2x2x1
jax: 0.10.2.dev20260603
libtpu: 0.0.44.dev20260713+nightly
codegen_flags: <defaults>
</compile_context>

<pallas_src>
import functools

import jax
import jax.numpy as jnp
from jax import lax
from jax.experimental import pallas as pl
from jax.experimental.pallas import tpu as pltpu
from jax.experimental.pallas import tpu_sc as plsc

N = 10000
E = 320000
G = 64
F = 128
EPS = 1e-5

NS = 16
CHUNK = 128
E_PAD = 327680
R = 10016

BLK = 2000
NB = N // BLK


def _make_sc_scatter(feat_split):
    if feat_split:
        edges_per_tile = E_PAD // NS
    else:
        edges_per_tile = E_PAD // (2 * NS)
    chunks_per_tile = edges_per_tile // CHUNK

    mesh = plsc.VectorSubcoreMesh(core_axis_name="c", subcore_axis_name="s",
                                  num_cores=2, num_subcores=NS)
    NI = 6
    NR = 3

    def body(t0_hbm, t1_hbm, src_hbm, dst_hbm, zeros_hbm, out_hbm,
             agg_sh, s0, s1, s2, s3, s4, s5, d0, d1, d2, d3, d4, d5,
             r0, r1, r2, a0, a1, a2, a3, a4, a5, b0, b1, b2, b3, b4, b5,
             g0, g1, g2):
        srcs = (s0, s1, s2, s3, s4, s5)
        dsts = (d0, d1, d2, d3, d4, d5)
        ssems = (a0, a1, a2, a3, a4, a5)
        dsems = (b0, b1, b2, b3, b4, b5)
        rows = (r0, r1, r2)
        gsems = (g0, g1, g2)
        c = lax.axis_index("c")
        s = lax.axis_index("s")

        z0 = s * 624

        @pl.when(s < NS - 1)
        def _():
            pltpu.sync_copy(zeros_hbm.at[pl.ds(z0, 624)], agg_sh.at[pl.ds(z0, 624)])

        @pl.when(s == NS - 1)
        def _():
            pltpu.sync_copy(zeros_hbm.at[pl.ds((NS - 1) * 624, R - (NS - 1) * 624)],
                            agg_sh.at[pl.ds((NS - 1) * 624, R - (NS - 1) * 624)])
        plsc.subcore_barrier()

        if feat_split:
            ebase = s * edges_per_tile
        else:
            ebase = c * (E_PAD // 2) + s * edges_per_tile

        cpt = chunks_per_tile

        def idx_start(i, k):
            base = ebase + i * CHUNK
            pltpu.async_copy(src_hbm.at[pl.ds(base, CHUNK)], srcs[k], ssems[k])
            pltpu.async_copy(dst_hbm.at[pl.ds(base, CHUNK)], dsts[k], dsems[k])

        def idx_wait(k):
            pltpu.make_async_copy(src_hbm.at[pl.ds(0, CHUNK)], srcs[k], ssems[k]).wait()
            pltpu.make_async_copy(dst_hbm.at[pl.ds(0, CHUNK)], dsts[k], dsems[k]).wait()

        def run(table):
            def gather_start(k, b):
                pltpu.async_copy(table.at[srcs[k]], rows[b], gsems[b])

            def gather_wait(k, b):
                pltpu.make_async_copy(table.at[srcs[k]], rows[b], gsems[b]).wait()

            for k in range(NI):
                idx_start(k, k)
            idx_wait(0)
            gather_start(0, 0)
            idx_wait(1)
            gather_start(1, 1)

            def group(j, carry):
                for u in range(NI):
                    i = j * NI + u
                    gather_wait(u, u % NR)

                    @pl.when(i + 2 < cpt)
                    def _():
                        idx_wait((u + 2) % NI)
                        gather_start((u + 2) % NI, (u + 2) % NR)

                    pltpu.sync_copy(rows[u % NR], agg_sh.at[dsts[u]], add=True)

                    @pl.when(i + NI < cpt)
                    def _():
                        idx_start(i + NI, u)
                return carry
            lax.fori_loop(0, cpt // NI, group, 0)
            for ii in range(cpt - cpt % NI, cpt):
                u = ii % NI
                gather_wait(u, ii % NR)
                if ii + 2 < cpt:
                    idx_wait((u + 2) % NI)
                    gather_start((u + 2) % NI, (ii + 2) % NR)
                pltpu.sync_copy(rows[ii % NR], agg_sh.at[dsts[u]], add=True)

        if feat_split:
            @pl.when(c == 0)
            def _():
                run(t0_hbm)

            @pl.when(c == 1)
            def _():
                run(t1_hbm)
        else:
            run(t0_hbm)

        plsc.subcore_barrier()
        o0 = s * 624

        @pl.when(s < NS - 1)
        def _():
            pltpu.sync_copy(agg_sh.at[pl.ds(o0, 624)],
                            out_hbm.at[pl.ds(c * N + o0, 624)])

        @pl.when(s == NS - 1)
        def _():
            pltpu.sync_copy(agg_sh.at[pl.ds((NS - 1) * 624, 640)],
                            out_hbm.at[pl.ds(c * N + (NS - 1) * 624, 640)])

    return pl.kernel(
        body,
        out_type=jax.ShapeDtypeStruct((2 * N, F), jnp.float32),
        mesh=mesh,
        scratch_types=(
            [pltpu.VMEM_SHARED((R, F), jnp.float32)]
            + [pltpu.VMEM((CHUNK,), jnp.int32) for _ in range(12)]
            + [pltpu.VMEM((CHUNK, F), jnp.float32) for _ in range(3)]
            + [pltpu.SemaphoreType.DMA for _ in range(15)]
        ),
    )


def _dot(a, b):
    return jnp.dot(a, b, preferred_element_type=jnp.float32)


def _dot_exact(a, b):
    return jnp.dot(a, b, preferred_element_type=jnp.float32,
                   precision=lax.Precision.HIGHEST)


def _make_dense(feat_split, O, pool):
    H = O // 2

    def body(*refs):
        agg_ref = refs[0]
        if feat_split:
            p0_ref, p1_ref = refs[1], refs[2]
            refs = refs[3:]
        else:
            p0_ref = refs[1]
            p1_ref = None
            refs = refs[2:]
        if pool:
            (wrel_ref, wroot_ref, brel_ref, gamma_ref, beta_ref, batch_ref,
             h0_ref, h1_ref, pooled_ref, counts_ref,
             y_s, s_s, s2_s, pool_s, cnt_s) = refs
        else:
            (wrel_ref, wroot_ref, brel_ref, gamma_ref, beta_ref,
             h0_ref, h1_ref,
             y_s, s_s, s2_s) = refs
        p = pl.program_id(0)
        b = pl.program_id(1)

        @pl.when(p == 0)
        def _():
            if feat_split:
                y = (_dot(agg_ref[0], wrel_ref[0:F, :])
                     + _dot(agg_ref[1], wrel_ref[F:2 * F, :])
                     + _dot(p0_ref[...], wroot_ref[0:F, :])
                     + _dot(p1_ref[...], wroot_ref[F:2 * F, :])
                     + brel_ref[...])
            else:
                y = (_dot(agg_ref[0] + agg_ref[1], wrel_ref[...])
                     + _dot(p0_ref[...], wroot_ref[...])
                     + brel_ref[...])
            y_s[pl.ds(b * BLK, BLK), :] = y

            @pl.when(b == 0)
            def _():
                s_s[...] = jnp.zeros_like(s_s)
                s2_s[...] = jnp.zeros_like(s2_s)

            s_s[...] += jnp.sum(y, axis=0, keepdims=True)
            s2_s[...] += jnp.sum(y * y, axis=0, keepdims=True)

        @pl.when(p == 1)
        def _():
            mu = s_s[...] * (1.0 / N)
            var = s2_s[...] * (1.0 / N) - mu * mu
            scale = lax.rsqrt(var + EPS) * gamma_ref[...]
            y = y_s[pl.ds(b * BLK, BLK), :]
            h = jnp.maximum((y - mu) * scale + beta_ref[...], 0.0)
            h0_ref[...] = h[:, 0:H]
            h1_ref[...] = h[:, H:O]
            if pool:
                ids = batch_ref[0]
                gids = lax.broadcasted_iota(jnp.int32, (G, BLK), 0)
                onehot = jnp.where(gids == ids, 1.0, 0.0)

                @pl.when(b == 0)
                def _():
                    pool_s[...] = jnp.zeros_like(pool_s)
                    cnt_s[...] = jnp.zeros_like(cnt_s)

                pool_s[...] += _dot_exact(onehot, h)
                cnt_s[...] += jnp.sum(onehot, axis=1, keepdims=True)
                pooled_ref[...] = pool_s[...]
                counts_ref[...] = cnt_s[...]

    if feat_split:
        w_specs = [
            pl.BlockSpec((2 * F, O), lambda p, b: (0, 0)),
            pl.BlockSpec((2 * F, O), lambda p, b: (0, 0)),
        ]
    else:
        w_specs = [
            pl.BlockSpec((F, O), lambda p, b: (0, 0)),
            pl.BlockSpec((F, O), lambda p, b: (0, 0)),
        ]
    prev_specs = [pl.BlockSpec((BLK, F), lambda p, b: (b * (1 - p), 0))]
    if feat_split:
        prev_specs.append(pl.BlockSpec((BLK, F), lambda p, b: (b * (1 - p), 0)))
    in_specs = [
        pl.BlockSpec((2, BLK, F), lambda p, b: (0, b * (1 - p), 0)),
        *prev_specs,
        *w_specs,
        pl.BlockSpec((1, O), lambda p, b: (0, 0)),
        pl.BlockSpec((1, O), lambda p, b: (0, 0)),
        pl.BlockSpec((1, O), lambda p, b: (0, 0)),
    ]
    out_specs = [
        pl.BlockSpec((BLK, H), lambda p, b: (b, 0)),
        pl.BlockSpec((BLK, H), lambda p, b: (b, 0)),
    ]
    out_shape = [
        jax.ShapeDtypeStruct((N, H), jnp.float32),
        jax.ShapeDtypeStruct((N, H), jnp.float32),
    ]
    scratch = [
        pltpu.VMEM((N, O), jnp.float32),
        pltpu.VMEM((1, O), jnp.float32),
        pltpu.VMEM((1, O), jnp.float32),
    ]
    if pool:
        in_specs.append(pl.BlockSpec((1, 1, BLK), lambda p, b: (b * p, 0, 0)))
        out_specs += [
            pl.BlockSpec((G, O), lambda p, b: (0, 0)),
            pl.BlockSpec((G, 1), lambda p, b: (0, 0)),
        ]
        out_shape += [
            jax.ShapeDtypeStruct((G, O), jnp.float32),
            jax.ShapeDtypeStruct((G, 1), jnp.float32),
        ]
        scratch += [
            pltpu.VMEM((G, O), jnp.float32),
            pltpu.VMEM((G, 1), jnp.float32),
        ]

    return pl.pallas_call(
        body,
        grid=(2, NB),
        in_specs=in_specs,
        out_specs=out_specs,
        out_shape=out_shape,
        scratch_shapes=scratch,
    )


def _head_body(pooled_ref, counts_ref, w1, b1, g1, be1, w2, b2, g2, be2,
               wr, br, out_ref):
    cnt = jnp.maximum(counts_ref[...], 1.0)
    g = pooled_ref[...] / cnt
    t = _dot(g, w1[...]) + b1[...]
    mu = jnp.mean(t, axis=0, keepdims=True)
    var = jnp.mean((t - mu) ** 2, axis=0, keepdims=True)
    t = jnp.maximum((t - mu) * lax.rsqrt(var + EPS) * g1[...] + be1[...], 0.0)
    t2 = _dot(t, w2[...]) + b2[...]
    mu2 = jnp.mean(t2, axis=0, keepdims=True)
    var2 = jnp.mean((t2 - mu2) ** 2, axis=0, keepdims=True)
    t2 = jnp.maximum((t2 - mu2) * lax.rsqrt(var2 + EPS) * g2[...] + be2[...], 0.0)
    out_ref[...] = _dot(t2, wr[...]) + br[...]


_head_call = pl.pallas_call(
    _head_body,
    out_shape=jax.ShapeDtypeStruct((G, 1), jnp.float32),
)


@functools.lru_cache(maxsize=None)
def _sc_scatter(feat_split):
    return _make_sc_scatter(feat_split)


def _sc_scatter_edge_split(*args):
    return _sc_scatter(False)(*args)


def _sc_scatter_feat_split(*args):
    return _sc_scatter(True)(*args)


_dense1 = _make_dense(False, 256, pool=False)
_dense2 = _make_dense(True, 256, pool=True)


def kernel(x, edge_index, batch, gc1_Wrel, gc1_brel, gc1_Wroot, gc1_gamma,
           gc1_beta, gc2_Wrel, gc2_brel, gc2_Wroot, gc2_gamma, gc2_beta,
           d1_W, d1_b, d1_gamma, d1_beta, d2_W, d2_b, d2_gamma, d2_beta,
           reg_W, reg_b):
    pad = E_PAD - E
    src_p = jnp.concatenate([edge_index[0], jnp.zeros((pad,), jnp.int32)])
    dst_p = jnp.concatenate([edge_index[1], jnp.full((pad,), N, jnp.int32)])
    zeros = jnp.zeros((R, F), jnp.float32)

    agg1 = _sc_scatter_edge_split(x, x, src_p, dst_p, zeros)
    h0, h1 = _dense1(agg1.reshape(2, N, F), x,
                     gc1_Wrel, gc1_Wroot, gc1_brel.reshape(1, -1),
                     gc1_gamma.reshape(1, -1), gc1_beta.reshape(1, -1))

    agg2 = _sc_scatter_feat_split(h0, h1, src_p, dst_p, zeros)
    batch3 = batch.reshape(NB, 1, BLK)
    _, _, pooled, counts = _dense2(agg2.reshape(2, N, F), h0, h1,
                                   gc2_Wrel, gc2_Wroot, gc2_brel.reshape(1, -1),
                                   gc2_gamma.reshape(1, -1),
                                   gc2_beta.reshape(1, -1), batch3)

    return _head_call(pooled, counts, d1_W, d1_b.reshape(1, -1),
                      d1_gamma.reshape(1, -1), d1_beta.reshape(1, -1),
                      d2_W, d2_b.reshape(1, -1), d2_gamma.reshape(1, -1),
                      d2_beta.reshape(1, -1), reg_W, reg_b.reshape(1, -1))

# --- scband reference (transcript-rebuilt; emitter-appended) ---
"""Pipeline reference for scband-gnnbasic-layers-3839700762809 (READ-ONLY COPY).

The authoritative reference and input builder live on the scoring server;
editing this copy changes nothing except your own understanding.
"""

import jax, jax.numpy as jnp
import numpy as np

N_NODES = 10000
N_EDGES = 320000
N_GRAPHS = 64
EPS = 1e-5

def setup_inputs(seed: int = 0):
    key = jax.random.key(seed)
    ks = jax.random.split(key, 12)
    x = jax.random.normal(ks[0], (N_NODES, 128), dtype=jnp.float32)
    edge_index = jax.random.randint(ks[1], (2, N_EDGES), 0, N_NODES, dtype=jnp.int32)
    batch = jnp.sort(jax.random.randint(ks[2], (N_NODES,), 0, N_GRAPHS, dtype=jnp.int32))
    def w(k, fan_in, fan_out):
        return jax.random.normal(k, (fan_in, fan_out), dtype=jnp.float32) * (1.0 / np.sqrt(fan_in))
    return {
        "x": x, "edge_index": edge_index, "batch": batch,
        "gc1_Wrel": w(ks[3], 128, 256), "gc1_brel": jnp.zeros((256,), jnp.float32), "gc1_Wroot": w(ks[4], 128, 256),
        "gc1_gamma": jnp.ones((256,), jnp.float32), "gc1_beta": jnp.zeros((256,), jnp.float32),
        "gc2_Wrel": w(ks[5], 256, 256), "gc2_brel": jnp.zeros((256,), jnp.float32), "gc2_Wroot": w(ks[6], 256, 256),
        "gc2_gamma": jnp.ones((256,), jnp.float32), "gc2_beta": jnp.zeros((256,), jnp.float32),
        "d1_W": w(ks[7], 256, 256), "d1_b": jnp.zeros((256,), jnp.float32),
        "d1_gamma": jnp.ones((256,), jnp.float32), "d1_beta": jnp.zeros((256,), jnp.float32),
        "d2_W": w(ks[8], 256, 128), "d2_b": jnp.zeros((128,), jnp.float32),
        "d2_gamma": jnp.ones((128,), jnp.float32), "d2_beta": jnp.zeros((128,), jnp.float32),
        "reg_W": w(ks[9], 128, 1), "reg_b": jnp.zeros((1,), jnp.float32),
    }

def _graph_conv(x, edge_index, Wrel, brel, Wroot):
    # torch_geometric GraphConv with aggr='add': out_i = W_root x_i + W_rel * sum_{j in N(i)} x_j + b_rel
    src = edge_index[0]
    dst = edge_index[1]
    agg = jax.ops.segment_sum(x[src], dst, num_segments=x.shape[0])
    return agg @ Wrel + brel + x @ Wroot

def _batch_norm(x, gamma, beta):
    # BatchNorm1d in training mode: batch statistics over the node/graph dimension
    mu = jnp.mean(x, axis=0)
    var = jnp.mean((x - mu) ** 2, axis=0)
    return (x - mu) * jax.lax.rsqrt(var + EPS) * gamma + beta

def reference(x, edge_index, batch, gc1_Wrel, gc1_brel, gc1_Wroot, gc1_gamma, gc1_beta, gc2_Wrel, gc2_brel, gc2_Wroot, gc2_gamma, gc2_beta, d1_W, d1_b, d1_gamma, d1_beta, d2_W, d2_b, d2_gamma, d2_beta, reg_W, reg_b):
    h = _graph_conv(x, edge_index, gc1_Wrel, gc1_brel, gc1_Wroot)
    h = jax.nn.relu(_batch_norm(h, gc1_gamma, gc1_beta))
    h = _graph_conv(h, edge_index, gc2_Wrel, gc2_brel, gc2_Wroot)
    h = jax.nn.relu(_batch_norm(h, gc2_gamma, gc2_beta))
    # global mean pool over graph ids
    sums = jax.ops.segment_sum(h, batch, num_segments=N_GRAPHS)
    counts = jax.ops.segment_sum(jnp.ones((h.shape[0],), jnp.float32), batch, num_segments=N_GRAPHS)
    g = sums / jnp.maximum(counts, 1.0)[:, None]
    g = jax.nn.relu(_batch_norm(g @ d1_W + d1_b, d1_gamma, d1_beta))
    g = jax.nn.relu(_batch_norm(g @ d2_W + d2_b, d2_gamma, d2_beta))
    return g @ reg_W + reg_b

if __name__ == "__main__":
    import jax
    _d = setup_inputs()
    print(jax.jit(kernel)(*tuple(_d.values())))

</pallas_src>

<mosaic_0001>
#map = affine_map<(d0, d1) -> (0, 0)>
#map1 = affine_map<(d0, d1) -> (0)>
module attributes {stable_mosaic.version = 14 : i64} {
  func.func @body(%arg0: i32, %arg1: i32, %arg2: memref<10000x128xf32, #tpu.memory_space<hbm>>, %arg3: memref<10000x128xf32, #tpu.memory_space<hbm>>, %arg4: memref<327680xi32, #tpu.memory_space<hbm>>, %arg5: memref<327680xi32, #tpu.memory_space<hbm>>, %arg6: memref<10016x128xf32, #tpu.memory_space<hbm>>, %arg7: memref<20000x128xf32, #tpu.memory_space<hbm>>, %arg8: memref<10016x128xf32, #tpu.memory_space<vmem_shared>>, %arg9: memref<128xi32, #tpu.memory_space<vmem>>, %arg10: memref<128xi32, #tpu.memory_space<vmem>>, %arg11: memref<128xi32, #tpu.memory_space<vmem>>, %arg12: memref<128xi32, #tpu.memory_space<vmem>>, %arg13: memref<128xi32, #tpu.memory_space<vmem>>, %arg14: memref<128xi32, #tpu.memory_space<vmem>>, %arg15: memref<128xi32, #tpu.memory_space<vmem>>, %arg16: memref<128xi32, #tpu.memory_space<vmem>>, %arg17: memref<128xi32, #tpu.memory_space<vmem>>, %arg18: memref<128xi32, #tpu.memory_space<vmem>>, %arg19: memref<128xi32, #tpu.memory_space<vmem>>, %arg20: memref<128xi32, #tpu.memory_space<vmem>>, %arg21: memref<128x128xf32, #tpu.memory_space<vmem>>, %arg22: memref<128x128xf32, #tpu.memory_space<vmem>>, %arg23: memref<128x128xf32, #tpu.memory_space<vmem>>, %arg24: memref<!tpu.dma_semaphore, #tpu.memory_space<semaphore_mem>>, %arg25: memref<!tpu.dma_semaphore, #tpu.memory_space<semaphore_mem>>, %arg26: memref<!tpu.dma_semaphore, #tpu.memory_space<semaphore_mem>>, %arg27: memref<!tpu.dma_semaphore, #tpu.memory_space<semaphore_mem>>, %arg28: memref<!tpu.dma_semaphore, #tpu.memory_space<semaphore_mem>>, %arg29: memref<!tpu.dma_semaphore, #tpu.memory_space<semaphore_mem>>, %arg30: memref<!tpu.dma_semaphore, #tpu.memory_space<semaphore_mem>>, %arg31: memref<!tpu.dma_semaphore, #tpu.memory_space<semaphore_mem>>, %arg32: memref<!tpu.dma_semaphore, #tpu.memory_space<semaphore_mem>>, %arg33: memref<!tpu.dma_semaphore, #tpu.memory_space<semaphore_mem>>, %arg34: memref<!tpu.dma_semaphore, #tpu.memory_space<semaphore_mem>>, %arg35: memref<!tpu.dma_semaphore, #tpu.memory_space<semaphore_mem>>, %arg36: memref<!tpu.dma_semaphore, #tpu.memory_space<semaphore_mem>>, %arg37: memref<!tpu.dma_semaphore, #tpu.memory_space<semaphore_mem>>, %arg38: memref<!tpu.dma_semaphore, #tpu.memory_space<semaphore_mem>>) attributes {dimension_semantics = [#tpu.dimension_semantics<core_parallel>, #tpu.dimension_semantics<subcore_parallel>], iteration_bounds = array<i64: 2, 16>, scalar_prefetch = 0 : i64, scratch_operands = 31 : i64, tpu.core_type = #tpu.core_type<sc_vector_subcore>, window_params = [{transform_indices = #map}, {transform_indices = #map}, {transform_indices = #map1}, {transform_indices = #map1}, {transform_indices = #map}, {transform_indices = #map}]} {
    %mul3A = arith.constant 624 : i32
    %mul3A_0 = arith.muli %arg1, %mul3A : i32
    %lt3A = arith.constant 15 : i32
    %lt3A_1 = arith.cmpi slt, %arg1, %lt3A : i32
    %convert_element_type3A = arith.extui %lt3A_1 : i1 to i32
    %cond3A = arith.constant 0 : i32
    %cond3A_2 = arith.cmpi ne, %convert_element_type3A, %cond3A : i32
    scf.if %cond3A_2 {
      "tpu.region"() ({
        %run_scoped3A = tpu.sem_alloc : memref<!tpu.dma_semaphore, #tpu.memory_space<semaphore_mem>>
        %dma_start3A_91 = arith.constant 0 : i32
        %dma_start3A_92 = tpu.memref_slice %arg8[%mul3A_0, %dma_start3A_91] : memref<10016x128xf32, #tpu.memory_space<vmem_shared>> -> memref<624x128xf32, #tpu.memory_space<vmem_shared>>
        %dma_start3A_93 = arith.constant 0 : i32
        %dma_start3A_94 = tpu.memref_slice %arg6[%mul3A_0, %dma_start3A_93] : memref<10016x128xf32, #tpu.memory_space<hbm>> -> memref<624x128xf32, #tpu.memory_space<hbm>>
        tpu.enqueue_dma source(%dma_start3A_94 : memref<624x128xf32, #tpu.memory_space<hbm>>) target(%dma_start3A_92 : memref<624x128xf32, #tpu.memory_space<vmem_shared>>) target_semaphore(%run_scoped3A : memref<!tpu.dma_semaphore, #tpu.memory_space<semaphore_mem>>)
        %dma_wait3A_95 = arith.constant 0 : i32
        %dma_wait3A_96 = tpu.memref_slice %arg8[%mul3A_0, %dma_wait3A_95] : memref<10016x128xf32, #tpu.memory_space<vmem_shared>> -> memref<624x128xf32, #tpu.memory_space<vmem_shared>>
        %dma_wait3A_97 = arith.constant 0 : i32
        %dma_wait3A_98 = tpu.memref_slice %arg6[%mul3A_0, %dma_wait3A_97] : memref<10016x128xf32, #tpu.memory_space<hbm>> -> memref<624x128xf32, #tpu.memory_space<hbm>>
        tpu.wait_dma2 semaphore(%run_scoped3A : memref<!tpu.dma_semaphore, #tpu.memory_space<semaphore_mem>>) src(%dma_wait3A_98 : memref<624x128xf32, #tpu.memory_space<hbm>>) dst(%dma_wait3A_96 : memref<624x128xf32, #tpu.memory_space<vmem_shared>>)
        tpu.yield
      }) : () -> ()
    } else {
    }
    %eq3A = arith.constant 15 : i32
    %eq3A_3 = arith.cmpi eq, %arg1, %eq3A : i32
    %convert_element_type3A_4 = arith.extui %eq3A_3 : i1 to i32
    %cond3A_5 = arith.constant 0 : i32
    %cond3A_6 = arith.cmpi ne, %convert_element_type3A_4, %cond3A_5 : i32
    scf.if %cond3A_6 {
      "tpu.region"() ({
        %run_scoped3A = tpu.sem_alloc : memref<!tpu.dma_semaphore, #tpu.memory_space<semaphore_mem>>
        %dma_start3A_91 = arith.constant 9360 : i32
        %dma_start3A_92 = arith.constant 0 : i32
        %dma_start3A_93 = tpu.memref_slice %arg8[%dma_start3A_91, %dma_start3A_92] : memref<10016x128xf32, #tpu.memory_space<vmem_shared>> -> memref<656x128xf32, #tpu.memory_space<vmem_shared>>
        %dma_start3A_94 = arith.constant 9360 : i32
        %dma_start3A_95 = arith.constant 0 : i32
        %dma_start3A_96 = tpu.memref_slice %arg6[%dma_start3A_94, %dma_start3A_95] : memref<10016x128xf32, #tpu.memory_space<hbm>> -> memref<656x128xf32, #tpu.memory_space<hbm>>
        tpu.enqueue_dma source(%dma_start3A_96 : memref<656x128xf32, #tpu.memory_space<hbm>>) target(%dma_start3A_93 : memref<656x128xf32, #tpu.memory_space<vmem_shared>>) target_semaphore(%run_scoped3A : memref<!tpu.dma_semaphore, #tpu.memory_space<semaphore_mem>>)
        %dma_wait3A_97 = arith.constant 9360 : i32
        %dma_wait3A_98 = arith.constant 0 : i32
        %dma_wait3A_99 = tpu.memref_slice %arg8[%dma_wait3A_97, %dma_wait3A_98] : memref<10016x128xf32, #tpu.memory_space<vmem_shared>> -> memref<656x128xf32, #tpu.memory_space<vmem_shared>>
        %dma_wait3A_100 = arith.constant 9360 : i32
        %dma_wait3A_101 = arith.constant 0 : i32
        %dma_wait3A_102 = tpu.memref_slice %arg6[%dma_wait3A_100, %dma_wait3A_101] : memref<10016x128xf32, #tpu.memory_space<hbm>> -> memref<656x128xf32, #tpu.memory_space<hbm>>
        tpu.wait_dma2 semaphore(%run_scoped3A : memref<!tpu.dma_semaphore, #tpu.memory_space<semaphore_mem>>) src(%dma_wait3A_102 : memref<656x128xf32, #tpu.memory_space<hbm>>) dst(%dma_wait3A_99 : memref<656x128xf32, #tpu.memory_space<vmem_shared>>)
        tpu.yield
      }) : () -> ()
    } else {
    }
    %barrier3A = arith.constant 0 : index
    tpu.barrier barrier_id(%barrier3A)
    %mul3A_7 = arith.constant 163840 : i32
    %mul3A_8 = arith.muli %arg0, %mul3A_7 : i32
    %mul3A_9 = arith.constant 10240 : i32
    %mul3A_10 = arith.muli %arg1, %mul3A_9 : i32
    %add3A = arith.addi %mul3A_8, %mul3A_10 : i32
    %add3A_11 = arith.constant 0 : i32
    %add3A_12 = arith.addi %add3A, %add3A_11 : i32
    %dma_start3A = tpu.memref_slice %arg4[%add3A_12] : memref<327680xi32, #tpu.memory_space<hbm>> -> memref<128xi32, #tpu.memory_space<hbm>>
    %dma_start3A_13 = tpu.memref_slice %arg4[%add3A_12] : memref<327680xi32, #tpu.memory_space<hbm>> -> memref<128xi32, #tpu.memory_space<hbm>>
    tpu.enqueue_dma source(%dma_start3A_13 : memref<128xi32, #tpu.memory_space<hbm>>) target(%arg9 : memref<128xi32, #tpu.memory_space<vmem>>) target_semaphore(%arg24 : memref<!tpu.dma_semaphore, #tpu.memory_space<semaphore_mem>>)
    %dma_start3A_14 = tpu.memref_slice %arg5[%add3A_12] : memref<327680xi32, #tpu.memory_space<hbm>> -> memref<128xi32, #tpu.memory_space<hbm>>
    %dma_start3A_15 = tpu.memref_slice %arg5[%add3A_12] : memref<327680xi32, #tpu.memory_space<hbm>> -> memref<128xi32, #tpu.memory_space<hbm>>
    tpu.enqueue_dma source(%dma_start3A_15 : memref<128xi32, #tpu.memory_space<hbm>>) target(%arg15 : memref<128xi32, #tpu.memory_space<vmem>>) target_semaphore(%arg30 : memref<!tpu.dma_semaphore, #tpu.memory_space<semaphore_mem>>)
    %add3A_16 = arith.constant 128 : i32
    %add3A_17 = arith.addi %add3A, %add3A_16 : i32
    %dma_start3A_18 = tpu.memref_slice %arg4[%add3A_17] : memref<327680xi32, #tpu.memory_space<hbm>> -> memref<128xi32, #tpu.memory_space<hbm>>
    %dma_start3A_19 = tpu.memref_slice %arg4[%add3A_17] : memref<327680xi32, #tpu.memory_space<hbm>> -> memref<128xi32, #tpu.memory_space<hbm>>
    tpu.enqueue_dma source(%dma_start3A_19 : memref<128xi32, #tpu.memory_space<hbm>>) target(%arg10 : memref<128xi32, #tpu.memory_space<vmem>>) target_semaphore(%arg25 : memref<!tpu.dma_semaphore, #tpu.memory_space<semaphore_mem>>)
    %dma_start3A_20 = tpu.memref_slice %arg5[%add3A_17] : memref<327680xi32, #tpu.memory_space<hbm>> -> memref<128xi32, #tpu.memory_space<hbm>>
    %dma_start3A_21 = tpu.memref_slice %arg5[%add3A_17] : memref<327680xi32, #tpu.memory_space<hbm>> -> memref<128xi32, #tpu.memory_space<hbm>>
    tpu.enqueue_dma source(%dma_start3A_21 : memref<128xi32, #tpu.memory_space<hbm>>) target(%arg16 : memref<128xi32, #tpu.memory_space<vmem>>) target_semaphore(%arg31 : memref<!tpu.dma_semaphore, #tpu.memory_space<semaphore_mem>>)
    %add3A_22 = arith.constant 256 : i32
    %add3A_23 = arith.addi %add3A, %add3A_22 : i32
    %dma_start3A_24 = tpu.memref_slice %arg4[%add3A_23] : memref<327680xi32, #tpu.memory_space<hbm>> -> memref<128xi32, #tpu.memory_space<hbm>>
    %dma_start3A_25 = tpu.memref_slice %arg4[%add3A_23] : memref<327680xi32, #tpu.memory_space<hbm>> -> memref<128xi32, #tpu.memory_space<hbm>>
    tpu.enqueue_dma source(%dma_start3A_25 : memref<128xi32, #tpu.memory_space<hbm>>) target(%arg11 : memref<128xi32, #tpu.memory_space<vmem>>) target_semaphore(%arg26 : memref<!tpu.dma_semaphore, #tpu.memory_space<semaphore_mem>>)
    %dma_start3A_26 = tpu.memref_slice %arg5[%add3A_23] : memref<327680xi32, #tpu.memory_space<hbm>> -> memref<128xi32, #tpu.memory_space<hbm>>
    %dma_start3A_27 = tpu.memref_slice %arg5[%add3A_23] : memref<327680xi32, #tpu.memory_space<hbm>> -> memref<128xi32, #tpu.memory_space<hbm>>
    tpu.enqueue_dma source(%dma_start3A_27 : memref<128xi32, #tpu.memory_space<hbm>>) target(%arg17 : memref<128xi32, #tpu.memory_space<vmem>>) target_semaphore(%arg32 : memref<!tpu.dma_semaphore, #tpu.memory_space<semaphore_mem>>)
    %add3A_28 = arith.constant 384 : i32
    %add3A_29 = arith.addi %add3A, %add3A_28 : i32
    %dma_start3A_30 = tpu.memref_slice %arg4[%add3A_29] : memref<327680xi32, #tpu.memory_space<hbm>> -> memref<128xi32, #tpu.memory_space<hbm>>
    %dma_start3A_31 = tpu.memref_slice %arg4[%add3A_29] : memref<327680xi32, #tpu.memory_space<hbm>> -> memref<128xi32, #tpu.memory_space<hbm>>
    tpu.enqueue_dma source(%dma_start3A_31 : memref<128xi32, #tpu.memory_space<hbm>>) target(%arg12 : memref<128xi32, #tpu.memory_space<vmem>>) target_semaphore(%arg27 : memref<!tpu.dma_semaphore, #tpu.memory_space<semaphore_mem>>)
    %dma_start3A_32 = tpu.memref_slice %arg5[%add3A_29] : memref<327680xi32, #tpu.memory_space<hbm>> -> memref<128xi32, #tpu.memory_space<hbm>>
    %dma_start3A_33 = tpu.memref_slice %arg5[%add3A_29] : memref<327680xi32, #tpu.memory_space<hbm>> -> memref<128xi32, #tpu.memory_space<hbm>>
    tpu.enqueue_dma source(%dma_start3A_33 : memref<128xi32, #tpu.memory_space<hbm>>) target(%arg18 : memref<128xi32, #tpu.memory_space<vmem>>) target_semaphore(%arg33 : memref<!tpu.dma_semaphore, #tpu.memory_space<semaphore_mem>>)
    %add3A_34 = arith.constant 512 : i32
    %add3A_35 = arith.addi %add3A, %add3A_34 : i32
    %dma_start3A_36 = tpu.memref_slice %arg4[%add3A_35] : memref<327680xi32, #tpu.memory_space<hbm>> -> memref<128xi32, #tpu.memory_space<hbm>>
    %dma_start3A_37 = tpu.memref_slice %arg4[%add3A_35] : memref<327680xi32, #tpu.memory_space<hbm>> -> memref<128xi32, #tpu.memory_space<hbm>>
    tpu.enqueue_dma source(%dma_start3A_37 : memref<128xi32, #tpu.memory_space<hbm>>) target(%arg13 : memref<128xi32, #tpu.memory_space<vmem>>) target_semaphore(%arg28 : memref<!tpu.dma_semaphore, #tpu.memory_space<semaphore_mem>>)
    %dma_start3A_38 = tpu.memref_slice %arg5[%add3A_35] : memref<327680xi32, #tpu.memory_space<hbm>> -> memref<128xi32, #tpu.memory_space<hbm>>
    %dma_start3A_39 = tpu.memref_slice %arg5[%add3A_35] : memref<327680xi32, #tpu.memory_space<hbm>> -> memref<128xi32, #tpu.memory_space<hbm>>
    tpu.enqueue_dma source(%dma_start3A_39 : memref<128xi32, #tpu.memory_space<hbm>>) target(%arg19 : memref<128xi32, #tpu.memory_space<vmem>>) target_semaphore(%arg34 : memref<!tpu.dma_semaphore, #tpu.memory_space<semaphore_mem>>)
    %add3A_40 = arith.constant 640 : i32
    %add3A_41 = arith.addi %add3A, %add3A_40 : i32
    %dma_start3A_42 = tpu.memref_slice %arg4[%add3A_41] : memref<327680xi32, #tpu.memory_space<hbm>> -> memref<128xi32, #tpu.memory_space<hbm>>
    %dma_start3A_43 = tpu.memref_slice %arg4[%add3A_41] : memref<327680xi32, #tpu.memory_space<hbm>> -> memref<128xi32, #tpu.memory_space<hbm>>
    tpu.enqueue_dma source(%dma_start3A_43 : memref<128xi32, #tpu.memory_space<hbm>>) target(%arg14 : memref<128xi32, #tpu.memory_space<vmem>>) target_semaphore(%arg29 : memref<!tpu.dma_semaphore, #tpu.memory_space<semaphore_mem>>)
    %dma_start3A_44 = tpu.memref_slice %arg5[%add3A_41] : memref<327680xi32, #tpu.memory_space<hbm>> -> memref<128xi32, #tpu.memory_space<hbm>>
    %dma_start3A_45 = tpu.memref_slice %arg5[%add3A_41] : memref<327680xi32, #tpu.memory_space<hbm>> -> memref<128xi32, #tpu.memory_space<hbm>>
    tpu.enqueue_dma source(%dma_start3A_45 : memref<128xi32, #tpu.memory_space<hbm>>) target(%arg20 : memref<128xi32, #tpu.memory_space<vmem>>) target_semaphore(%arg35 : memref<!tpu.dma_semaphore, #tpu.memory_space<semaphore_mem>>)
    %dma_wait3A = arith.constant 0 : i32
    %dma_wait3A_46 = tpu.memref_slice %arg4[%dma_wait3A] : memref<327680xi32, #tpu.memory_space<hbm>> -> memref<128xi32, #tpu.memory_space<hbm>>
    %dma_wait3A_47 = arith.constant 0 : i32
    %dma_wait3A_48 = tpu.memref_slice %arg4[%dma_wait3A_47] : memref<327680xi32, #tpu.memory_space<hbm>> -> memref<128xi32, #tpu.memory_space<hbm>>
    tpu.wait_dma2 semaphore(%arg24 : memref<!tpu.dma_semaphore, #tpu.memory_space<semaphore_mem>>) src(%dma_wait3A_48 : memref<128xi32, #tpu.memory_space<hbm>>) dst(%arg9 : memref<128xi32, #tpu.memory_space<vmem>>)
    %dma_wait3A_49 = arith.constant 0 : i32
    %dma_wait3A_50 = tpu.memref_slice %arg5[%dma_wait3A_49] : memref<327680xi32, #tpu.memory_space<hbm>> -> memref<128xi32, #tpu.memory_space<hbm>>
    %dma_wait3A_51 = arith.constant 0 : i32
    %dma_wait3A_52 = tpu.memref_slice %arg5[%dma_wait3A_51] : memref<327680xi32, #tpu.memory_space<hbm>> -> memref<128xi32, #tpu.memory_space<hbm>>
    tpu.wait_dma2 semaphore(%arg30 : memref<!tpu.dma_semaphore, #tpu.memory_space<semaphore_mem>>) src(%dma_wait3A_52 : memref<128xi32, #tpu.memory_space<hbm>>) dst(%arg15 : memref<128xi32, #tpu.memory_space<vmem>>)
    %dma_start3A_53 = arith.constant 0 : i32
    %dma_start3A_54 = arith.constant 0 : i32
    %dma_start3A_55 = tpu.memref_slice %arg2[%dma_start3A_53, %dma_start3A_54] : memref<10000x128xf32, #tpu.memory_space<hbm>> -> memref<10000x128xf32, #tpu.memory_space<hbm>>
    tpu.enqueue_indirect_dma source(%dma_start3A_55 : memref<10000x128xf32, #tpu.memory_space<hbm>>) target(%arg21 : memref<128x128xf32, #tpu.memory_space<vmem>>) offsets(%arg9 : memref<128xi32, #tpu.memory_space<vmem>>) semaphore(%arg36 : memref<!tpu.dma_semaphore, #tpu.memory_space<semaphore_mem>>)
    %dma_wait3A_56 = arith.constant 0 : i32
    %dma_wait3A_57 = tpu.memref_slice %arg4[%dma_wait3A_56] : memref<327680xi32, #tpu.memory_space<hbm>> -> memref<128xi32, #tpu.memory_space<hbm>>
    %dma_wait3A_58 = arith.constant 0 : i32
    %dma_wait3A_59 = tpu.memref_slice %arg4[%dma_wait3A_58] : memref<327680xi32, #tpu.memory_space<hbm>> -> memref<128xi32, #tpu.memory_space<hbm>>
    tpu.wait_dma2 semaphore(%arg25 : memref<!tpu.dma_semaphore, #tpu.memory_space<semaphore_mem>>) src(%dma_wait3A_59 : memref<128xi32, #tpu.memory_space<hbm>>) dst(%arg10 : memref<128xi32, #tpu.memory_space<vmem>>)
    %dma_wait3A_60 = arith.constant 0 : i32
    %dma_wait3A_61 = tpu.memref_slice %arg5[%dma_wait3A_60] : memref<327680xi32, #tpu.memory_space<hbm>> -> memref<128xi32, #tpu.memory_space<hbm>>
    %dma_wait3A_62 = arith.constant 0 : i32
    %dma_wait3A_63 = tpu.memref_slice %arg5[%dma_wait3A_62] : memref<327680xi32, #tpu.memory_space<hbm>> -> memref<128xi32, #tpu.memory_space<hbm>>
    tpu.wait_dma2 semaphore(%arg31 : memref<!tpu.dma_semaphore, #tpu.memory_space<semaphore_mem>>) src(%dma_wait3A_63 : memref<128xi32, #tpu.memory_space<hbm>>) dst(%arg16 : memref<128xi32, #tpu.memory_space<vmem>>)
    %dma_start3A_64 = arith.constant 0 : i32
    %dma_start3A_65 = arith.constant 0 : i32
    %dma_start3A_66 = tpu.memref_slice %arg2[%dma_start3A_64, %dma_start3A_65] : memref<10000x128xf32, #tpu.memory_space<hbm>> -> memref<10000x128xf32, #tpu.memory_space<hbm>>
    tpu.enqueue_indirect_dma source(%dma_start3A_66 : memref<10000x128xf32, #tpu.memory_space<hbm>>) target(%arg22 : memref<128x128xf32, #tpu.memory_space<vmem>>) offsets(%arg10 : memref<128xi32, #tpu.memory_space<vmem>>) semaphore(%arg37 : memref<!tpu.dma_semaphore, #tpu.memory_space<semaphore_mem>>)
    %scan3A = arith.constant 0 : i32
    %scan3A_67 = arith.constant 0 : i32
    %scan3A_68 = arith.constant 13 : i32
    %scan3A_69 = arith.addi %scan3A_67, %scan3A_68 : i32
    %scan3A_70 = arith.constant 1 : i32
    scf.for %scan3A_91 = %scan3A_67 to %scan3A_69 step %scan3A_70  : i32 {
      %mul3A_92 = arith.constant 6 : i32
      %mul3A_93 = arith.muli %scan3A_91, %mul3A_92 : i32
      %add3A_94 = arith.constant 0 : i32
      %add3A_95 = arith.addi %mul3A_93, %add3A_94 : i32
      %dma_wait3A_96 = arith.constant 0 : i32
      %dma_wait3A_97 = arith.constant 0 : i32
      %dma_wait3A_98 = tpu.memref_slice %arg2[%dma_wait3A_96, %dma_wait3A_97] : memref<10000x128xf32, #tpu.memory_space<hbm>> -> memref<10000x128xf32, #tpu.memory_space<hbm>>
      tpu.wait_indirect_dma semaphore(%arg36 : memref<!tpu.dma_semaphore, #tpu.memory_space<semaphore_mem>>) src(%dma_wait3A_98 : memref<10000x128xf32, #tpu.memory_space<hbm>>) dst(%arg21 : memref<128x128xf32, #tpu.memory_space<vmem>>)
      %add3A_99 = arith.constant 2 : i32
      %add3A_100 = arith.addi %add3A_95, %add3A_99 : i32
      %lt3A_101 = arith.constant 80 : i32
      %lt3A_102 = arith.cmpi slt, %add3A_100, %lt3A_101 : i32
      %convert_element_type3A_103 = arith.extui %lt3A_102 : i1 to i32
      %cond3A_104 = arith.constant 0 : i32
      %cond3A_105 = arith.cmpi ne, %convert_element_type3A_103, %cond3A_104 : i32
      scf.if %cond3A_105 {
        %dma_wait3A_218 = arith.constant 0 : i32
        %dma_wait3A_219 = tpu.memref_slice %arg4[%dma_wait3A_218] : memref<327680xi32, #tpu.memory_space<hbm>> -> memref<128xi32, #tpu.memory_space<hbm>>
        %dma_wait3A_220 = arith.constant 0 : i32
        %dma_wait3A_221 = tpu.memref_slice %arg4[%dma_wait3A_220] : memref<327680xi32, #tpu.memory_space<hbm>> -> memref<128xi32, #tpu.memory_space<hbm>>
        tpu.wait_dma2 semaphore(%arg26 : memref<!tpu.dma_semaphore, #tpu.memory_space<semaphore_mem>>) src(%dma_wait3A_221 : memref<128xi32, #tpu.memory_space<hbm>>) dst(%arg11 : memref<128xi32, #tpu.memory_space<vmem>>)
        %dma_wait3A_222 = arith.constant 0 : i32
        %dma_wait3A_223 = tpu.memref_slice %arg5[%dma_wait3A_222] : memref<327680xi32, #tpu.memory_space<hbm>> -> memref<128xi32, #tpu.memory_space<hbm>>
        %dma_wait3A_224 = arith.constant 0 : i32
        %dma_wait3A_225 = tpu.memref_slice %arg5[%dma_wait3A_224] : memref<327680xi32, #tpu.memory_space<hbm>> -> memref<128xi32, #tpu.memory_space<hbm>>
        tpu.wait_dma2 semaphore(%arg32 : memref<!tpu.dma_semaphore, #tpu.memory_space<semaphore_mem>>) src(%dma_wait3A_225 : memref<128xi32, #tpu.memory_space<hbm>>) dst(%arg17 : memref<128xi32, #tpu.memory_space<vmem>>)
        %dma_start3A_226 = arith.constant 0 : i32
        %dma_start3A_227 = arith.constant 0 : i32
        %dma_start3A_228 = tpu.memref_slice %arg2[%dma_start3A_226, %dma_start3A_227] : memref<10000x128xf32, #tpu.memory_space<hbm>> -> memref<10000x128xf32, #tpu.memory_space<hbm>>
        tpu.enqueue_indirect_dma source(%dma_start3A_228 : memref<10000x128xf32, #tpu.memory_space<hbm>>) target(%arg23 : memref<128x128xf32, #tpu.memory_space<vmem>>) offsets(%arg11 : memref<128xi32, #tpu.memory_space<vmem>>) semaphore(%arg38 : memref<!tpu.dma_semaphore, #tpu.memory_space<semaphore_mem>>)
      } else {
      }
      "tpu.region"() ({
        %run_scoped3A = tpu.sem_alloc : memref<!tpu.dma_semaphore, #tpu.memory_space<semaphore_mem>>
        %dma_start3A_218 = arith.constant 0 : i32
        %dma_start3A_219 = arith.constant 0 : i32
        %dma_start3A_220 = tpu.memref_slice %arg8[%dma_start3A_218, %dma_start3A_219] : memref<10016x128xf32, #tpu.memory_space<vmem_shared>> -> memref<10016x128xf32, #tpu.memory_space<vmem_shared>>
        tpu.enqueue_indirect_dma source(%arg21 : memref<128x128xf32, #tpu.memory_space<vmem>>) target(%dma_start3A_220 : memref<10016x128xf32, #tpu.memory_space<vmem_shared>>) offsets(%arg15 : memref<128xi32, #tpu.memory_space<vmem>>) semaphore(%run_scoped3A : memref<!tpu.dma_semaphore, #tpu.memory_space<semaphore_mem>>) {add = true}
        %dma_wait3A_221 = arith.constant 0 : i32
        %dma_wait3A_222 = arith.constant 0 : i32
        %dma_wait3A_223 = tpu.memref_slice %arg8[%dma_wait3A_221, %dma_wait3A_222] : memref<10016x128xf32, #tpu.memory_space<vmem_shared>> -> memref<10016x128xf32, #tpu.memory_space<vmem_shared>>
        tpu.wait_indirect_dma semaphore(%run_scoped3A : memref<!tpu.dma_semaphore, #tpu.memory_space<semaphore_mem>>) src(%arg21 : memref<128x128xf32, #tpu.memory_space<vmem>>) dst(%dma_wait3A_223 : memref<10016x128xf32, #tpu.memory_space<vmem_shared>>)
        tpu.yield
      }) : () -> ()
      %add3A_106 = arith.constant 6 : i32
      %add3A_107 = arith.addi %add3A_95, %add3A_106 : i32
      %lt3A_108 = arith.constant 80 : i32
      %lt3A_109 = arith.cmpi slt, %add3A_107, %lt3A_108 : i32
      %convert_element_type3A_110 = arith.extui %lt3A_109 : i1 to i32
      %cond3A_111 = arith.constant 0 : i32
      %cond3A_112 = arith.cmpi ne, %convert_element_type3A_110, %cond3A_111 : i32
      scf.if %cond3A_112 {
        %add3A_218 = arith.constant 6 : i32
        %add3A_219 = arith.addi %add3A_95, %add3A_218 : i32
        %mul3A_220 = arith.constant 128 : i32
        %mul3A_221 = arith.muli %add3A_219, %mul3A_220 : i32
        %add3A_222 = arith.addi %add3A, %mul3A_221 : i32
        %dma_start3A_223 = tpu.memref_slice %arg4[%add3A_222] : memref<327680xi32, #tpu.memory_space<hbm>> -> memref<128xi32, #tpu.memory_space<hbm>>
        %dma_start3A_224 = tpu.memref_slice %arg4[%add3A_222] : memref<327680xi32, #tpu.memory_space<hbm>> -> memref<128xi32, #tpu.memory_space<hbm>>
        tpu.enqueue_dma source(%dma_start3A_224 : memref<128xi32, #tpu.memory_space<hbm>>) target(%arg9 : memref<128xi32, #tpu.memory_space<vmem>>) target_semaphore(%arg24 : memref<!tpu.dma_semaphore, #tpu.memory_space<semaphore_mem>>)
        %dma_start3A_225 = tpu.memref_slice %arg5[%add3A_222] : memref<327680xi32, #tpu.memory_space<hbm>> -> memref<128xi32, #tpu.memory_space<hbm>>
        %dma_start3A_226 = tpu.memref_slice %arg5[%add3A_222] : memref<327680xi32, #tpu.memory_space<hbm>> -> memref<128xi32, #tpu.memory_space<hbm>>
        tpu.enqueue_dma source(%dma_start3A_226 : memref<128xi32, #tpu.memory_space<hbm>>) target(%arg15 : memref<128xi32, #tpu.memory_space<vmem>>) target_semaphore(%arg30 : memref<!tpu.dma_semaphore, #tpu.memory_space<semaphore_mem>>)
      } else {
      }
      %mul3A_113 = arith.constant 6 : i32
      %mul3A_114 = arith.muli %scan3A_91, %mul3A_113 : i32
      %add3A_115 = arith.constant 1 : i32
      %add3A_116 = arith.addi %mul3A_114, %add3A_115 : i32
      %dma_wait3A_117 = arith.constant 0 : i32
      %dma_wait3A_118 = arith.constant 0 : i32
      %dma_wait3A_119 = tpu.memref_slice %arg2[%dma_wait3A_117, %dma_wait3A_118] : memref<10000x128xf32, #tpu.memory_space<hbm>> -> memref<10000x128xf32, #tpu.memory_space<hbm>>
      tpu.wait_indirect_dma semaphore(%arg37 : memref<!tpu.dma_semaphore, #tpu.memory_space<semaphore_mem>>) src(%dma_wait3A_119 : memref<10000x128xf32, #tpu.memory_space<hbm>>) dst(%arg22 : memref<128x128xf32, #tpu.memory_space<vmem>>)
      %add3A_120 = arith.constant 2 : i32
      %add3A_121 = arith.addi %add3A_116, %add3A_120 : i32
      %lt3A_122 = arith.constant 80 : i32
      %lt3A_123 = arith.cmpi slt, %add3A_121, %lt3A_122 : i32
      %convert_element_type3A_124 = arith.extui %lt3A_123 : i1 to i32
      %cond3A_125 = arith.constant 0 : i32
      %cond3A_126 = arith.cmpi ne, %convert_element_type3A_124, %cond3A_125 : i32
      scf.if %cond3A_126 {
        %dma_wait3A_218 = arith.constant 0 : i32
        %dma_wait3A_219 = tpu.memref_slice %arg4[%dma_wait3A_218] : memref<327680xi32, #tpu.memory_space<hbm>> -> memref<128xi32, #tpu.memory_space<hbm>>
        %dma_wait3A_220 = arith.constant 0 : i32
        %dma_wait3A_221 = tpu.memref_slice %arg4[%dma_wait3A_220] : memref<327680xi32, #tpu.memory_space<hbm>> -> memref<128xi32, #tpu.memory_space<hbm>>
        tpu.wait_dma2 semaphore(%arg27 : memref<!tpu.dma_semaphore, #tpu.memory_space<semaphore_mem>>) src(%dma_wait3A_221 : memref<128xi32, #tpu.memory_space<hbm>>) dst(%arg12 : memref<128xi32, #tpu.memory_space<vmem>>)
        %dma_wait3A_222 = arith.constant 0 : i32
        %dma_wait3A_223 = tpu.memref_slice %arg5[%dma_wait3A_222] : memref<327680xi32, #tpu.memory_space<hbm>> -> memref<128xi32, #tpu.memory_space<hbm>>
        %dma_wait3A_224 = arith.constant 0 : i32
        %dma_wait3A_225 = tpu.memref_slice %arg5[%dma_wait3A_224] : memref<327680xi32, #tpu.memory_space<hbm>> -> memref<128xi32, #tpu.memory_space<hbm>>
        tpu.wait_dma2 semaphore(%arg33 : memref<!tpu.dma_semaphore, #tpu.memory_space<semaphore_mem>>) src(%dma_wait3A_225 : memref<128xi32, #tpu.memory_space<hbm>>) dst(%arg18 : memref<128xi32, #tpu.memory_space<vmem>>)
        %dma_start3A_226 = arith.constant 0 : i32
        %dma_start3A_227 = arith.constant 0 : i32
        %dma_start3A_228 = tpu.memref_slice %arg2[%dma_start3A_226, %dma_start3A_227] : memref<10000x128xf32, #tpu.memory_space<hbm>> -> memref<10000x128xf32, #tpu.memory_space<hbm>>
        tpu.enqueue_indirect_dma source(%dma_start3A_228 : memref<10000x128xf32, #tpu.memory_space<hbm>>) target(%arg21 : memref<128x128xf32, #tpu.memory_space<vmem>>) offsets(%arg12 : memref<128xi32, #tpu.memory_space<vmem>>) semaphore(%arg36 : memref<!tpu.dma_semaphore, #tpu.memory_space<semaphore_mem>>)
      } else {
      }
      "tpu.region"() ({
        %run_scoped3A = tpu.sem_alloc : memref<!tpu.dma_semaphore, #tpu.memory_space<semaphore_mem>>
        %dma_start3A_218 = arith.constant 0 : i32
        %dma_start3A_219 = arith.constant 0 : i32
        %dma_start3A_220 = tpu.memref_slice %arg8[%dma_start3A_218, %dma_start3A_219] : memref<10016x128xf32, #tpu.memory_space<vmem_shared>> -> memref<10016x128xf32, #tpu.memory_space<vmem_shared>>
        tpu.enqueue_indirect_dma source(%arg22 : memref<128x128xf32, #tpu.memory_space<vmem>>) target(%dma_start3A_220 : memref<10016x128xf32, #tpu.memory_space<vmem_shared>>) offsets(%arg16 : memref<128xi32, #tpu.memory_space<vmem>>) semaphore(%run_scoped3A : memref<!tpu.dma_semaphore, #tpu.memory_space<semaphore_mem>>) {add = true}
        %dma_wait3A_221 = arith.constant 0 : i32
        %dma_wait3A_222 = arith.constant 0 : i32
        %dma_wait3A_223 = tpu.memref_slice %arg8[%dma_wait3A_221, %dma_wait3A_222] : memref<10016x128xf32, #tpu.memory_space<vmem_shared>> -> memref<10016x128xf32, #tpu.memory_space<vmem_shared>>
        tpu.wait_indirect_dma semaphore(%run_scoped3A : memref<!tpu.dma_semaphore, #tpu.memory_space<semaphore_mem>>) src(%arg22 : memref<128x128xf32, #tpu.memory_space<vmem>>) dst(%dma_wait3A_223 : memref<10016x128xf32, #tpu.memory_space<vmem_shared>>)
        tpu.yield
      }) : () -> ()
      %add3A_127 = arith.constant 6 : i32
      %add3A_128 = arith.addi %add3A_116, %add3A_127 : i32
      %lt3A_129 = arith.constant 80 : i32
      %lt3A_130 = arith.cmpi slt, %add3A_128, %lt3A_129 : i32
      %convert_element_type3A_131 = arith.extui %lt3A_130 : i1 to i32
      %cond3A_132 = arith.constant 0 : i32
      %cond3A_133 = arith.cmpi ne, %convert_element_type3A_131, %cond3A_132 : i32
      scf.if %cond3A_133 {
        %add3A_218 = arith.constant 6 : i32
        %add3A_219 = arith.addi %add3A_116, %add3A_218 : i32
        %mul3A_220 = arith.constant 128 : i32
        %mul3A_221 = arith.muli %add3A_219, %mul3A_220 : i32
        %add3A_222 = arith.addi %add3A, %mul3A_221 : i32
        %dma_start3A_223 = tpu.memref_slice %arg4[%add3A_222] : memref<327680xi32, #tpu.memory_space<hbm>> -> memref<128xi32, #tpu.memory_space<hbm>>
        %dma_start3A_224 = tpu.memref_slice %arg4[%add3A_222] : memref<327680xi32, #tpu.memory_space<hbm>> -> memref<128xi32, #tpu.memory_space<hbm>>
        tpu.enqueue_dma source(%dma_start3A_224 : memref<128xi32, #tpu.memory_space<hbm>>) target(%arg10 : memref<128xi32, #tpu.memory_space<vmem>>) target_semaphore(%arg25 : memref<!tpu.dma_semaphore, #tpu.memory_space<semaphore_mem>>)
        %dma_start3A_225 = tpu.memref_slice %arg5[%add3A_222] : memref<327680xi32, #tpu.memory_space<hbm>> -> memref<128xi32, #tpu.memory_space<hbm>>
        %dma_start3A_226 = tpu.memref_slice %arg5[%add3A_222] : memref<327680xi32, #tpu.memory_space<hbm>> -> memref<128xi32, #tpu.memory_space<hbm>>
        tpu.enqueue_dma source(%dma_start3A_226 : memref<128xi32, #tpu.memory_space<hbm>>) target(%arg16 : memref<128xi32, #tpu.memory_space<vmem>>) target_semaphore(%arg31 : memref<!tpu.dma_semaphore, #tpu.memory_space<semaphore_mem>>)
      } else {
      }
      %mul3A_134 = arith.constant 6 : i32
      %mul3A_135 = arith.muli %scan3A_91, %mul3A_134 : i32
      %add3A_136 = arith.constant 2 : i32
      %add3A_137 = arith.addi %mul3A_135, %add3A_136 : i32
      %dma_wait3A_138 = arith.constant 0 : i32
      %dma_wait3A_139 = arith.constant 0 : i32
      %dma_wait3A_140 = tpu.memref_slice %arg2[%dma_wait3A_138, %dma_wait3A_139] : memref<10000x128xf32, #tpu.memory_space<hbm>> -> memref<10000x128xf32, #tpu.memory_space<hbm>>
      tpu.wait_indirect_dma semaphore(%arg38 : memref<!tpu.dma_semaphore, #tpu.memory_space<semaphore_mem>>) src(%dma_wait3A_140 : memref<10000x128xf32, #tpu.memory_space<hbm>>) dst(%arg23 : memref<128x128xf32, #tpu.memory_space<vmem>>)
      %add3A_141 = arith.constant 2 : i32
      %add3A_142 = arith.addi %add3A_137, %add3A_141 : i32
      %lt3A_143 = arith.constant 80 : i32
      %lt3A_144 = arith.cmpi slt, %add3A_142, %lt3A_143 : i32
      %convert_element_type3A_145 = arith.extui %lt3A_144 : i1 to i32
      %cond3A_146 = arith.constant 0 : i32
      %cond3A_147 = arith.cmpi ne, %convert_element_type3A_145, %cond3A_146 : i32
      scf.if %cond3A_147 {
        %dma_wait3A_218 = arith.constant 0 : i32
        %dma_wait3A_219 = tpu.memref_slice %arg4[%dma_wait3A_218] : memref<327680xi32, #tpu.memory_space<hbm>> -> memref<128xi32, #tpu.memory_space<hbm>>
        %dma_wait3A_220 = arith.constant 0 : i32
        %dma_wait3A_221 = tpu.memref_slice %arg4[%dma_wait3A_220] : memref<327680xi32, #tpu.memory_space<hbm>> -> memref<128xi32, #tpu.memory_space<hbm>>
        tpu.wait_dma2 semaphore(%arg28 : memref<!tpu.dma_semaphore, #tpu.memory_space<semaphore_mem>>) src(%dma_wait3A_221 : memref<128xi32, #tpu.memory_space<hbm>>) dst(%arg13 : memref<128xi32, #tpu.memory_space<vmem>>)
        %dma_wait3A_222 = arith.constant 0 : i32
        %dma_wait3A_223 = tpu.memref_slice %arg5[%dma_wait3A_222] : memref<327680xi32, #tpu.memory_space<hbm>> -> memref<128xi32, #tpu.memory_space<hbm>>
        %dma_wait3A_224 = arith.constant 0 : i32
        %dma_wait3A_225 = tpu.memref_slice %arg5[%dma_wait3A_224] : memref<327680xi32, #tpu.memory_space<hbm>> -> memref<128xi32, #tpu.memory_space<hbm>>
        tpu.wait_dma2 semaphore(%arg34 : memref<!tpu.dma_semaphore, #tpu.memory_space<semaphore_mem>>) src(%dma_wait3A_225 : memref<128xi32, #tpu.memory_space<hbm>>) dst(%arg19 : memref<128xi32, #tpu.memory_space<vmem>>)
        %dma_start3A_226 = arith.constant 0 : i32
        %dma_start3A_227 = arith.constant 0 : i32
        %dma_start3A_228 = tpu.memref_slice %arg2[%dma_start3A_226, %dma_start3A_227] : memref<10000x128xf32, #tpu.memory_space<hbm>> -> memref<10000x128xf32, #tpu.memory_space<hbm>>
        tpu.enqueue_indirect_dma source(%dma_start3A_228 : memref<10000x128xf32, #tpu.memory_space<hbm>>) target(%arg22 : memref<128x128xf32, #tpu.memory_space<vmem>>) offsets(%arg13 : memref<128xi32, #tpu.memory_space<vmem>>) semaphore(%arg37 : memref<!tpu.dma_semaphore, #tpu.memory_space<semaphore_mem>>)
      } else {
      }
      "tpu.region"() ({
        %run_scoped3A = tpu.sem_alloc : memref<!tpu.dma_semaphore, #tpu.memory_space<semaphore_mem>>
        %dma_start3A_218 = arith.constant 0 : i32
        %dma_start3A_219 = arith.constant 0 : i32
        %dma_start3A_220 = tpu.memref_slice %arg8[%dma_start3A_218, %dma_start3A_219] : memref<10016x128xf32, #tpu.memory_space<vmem_shared>> -> memref<10016x128xf32, #tpu.memory_space<vmem_shared>>
        tpu.enqueue_indirect_dma source(%arg23 : memref<128x128xf32, #tpu.memory_space<vmem>>) target(%dma_start3A_220 : memref<10016x128xf32, #tpu.memory_space<vmem_shared>>) offsets(%arg17 : memref<128xi32, #tpu.memory_space<vmem>>) semaphore(%run_scoped3A : memref<!tpu.dma_semaphore, #tpu.memory_space<semaphore_mem>>) {add = true}
        %dma_wait3A_221 = arith.constant 0 : i32
        %dma_wait3A_222 = arith.constant 0 : i32
        %dma_wait3A_223 = tpu.memref_slice %arg8[%dma_wait3A_221, %dma_wait3A_222] : memref<10016x128xf32, #tpu.memory_space<vmem_shared>> -> memref<10016x128xf32, #tpu.memory_space<vmem_shared>>
        tpu.wait_indirect_dma semaphore(%run_scoped3A : memref<!tpu.dma_semaphore, #tpu.memory_space<semaphore_mem>>) src(%arg23 : memref<128x128xf32, #tpu.memory_space<vmem>>) dst(%dma_wait3A_223 : memref<10016x128xf32, #tpu.memory_space<vmem_shared>>)
        tpu.yield
      }) : () -> ()
      %add3A_148 = arith.constant 6 : i32
      %add3A_149 = arith.addi %add3A_137, %add3A_148 : i32
      %lt3A_150 = arith.constant 80 : i32
      %lt3A_151 = arith.cmpi slt, %add3A_149, %lt3A_150 : i32
      %convert_element_type3A_152 = arith.extui %lt3A_151 : i1 to i32
      %cond3A_153 = arith.constant 0 : i32
      %cond3A_154 = arith.cmpi ne, %convert_element_type3A_152, %cond3A_153 : i32
      scf.if %cond3A_154 {
        %add3A_218 = arith.constant 6 : i32
        %add3A_219 = arith.addi %add3A_137, %add3A_218 : i32
        %mul3A_220 = arith.constant 128 : i32
        %mul3A_221 = arith.muli %add3A_219, %mul3A_220 : i32
        %add3A_222 = arith.addi %add3A, %mul3A_221 : i32
        %dma_start3A_223 = tpu.memref_slice %arg4[%add3A_222] : memref<327680xi32, #tpu.memory_space<hbm>> -> memref<128xi32, #tpu.memory_space<hbm>>
        %dma_start3A_224 = tpu.memref_slice %arg4[%add3A_222] : memref<327680xi32, #tpu.memory_space<hbm>> -> memref<128xi32, #tpu.memory_space<hbm>>
        tpu.enqueue_dma source(%dma_start3A_224 : memref<128xi32, #tpu.memory_space<hbm>>) target(%arg11 : memref<128xi32, #tpu.memory_space<vmem>>) target_semaphore(%arg26 : memref<!tpu.dma_semaphore, #tpu.memory_space<semaphore_mem>>)
        %dma_start3A_225 = tpu.memref_slice %arg5[%add3A_222] : memref<327680xi32, #tpu.memory_space<hbm>> -> memref<128xi32, #tpu.memory_space<hbm>>
        %dma_start3A_226 = tpu.memref_slice %arg5[%add3A_222] : memref<327680xi32, #tpu.memory_space<hbm>> -> memref<128xi32, #tpu.memory_space<hbm>>
        tpu.enqueue_dma source(%dma_start3A_226 : memref<128xi32, #tpu.memory_space<hbm>>) target(%arg17 : memref<128xi32, #tpu.memory_space<vmem>>) target_semaphore(%arg32 : memref<!tpu.dma_semaphore, #tpu.memory_space<semaphore_mem>>)
      } else {
      }
      %mul3A_155 = arith.constant 6 : i32
      %mul3A_156 = arith.muli %scan3A_91, %mul3A_155 : i32
      %add3A_157 = arith.constant 3 : i32
      %add3A_158 = arith.addi %mul3A_156, %add3A_157 : i32
      %dma_wait3A_159 = arith.constant 0 : i32
      %dma_wait3A_160 = arith.constant 0 : i32
      %dma_wait3A_161 = tpu.memref_slice %arg2[%dma_wait3A_159, %dma_wait3A_160] : memref<10000x128xf32, #tpu.memory_space<hbm>> -> memref<10000x128xf32, #tpu.memory_space<hbm>>
      tpu.wait_indirect_dma semaphore(%arg36 : memref<!tpu.dma_semaphore, #tpu.memory_space<semaphore_mem>>) src(%dma_wait3A_161 : memref<10000x128xf32, #tpu.memory_space<hbm>>) dst(%arg21 : memref<128x128xf32, #tpu.memory_space<vmem>>)
      %add3A_162 = arith.constant 2 : i32
      %add3A_163 = arith.addi %add3A_158, %add3A_162 : i32
      %lt3A_164 = arith.constant 80 : i32
      %lt3A_165 = arith.cmpi slt, %add3A_163, %lt3A_164 : i32
      %convert_element_type3A_166 = arith.extui %lt3A_165 : i1 to i32
      %cond3A_167 = arith.constant 0 : i32
      %cond3A_168 = arith.cmpi ne, %convert_element_type3A_166, %cond3A_167 : i32
      scf.if %cond3A_168 {
        %dma_wait3A_218 = arith.constant 0 : i32
        %dma_wait3A_219 = tpu.memref_slice %arg4[%dma_wait3A_218] : memref<327680xi32, #tpu.memory_space<hbm>> -> memref<128xi32, #tpu.memory_space<hbm>>
        %dma_wait3A_220 = arith.constant 0 : i32
        %dma_wait3A_221 = tpu.memref_slice %arg4[%dma_wait3A_220] : memref<327680xi32, #tpu.memory_space<hbm>> -> memref<128xi32, #tpu.memory_space<hbm>>
        tpu.wait_dma2 semaphore(%arg29 : memref<!tpu.dma_semaphore, #tpu.memory_space<semaphore_mem>>) src(%dma_wait3A_221 : memref<128xi32, #tpu.memory_space<hbm>>) dst(%arg14 : memref<128xi32, #tpu.memory_space<vmem>>)
        %dma_wait3A_222 = arith.constant 0 : i32
        %dma_wait3A_223 = tpu.memref_slice %arg5[%dma_wait3A_222] : memref<327680xi32, #tpu.memory_space<hbm>> -> memref<128xi32, #tpu.memory_space<hbm>>
        %dma_wait3A_224 = arith.constant 0 : i32
        %dma_wait3A_225 = tpu.memref_slice %arg5[%dma_wait3A_224] : memref<327680xi32, #tpu.memory_space<hbm>> -> memref<128xi32, #tpu.memory_space<hbm>>
        tpu.wait_dma2 semaphore(%arg35 : memref<!tpu.dma_semaphore, #tpu.memory_space<semaphore_mem>>) src(%dma_wait3A_225 : memref<128xi32, #tpu.memory_space<hbm>>) dst(%arg20 : memref<128xi32, #tpu.memory_space<vmem>>)
        %dma_start3A_226 = arith.constant 0 : i32
        %dma_start3A_227 = arith.constant 0 : i32
        %dma_start3A_228 = tpu.memref_slice %arg2[%dma_start3A_226, %dma_start3A_227] : memref<10000x128xf32, #tpu.memory_space<hbm>> -> memref<10000x128xf32, #tpu.memory_space<hbm>>
        tpu.enqueue_indirect_dma source(%dma_start3A_228 : memref<10000x128xf32, #tpu.memory_space<hbm>>) target(%arg23 : memref<128x128xf32, #tpu.memory_space<vmem>>) offsets(%arg14 : memref<128xi32, #tpu.memory_space<vmem>>) semaphore(%arg38 : memref<!tpu.dma_semaphore, #tpu.memory_space<semaphore_mem>>)
      } else {
      }
      "tpu.region"() ({
        %run_scoped3A = tpu.sem_alloc : memref<!tpu.dma_semaphore, #tpu.memory_space<semaphore_mem>>
        %dma_start3A_218 = arith.constant 0 : i32
        %dma_start3A_219 = arith.constant 0 : i32
        %dma_start3A_220 = tpu.memref_slice %arg8[%dma_start3A_218, %dma_start3A_219] : memref<10016x128xf32, #tpu.memory_space<vmem_shared>> -> memref<10016x128xf32, #tpu.memory_space<vmem_shared>>
        tpu.enqueue_indirect_dma source(%arg21 : memref<128x128xf32, #tpu.memory_space<vmem>>) target(%dma_start3A_220 : memref<10016x128xf32, #tpu.memory_space<vmem_shared>>) offsets(%arg18 : memref<128xi32, #tpu.memory_space<vmem>>) semaphore(%run_scoped3A : memref<!tpu.dma_semaphore, #tpu.memory_space<semaphore_mem>>) {add = true}
        %dma_wait3A_221 = arith.constant 0 : i32
        %dma_wait3A_222 = arith.constant 0 : i32
        %dma_wait3A_223 = tpu.memref_slice %arg8[%dma_wait3A_221, %dma_wait3A_222] : memref<10016x128xf32, #tpu.memory_space<vmem_shared>> -> memref<10016x128xf32, #tpu.memory_space<vmem_shared>>
        tpu.wait_indirect_dma semaphore(%run_scoped3A : memref<!tpu.dma_semaphore, #tpu.memory_space<semaphore_mem>>) src(%arg21 : memref<128x128xf32, #tpu.memory_space<vmem>>) dst(%dma_wait3A_223 : memref<10016x128xf32, #tpu.memory_space<vmem_shared>>)
        tpu.yield
      }) : () -> ()
      %add3A_169 = arith.constant 6 : i32
      %add3A_170 = arith.addi %add3A_158, %add3A_169 : i32
      %lt3A_171 = arith.constant 80 : i32
      %lt3A_172 = arith.cmpi slt, %add3A_170, %lt3A_171 : i32
      %convert_element_type3A_173 = arith.extui %lt3A_172 : i1 to i32
      %cond3A_174 = arith.constant 0 : i32
      %cond3A_175 = arith.cmpi ne, %convert_element_type3A_173, %cond3A_174 : i32
      scf.if %cond3A_175 {
        %add3A_218 = arith.constant 6 : i32
        %add3A_219 = arith.addi %add3A_158, %add3A_218 : i32
        %mul3A_220 = arith.constant 128 : i32
        %mul3A_221 = arith.muli %add3A_219, %mul3A_220 : i32
        %add3A_222 = arith.addi %add3A, %mul3A_221 : i32
        %dma_start3A_223 = tpu.memref_slice %arg4[%add3A_222] : memref<327680xi32, #tpu.memory_space<hbm>> -> memref<128xi32, #tpu.memory_space<hbm>>
        %dma_start3A_224 = tpu.memref_slice %arg4[%add3A_222] : memref<327680xi32, #tpu.memory_space<hbm>> -> memref<128xi32, #tpu.memory_space<hbm>>
        tpu.enqueue_dma source(%dma_start3A_224 : memref<128xi32, #tpu.memory_space<hbm>>) target(%arg12 : memref<128xi32, #tpu.memory_space<vmem>>) target_semaphore(%arg27 : memref<!tpu.dma_semaphore, #tpu.memory_space<semaphore_mem>>)
        %dma_start3A_225 = tpu.memref_slice %arg5[%add3A_222] : memref<327680xi32, #tpu.memory_space<hbm>> -> memref<128xi32, #tpu.memory_space<hbm>>
        %dma_start3A_226 = tpu.memref_slice %arg5[%add3A_222] : memref<327680xi32, #tpu.memory_space<hbm>> -> memref<128xi32, #tpu.memory_space<hbm>>
        tpu.enqueue_dma source(%dma_start3A_226 : memref<128xi32, #tpu.memory_space<hbm>>) target(%arg18 : memref<128xi32, #tpu.memory_space<vmem>>) target_semaphore(%arg33 : memref<!tpu.dma_semaphore, #tpu.memory_space<semaphore_mem>>)
      } else {
      }
      %mul3A_176 = arith.constant 6 : i32
      %mul3A_177 = arith.muli %scan3A_91, %mul3A_176 : i32
      %add3A_178 = arith.constant 4 : i32
      %add3A_179 = arith.addi %mul3A_177, %add3A_178 : i32
      %dma_wait3A_180 = arith.constant 0 : i32
      %dma_wait3A_181 = arith.constant 0 : i32
      %dma_wait3A_182 = tpu.memref_slice %arg2[%dma_wait3A_180, %dma_wait3A_181] : memref<10000x128xf32, #tpu.memory_space<hbm>> -> memref<10000x128xf32, #tpu.memory_space<hbm>>
      tpu.wait_indirect_dma semaphore(%arg37 : memref<!tpu.dma_semaphore, #tpu.memory_space<semaphore_mem>>) src(%dma_wait3A_182 : memref<10000x128xf32, #tpu.memory_space<hbm>>) dst(%arg22 : memref<128x128xf32, #tpu.memory_space<vmem>>)
      %add3A_183 = arith.constant 2 : i32
      %add3A_184 = arith.addi %add3A_179, %add3A_183 : i32
      %lt3A_185 = arith.constant 80 : i32
      %lt3A_186 = arith.cmpi slt, %add3A_184, %lt3A_185 : i32
      %convert_element_type3A_187 = arith.extui %lt3A_186 : i1 to i32
      %cond3A_188 = arith.constant 0 : i32
      %cond3A_189 = arith.cmpi ne, %convert_element_type3A_187, %cond3A_188 : i32
      scf.if %cond3A_189 {
        %dma_wait3A_218 = arith.constant 0 : i32
        %dma_wait3A_219 = tpu.memref_slice %arg4[%dma_wait3A_218] : memref<327680xi32, #tpu.memory_space<hbm>> -> memref<128xi32, #tpu.memory_space<hbm>>
        %dma_wait3A_220 = arith.constant 0 : i32
        %dma_wait3A_221 = tpu.memref_slice %arg4[%dma_wait3A_220] : memref<327680xi32, #tpu.memory_space<hbm>> -> memref<128xi32, #tpu.memory_space<hbm>>
        tpu.wait_dma2 semaphore(%arg24 : memref<!tpu.dma_semaphore, #tpu.memory_space<semaphore_mem>>) src(%dma_wait3A_221 : memref<128xi32, #tpu.memory_space<hbm>>) dst(%arg9 : memref<128xi32, #tpu.memory_space<vmem>>)
        %dma_wait3A_222 = arith.constant 0 : i32
        %dma_wait3A_223 = tpu.memref_slice %arg5[%dma_wait3A_222] : memref<327680xi32, #tpu.memory_space<hbm>> -> memref<128xi32, #tpu.memory_space<hbm>>
        %dma_wait3A_224 = arith.constant 0 : i32
        %dma_wait3A_225 = tpu.memref_slice %arg5[%dma_wait3A_224] : memref<327680xi32, #tpu.memory_space<hbm>> -> memref<128xi32, #tpu.memory_space<hbm>>
        tpu.wait_dma2 semaphore(%arg30 : memref<!tpu.dma_semaphore, #tpu.memory_space<semaphore_mem>>) src(%dma_wait3A_225 : memref<128xi32, #tpu.memory_space<hbm>>) dst(%arg15 : memref<128xi32, #tpu.memory_space<vmem>>)
        %dma_start3A_226 = arith.constant 0 : i32
        %dma_start3A_227 = arith.constant 0 : i32
        %dma_start3A_228 = tpu.memref_slice %arg2[%dma_start3A_226, %dma_start3A_227] : memref<10000x128xf32, #tpu.memory_space<hbm>> -> memref<10000x128xf32, #tpu.memory_space<hbm>>
        tpu.enqueue_indirect_dma source(%dma_start3A_228 : memref<10000x128xf32, #tpu.memory_space<hbm>>) target(%arg21 : memref<128x128xf32, #tpu.memory_space<vmem>>) offsets(%arg9 : memref<128xi32, #tpu.memory_space<vmem>>) semaphore(%arg36 : memref<!tpu.dma_semaphore, #tpu.memory_space<semaphore_mem>>)
      } else {
      }
      "tpu.region"() ({
        %run_scoped3A = tpu.sem_alloc : memref<!tpu.dma_semaphore, #tpu.memory_space<semaphore_mem>>
        %dma_start3A_218 = arith.constant 0 : i32
        %dma_start3A_219 = arith.constant 0 : i32
        %dma_start3A_220 = tpu.memref_slice %arg8[%dma_start3A_218, %dma_start3A_219] : memref<10016x128xf32, #tpu.memory_space<vmem_shared>> -> memref<10016x128xf32, #tpu.memory_space<vmem_shared>>
        tpu.enqueue_indirect_dma source(%arg22 : memref<128x128xf32, #tpu.memory_space<vmem>>) target(%dma_start3A_220 : memref<10016x128xf32, #tpu.memory_space<vmem_shared>>) offsets(%arg19 : memref<128xi32, #tpu.memory_space<vmem>>) semaphore(%run_scoped3A : memref<!tpu.dma_semaphore, #tpu.memory_space<semaphore_mem>>) {add = true}
        %dma_wait3A_221 = arith.constant 0 : i32
        %dma_wait3A_222 = arith.constant 0 : i32
        %dma_wait3A_223 = tpu.memref_slice %arg8[%dma_wait3A_221, %dma_wait3A_222] : memref<10016x128xf32, #tpu.memory_space<vmem_shared>> -> memref<10016x128xf32, #tpu.memory_space<vmem_shared>>
        tpu.wait_indirect_dma semaphore(%run_scoped3A : memref<!tpu.dma_semaphore, #tpu.memory_space<semaphore_mem>>) src(%arg22 : memref<128x128xf32, #tpu.memory_space<vmem>>) dst(%dma_wait3A_223 : memref<10016x128xf32, #tpu.memory_space<vmem_shared>>)
        tpu.yield
      }) : () -> ()
      %add3A_190 = arith.constant 6 : i32
      %add3A_191 = arith.addi %add3A_179, %add3A_190 : i32
      %lt3A_192 = arith.constant 80 : i32
      %lt3A_193 = arith.cmpi slt, %add3A_191, %lt3A_192 : i32
      %convert_element_type3A_194 = arith.extui %lt3A_193 : i1 to i32
      %cond3A_195 = arith.constant 0 : i32
      %cond3A_196 = arith.cmpi ne, %convert_element_type3A_194, %cond3A_195 : i32
      scf.if %cond3A_196 {
        %add3A_218 = arith.constant 6 : i32
        %add3A_219 = arith.addi %add3A_179, %add3A_218 : i32
        %mul3A_220 = arith.constant 128 : i32
        %mul3A_221 = arith.muli %add3A_219, %mul3A_220 : i32
        %add3A_222 = arith.addi %add3A, %mul3A_221 : i32
        %dma_start3A_223 = tpu.memref_slice %arg4[%add3A_222] : memref<327680xi32, #tpu.memory_space<hbm>> -> memref<128xi32, #tpu.memory_space<hbm>>
        %dma_start3A_224 = tpu.memref_slice %arg4[%add3A_222] : memref<327680xi32, #tpu.memory_space<hbm>> -> memref<128xi32, #tpu.memory_space<hbm>>
        tpu.enqueue_dma source(%dma_start3A_224 : memref<128xi32, #tpu.memory_space<hbm>>) target(%arg13 : memref<128xi32, #tpu.memory_space<vmem>>) target_semaphore(%arg28 : memref<!tpu.dma_semaphore, #tpu.memory_space<semaphore_mem>>)
        %dma_start3A_225 = tpu.memref_slice %arg5[%add3A_222] : memref<327680xi32, #tpu.memory_space<hbm>> -> memref<128xi32, #tpu.memory_space<hbm>>
        %dma_start3A_226 = tpu.memref_slice %arg5[%add3A_222] : memref<327680xi32, #tpu.memory_space<hbm>> -> memref<128xi32, #tpu.memory_space<hbm>>
        tpu.enqueue_dma source(%dma_start3A_226 : memref<128xi32, #tpu.memory_space<hbm>>) target(%arg19 : memref<128xi32, #tpu.memory_space<vmem>>) target_semaphore(%arg34 : memref<!tpu.dma_semaphore, #tpu.memory_space<semaphore_mem>>)
      } else {
      }
      %mul3A_197 = arith.constant 6 : i32
      %mul3A_198 = arith.muli %scan3A_91, %mul3A_197 : i32
      %add3A_199 = arith.constant 5 : i32
      %add3A_200 = arith.addi %mul3A_198, %add3A_199 : i32
      %dma_wait3A_201 = arith.constant 0 : i32
      %dma_wait3A_202 = arith.constant 0 : i32
      %dma_wait3A_203 = tpu.memref_slice %arg2[%dma_wait3A_201, %dma_wait3A_202] : memref<10000x128xf32, #tpu.memory_space<hbm>> -> memref<10000x128xf32, #tpu.memory_space<hbm>>
      tpu.wait_indirect_dma semaphore(%arg38 : memref<!tpu.dma_semaphore, #tpu.memory_space<semaphore_mem>>) src(%dma_wait3A_203 : memref<10000x128xf32, #tpu.memory_space<hbm>>) dst(%arg23 : memref<128x128xf32, #tpu.memory_space<vmem>>)
      %add3A_204 = arith.constant 2 : i32
      %add3A_205 = arith.addi %add3A_200, %add3A_204 : i32
      %lt3A_206 = arith.constant 80 : i32
      %lt3A_207 = arith.cmpi slt, %add3A_205, %lt3A_206 : i32
      %convert_element_type3A_208 = arith.extui %lt3A_207 : i1 to i32
      %cond3A_209 = arith.constant 0 : i32
      %cond3A_210 = arith.cmpi ne, %convert_element_type3A_208, %cond3A_209 : i32
      scf.if %cond3A_210 {
        %dma_wait3A_218 = arith.constant 0 : i32
        %dma_wait3A_219 = tpu.memref_slice %arg4[%dma_wait3A_218] : memref<327680xi32, #tpu.memory_space<hbm>> -> memref<128xi32, #tpu.memory_space<hbm>>
        %dma_wait3A_220 = arith.constant 0 : i32
        %dma_wait3A_221 = tpu.memref_slice %arg4[%dma_wait3A_220] : memref<327680xi32, #tpu.memory_space<hbm>> -> memref<128xi32, #tpu.memory_space<hbm>>
        tpu.wait_dma2 semaphore(%arg25 : memref<!tpu.dma_semaphore, #tpu.memory_space<semaphore_mem>>) src(%dma_wait3A_221 : memref<128xi32, #tpu.memory_space<hbm>>) dst(%arg10 : memref<128xi32, #tpu.memory_space<vmem>>)
        %dma_wait3A_222 = arith.constant 0 : i32
        %dma_wait3A_223 = tpu.memref_slice %arg5[%dma_wait3A_222] : memref<327680xi32, #tpu.memory_space<hbm>> -> memref<128xi32, #tpu.memory_space<hbm>>
        %dma_wait3A_224 = arith.constant 0 : i32
        %dma_wait3A_225 = tpu.memref_slice %arg5[%dma_wait3A_224] : memref<327680xi32, #tpu.memory_space<hbm>> -> memref<128xi32, #tpu.memory_space<hbm>>
        tpu.wait_dma2 semaphore(%arg31 : memref<!tpu.dma_semaphore, #tpu.memory_space<semaphore_mem>>) src(%dma_wait3A_225 : memref<128xi32, #tpu.memory_space<hbm>>) dst(%arg16 : memref<128xi32, #tpu.memory_space<vmem>>)
        %dma_start3A_226 = arith.constant 0 : i32
        %dma_start3A_227 = arith.constant 0 : i32
        %dma_start3A_228 = tpu.memref_slice %arg2[%dma_start3A_226, %dma_start3A_227] : memref<10000x128xf32, #tpu.memory_space<hbm>> -> memref<10000x128xf32, #tpu.memory_space<hbm>>
        tpu.enqueue_indirect_dma source(%dma_start3A_228 : memref<10000x128xf32, #tpu.memory_space<hbm>>) target(%arg22 : memref<128x128xf32, #tpu.memory_space<vmem>>) offsets(%arg10 : memref<128xi32, #tpu.memory_space<vmem>>) semaphore(%arg37 : memref<!tpu.dma_semaphore, #tpu.memory_space<semaphore_mem>>)
      } else {
      }
      "tpu.region"() ({
        %run_scoped3A = tpu.sem_alloc : memref<!tpu.dma_semaphore, #tpu.memory_space<semaphore_mem>>
        %dma_start3A_218 = arith.constant 0 : i32
        %dma_start3A_219 = arith.constant 0 : i32
        %dma_start3A_220 = tpu.memref_slice %arg8[%dma_start3A_218, %dma_start3A_219] : memref<10016x128xf32, #tpu.memory_space<vmem_shared>> -> memref<10016x128xf32, #tpu.memory_space<vmem_shared>>
        tpu.enqueue_indirect_dma source(%arg23 : memref<128x128xf32, #tpu.memory_space<vmem>>) target(%dma_start3A_220 : memref<10016x128xf32, #tpu.memory_space<vmem_shared>>) offsets(%arg20 : memref<128xi32, #tpu.memory_space<vmem>>) semaphore(%run_scoped3A : memref<!tpu.dma_semaphore, #tpu.memory_space<semaphore_mem>>) {add = true}
        %dma_wait3A_221 = arith.constant 0 : i32
        %dma_wait3A_222 = arith.constant 0 : i32
        %dma_wait3A_223 = tpu.memref_slice %arg8[%dma_wait3A_221, %dma_wait3A_222] : memref<10016x128xf32, #tpu.memory_space<vmem_shared>> -> memref<10016x128xf32, #tpu.memory_space<vmem_shared>>
        tpu.wait_indirect_dma semaphore(%run_scoped3A : memref<!tpu.dma_semaphore, #tpu.memory_space<semaphore_mem>>) src(%arg23 : memref<128x128xf32, #tpu.memory_space<vmem>>) dst(%dma_wait3A_223 : memref<10016x128xf32, #tpu.memory_space<vmem_shared>>)
        tpu.yield
      }) : () -> ()
      %add3A_211 = arith.constant 6 : i32
      %add3A_212 = arith.addi %add3A_200, %add3A_211 : i32
      %lt3A_213 = arith.constant 80 : i32
      %lt3A_214 = arith.cmpi slt, %add3A_212, %lt3A_213 : i32
      %convert_element_type3A_215 = arith.extui %lt3A_214 : i1 to i32
      %cond3A_216 = arith.constant 0 : i32
      %cond3A_217 = arith.cmpi ne, %convert_element_type3A_215, %cond3A_216 : i32
      scf.if %cond3A_217 {
        %add3A_218 = arith.constant 6 : i32
        %add3A_219 = arith.addi %add3A_200, %add3A_218 : i32
        %mul3A_220 = arith.constant 128 : i32
        %mul3A_221 = arith.muli %add3A_219, %mul3A_220 : i32
        %add3A_222 = arith.addi %add3A, %mul3A_221 : i32
        %dma_start3A_223 = tpu.memref_slice %arg4[%add3A_222] : memref<327680xi32, #tpu.memory_space<hbm>> -> memref<128xi32, #tpu.memory_space<hbm>>
        %dma_start3A_224 = tpu.memref_slice %arg4[%add3A_222] : memref<327680xi32, #tpu.memory_space<hbm>> -> memref<128xi32, #tpu.memory_space<hbm>>
        tpu.enqueue_dma source(%dma_start3A_224 : memref<128xi32, #tpu.memory_space<hbm>>) target(%arg14 : memref<128xi32, #tpu.memory_space<vmem>>) target_semaphore(%arg29 : memref<!tpu.dma_semaphore, #tpu.memory_space<semaphore_mem>>)
        %dma_start3A_225 = tpu.memref_slice %arg5[%add3A_222] : memref<327680xi32, #tpu.memory_space<hbm>> -> memref<128xi32, #tpu.memory_space<hbm>>
        %dma_start3A_226 = tpu.memref_slice %arg5[%add3A_222] : memref<327680xi32, #tpu.memory_space<hbm>> -> memref<128xi32, #tpu.memory_space<hbm>>
        tpu.enqueue_dma source(%dma_start3A_226 : memref<128xi32, #tpu.memory_space<hbm>>) target(%arg20 : memref<128xi32, #tpu.memory_space<vmem>>) target_semaphore(%arg35 : memref<!tpu.dma_semaphore, #tpu.memory_space<semaphore_mem>>)
      } else {
      }
    }
    %scan3A_71 = arith.constant 13 : i32
    %dma_wait3A_72 = arith.constant 0 : i32
    %dma_wait3A_73 = arith.constant 0 : i32
    %dma_wait3A_74 = tpu.memref_slice %arg2[%dma_wait3A_72, %dma_wait3A_73] : memref<10000x128xf32, #tpu.memory_space<hbm>> -> memref<10000x128xf32, #tpu.memory_space<hbm>>
    tpu.wait_indirect_dma semaphore(%arg36 : memref<!tpu.dma_semaphore, #tpu.memory_space<semaphore_mem>>) src(%dma_wait3A_74 : memref<10000x128xf32, #tpu.memory_space<hbm>>) dst(%arg21 : memref<128x128xf32, #tpu.memory_space<vmem>>)
    "tpu.region"() ({
      %run_scoped3A = tpu.sem_alloc : memref<!tpu.dma_semaphore, #tpu.memory_space<semaphore_mem>>
      %dma_start3A_91 = arith.constant 0 : i32
      %dma_start3A_92 = arith.constant 0 : i32
      %dma_start3A_93 = tpu.memref_slice %arg8[%dma_start3A_91, %dma_start3A_92] : memref<10016x128xf32, #tpu.memory_space<vmem_shared>> -> memref<10016x128xf32, #tpu.memory_space<vmem_shared>>
      tpu.enqueue_indirect_dma source(%arg21 : memref<128x128xf32, #tpu.memory_space<vmem>>) target(%dma_start3A_93 : memref<10016x128xf32, #tpu.memory_space<vmem_shared>>) offsets(%arg15 : memref<128xi32, #tpu.memory_space<vmem>>) semaphore(%run_scoped3A : memref<!tpu.dma_semaphore, #tpu.memory_space<semaphore_mem>>) {add = true}
      %dma_wait3A_94 = arith.constant 0 : i32
      %dma_wait3A_95 = arith.constant 0 : i32
      %dma_wait3A_96 = tpu.memref_slice %arg8[%dma_wait3A_94, %dma_wait3A_95] : memref<10016x128xf32, #tpu.memory_space<vmem_shared>> -> memref<10016x128xf32, #tpu.memory_space<vmem_shared>>
      tpu.wait_indirect_dma semaphore(%run_scoped3A : memref<!tpu.dma_semaphore, #tpu.memory_space<semaphore_mem>>) src(%arg21 : memref<128x128xf32, #tpu.memory_space<vmem>>) dst(%dma_wait3A_96 : memref<10016x128xf32, #tpu.memory_space<vmem_shared>>)
      tpu.yield
    }) : () -> ()
    %dma_wait3A_75 = arith.constant 0 : i32
    %dma_wait3A_76 = arith.constant 0 : i32
    %dma_wait3A_77 = tpu.memref_slice %arg2[%dma_wait3A_75, %dma_wait3A_76] : memref<10000x128xf32, #tpu.memory_space<hbm>> -> memref<10000x128xf32, #tpu.memory_space<hbm>>
    tpu.wait_indirect_dma semaphore(%arg37 : memref<!tpu.dma_semaphore, #tpu.memory_space<semaphore_mem>>) src(%dma_wait3A_77 : memref<10000x128xf32, #tpu.memory_space<hbm>>) dst(%arg22 : memref<128x128xf32, #tpu.memory_space<vmem>>)
    "tpu.region"() ({
      %run_scoped3A = tpu.sem_alloc : memref<!tpu.dma_semaphore, #tpu.memory_space<semaphore_mem>>
      %dma_start3A_91 = arith.constant 0 : i32
      %dma_start3A_92 = arith.constant 0 : i32
      %dma_start3A_93 = tpu.memref_slice %arg8[%dma_start3A_91, %dma_start3A_92] : memref<10016x128xf32, #tpu.memory_space<vmem_shared>> -> memref<10016x128xf32, #tpu.memory_space<vmem_shared>>
      tpu.enqueue_indirect_dma source(%arg22 : memref<128x128xf32, #tpu.memory_space<vmem>>) target(%dma_start3A_93 : memref<10016x128xf32, #tpu.memory_space<vmem_shared>>) offsets(%arg16 : memref<128xi32, #tpu.memory_space<vmem>>) semaphore(%run_scoped3A : memref<!tpu.dma_semaphore, #tpu.memory_space<semaphore_mem>>) {add = true}
      %dma_wait3A_94 = arith.constant 0 : i32
      %dma_wait3A_95 = arith.constant 0 : i32
      %dma_wait3A_96 = tpu.memref_slice %arg8[%dma_wait3A_94, %dma_wait3A_95] : memref<10016x128xf32, #tpu.memory_space<vmem_shared>> -> memref<10016x128xf32, #tpu.memory_space<vmem_shared>>
      tpu.wait_indirect_dma semaphore(%run_scoped3A : memref<!tpu.dma_semaphore, #tpu.memory_space<semaphore_mem>>) src(%arg22 : memref<128x128xf32, #tpu.memory_space<vmem>>) dst(%dma_wait3A_96 : memref<10016x128xf32, #tpu.memory_space<vmem_shared>>)
      tpu.yield
    }) : () -> ()
    %barrier3A_78 = arith.constant 0 : index
    tpu.barrier barrier_id(%barrier3A_78)
    %mul3A_79 = arith.constant 624 : i32
    %mul3A_80 = arith.muli %arg1, %mul3A_79 : i32
    %lt3A_81 = arith.constant 15 : i32
    %lt3A_82 = arith.cmpi slt, %arg1, %lt3A_81 : i32
    %convert_element_type3A_83 = arith.extui %lt3A_82 : i1 to i32
    %cond3A_84 = arith.constant 0 : i32
    %cond3A_85 = arith.cmpi ne, %convert_element_type3A_83, %cond3A_84 : i32
    scf.if %cond3A_85 {
      %mul3A_91 = arith.constant 10000 : i32
      %mul3A_92 = arith.muli %arg0, %mul3A_91 : i32
      %add3A_93 = arith.addi %mul3A_92, %mul3A_80 : i32
      "tpu.region"() ({
        %run_scoped3A = tpu.sem_alloc : memref<!tpu.dma_semaphore, #tpu.memory_space<semaphore_mem>>
        %dma_start3A_94 = arith.constant 0 : i32
        %dma_start3A_95 = tpu.memref_slice %arg7[%add3A_93, %dma_start3A_94] : memref<20000x128xf32, #tpu.memory_space<hbm>> -> memref<624x128xf32, #tpu.memory_space<hbm>>
        %dma_start3A_96 = arith.constant 0 : i32
        %dma_start3A_97 = tpu.memref_slice %arg8[%mul3A_80, %dma_start3A_96] : memref<10016x128xf32, #tpu.memory_space<vmem_shared>> -> memref<624x128xf32, #tpu.memory_space<vmem_shared>>
        tpu.enqueue_dma source(%dma_start3A_97 : memref<624x128xf32, #tpu.memory_space<vmem_shared>>) target(%dma_start3A_95 : memref<624x128xf32, #tpu.memory_space<hbm>>) target_semaphore(%run_scoped3A : memref<!tpu.dma_semaphore, #tpu.memory_space<semaphore_mem>>)
        %dma_wait3A_98 = arith.constant 0 : i32
        %dma_wait3A_99 = tpu.memref_slice %arg7[%add3A_93, %dma_wait3A_98] : memref<20000x128xf32, #tpu.memory_space<hbm>> -> memref<624x128xf32, #tpu.memory_space<hbm>>
        %dma_wait3A_100 = arith.constant 0 : i32
        %dma_wait3A_101 = tpu.memref_slice %arg8[%mul3A_80, %dma_wait3A_100] : memref<10016x128xf32, #tpu.memory_space<vmem_shared>> -> memref<624x128xf32, #tpu.memory_space<vmem_shared>>
        tpu.wait_dma2 semaphore(%run_scoped3A : memref<!tpu.dma_semaphore, #tpu.memory_space<semaphore_mem>>) src(%dma_wait3A_101 : memref<624x128xf32, #tpu.memory_space<vmem_shared>>) dst(%dma_wait3A_99 : memref<624x128xf32, #tpu.memory_space<hbm>>)
        tpu.yield
      }) : () -> ()
    } else {
    }
    %eq3A_86 = arith.constant 15 : i32
    %eq3A_87 = arith.cmpi eq, %arg1, %eq3A_86 : i32
    %convert_element_type3A_88 = arith.extui %eq3A_87 : i1 to i32
    %cond3A_89 = arith.constant 0 : i32
    %cond3A_90 = arith.cmpi ne, %convert_element_type3A_88, %cond3A_89 : i32
    scf.if %cond3A_90 {
      %mul3A_91 = arith.constant 10000 : i32
      %mul3A_92 = arith.muli %arg0, %mul3A_91 : i32
      %add3A_93 = arith.constant 9360 : i32
      %add3A_94 = arith.addi %mul3A_92, %add3A_93 : i32
      "tpu.region"() ({
        %run_scoped3A = tpu.sem_alloc : memref<!tpu.dma_semaphore, #tpu.memory_space<semaphore_mem>>
        %dma_start3A_95 = arith.constant 0 : i32
        %dma_start3A_96 = tpu.memref_slice %arg7[%add3A_94, %dma_start3A_95] : memref<20000x128xf32, #tpu.memory_space<hbm>> -> memref<640x128xf32, #tpu.memory_space<hbm>>
        %dma_start3A_97 = arith.constant 9360 : i32
        %dma_start3A_98 = arith.constant 0 : i32
        %dma_start3A_99 = tpu.memref_slice %arg8[%dma_start3A_97, %dma_start3A_98] : memref<10016x128xf32, #tpu.memory_space<vmem_shared>> -> memref<640x128xf32, #tpu.memory_space<vmem_shared>>
        tpu.enqueue_dma source(%dma_start3A_99 : memref<640x128xf32, #tpu.memory_space<vmem_shared>>) target(%dma_start3A_96 : memref<640x128xf32, #tpu.memory_space<hbm>>) target_semaphore(%run_scoped3A : memref<!tpu.dma_semaphore, #tpu.memory_space<semaphore_mem>>)
        %dma_wait3A_100 = arith.constant 0 : i32
        %dma_wait3A_101 = tpu.memref_slice %arg7[%add3A_94, %dma_wait3A_100] : memref<20000x128xf32, #tpu.memory_space<hbm>> -> memref<640x128xf32, #tpu.memory_space<hbm>>
        %dma_wait3A_102 = arith.constant 9360 : i32
        %dma_wait3A_103 = arith.constant 0 : i32
        %dma_wait3A_104 = tpu.memref_slice %arg8[%dma_wait3A_102, %dma_wait3A_103] : memref<10016x128xf32, #tpu.memory_space<vmem_shared>> -> memref<640x128xf32, #tpu.memory_space<vmem_shared>>
        tpu.wait_dma2 semaphore(%run_scoped3A : memref<!tpu.dma_semaphore, #tpu.memory_space<semaphore_mem>>) src(%dma_wait3A_104 : memref<640x128xf32, #tpu.memory_space<vmem_shared>>) dst(%dma_wait3A_101 : memref<640x128xf32, #tpu.memory_space<hbm>>)
        tpu.yield
      }) : () -> ()
    } else {
    }
    return
  }
}

#map = affine_map<(d0, d1) -> (0, 0)>
#map1 = affine_map<(d0, d1) -> (0)>
module attributes {stable_mosaic.version = 14 : i64} {
  func.func @body(%arg0: i32, %arg1: i32, %arg2: memref<10000x128xf32, #tpu.memory_space<hbm>>, %arg3: memref<10000x128xf32, #tpu.memory_space<hbm>>, %arg4: memref<327680xi32, #tpu.memory_space<hbm>>, %arg5: memref<327680xi32, #tpu.memory_space<hbm>>, %arg6: memref<10016x128xf32, #tpu.memory_space<hbm>>, %arg7: memref<20000x128xf32, #tpu.memory_space<hbm>>, %arg8: memref<10016x128xf32, #tpu.memory_space<vmem_shared>>, %arg9: memref<128xi32, #tpu.memory_space<vmem>>, %arg10: memref<128xi32, #tpu.memory_space<vmem>>, %arg11: memref<128xi32, #tpu.memory_space<vmem>>, %arg12: memref<128xi32, #tpu.memory_space<vmem>>, %arg13: memref<128xi32, #tpu.memory_space<vmem>>, %arg14: memref<128xi32, #tpu.memory_space<vmem>>, %arg15: memref<128xi32, #tpu.memory_space<vmem>>, %arg16: memref<128xi32, #tpu.memory_space<vmem>>, %arg17: memref<128xi32, #tpu.memory_space<vmem>>, %arg18: memref<128xi32, #tpu.memory_space<vmem>>, %arg19: memref<128xi32, #tpu.memory_space<vmem>>, %arg20: memref<128xi32, #tpu.memory_space<vmem>>, %arg21: memref<128x128xf32, #tpu.memory_space<vmem>>, %arg22: memref<128x128xf32, #tpu.memory_space<vmem>>, %arg23: memref<128x128xf32, #tpu.memory_space<vmem>>, %arg24: memref<!tpu.dma_semaphore, #tpu.memory_space<semaphore_mem>>, %arg25: memref<!tpu.dma_semaphore, #tpu.memory_space<semaphore_mem>>, %arg26: memref<!tpu.dma_semaphore, #tpu.memory_space<semaphore_mem>>, %arg27: memref<!tpu.dma_semaphore, #tpu.memory_space<semaphore_mem>>, %arg28: memref<!tpu.dma_semaphore, #tpu.memory_space<semaphore_mem>>, %arg29: memref<!tpu.dma_semaphore, #tpu.memory_space<semaphore_mem>>, %arg30: memref<!tpu.dma_semaphore, #tpu.memory_space<semaphore_mem>>, %arg31: memref<!tpu.dma_semaphore, #tpu.memory_space<semaphore_mem>>, %arg32: memref<!tpu.dma_semaphore, #tpu.memory_space<semaphore_mem>>, %arg33: memref<!tpu.dma_semaphore, #tpu.memory_space<semaphore_mem>>, %arg34: memref<!tpu.dma_semaphore, #tpu.memory_space<semaphore_mem>>, %arg35: memref<!tpu.dma_semaphore, #tpu.memory_space<semaphore_mem>>, %arg36: memref<!tpu.dma_semaphore, #tpu.memory_space<semaphore_mem>>, %arg37: memref<!tpu.dma_semaphore, #tpu.memory_space<semaphore_mem>>, %arg38: memref<!tpu.dma_semaphore, #tpu.memory_space<semaphore_mem>>) attributes {dimension_semantics = [#tpu.dimension_semantics<core_parallel>, #tpu.dimension_semantics<subcore_parallel>], iteration_bounds = array<i64: 2, 16>, scalar_prefetch = 0 : i64, scratch_operands = 31 : i64, tpu.core_type = #tpu.core_type<sc_vector_subcore>, window_params = [{transform_indices = #map}, {transform_indices = #map}, {transform_indices = #map1}, {transform_indices = #map1}, {transform_indices = #map}, {transform_indices = #map}]} {
    %mul3A = arith.constant 624 : i32
    %mul3A_0 = arith.muli %arg1, %mul3A : i32
    %lt3A = arith.constant 15 : i32
    %lt3A_1 = arith.cmpi slt, %arg1, %lt3A : i32
    %convert_element_type3A = arith.extui %lt3A_1 : i1 to i32
    %cond3A = arith.constant 0 : i32
    %cond3A_2 = arith.cmpi ne, %convert_element_type3A, %cond3A : i32
    scf.if %cond3A_2 {
      "tpu.region"() ({
        %run_scoped3A = tpu.sem_alloc : memref<!tpu.dma_semaphore, #tpu.memory_space<semaphore_mem>>
        %dma_start3A = arith.constant 0 : i32
        %dma_start3A_32 = tpu.memref_slice %arg8[%mul3A_0, %dma_start3A] : memref<10016x128xf32, #tpu.memory_space<vmem_shared>> -> memref<624x128xf32, #tpu.memory_space<vmem_shared>>
        %dma_start3A_33 = arith.constant 0 : i32
        %dma_start3A_34 = tpu.memref_slice %arg6[%mul3A_0, %dma_start3A_33] : memref<10016x128xf32, #tpu.memory_space<hbm>> -> memref<624x128xf32, #tpu.memory_space<hbm>>
        tpu.enqueue_dma source(%dma_start3A_34 : memref<624x128xf32, #tpu.memory_space<hbm>>) target(%dma_start3A_32 : memref<624x128xf32, #tpu.memory_space<vmem_shared>>) target_semaphore(%run_scoped3A : memref<!tpu.dma_semaphore, #tpu.memory_space<semaphore_mem>>)
        %dma_wait3A = arith.constant 0 : i32
        %dma_wait3A_35 = tpu.memref_slice %arg8[%mul3A_0, %dma_wait3A] : memref<10016x128xf32, #tpu.memory_space<vmem_shared>> -> memref<624x128xf32, #tpu.memory_space<vmem_shared>>
        %dma_wait3A_36 = arith.constant 0 : i32
        %dma_wait3A_37 = tpu.memref_slice %arg6[%mul3A_0, %dma_wait3A_36] : memref<10016x128xf32, #tpu.memory_space<hbm>> -> memref<624x128xf32, #tpu.memory_space<hbm>>
        tpu.wait_dma2 semaphore(%run_scoped3A : memref<!tpu.dma_semaphore, #tpu.memory_space<semaphore_mem>>) src(%dma_wait3A_37 : memref<624x128xf32, #tpu.memory_space<hbm>>) dst(%dma_wait3A_35 : memref<624x128xf32, #tpu.memory_space<vmem_shared>>)
        tpu.yield
      }) : () -> ()
    } else {
    }
    %eq3A = arith.constant 15 : i32
    %eq3A_3 = arith.cmpi eq, %arg1, %eq3A : i32
    %convert_element_type3A_4 = arith.extui %eq3A_3 : i1 to i32
    %cond3A_5 = arith.constant 0 : i32
    %cond3A_6 = arith.cmpi ne, %convert_element_type3A_4, %cond3A_5 : i32
    scf.if %cond3A_6 {
      "tpu.region"() ({
        %run_scoped3A = tpu.sem_alloc : memref<!tpu.dma_semaphore, #tpu.memory_space<semaphore_mem>>
        %dma_start3A = arith.constant 9360 : i32
        %dma_start3A_32 = arith.constant 0 : i32
        %dma_start3A_33 = tpu.memref_slice %arg8[%dma_start3A, %dma_start3A_32] : memref<10016x128xf32, #tpu.memory_space<vmem_shared>> -> memref<656x128xf32, #tpu.memory_space<vmem_shared>>
        %dma_start3A_34 = arith.constant 9360 : i32
        %dma_start3A_35 = arith.constant 0 : i32
        %dma_start3A_36 = tpu.memref_slice %arg6[%dma_start3A_34, %dma_start3A_35] : memref<10016x128xf32, #tpu.memory_space<hbm>> -> memref<656x128xf32, #tpu.memory_space<hbm>>
        tpu.enqueue_dma source(%dma_start3A_36 : memref<656x128xf32, #tpu.memory_space<hbm>>) target(%dma_start3A_33 : memref<656x128xf32, #tpu.memory_space<vmem_shared>>) target_semaphore(%run_scoped3A : memref<!tpu.dma_semaphore, #tpu.memory_space<semaphore_mem>>)
        %dma_wait3A = arith.constant 9360 : i32
        %dma_wait3A_37 = arith.constant 0 : i32
        %dma_wait3A_38 = tpu.memref_slice %arg8[%dma_wait3A, %dma_wait3A_37] : memref<10016x128xf32, #tpu.memory_space<vmem_shared>> -> memref<656x128xf32, #tpu.memory_space<vmem_shared>>
        %dma_wait3A_39 = arith.constant 9360 : i32
        %dma_wait3A_40 = arith.constant 0 : i32
        %dma_wait3A_41 = tpu.memref_slice %arg6[%dma_wait3A_39, %dma_wait3A_40] : memref<10016x128xf32, #tpu.memory_space<hbm>> -> memref<656x128xf32, #tpu.memory_space<hbm>>
        tpu.wait_dma2 semaphore(%run_scoped3A : memref<!tpu.dma_semaphore, #tpu.memory_space<semaphore_mem>>) src(%dma_wait3A_41 : memref<656x128xf32, #tpu.memory_space<hbm>>) dst(%dma_wait3A_38 : memref<656x128xf32, #tpu.memory_space<vmem_shared>>)
        tpu.yield
      }) : () -> ()
    } else {
    }
    %barrier3A = arith.constant 0 : index
    tpu.barrier barrier_id(%barrier3A)
    %mul3A_7 = arith.constant 20480 : i32
    %mul3A_8 = arith.muli %arg1, %mul3A_7 : i32
    %eq3A_9 = arith.constant 0 : i32
    %eq3A_10 = arith.cmpi eq, %arg0, %eq3A_9 : i32
    %convert_element_type3A_11 = arith.extui %eq3A_10 : i1 to i32
    %cond3A_12 = arith.constant 0 : i32
    %cond3A_13 = arith.cmpi ne, %convert_element_type3A_11, %cond3A_12 : i32
    scf.if %cond3A_13 {
      %add3A = arith.constant 0 : i32
      %add3A_32 = arith.addi %mul3A_8, %add3A : i32
      %dma_start3A = tpu.memref_slice %arg4[%add3A_32] : memref<327680xi32, #tpu.memory_space<hbm>> -> memref<128xi32, #tpu.memory_space<hbm>>
      %dma_start3A_33 = tpu.memref_slice %arg4[%add3A_32] : memref<327680xi32, #tpu.memory_space<hbm>> -> memref<128xi32, #tpu.memory_space<hbm>>
      tpu.enqueue_dma source(%dma_start3A_33 : memref<128xi32, #tpu.memory_space<hbm>>) target(%arg9 : memref<128xi32, #tpu.memory_space<vmem>>) target_semaphore(%arg24 : memref<!tpu.dma_semaphore, #tpu.memory_space<semaphore_mem>>)
      %dma_start3A_34 = tpu.memref_slice %arg5[%add3A_32] : memref<327680xi32, #tpu.memory_space<hbm>> -> memref<128xi32, #tpu.memory_space<hbm>>
      %dma_start3A_35 = tpu.memref_slice %arg5[%add3A_32] : memref<327680xi32, #tpu.memory_space<hbm>> -> memref<128xi32, #tpu.memory_space<hbm>>
      tpu.enqueue_dma source(%dma_start3A_35 : memref<128xi32, #tpu.memory_space<hbm>>) target(%arg15 : memref<128xi32, #tpu.memory_space<vmem>>) target_semaphore(%arg30 : memref<!tpu.dma_semaphore, #tpu.memory_space<semaphore_mem>>)
      %add3A_36 = arith.constant 128 : i32
      %add3A_37 = arith.addi %mul3A_8, %add3A_36 : i32
      %dma_start3A_38 = tpu.memref_slice %arg4[%add3A_37] : memref<327680xi32, #tpu.memory_space<hbm>> -> memref<128xi32, #tpu.memory_space<hbm>>
      %dma_start3A_39 = tpu.memref_slice %arg4[%add3A_37] : memref<327680xi32, #tpu.memory_space<hbm>> -> memref<128xi32, #tpu.memory_space<hbm>>
      tpu.enqueue_dma source(%dma_start3A_39 : memref<128xi32, #tpu.memory_space<hbm>>) target(%arg10 : memref<128xi32, #tpu.memory_space<vmem>>) target_semaphore(%arg25 : memref<!tpu.dma_semaphore, #tpu.memory_space<semaphore_mem>>)
      %dma_start3A_40 = tpu.memref_slice %arg5[%add3A_37] : memref<327680xi32, #tpu.memory_space<hbm>> -> memref<128xi32, #tpu.memory_space<hbm>>
      %dma_start3A_41 = tpu.memref_slice %arg5[%add3A_37] : memref<327680xi32, #tpu.memory_space<hbm>> -> memref<128xi32, #tpu.memory_space<hbm>>
      tpu.enqueue_dma source(%dma_start3A_41 : memref<128xi32, #tpu.memory_space<hbm>>) target(%arg16 : memref<128xi32, #tpu.memory_space<vmem>>) target_semaphore(%arg31 : memref<!tpu.dma_semaphore, #tpu.memory_space<semaphore_mem>>)
      %add3A_42 = arith.constant 256 : i32
      %add3A_43 = arith.addi %mul3A_8, %add3A_42 : i32
      %dma_start3A_44 = tpu.memref_slice %arg4[%add3A_43] : memref<327680xi32, #tpu.memory_space<hbm>> -> memref<128xi32, #tpu.memory_space<hbm>>
      %dma_start3A_45 = tpu.memref_slice %arg4[%add3A_43] : memref<327680xi32, #tpu.memory_space<hbm>> -> memref<128xi32, #tpu.memory_space<hbm>>
      tpu.enqueue_dma source(%dma_start3A_45 : memref<128xi32, #tpu.memory_space<hbm>>) target(%arg11 : memref<128xi32, #tpu.memory_space<vmem>>) target_semaphore(%arg26 : memref<!tpu.dma_semaphore, #tpu.memory_space<semaphore_mem>>)
      %dma_start3A_46 = tpu.memref_slice %arg5[%add3A_43] : memref<327680xi32, #tpu.memory_space<hbm>> -> memref<128xi32, #tpu.memory_space<hbm>>
      %dma_start3A_47 = tpu.memref_slice %arg5[%add3A_43] : memref<327680xi32, #tpu.memory_space<hbm>> -> memref<128xi32, #tpu.memory_space<hbm>>
      tpu.enqueue_dma source(%dma_start3A_47 : memref<128xi32, #tpu.memory_space<hbm>>) target(%arg17 : memref<128xi32, #tpu.memory_space<vmem>>) target_semaphore(%arg32 : memref<!tpu.dma_semaphore, #tpu.memory_space<semaphore_mem>>)
      %add3A_48 = arith.constant 384 : i32
      %add3A_49 = arith.addi %mul3A_8, %add3A_48 : i32
      %dma_start3A_50 = tpu.memref_slice %arg4[%add3A_49] : memref<327680xi32, #tpu.memory_space<hbm>> -> memref<128xi32, #tpu.memory_space<hbm>>
      %dma_start3A_51 = tpu.memref_slice %arg4[%add3A_49] : memref<327680xi32, #tpu.memory_space<hbm>> -> memref<128xi32, #tpu.memory_space<hbm>>
      tpu.enqueue_dma source(%dma_start3A_51 : memref<128xi32, #tpu.memory_space<hbm>>) target(%arg12 : memref<128xi32, #tpu.memory_space<vmem>>) target_semaphore(%arg27 : memref<!tpu.dma_semaphore, #tpu.memory_space<semaphore_mem>>)
      %dma_start3A_52 = tpu.memref_slice %arg5[%add3A_49] : memref<327680xi32, #tpu.memory_space<hbm>> -> memref<128xi32, #tpu.memory_space<hbm>>
      %dma_start3A_53 = tpu.memref_slice %arg5[%add3A_49] : memref<327680xi32, #tpu.memory_space<hbm>> -> memref<128xi32, #tpu.memory_space<hbm>>
      tpu.enqueue_dma source(%dma_start3A_53 : memref<128xi32, #tpu.memory_space<hbm>>) target(%arg18 : memref<128xi32, #tpu.memory_space<vmem>>) target_semaphore(%arg33 : memref<!tpu.dma_semaphore, #tpu.memory_space<semaphore_mem>>)
      %add3A_54 = arith.constant 512 : i32
      %add3A_55 = arith.addi %mul3A_8, %add3A_54 : i32
      %dma_start3A_56 = tpu.memref_slice %arg4[%add3A_55] : memref<327680xi32, #tpu.memory_space<hbm>> -> memref<128xi32, #tpu.memory_space<hbm>>
      %dma_start3A_57 = tpu.memref_slice %arg4[%add3A_55] : memref<327680xi32, #tpu.memory_space<hbm>> -> memref<128xi32, #tpu.memory_space<hbm>>
      tpu.enqueue_dma source(%dma_start3A_57 : memref<128xi32, #tpu.memory_space<hbm>>) target(%arg13 : memref<128xi32, #tpu.memory_space<vmem>>) target_semaphore(%arg28 : memref<!tpu.dma_semaphore, #tpu.memory_space<semaphore_mem>>)
      %dma_start3A_58 = tpu.memref_slice %arg5[%add3A_55] : memref<327680xi32, #tpu.memory_space<hbm>> -> memref<128xi32, #tpu.memory_space<hbm>>
      %dma_start3A_59 = tpu.memref_slice %arg5[%add3A_55] : memref<327680xi32, #tpu.memory_space<hbm>> -> memref<128xi32, #tpu.memory_space<hbm>>
      tpu.enqueue_dma source(%dma_start3A_59 : memref<128xi32, #tpu.memory_space<hbm>>) target(%arg19 : memref<128xi32, #tpu.memory_space<vmem>>) target_semaphore(%arg34 : memref<!tpu.dma_semaphore, #tpu.memory_space<semaphore_mem>>)
      %add3A_60 = arith.constant 640 : i32
      %add3A_61 = arith.addi %mul3A_8, %add3A_60 : i32
      %dma_start3A_62 = tpu.memref_slice %arg4[%add3A_61] : memref<327680xi32, #tpu.memory_space<hbm>> -> memref<128xi32, #tpu.memory_space<hbm>>
      %dma_start3A_63 = tpu.memref_slice %arg4[%add3A_61] : memref<327680xi32, #tpu.memory_space<hbm>> -> memref<128xi32, #tpu.memory_space<hbm>>
      tpu.enqueue_dma source(%dma_start3A_63 : memref<128xi32, #tpu.memory_space<hbm>>) target(%arg14 : memref<128xi32, #tpu.memory_space<vmem>>) target_semaphore(%arg29 : memref<!tpu.dma_semaphore, #tpu.memory_space<semaphore_mem>>)
      %dma_start3A_64 = tpu.memref_slice %arg5[%add3A_61] : memref<327680xi32, #tpu.memory_space<hbm>> -> memref<128xi32, #tpu.memory_space<hbm>>
      %dma_start3A_65 = tpu.memref_slice %arg5[%add3A_61] : memref<327680xi32, #tpu.memory_space<hbm>> -> memref<128xi32, #tpu.memory_space<hbm>>
      tpu.enqueue_dma source(%dma_start3A_65 : memref<128xi32, #tpu.memory_space<hbm>>) target(%arg20 : memref<128xi32, #tpu.memory_space<vmem>>) target_semaphore(%arg35 : memref<!tpu.dma_semaphore, #tpu.memory_space<semaphore_mem>>)
      %dma_wait3A = arith.constant 0 : i32
      %dma_wait3A_66 = tpu.memref_slice %arg4[%dma_wait3A] : memref<327680xi32, #tpu.memory_space<hbm>> -> memref<128xi32, #tpu.memory_space<hbm>>
      %dma_wait3A_67 = arith.constant 0 : i32
      %dma_wait3A_68 = tpu.memref_slice %arg4[%dma_wait3A_67] : memref<327680xi32, #tpu.memory_space<hbm>> -> memref<128xi32, #tpu.memory_space<hbm>>
      tpu.wait_dma2 semaphore(%arg24 : memref<!tpu.dma_semaphore, #tpu.memory_space<semaphore_mem>>) src(%dma_wait3A_68 : memref<128xi32, #tpu.memory_space<hbm>>) dst(%arg9 : memref<128xi32, #tpu.memory_space<vmem>>)
      %dma_wait3A_69 = arith.constant 0 : i32
      %dma_wait3A_70 = tpu.memref_slice %arg5[%dma_wait3A_69] : memref<327680xi32, #tpu.memory_space<hbm>> -> memref<128xi32, #tpu.memory_space<hbm>>
      %dma_wait3A_71 = arith.constant 0 : i32
      %dma_wait3A_72 = tpu.memref_slice %arg5[%dma_wait3A_71] : memref<327680xi32, #tpu.memory_space<hbm>> -> memref<128xi32, #tpu.memory_space<hbm>>
      tpu.wait_dma2 semaphore(%arg30 : memref<!tpu.dma_semaphore, #tpu.memory_space<semaphore_mem>>) src(%dma_wait3A_72 : memref<128xi32, #tpu.memory_space<hbm>>) dst(%arg15 : memref<128xi32, #tpu.memory_space<vmem>>)
      %dma_start3A_73 = arith.constant 0 : i32
      %dma_start3A_74 = arith.constant 0 : i32
      %dma_start3A_75 = tpu.memref_slice %arg2[%dma_start3A_73, %dma_start3A_74] : memref<10000x128xf32, #tpu.memory_space<hbm>> -> memref<10000x128xf32, #tpu.memory_space<hbm>>
      tpu.enqueue_indirect_dma source(%dma_start3A_75 : memref<10000x128xf32, #tpu.memory_space<hbm>>) target(%arg21 : memref<128x128xf32, #tpu.memory_space<vmem>>) offsets(%arg9 : memref<128xi32, #tpu.memory_space<vmem>>) semaphore(%arg36 : memref<!tpu.dma_semaphore, #tpu.memory_space<semaphore_mem>>)
      %dma_wait3A_76 = arith.constant 0 : i32
      %dma_wait3A_77 = tpu.memref_slice %arg4[%dma_wait3A_76] : memref<327680xi32, #tpu.memory_space<hbm>> -> memref<128xi32, #tpu.memory_space<hbm>>
      %dma_wait3A_78 = arith.constant 0 : i32
      %dma_wait3A_79 = tpu.memref_slice %arg4[%dma_wait3A_78] : memref<327680xi32, #tpu.memory_space<hbm>> -> memref<128xi32, #tpu.memory_space<hbm>>
      tpu.wait_dma2 semaphore(%arg25 : memref<!tpu.dma_semaphore, #tpu.memory_space<semaphore_mem>>) src(%dma_wait3A_79 : memref<128xi32, #tpu.memory_space<hbm>>) dst(%arg10 : memref<128xi32, #tpu.memory_space<vmem>>)
      %dma_wait3A_80 = arith.constant 0 : i32
      %dma_wait3A_81 = tpu.memref_slice %arg5[%dma_wait3A_80] : memref<327680xi32, #tpu.memory_space<hbm>> -> memref<128xi32, #tpu.memory_space<hbm>>
      %dma_wait3A_82 = arith.constant 0 : i32
      %dma_wait3A_83 = tpu.memref_slice %arg5[%dma_wait3A_82] : memref<327680xi32, #tpu.memory_space<hbm>> -> memref<128xi32, #tpu.memory_space<hbm>>
      tpu.wait_dma2 semaphore(%arg31 : memref<!tpu.dma_semaphore, #tpu.memory_space<semaphore_mem>>) src(%dma_wait3A_83 : memref<128xi32, #tpu.memory_space<hbm>>) dst(%arg16 : memref<128xi32, #tpu.memory_space<vmem>>)
      %dma_start3A_84 = arith.constant 0 : i32
      %dma_start3A_85 = arith.constant 0 : i32
      %dma_start3A_86 = tpu.memref_slice %arg2[%dma_start3A_84, %dma_start3A_85] : memref<10000x128xf32, #tpu.memory_space<hbm>> -> memref<10000x128xf32, #tpu.memory_space<hbm>>
      tpu.enqueue_indirect_dma source(%dma_start3A_86 : memref<10000x128xf32, #tpu.memory_space<hbm>>) target(%arg22 : memref<128x128xf32, #tpu.memory_space<vmem>>) offsets(%arg10 : memref<128xi32, #tpu.memory_space<vmem>>) semaphore(%arg37 : memref<!tpu.dma_semaphore, #tpu.memory_space<semaphore_mem>>)
      %scan3A = arith.constant 0 : i32
      %scan3A_87 = arith.constant 0 : i32
      %scan3A_88 = arith.constant 26 : i32
      %scan3A_89 = arith.addi %scan3A_87, %scan3A_88 : i32
      %scan3A_90 = arith.constant 1 : i32
      scf.for %scan3A_126 = %scan3A_87 to %scan3A_89 step %scan3A_90  : i32 {
        %mul3A_127 = arith.constant 6 : i32
        %mul3A_128 = arith.muli %scan3A_126, %mul3A_127 : i32
        %add3A_129 = arith.constant 0 : i32
        %add3A_130 = arith.addi %mul3A_128, %add3A_129 : i32
        %dma_wait3A_131 = arith.constant 0 : i32
        %dma_wait3A_132 = arith.constant 0 : i32
        %dma_wait3A_133 = tpu.memref_slice %arg2[%dma_wait3A_131, %dma_wait3A_132] : memref<10000x128xf32, #tpu.memory_space<hbm>> -> memref<10000x128xf32, #tpu.memory_space<hbm>>
        tpu.wait_indirect_dma semaphore(%arg36 : memref<!tpu.dma_semaphore, #tpu.memory_space<semaphore_mem>>) src(%dma_wait3A_133 : memref<10000x128xf32, #tpu.memory_space<hbm>>) dst(%arg21 : memref<128x128xf32, #tpu.memory_space<vmem>>)
        %add3A_134 = arith.constant 2 : i32
        %add3A_135 = arith.addi %add3A_130, %add3A_134 : i32
        %lt3A_136 = arith.constant 160 : i32
        %lt3A_137 = arith.cmpi slt, %add3A_135, %lt3A_136 : i32
        %convert_element_type3A_138 = arith.extui %lt3A_137 : i1 to i32
        %cond3A_139 = arith.constant 0 : i32
        %cond3A_140 = arith.cmpi ne, %convert_element_type3A_138, %cond3A_139 : i32
        scf.if %cond3A_140 {
          %dma_wait3A_253 = arith.constant 0 : i32
          %dma_wait3A_254 = tpu.memref_slice %arg4[%dma_wait3A_253] : memref<327680xi32, #tpu.memory_space<hbm>> -> memref<128xi32, #tpu.memory_space<hbm>>
          %dma_wait3A_255 = arith.constant 0 : i32
          %dma_wait3A_256 = tpu.memref_slice %arg4[%dma_wait3A_255] : memref<327680xi32, #tpu.memory_space<hbm>> -> memref<128xi32, #tpu.memory_space<hbm>>
          tpu.wait_dma2 semaphore(%arg26 : memref<!tpu.dma_semaphore, #tpu.memory_space<semaphore_mem>>) src(%dma_wait3A_256 : memref<128xi32, #tpu.memory_space<hbm>>) dst(%arg11 : memref<128xi32, #tpu.memory_space<vmem>>)
          %dma_wait3A_257 = arith.constant 0 : i32
          %dma_wait3A_258 = tpu.memref_slice %arg5[%dma_wait3A_257] : memref<327680xi32, #tpu.memory_space<hbm>> -> memref<128xi32, #tpu.memory_space<hbm>>
          %dma_wait3A_259 = arith.constant 0 : i32
          %dma_wait3A_260 = tpu.memref_slice %arg5[%dma_wait3A_259] : memref<327680xi32, #tpu.memory_space<hbm>> -> memref<128xi32, #tpu.memory_space<hbm>>
          tpu.wait_dma2 semaphore(%arg32 : memref<!tpu.dma_semaphore, #tpu.memory_space<semaphore_mem>>) src(%dma_wait3A_260 : memref<128xi32, #tpu.memory_space<hbm>>) dst(%arg17 : memref<128xi32, #tpu.memory_space<vmem>>)
          %dma_start3A_261 = arith.constant 0 : i32
          %dma_start3A_262 = arith.constant 0 : i32
          %dma_start3A_263 = tpu.memref_slice %arg2[%dma_start3A_261, %dma_start3A_262] : memref<10000x128xf32, #tpu.memory_space<hbm>> -> memref<10000x128xf32, #tpu.memory_space<hbm>>
          tpu.enqueue_indirect_dma source(%dma_start3A_263 : memref<10000x128xf32, #tpu.memory_space<hbm>>) target(%arg23 : memref<128x128xf32, #tpu.memory_space<vmem>>) offsets(%arg11 : memref<128xi32, #tpu.memory_space<vmem>>) semaphore(%arg38 : memref<!tpu.dma_semaphore, #tpu.memory_space<semaphore_mem>>)
        } else {
        }
        "tpu.region"() ({
          %run_scoped3A = tpu.sem_alloc : memref<!tpu.dma_semaphore, #tpu.memory_space<semaphore_mem>>
          %dma_start3A_253 = arith.constant 0 : i32
          %dma_start3A_254 = arith.constant 0 : i32
          %dma_start3A_255 = tpu.memref_slice %arg8[%dma_start3A_253, %dma_start3A_254] : memref<10016x128xf32, #tpu.memory_space<vmem_shared>> -> memref<10016x128xf32, #tpu.memory_space<vmem_shared>>
          tpu.enqueue_indirect_dma source(%arg21 : memref<128x128xf32, #tpu.memory_space<vmem>>) target(%dma_start3A_255 : memref<10016x128xf32, #tpu.memory_space<vmem_shared>>) offsets(%arg15 : memref<128xi32, #tpu.memory_space<vmem>>) semaphore(%run_scoped3A : memref<!tpu.dma_semaphore, #tpu.memory_space<semaphore_mem>>) {add = true}
          %dma_wait3A_256 = arith.constant 0 : i32
          %dma_wait3A_257 = arith.constant 0 : i32
          %dma_wait3A_258 = tpu.memref_slice %arg8[%dma_wait3A_256, %dma_wait3A_257] : memref<10016x128xf32, #tpu.memory_space<vmem_shared>> -> memref<10016x128xf32, #tpu.memory_space<vmem_shared>>
          tpu.wait_indirect_dma semaphore(%run_scoped3A : memref<!tpu.dma_semaphore, #tpu.memory_space<semaphore_mem>>) src(%arg21 : memref<128x128xf32, #tpu.memory_space<vmem>>) dst(%dma_wait3A_258 : memref<10016x128xf32, #tpu.memory_space<vmem_shared>>)
          tpu.yield
        }) : () -> ()
        %add3A_141 = arith.constant 6 : i32
        %add3A_142 = arith.addi %add3A_130, %add3A_141 : i32
        %lt3A_143 = arith.constant 160 : i32
        %lt3A_144 = arith.cmpi slt, %add3A_142, %lt3A_143 : i32
        %convert_element_type3A_145 = arith.extui %lt3A_144 : i1 to i32
        %cond3A_146 = arith.constant 0 : i32
        %cond3A_147 = arith.cmpi ne, %convert_element_type3A_145, %cond3A_146 : i32
        scf.if %cond3A_147 {
          %add3A_253 = arith.constant 6 : i32
          %add3A_254 = arith.addi %add3A_130, %add3A_253 : i32
          %mul3A_255 = arith.constant 128 : i32
          %mul3A_256 = arith.muli %add3A_254, %mul3A_255 : i32
          %add3A_257 = arith.addi %mul3A_8, %mul3A_256 : i32
          %dma_start3A_258 = tpu.memref_slice %arg4[%add3A_257] : memref<327680xi32, #tpu.memory_space<hbm>> -> memref<128xi32, #tpu.memory_space<hbm>>
          %dma_start3A_259 = tpu.memref_slice %arg4[%add3A_257] : memref<327680xi32, #tpu.memory_space<hbm>> -> memref<128xi32, #tpu.memory_space<hbm>>
          tpu.enqueue_dma source(%dma_start3A_259 : memref<128xi32, #tpu.memory_space<hbm>>) target(%arg9 : memref<128xi32, #tpu.memory_space<vmem>>) target_semaphore(%arg24 : memref<!tpu.dma_semaphore, #tpu.memory_space<semaphore_mem>>)
          %dma_start3A_260 = tpu.memref_slice %arg5[%add3A_257] : memref<327680xi32, #tpu.memory_space<hbm>> -> memref<128xi32, #tpu.memory_space<hbm>>
          %dma_start3A_261 = tpu.memref_slice %arg5[%add3A_257] : memref<327680xi32, #tpu.memory_space<hbm>> -> memref<128xi32, #tpu.memory_space<hbm>>
          tpu.enqueue_dma source(%dma_start3A_261 : memref<128xi32, #tpu.memory_space<hbm>>) target(%arg15 : memref<128xi32, #tpu.memory_space<vmem>>) target_semaphore(%arg30 : memref<!tpu.dma_semaphore, #tpu.memory_space<semaphore_mem>>)
        } else {
        }
        %mul3A_148 = arith.constant 6 : i32
        %mul3A_149 = arith.muli %scan3A_126, %mul3A_148 : i32
        %add3A_150 = arith.constant 1 : i32
        %add3A_151 = arith.addi %mul3A_149, %add3A_150 : i32
        %dma_wait3A_152 = arith.constant 0 : i32
        %dma_wait3A_153 = arith.constant 0 : i32
        %dma_wait3A_154 = tpu.memref_slice %arg2[%dma_wait3A_152, %dma_wait3A_153] : memref<10000x128xf32, #tpu.memory_space<hbm>> -> memref<10000x128xf32, #tpu.memory_space<hbm>>
        tpu.wait_indirect_dma semaphore(%arg37 : memref<!tpu.dma_semaphore, #tpu.memory_space<semaphore_mem>>) src(%dma_wait3A_154 : memref<10000x128xf32, #tpu.memory_space<hbm>>) dst(%arg22 : memref<128x128xf32, #tpu.memory_space<vmem>>)
        %add3A_155 = arith.constant 2 : i32
        %add3A_156 = arith.addi %add3A_151, %add3A_155 : i32
        %lt3A_157 = arith.constant 160 : i32
        %lt3A_158 = arith.cmpi slt, %add3A_156, %lt3A_157 : i32
        %convert_element_type3A_159 = arith.extui %lt3A_158 : i1 to i32
        %cond3A_160 = arith.constant 0 : i32
        %cond3A_161 = arith.cmpi ne, %convert_element_type3A_159, %cond3A_160 : i32
        scf.if %cond3A_161 {
          %dma_wait3A_253 = arith.constant 0 : i32
          %dma_wait3A_254 = tpu.memref_slice %arg4[%dma_wait3A_253] : memref<327680xi32, #tpu.memory_space<hbm>> -> memref<128xi32, #tpu.memory_space<hbm>>
          %dma_wait3A_255 = arith.constant 0 : i32
          %dma_wait3A_256 = tpu.memref_slice %arg4[%dma_wait3A_255] : memref<327680xi32, #tpu.memory_space<hbm>> -> memref<128xi32, #tpu.memory_space<hbm>>
          tpu.wait_dma2 semaphore(%arg27 : memref<!tpu.dma_semaphore, #tpu.memory_space<semaphore_mem>>) src(%dma_wait3A_256 : memref<128xi32, #tpu.memory_space<hbm>>) dst(%arg12 : memref<128xi32, #tpu.memory_space<vmem>>)
          %dma_wait3A_257 = arith.constant 0 : i32
          %dma_wait3A_258 = tpu.memref_slice %arg5[%dma_wait3A_257] : memref<327680xi32, #tpu.memory_space<hbm>> -> memref<128xi32, #tpu.memory_space<hbm>>
          %dma_wait3A_259 = arith.constant 0 : i32
          %dma_wait3A_260 = tpu.memref_slice %arg5[%dma_wait3A_259] : memref<327680xi32, #tpu.memory_space<hbm>> -> memref<128xi32, #tpu.memory_space<hbm>>
          tpu.wait_dma2 semaphore(%arg33 : memref<!tpu.dma_semaphore, #tpu.memory_space<semaphore_mem>>) src(%dma_wait3A_260 : memref<128xi32, #tpu.memory_space<hbm>>) dst(%arg18 : memref<128xi32, #tpu.memory_space<vmem>>)
          %dma_start3A_261 = arith.constant 0 : i32
          %dma_start3A_262 = arith.constant 0 : i32
          %dma_start3A_263 = tpu.memref_slice %arg2[%dma_start3A_261, %dma_start3A_262] : memref<10000x128xf32, #tpu.memory_space<hbm>> -> memref<10000x128xf32, #tpu.memory_space<hbm>>
          tpu.enqueue_indirect_dma source(%dma_start3A_263 : memref<10000x128xf32, #tpu.memory_space<hbm>>) target(%arg21 : memref<128x128xf32, #tpu.memory_space<vmem>>) offsets(%arg12 : memref<128xi32, #tpu.memory_space<vmem>>) semaphore(%arg36 : memref<!tpu.dma_semaphore, #tpu.memory_space<semaphore_mem>>)
        } else {
        }
        "tpu.region"() ({
          %run_scoped3A = tpu.sem_alloc : memref<!tpu.dma_semaphore, #tpu.memory_space<semaphore_mem>>
          %dma_start3A_253 = arith.constant 0 : i32
          %dma_start3A_254 = arith.constant 0 : i32
          %dma_start3A_255 = tpu.memref_slice %arg8[%dma_start3A_253, %dma_start3A_254] : memref<10016x128xf32, #tpu.memory_space<vmem_shared>> -> memref<10016x128xf32, #tpu.memory_space<vmem_shared>>
          tpu.enqueue_indirect_dma source(%arg22 : memref<128x128xf32, #tpu.memory_space<vmem>>) target(%dma_start3A_255 : memref<10016x128xf32, #tpu.memory_space<vmem_shared>>) offsets(%arg16 : memref<128xi32, #tpu.memory_space<vmem>>) semaphore(%run_scoped3A : memref<!tpu.dma_semaphore, #tpu.memory_space<semaphore_mem>>) {add = true}
          %dma_wait3A_256 = arith.constant 0 : i32
          %dma_wait3A_257 = arith.constant 0 : i32
          %dma_wait3A_258 = tpu.memref_slice %arg8[%dma_wait3A_256, %dma_wait3A_257] : memref<10016x128xf32, #tpu.memory_space<vmem_shared>> -> memref<10016x128xf32, #tpu.memory_space<vmem_shared>>
          tpu.wait_indirect_dma semaphore(%run_scoped3A : memref<!tpu.dma_semaphore, #tpu.memory_space<semaphore_mem>>) src(%arg22 : memref<128x128xf32, #tpu.memory_space<vmem>>) dst(%dma_wait3A_258 : memref<10016x128xf32, #tpu.memory_space<vmem_shared>>)
          tpu.yield
        }) : () -> ()
        %add3A_162 = arith.constant 6 : i32
        %add3A_163 = arith.addi %add3A_151, %add3A_162 : i32
        %lt3A_164 = arith.constant 160 : i32
        %lt3A_165 = arith.cmpi slt, %add3A_163, %lt3A_164 : i32
        %convert_element_type3A_166 = arith.extui %lt3A_165 : i1 to i32
        %cond3A_167 = arith.constant 0 : i32
        %cond3A_168 = arith.cmpi ne, %convert_element_type3A_166, %cond3A_167 : i32
        scf.if %cond3A_168 {
          %add3A_253 = arith.constant 6 : i32
          %add3A_254 = arith.addi %add3A_151, %add3A_253 : i32
          %mul3A_255 = arith.constant 128 : i32
          %mul3A_256 = arith.muli %add3A_254, %mul3A_255 : i32
          %add3A_257 = arith.addi %mul3A_8, %mul3A_256 : i32
          %dma_start3A_258 = tpu.memref_slice %arg4[%add3A_257] : memref<327680xi32, #tpu.memory_space<hbm>> -> memref<128xi32, #tpu.memory_space<hbm>>
          %dma_start3A_259 = tpu.memref_slice %arg4[%add3A_257] : memref<327680xi32, #tpu.memory_space<hbm>> -> memref<128xi32, #tpu.memory_space<hbm>>
          tpu.enqueue_dma source(%dma_start3A_259 : memref<128xi32, #tpu.memory_space<hbm>>) target(%arg10 : memref<128xi32, #tpu.memory_space<vmem>>) target_semaphore(%arg25 : memref<!tpu.dma_semaphore, #tpu.memory_space<semaphore_mem>>)
          %dma_start3A_260 = tpu.memref_slice %arg5[%add3A_257] : memref<327680xi32, #tpu.memory_space<hbm>> -> memref<128xi32, #tpu.memory_space<hbm>>
          %dma_start3A_261 = tpu.memref_slice %arg5[%add3A_257] : memref<327680xi32, #tpu.memory_space<hbm>> -> memref<128xi32, #tpu.memory_space<hbm>>
          tpu.enqueue_dma source(%dma_start3A_261 : memref<128xi32, #tpu.memory_space<hbm>>) target(%arg16 : memref<128xi32, #tpu.memory_space<vmem>>) target_semaphore(%arg31 : memref<!tpu.dma_semaphore, #tpu.memory_space<semaphore_mem>>)
        } else {
        }
        %mul3A_169 = arith.constant 6 : i32
        %mul3A_170 = arith.muli %scan3A_126, %mul3A_169 : i32
        %add3A_171 = arith.constant 2 : i32
        %add3A_172 = arith.addi %mul3A_170, %add3A_171 : i32
        %dma_wait3A_173 = arith.constant 0 : i32
        %dma_wait3A_174 = arith.constant 0 : i32
        %dma_wait3A_175 = tpu.memref_slice %arg2[%dma_wait3A_173, %dma_wait3A_174] : memref<10000x128xf32, #tpu.memory_space<hbm>> -> memref<10000x128xf32, #tpu.memory_space<hbm>>
        tpu.wait_indirect_dma semaphore(%arg38 : memref<!tpu.dma_semaphore, #tpu.memory_space<semaphore_mem>>) src(%dma_wait3A_175 : memref<10000x128xf32, #tpu.memory_space<hbm>>) dst(%arg23 : memref<128x128xf32, #tpu.memory_space<vmem>>)
        %add3A_176 = arith.constant 2 : i32
        %add3A_177 = arith.addi %add3A_172, %add3A_176 : i32
        %lt3A_178 = arith.constant 160 : i32
        %lt3A_179 = arith.cmpi slt, %add3A_177, %lt3A_178 : i32
        %convert_element_type3A_180 = arith.extui %lt3A_179 : i1 to i32
        %cond3A_181 = arith.constant 0 : i32
        %cond3A_182 = arith.cmpi ne, %convert_element_type3A_180, %cond3A_181 : i32
        scf.if %cond3A_182 {
          %dma_wait3A_253 = arith.constant 0 : i32
          %dma_wait3A_254 = tpu.memref_slice %arg4[%dma_wait3A_253] : memref<327680xi32, #tpu.memory_space<hbm>> -> memref<128xi32, #tpu.memory_space<hbm>>
          %dma_wait3A_255 = arith.constant 0 : i32
          %dma_wait3A_256 = tpu.memref_slice %arg4[%dma_wait3A_255] : memref<327680xi32, #tpu.memory_space<hbm>> -> memref<128xi32, #tpu.memory_space<hbm>>
          tpu.wait_dma2 semaphore(%arg28 : memref<!tpu.dma_semaphore, #tpu.memory_space<semaphore_mem>>) src(%dma_wait3A_256 : memref<128xi32, #tpu.memory_space<hbm>>) dst(%arg13 : memref<128xi32, #tpu.memory_space<vmem>>)
          %dma_wait3A_257 = arith.constant 0 : i32
          %dma_wait3A_258 = tpu.memref_slice %arg5[%dma_wait3A_257] : memref<327680xi32, #tpu.memory_space<hbm>> -> memref<128xi32, #tpu.memory_space<hbm>>
          %dma_wait3A_259 = arith.constant 0 : i32
          %dma_wait3A_260 = tpu.memref_slice %arg5[%dma_wait3A_259] : memref<327680xi32, #tpu.memory_space<hbm>> -> memref<128xi32, #tpu.memory_space<hbm>>
          tpu.wait_dma2 semaphore(%arg34 : memref<!tpu.dma_semaphore, #tpu.memory_space<semaphore_mem>>) src(%dma_wait3A_260 : memref<128xi32, #tpu.memory_space<hbm>>) dst(%arg19 : memref<128xi32, #tpu.memory_space<vmem>>)
          %dma_start3A_261 = arith.constant 0 : i32
          %dma_start3A_262 = arith.constant 0 : i32
          %dma_start3A_263 = tpu.memref_slice %arg2[%dma_start3A_261, %dma_start3A_262] : memref<10000x128xf32, #tpu.memory_space<hbm>> -> memref<10000x128xf32, #tpu.memory_space<hbm>>
          tpu.enqueue_indirect_dma source(%dma_start3A_263 : memref<10000x128xf32, #tpu.memory_space<hbm>>) target(%arg22 : memref<128x128xf32, #tpu.memory_space<vmem>>) offsets(%arg13 : memref<128xi32, #tpu.memory_space<vmem>>) semaphore(%arg37 : memref<!tpu.dma_semaphore, #tpu.memory_space<semaphore_mem>>)
        } else {
        }
        "tpu.region"() ({
          %run_scoped3A = tpu.sem_alloc : memref<!tpu.dma_semaphore, #tpu.memory_space<semaphore_mem>>
          %dma_start3A_253 = arith.constant 0 : i32
          %dma_start3A_254 = arith.constant 0 : i32
          %dma_start3A_255 = tpu.memref_slice %arg8[%dma_start3A_253, %dma_start3A_254] : memref<10016x128xf32, #tpu.memory_space<vmem_shared>> -> memref<10016x128xf32, #tpu.memory_space<vmem_shared>>
          tpu.enqueue_indirect_dma source(%arg23 : memref<128x128xf32, #tpu.memory_space<vmem>>) target(%dma_start3A_255 : memref<10016x128xf32, #tpu.memory_space<vmem_shared>>) offsets(%arg17 : memref<128xi32, #tpu.memory_space<vmem>>) semaphore(%run_scoped3A : memref<!tpu.dma_semaphore, #tpu.memory_space<semaphore_mem>>) {add = true}
          %dma_wait3A_256 = arith.constant 0 : i32
          %dma_wait3A_257 = arith.constant 0 : i32
          %dma_wait3A_258 = tpu.memref_slice %arg8[%dma_wait3A_256, %dma_wait3A_257] : memref<10016x128xf32, #tpu.memory_space<vmem_shared>> -> memref<10016x128xf32, #tpu.memory_space<vmem_shared>>
          tpu.wait_indirect_dma semaphore(%run_scoped3A : memref<!tpu.dma_semaphore, #tpu.memory_space<semaphore_mem>>) src(%arg23 : memref<128x128xf32, #tpu.memory_space<vmem>>) dst(%dma_wait3A_258 : memref<10016x128xf32, #tpu.memory_space<vmem_shared>>)
          tpu.yield
        }) : () -> ()
        %add3A_183 = arith.constant 6 : i32
        %add3A_184 = arith.addi %add3A_172, %add3A_183 : i32
        %lt3A_185 = arith.constant 160 : i32
        %lt3A_186 = arith.cmpi slt, %add3A_184, %lt3A_185 : i32
        %convert_element_type3A_187 = arith.extui %lt3A_186 : i1 to i32
        %cond3A_188 = arith.constant 0 : i32
        %cond3A_189 = arith.cmpi ne, %convert_element_type3A_187, %cond3A_188 : i32
        scf.if %cond3A_189 {
          %add3A_253 = arith.constant 6 : i32
          %add3A_254 = arith.addi %add3A_172, %add3A_253 : i32
          %mul3A_255 = arith.constant 128 : i32
          %mul3A_256 = arith.muli %add3A_254, %mul3A_255 : i32
          %add3A_257 = arith.addi %mul3A_8, %mul3A_256 : i32
          %dma_start3A_258 = tpu.memref_slice %arg4[%add3A_257] : memref<327680xi32, #tpu.memory_space<hbm>> -> memref<128xi32, #tpu.memory_space<hbm>>
          %dma_start3A_259 = tpu.memref_slice %arg4[%add3A_257] : memref<327680xi32, #tpu.memory_space<hbm>> -> memref<128xi32, #tpu.memory_space<hbm>>
          tpu.enqueue_dma source(%dma_start3A_259 : memref<128xi32, #tpu.memory_space<hbm>>) target(%arg11 : memref<128xi32, #tpu.memory_space<vmem>>) target_semaphore(%arg26 : memref<!tpu.dma_semaphore, #tpu.memory_space<semaphore_mem>>)
          %dma_start3A_260 = tpu.memref_slice %arg5[%add3A_257] : memref<327680xi32, #tpu.memory_space<hbm>> -> memref<128xi32, #tpu.memory_space<hbm>>
          %dma_start3A_261 = tpu.memref_slice %arg5[%add3A_257] : memref<327680xi32, #tpu.memory_space<hbm>> -> memref<128xi32, #tpu.memory_space<hbm>>
          tpu.enqueue_dma source(%dma_start3A_261 : memref<128xi32, #tpu.memory_space<hbm>>) target(%arg17 : memref<128xi32, #tpu.memory_space<vmem>>) target_semaphore(%arg32 : memref<!tpu.dma_semaphore, #tpu.memory_space<semaphore_mem>>)
        } else {
        }
        %mul3A_190 = arith.constant 6 : i32
        %mul3A_191 = arith.muli %scan3A_126, %mul3A_190 : i32
        %add3A_192 = arith.constant 3 : i32
        %add3A_193 = arith.addi %mul3A_191, %add3A_192 : i32
        %dma_wait3A_194 = arith.constant 0 : i32
        %dma_wait3A_195 = arith.constant 0 : i32
        %dma_wait3A_196 = tpu.memref_slice %arg2[%dma_wait3A_194, %dma_wait3A_195] : memref<10000x128xf32, #tpu.memory_space<hbm>> -> memref<10000x128xf32, #tpu.memory_space<hbm>>
        tpu.wait_indirect_dma semaphore(%arg36 : memref<!tpu.dma_semaphore, #tpu.memory_space<semaphore_mem>>) src(%dma_wait3A_196 : memref<10000x128xf32, #tpu.memory_space<hbm>>) dst(%arg21 : memref<128x128xf32, #tpu.memory_space<vmem>>)
        %add3A_197 = arith.constant 2 : i32
        %add3A_198 = arith.addi %add3A_193, %add3A_197 : i32
        %lt3A_199 = arith.constant 160 : i32
        %lt3A_200 = arith.cmpi slt, %add3A_198, %lt3A_199 : i32
        %convert_element_type3A_201 = arith.extui %lt3A_200 : i1 to i32
        %cond3A_202 = arith.constant 0 : i32
        %cond3A_203 = arith.cmpi ne, %convert_element_type3A_201, %cond3A_202 : i32
        scf.if %cond3A_203 {
          %dma_wait3A_253 = arith.constant 0 : i32
          %dma_wait3A_254 = tpu.memref_slice %arg4[%dma_wait3A_253] : memref<327680xi32, #tpu.memory_space<hbm>> -> memref<128xi32, #tpu.memory_space<hbm>>
          %dma_wait3A_255 = arith.constant 0 : i32
          %dma_wait3A_256 = tpu.memref_slice %arg4[%dma_wait3A_255] : memref<327680xi32, #tpu.memory_space<hbm>> -> memref<128xi32, #tpu.memory_space<hbm>>
          tpu.wait_dma2 semaphore(%arg29 : memref<!tpu.dma_semaphore, #tpu.memory_space<semaphore_mem>>) src(%dma_wait3A_256 : memref<128xi32, #tpu.memory_space<hbm>>) dst(%arg14 : memref<128xi32, #tpu.memory_space<vmem>>)
          %dma_wait3A_257 = arith.constant 0 : i32
          %dma_wait3A_258 = tpu.memref_slice %arg5[%dma_wait3A_257] : memref<327680xi32, #tpu.memory_space<hbm>> -> memref<128xi32, #tpu.memory_space<hbm>>
          %dma_wait3A_259 = arith.constant 0 : i32
          %dma_wait3A_260 = tpu.memref_slice %arg5[%dma_wait3A_259] : memref<327680xi32, #tpu.memory_space<hbm>> -> memref<128xi32, #tpu.memory_space<hbm>>
          tpu.wait_dma2 semaphore(%arg35 : memref<!tpu.dma_semaphore, #tpu.memory_space<semaphore_mem>>) src(%dma_wait3A_260 : memref<128xi32, #tpu.memory_space<hbm>>) dst(%arg20 : memref<128xi32, #tpu.memory_space<vmem>>)
          %dma_start3A_261 = arith.constant 0 : i32
          %dma_start3A_262 = arith.constant 0 : i32
          %dma_start3A_263 = tpu.memref_slice %arg2[%dma_start3A_261, %dma_start3A_262] : memref<10000x128xf32, #tpu.memory_space<hbm>> -> memref<10000x128xf32, #tpu.memory_space<hbm>>
          tpu.enqueue_indirect_dma source(%dma_start3A_263 : memref<10000x128xf32, #tpu.memory_space<hbm>>) target(%arg23 : memref<128x128xf32, #tpu.memory_space<vmem>>) offsets(%arg14 : memref<128xi32, #tpu.memory_space<vmem>>) semaphore(%arg38 : memref<!tpu.dma_semaphore, #tpu.memory_space<semaphore_mem>>)
        } else {
        }
        "tpu.region"() ({
          %run_scoped3A = tpu.sem_alloc : memref<!tpu.dma_semaphore, #tpu.memory_space<semaphore_mem>>
          %dma_start3A_253 = arith.constant 0 : i32
          %dma_start3A_254 = arith.constant 0 : i32
          %dma_start3A_255 = tpu.memref_slice %arg8[%dma_start3A_253, %dma_start3A_254] : memref<10016x128xf32, #tpu.memory_space<vmem_shared>> -> memref<10016x128xf32, #tpu.memory_space<vmem_shared>>
          tpu.enqueue_indirect_dma source(%arg21 : memref<128x128xf32, #tpu.memory_space<vmem>>) target(%dma_start3A_255 : memref<10016x128xf32, #tpu.memory_space<vmem_shared>>) offsets(%arg18 : memref<128xi32, #tpu.memory_space<vmem>>) semaphore(%run_scoped3A : memref<!tpu.dma_semaphore, #tpu.memory_space<semaphore_mem>>) {add = true}
          %dma_wait3A_256 = arith.constant 0 : i32
          %dma_wait3A_257 = arith.constant 0 : i32
          %dma_wait3A_258 = tpu.memref_slice %arg8[%dma_wait3A_256, %dma_wait3A_257] : memref<10016x128xf32, #tpu.memory_space<vmem_shared>> -> memref<10016x128xf32, #tpu.memory_space<vmem_shared>>
          tpu.wait_indirect_dma semaphore(%run_scoped3A : memref<!tpu.dma_semaphore, #tpu.memory_space<semaphore_mem>>) src(%arg21 : memref<128x128xf32, #tpu.memory_space<vmem>>) dst(%dma_wait3A_258 : memref<10016x128xf32, #tpu.memory_space<vmem_shared>>)
          tpu.yield
        }) : () -> ()
        %add3A_204 = arith.constant 6 : i32
        %add3A_205 = arith.addi %add3A_193, %add3A_204 : i32
        %lt3A_206 = arith.constant 160 : i32
        %lt3A_207 = arith.cmpi slt, %add3A_205, %lt3A_206 : i32
        %convert_element_type3A_208 = arith.extui %lt3A_207 : i1 to i32
        %cond3A_209 = arith.constant 0 : i32
        %cond3A_210 = arith.cmpi ne, %convert_element_type3A_208, %cond3A_209 : i32
        scf.if %cond3A_210 {
          %add3A_253 = arith.constant 6 : i32
          %add3A_254 = arith.addi %add3A_193, %add3A_253 : i32
          %mul3A_255 = arith.constant 128 : i32
          %mul3A_256 = arith.muli %add3A_254, %mul3A_255 : i32
          %add3A_257 = arith.addi %mul3A_8, %mul3A_256 : i32
          %dma_start3A_258 = tpu.memref_slice %arg4[%add3A_257] : memref<327680xi32, #tpu.memory_space<hbm>> -> memref<128xi32, #tpu.memory_space<hbm>>
          %dma_start3A_259 = tpu.memref_slice %arg4[%add3A_257] : memref<327680xi32, #tpu.memory_space<hbm>> -> memref<128xi32, #tpu.memory_space<hbm>>
          tpu.enqueue_dma source(%dma_start3A_259 : memref<128xi32, #tpu.memory_space<hbm>>) target(%arg12 : memref<128xi32, #tpu.memory_space<vmem>>) target_semaphore(%arg27 : memref<!tpu.dma_semaphore, #tpu.memory_space<semaphore_mem>>)
          %dma_start3A_260 = tpu.memref_slice %arg5[%add3A_257] : memref<327680xi32, #tpu.memory_space<hbm>> -> memref<128xi32, #tpu.memory_space<hbm>>
          %dma_start3A_261 = tpu.memref_slice %arg5[%add3A_257] : memref<327680xi32, #tpu.memory_space<hbm>> -> memref<128xi32, #tpu.memory_space<hbm>>
          tpu.enqueue_dma source(%dma_start3A_261 : memref<128xi32, #tpu.memory_space<hbm>>) target(%arg18 : memref<128xi32, #tpu.memory_space<vmem>>) target_semaphore(%arg33 : memref<!tpu.dma_semaphore, #tpu.memory_space<semaphore_mem>>)
        } else {
        }
        %mul3A_211 = arith.constant 6 : i32
        %mul3A_212 = arith.muli %scan3A_126, %mul3A_211 : i32
        %add3A_213 = arith.constant 4 : i32
        %add3A_214 = arith.addi %mul3A_212, %add3A_213 : i32
        %dma_wait3A_215 = arith.constant 0 : i32
        %dma_wait3A_216 = arith.constant 0 : i32
        %dma_wait3A_217 = tpu.memref_slice %arg2[%dma_wait3A_215, %dma_wait3A_216] : memref<10000x128xf32, #tpu.memory_space<hbm>> -> memref<10000x128xf32, #tpu.memory_space<hbm>>
        tpu.wait_indirect_dma semaphore(%arg37 : memref<!tpu.dma_semaphore, #tpu.memory_space<semaphore_mem>>) src(%dma_wait3A_217 : memref<10000x128xf32, #tpu.memory_space<hbm>>) dst(%arg22 : memref<128x128xf32, #tpu.memory_space<vmem>>)
        %add3A_218 = arith.constant 2 : i32
        %add3A_219 = arith.addi %add3A_214, %add3A_218 : i32
        %lt3A_220 = arith.constant 160 : i32
        %lt3A_221 = arith.cmpi slt, %add3A_219, %lt3A_220 : i32
        %convert_element_type3A_222 = arith.extui %lt3A_221 : i1 to i32
        %cond3A_223 = arith.constant 0 : i32
        %cond3A_224 = arith.cmpi ne, %convert_element_type3A_222, %cond3A_223 : i32
        scf.if %cond3A_224 {
          %dma_wait3A_253 = arith.constant 0 : i32
          %dma_wait3A_254 = tpu.memref_slice %arg4[%dma_wait3A_253] : memref<327680xi32, #tpu.memory_space<hbm>> -> memref<128xi32, #tpu.memory_space<hbm>>
          %dma_wait3A_255 = arith.constant 0 : i32
          %dma_wait3A_256 = tpu.memref_slice %arg4[%dma_wait3A_255] : memref<327680xi32, #tpu.memory_space<hbm>> -> memref<128xi32, #tpu.memory_space<hbm>>
          tpu.wait_dma2 semaphore(%arg24 : memref<!tpu.dma_semaphore, #tpu.memory_space<semaphore_mem>>) src(%dma_wait3A_256 : memref<128xi32, #tpu.memory_space<hbm>>) dst(%arg9 : memref<128xi32, #tpu.memory_space<vmem>>)
          %dma_wait3A_257 = arith.constant 0 : i32
          %dma_wait3A_258 = tpu.memref_slice %arg5[%dma_wait3A_257] : memref<327680xi32, #tpu.memory_space<hbm>> -> memref<128xi32, #tpu.memory_space<hbm>>
          %dma_wait3A_259 = arith.constant 0 : i32
          %dma_wait3A_260 = tpu.memref_slice %arg5[%dma_wait3A_259] : memref<327680xi32, #tpu.memory_space<hbm>> -> memref<128xi32, #tpu.memory_space<hbm>>
          tpu.wait_dma2 semaphore(%arg30 : memref<!tpu.dma_semaphore, #tpu.memory_space<semaphore_mem>>) src(%dma_wait3A_260 : memref<128xi32, #tpu.memory_space<hbm>>) dst(%arg15 : memref<128xi32, #tpu.memory_space<vmem>>)
          %dma_start3A_261 = arith.constant 0 : i32
          %dma_start3A_262 = arith.constant 0 : i32
          %dma_start3A_263 = tpu.memref_slice %arg2[%dma_start3A_261, %dma_start3A_262] : memref<10000x128xf32, #tpu.memory_space<hbm>> -> memref<10000x128xf32, #tpu.memory_space<hbm>>
          tpu.enqueue_indirect_dma source(%dma_start3A_263 : memref<10000x128xf32, #tpu.memory_space<hbm>>) target(%arg21 : memref<128x128xf32, #tpu.memory_space<vmem>>) offsets(%arg9 : memref<128xi32, #tpu.memory_space<vmem>>) semaphore(%arg36 : memref<!tpu.dma_semaphore, #tpu.memory_space<semaphore_mem>>)
        } else {
        }
        "tpu.region"() ({
          %run_scoped3A = tpu.sem_alloc : memref<!tpu.dma_semaphore, #tpu.memory_space<semaphore_mem>>
          %dma_start3A_253 = arith.constant 0 : i32
          %dma_start3A_254 = arith.constant 0 : i32
          %dma_start3A_255 = tpu.memref_slice %arg8[%dma_start3A_253, %dma_start3A_254] : memref<10016x128xf32, #tpu.memory_space<vmem_shared>> -> memref<10016x128xf32, #tpu.memory_space<vmem_shared>>
          tpu.enqueue_indirect_dma source(%arg22 : memref<128x128xf32, #tpu.memory_space<vmem>>) target(%dma_start3A_255 : memref<10016x128xf32, #tpu.memory_space<vmem_shared>>) offsets(%arg19 : memref<128xi32, #tpu.memory_space<vmem>>) semaphore(%run_scoped3A : memref<!tpu.dma_semaphore, #tpu.memory_space<semaphore_mem>>) {add = true}
          %dma_wait3A_256 = arith.constant 0 : i32
          %dma_wait3A_257 = arith.constant 0 : i32
          %dma_wait3A_258 = tpu.memref_slice %arg8[%dma_wait3A_256, %dma_wait3A_257] : memref<10016x128xf32, #tpu.memory_space<vmem_shared>> -> memref<10016x128xf32, #tpu.memory_space<vmem_shared>>
          tpu.wait_indirect_dma semaphore(%run_scoped3A : memref<!tpu.dma_semaphore, #tpu.memory_space<semaphore_mem>>) src(%arg22 : memref<128x128xf32, #tpu.memory_space<vmem>>) dst(%dma_wait3A_258 : memref<10016x128xf32, #tpu.memory_space<vmem_shared>>)
          tpu.yield
        }) : () -> ()
        %add3A_225 = arith.constant 6 : i32
        %add3A_226 = arith.addi %add3A_214, %add3A_225 : i32
        %lt3A_227 = arith.constant 160 : i32
        %lt3A_228 = arith.cmpi slt, %add3A_226, %lt3A_227 : i32
        %convert_element_type3A_229 = arith.extui %lt3A_228 : i1 to i32
        %cond3A_230 = arith.constant 0 : i32
        %cond3A_231 = arith.cmpi ne, %convert_element_type3A_229, %cond3A_230 : i32
        scf.if %cond3A_231 {
          %add3A_253 = arith.constant 6 : i32
          %add3A_254 = arith.addi %add3A_214, %add3A_253 : i32
          %mul3A_255 = arith.constant 128 : i32
          %mul3A_256 = arith.muli %add3A_254, %mul3A_255 : i32
          %add3A_257 = arith.addi %mul3A_8, %mul3A_256 : i32
          %dma_start3A_258 = tpu.memref_slice %arg4[%add3A_257] : memref<327680xi32, #tpu.memory_space<hbm>> -> memref<128xi32, #tpu.memory_space<hbm>>
          %dma_start3A_259 = tpu.memref_slice %arg4[%add3A_257] : memref<327680xi32, #tpu.memory_space<hbm>> -> memref<128xi32, #tpu.memory_space<hbm>>
          tpu.enqueue_dma source(%dma_start3A_259 : memref<128xi32, #tpu.memory_space<hbm>>) target(%arg13 : memref<128xi32, #tpu.memory_space<vmem>>) target_semaphore(%arg28 : memref<!tpu.dma_semaphore, #tpu.memory_space<semaphore_mem>>)
          %dma_start3A_260 = tpu.memref_slice %arg5[%add3A_257] : memref<327680xi32, #tpu.memory_space<hbm>> -> memref<128xi32, #tpu.memory_space<hbm>>
          %dma_start3A_261 = tpu.memref_slice %arg5[%add3A_257] : memref<327680xi32, #tpu.memory_space<hbm>> -> memref<128xi32, #tpu.memory_space<hbm>>
          tpu.enqueue_dma source(%dma_start3A_261 : memref<128xi32, #tpu.memory_space<hbm>>) target(%arg19 : memref<128xi32, #tpu.memory_space<vmem>>) target_semaphore(%arg34 : memref<!tpu.dma_semaphore, #tpu.memory_space<semaphore_mem>>)
        } else {
        }
        %mul3A_232 = arith.constant 6 : i32
        %mul3A_233 = arith.muli %scan3A_126, %mul3A_232 : i32
        %add3A_234 = arith.constant 5 : i32
        %add3A_235 = arith.addi %mul3A_233, %add3A_234 : i32
        %dma_wait3A_236 = arith.constant 0 : i32
        %dma_wait3A_237 = arith.constant 0 : i32
        %dma_wait3A_238 = tpu.memref_slice %arg2[%dma_wait3A_236, %dma_wait3A_237] : memref<10000x128xf32, #tpu.memory_space<hbm>> -> memref<10000x128xf32, #tpu.memory_space<hbm>>
        tpu.wait_indirect_dma semaphore(%arg38 : memref<!tpu.dma_semaphore, #tpu.memory_space<semaphore_mem>>) src(%dma_wait3A_238 : memref<10000x128xf32, #tpu.memory_space<hbm>>) dst(%arg23 : memref<128x128xf32, #tpu.memory_space<vmem>>)
        %add3A_239 = arith.constant 2 : i32
        %add3A_240 = arith.addi %add3A_235, %add3A_239 : i32
        %lt3A_241 = arith.constant 160 : i32
        %lt3A_242 = arith.cmpi slt, %add3A_240, %lt3A_241 : i32
        %convert_element_type3A_243 = arith.extui %lt3A_242 : i1 to i32
        %cond3A_244 = arith.constant 0 : i32
        %cond3A_245 = arith.cmpi ne, %convert_element_type3A_243, %cond3A_244 : i32
        scf.if %cond3A_245 {
          %dma_wait3A_253 = arith.constant 0 : i32
          %dma_wait3A_254 = tpu.memref_slice %arg4[%dma_wait3A_253] : memref<327680xi32, #tpu.memory_space<hbm>> -> memref<128xi32, #tpu.memory_space<hbm>>
          %dma_wait3A_255 = arith.constant 0 : i32
          %dma_wait3A_256 = tpu.memref_slice %arg4[%dma_wait3A_255] : memref<327680xi32, #tpu.memory_space<hbm>> -> memref<128xi32, #tpu.memory_space<hbm>>
          tpu.wait_dma2 semaphore(%arg25 : memref<!tpu.dma_semaphore, #tpu.memory_space<semaphore_mem>>) src(%dma_wait3A_256 : memref<128xi32, #tpu.memory_space<hbm>>) dst(%arg10 : memref<128xi32, #tpu.memory_space<vmem>>)
          %dma_wait3A_257 = arith.constant 0 : i32
          %dma_wait3A_258 = tpu.memref_slice %arg5[%dma_wait3A_257] : memref<327680xi32, #tpu.memory_space<hbm>> -> memref<128xi32, #tpu.memory_space<hbm>>
          %dma_wait3A_259 = arith.constant 0 : i32
          %dma_wait3A_260 = tpu.memref_slice %arg5[%dma_wait3A_259] : memref<327680xi32, #tpu.memory_space<hbm>> -> memref<128xi32, #tpu.memory_space<hbm>>
          tpu.wait_dma2 semaphore(%arg31 : memref<!tpu.dma_semaphore, #tpu.memory_space<semaphore_mem>>) src(%dma_wait3A_260 : memref<128xi32, #tpu.memory_space<hbm>>) dst(%arg16 : memref<128xi32, #tpu.memory_space<vmem>>)
          %dma_start3A_261 = arith.constant 0 : i32
          %dma_start3A_262 = arith.constant 0 : i32
          %dma_start3A_263 = tpu.memref_slice %arg2[%dma_start3A_261, %dma_start3A_262] : memref<10000x128xf32, #tpu.memory_space<hbm>> -> memref<10000x128xf32, #tpu.memory_space<hbm>>
          tpu.enqueue_indirect_dma source(%dma_start3A_263 : memref<10000x128xf32, #tpu.memory_space<hbm>>) target(%arg22 : memref<128x128xf32, #tpu.memory_space<vmem>>) offsets(%arg10 : memref<128xi32, #tpu.memory_space<vmem>>) semaphore(%arg37 : memref<!tpu.dma_semaphore, #tpu.memory_space<semaphore_mem>>)
        } else {
        }
        "tpu.region"() ({
          %run_scoped3A = tpu.sem_alloc : memref<!tpu.dma_semaphore, #tpu.memory_space<semaphore_mem>>
          %dma_start3A_253 = arith.constant 0 : i32
          %dma_start3A_254 = arith.constant 0 : i32
          %dma_start3A_255 = tpu.memref_slice %arg8[%dma_start3A_253, %dma_start3A_254] : memref<10016x128xf32, #tpu.memory_space<vmem_shared>> -> memref<10016x128xf32, #tpu.memory_space<vmem_shared>>
          tpu.enqueue_indirect_dma source(%arg23 : memref<128x128xf32, #tpu.memory_space<vmem>>) target(%dma_start3A_255 : memref<10016x128xf32, #tpu.memory_space<vmem_shared>>) offsets(%arg20 : memref<128xi32, #tpu.memory_space<vmem>>) semaphore(%run_scoped3A : memref<!tpu.dma_semaphore, #tpu.memory_space<semaphore_mem>>) {add = true}
          %dma_wait3A_256 = arith.constant 0 : i32
          %dma_wait3A_257 = arith.constant 0 : i32
          %dma_wait3A_258 = tpu.memref_slice %arg8[%dma_wait3A_256, %dma_wait3A_257] : memref<10016x128xf32, #tpu.memory_space<vmem_shared>> -> memref<10016x128xf32, #tpu.memory_space<vmem_shared>>
          tpu.wait_indirect_dma semaphore(%run_scoped3A : memref<!tpu.dma_semaphore, #tpu.memory_space<semaphore_mem>>) src(%arg23 : memref<128x128xf32, #tpu.memory_space<vmem>>) dst(%dma_wait3A_258 : memref<10016x128xf32, #tpu.memory_space<vmem_shared>>)
          tpu.yield
        }) : () -> ()
        %add3A_246 = arith.constant 6 : i32
        %add3A_247 = arith.addi %add3A_235, %add3A_246 : i32
        %lt3A_248 = arith.constant 160 : i32
        %lt3A_249 = arith.cmpi slt, %add3A_247, %lt3A_248 : i32
        %convert_element_type3A_250 = arith.extui %lt3A_249 : i1 to i32
        %cond3A_251 = arith.constant 0 : i32
        %cond3A_252 = arith.cmpi ne, %convert_element_type3A_250, %cond3A_251 : i32
        scf.if %cond3A_252 {
          %add3A_253 = arith.constant 6 : i32
          %add3A_254 = arith.addi %add3A_235, %add3A_253 : i32
          %mul3A_255 = arith.constant 128 : i32
          %mul3A_256 = arith.muli %add3A_254, %mul3A_255 : i32
          %add3A_257 = arith.addi %mul3A_8, %mul3A_256 : i32
          %dma_start3A_258 = tpu.memref_slice %arg4[%add3A_257] : memref<327680xi32, #tpu.memory_space<hbm>> -> memref<128xi32, #tpu.memory_space<hbm>>
          %dma_start3A_259 = tpu.memref_slice %arg4[%add3A_257] : memref<327680xi32, #tpu.memory_space<hbm>> -> memref<128xi32, #tpu.memory_space<hbm>>
          tpu.enqueue_dma source(%dma_start3A_259 : memref<128xi32, #tpu.memory_space<hbm>>) target(%arg14 : memref<128xi32, #tpu.memory_space<vmem>>) target_semaphore(%arg29 : memref<!tpu.dma_semaphore, #tpu.memory_space<semaphore_mem>>)
          %dma_start3A_260 = tpu.memref_slice %arg5[%add3A_257] : memref<327680xi32, #tpu.memory_space<hbm>> -> memref<128xi32, #tpu.memory_space<hbm>>
          %dma_start3A_261 = tpu.memref_slice %arg5[%add3A_257] : memref<327680xi32, #tpu.memory_space<hbm>> -> memref<128xi32, #tpu.memory_space<hbm>>
          tpu.enqueue_dma source(%dma_start3A_261 : memref<128xi32, #tpu.memory_space<hbm>>) target(%arg20 : memref<128xi32, #tpu.memory_space<vmem>>) target_semaphore(%arg35 : memref<!tpu.dma_semaphore, #tpu.memory_space<semaphore_mem>>)
        } else {
        }
      }
      %scan3A_91 = arith.constant 26 : i32
      %dma_wait3A_92 = arith.constant 0 : i32
      %dma_wait3A_93 = arith.constant 0 : i32
      %dma_wait3A_94 = tpu.memref_slice %arg2[%dma_wait3A_92, %dma_wait3A_93] : memref<10000x128xf32, #tpu.memory_space<hbm>> -> memref<10000x128xf32, #tpu.memory_space<hbm>>
      tpu.wait_indirect_dma semaphore(%arg36 : memref<!tpu.dma_semaphore, #tpu.memory_space<semaphore_mem>>) src(%dma_wait3A_94 : memref<10000x128xf32, #tpu.memory_space<hbm>>) dst(%arg21 : memref<128x128xf32, #tpu.memory_space<vmem>>)
      %dma_wait3A_95 = arith.constant 0 : i32
      %dma_wait3A_96 = tpu.memref_slice %arg4[%dma_wait3A_95] : memref<327680xi32, #tpu.memory_space<hbm>> -> memref<128xi32, #tpu.memory_space<hbm>>
      %dma_wait3A_97 = arith.constant 0 : i32
      %dma_wait3A_98 = tpu.memref_slice %arg4[%dma_wait3A_97] : memref<327680xi32, #tpu.memory_space<hbm>> -> memref<128xi32, #tpu.memory_space<hbm>>
      tpu.wait_dma2 semaphore(%arg26 : memref<!tpu.dma_semaphore, #tpu.memory_space<semaphore_mem>>) src(%dma_wait3A_98 : memref<128xi32, #tpu.memory_space<hbm>>) dst(%arg11 : memref<128xi32, #tpu.memory_space<vmem>>)
      %dma_wait3A_99 = arith.constant 0 : i32
      %dma_wait3A_100 = tpu.memref_slice %arg5[%dma_wait3A_99] : memref<327680xi32, #tpu.memory_space<hbm>> -> memref<128xi32, #tpu.memory_space<hbm>>
      %dma_wait3A_101 = arith.constant 0 : i32
      %dma_wait3A_102 = tpu.memref_slice %arg5[%dma_wait3A_101] : memref<327680xi32, #tpu.memory_space<hbm>> -> memref<128xi32, #tpu.memory_space<hbm>>
      tpu.wait_dma2 semaphore(%arg32 : memref<!tpu.dma_semaphore, #tpu.memory_space<semaphore_mem>>) src(%dma_wait3A_102 : memref<128xi32, #tpu.memory_space<hbm>>) dst(%arg17 : memref<128xi32, #tpu.memory_space<vmem>>)
      %dma_start3A_103 = arith.constant 0 : i32
      %dma_start3A_104 = arith.constant 0 : i32
      %dma_start3A_105 = tpu.memref_slice %arg2[%dma_start3A_103, %dma_start3A_104] : memref<10000x128xf32, #tpu.memory_space<hbm>> -> memref<10000x128xf32, #tpu.memory_space<hbm>>
      tpu.enqueue_indirect_dma source(%dma_start3A_105 : memref<10000x128xf32, #tpu.memory_space<hbm>>) target(%arg23 : memref<128x128xf32, #tpu.memory_space<vmem>>) offsets(%arg11 : memref<128xi32, #tpu.memory_space<vmem>>) semaphore(%arg38 : memref<!tpu.dma_semaphore, #tpu.memory_space<semaphore_mem>>)
      "tpu.region"() ({
        %run_scoped3A = tpu.sem_alloc : memref<!tpu.dma_semaphore, #tpu.memory_space<semaphore_mem>>
        %dma_start3A_126 = arith.constant 0 : i32
        %dma_start3A_127 = arith.constant 0 : i32
        %dma_start3A_128 = tpu.memref_slice %arg8[%dma_start3A_126, %dma_start3A_127] : memref<10016x128xf32, #tpu.memory_space<vmem_shared>> -> memref<10016x128xf32, #tpu.memory_space<vmem_shared>>
        tpu.enqueue_indirect_dma source(%arg21 : memref<128x128xf32, #tpu.memory_space<vmem>>) target(%dma_start3A_128 : memref<10016x128xf32, #tpu.memory_space<vmem_shared>>) offsets(%arg15 : memref<128xi32, #tpu.memory_space<vmem>>) semaphore(%run_scoped3A : memref<!tpu.dma_semaphore, #tpu.memory_space<semaphore_mem>>) {add = true}
        %dma_wait3A_129 = arith.constant 0 : i32
        %dma_wait3A_130 = arith.constant 0 : i32
        %dma_wait3A_131 = tpu.memref_slice %arg8[%dma_wait3A_129, %dma_wait3A_130] : memref<10016x128xf32, #tpu.memory_space<vmem_shared>> -> memref<10016x128xf32, #tpu.memory_space<vmem_shared>>
        tpu.wait_indirect_dma semaphore(%run_scoped3A : memref<!tpu.dma_semaphore, #tpu.memory_space<semaphore_mem>>) src(%arg21 : memref<128x128xf32, #tpu.memory_space<vmem>>) dst(%dma_wait3A_131 : memref<10016x128xf32, #tpu.memory_space<vmem_shared>>)
        tpu.yield
      }) : () -> ()
      %dma_wait3A_106 = arith.constant 0 : i32
      %dma_wait3A_107 = arith.constant 0 : i32
      %dma_wait3A_108 = tpu.memref_slice %arg2[%dma_wait3A_106, %dma_wait3A_107] : memref<10000x128xf32, #tpu.memory_space<hbm>> -> memref<10000x128xf32, #tpu.memory_space<hbm>>
      tpu.wait_indirect_dma semaphore(%arg37 : memref<!tpu.dma_semaphore, #tpu.memory_space<semaphore_mem>>) src(%dma_wait3A_108 : memref<10000x128xf32, #tpu.memory_space<hbm>>) dst(%arg22 : memref<128x128xf32, #tpu.memory_space<vmem>>)
      %dma_wait3A_109 = arith.constant 0 : i32
      %dma_wait3A_110 = tpu.memref_slice %arg4[%dma_wait3A_109] : memref<327680xi32, #tpu.memory_space<hbm>> -> memref<128xi32, #tpu.memory_space<hbm>>
      %dma_wait3A_111 = arith.constant 0 : i32
      %dma_wait3A_112 = tpu.memref_slice %arg4[%dma_wait3A_111] : memref<327680xi32, #tpu.memory_space<hbm>> -> memref<128xi32, #tpu.memory_space<hbm>>
      tpu.wait_dma2 semaphore(%arg27 : memref<!tpu.dma_semaphore, #tpu.memory_space<semaphore_mem>>) src(%dma_wait3A_112 : memref<128xi32, #tpu.memory_space<hbm>>) dst(%arg12 : memref<128xi32, #tpu.memory_space<vmem>>)
      %dma_wait3A_113 = arith.constant 0 : i32
      %dma_wait3A_114 = tpu.memref_slice %arg5[%dma_wait3A_113] : memref<327680xi32, #tpu.memory_space<hbm>> -> memref<128xi32, #tpu.memory_space<hbm>>
      %dma_wait3A_115 = arith.constant 0 : i32
      %dma_wait3A_116 = tpu.memref_slice %arg5[%dma_wait3A_115] : memref<327680xi32, #tpu.memory_space<hbm>> -> memref<128xi32, #tpu.memory_space<hbm>>
      tpu.wait_dma2 semaphore(%arg33 : memref<!tpu.dma_semaphore, #tpu.memory_space<semaphore_mem>>) src(%dma_wait3A_116 : memref<128xi32, #tpu.memory_space<hbm>>) dst(%arg18 : memref<128xi32, #tpu.memory_space<vmem>>)
      %dma_start3A_117 = arith.constant 0 : i32
      %dma_start3A_118 = arith.constant 0 : i32
      %dma_start3A_119 = tpu.memref_slice %arg2[%dma_start3A_117, %dma_start3A_118] : memref<10000x128xf32, #tpu.memory_space<hbm>> -> memref<10000x128xf32, #tpu.memory_space<hbm>>
      tpu.enqueue_indirect_dma source(%dma_start3A_119 : memref<10000x128xf32, #tpu.memory_space<hbm>>) target(%arg21 : memref<128x128xf32, #tpu.memory_space<vmem>>) offsets(%arg12 : memref<128xi32, #tpu.memory_space<vmem>>) semaphore(%arg36 : memref<!tpu.dma_semaphore, #tpu.memory_space<semaphore_mem>>)
      "tpu.region"() ({
        %run_scoped3A = tpu.sem_alloc : memref<!tpu.dma_semaphore, #tpu.memory_space<semaphore_mem>>
        %dma_start3A_126 = arith.constant 0 : i32
        %dma_start3A_127 = arith.constant 0 : i32
        %dma_start3A_128 = tpu.memref_slice %arg8[%dma_start3A_126, %dma_start3A_127] : memref<10016x128xf32, #tpu.memory_space<vmem_shared>> -> memref<10016x128xf32, #tpu.memory_space<vmem_shared>>
        tpu.enqueue_indirect_dma source(%arg22 : memref<128x128xf32, #tpu.memory_space<vmem>>) target(%dma_start3A_128 : memref<10016x128xf32, #tpu.memory_space<vmem_shared>>) offsets(%arg16 : memref<128xi32, #tpu.memory_space<vmem>>) semaphore(%run_scoped3A : memref<!tpu.dma_semaphore, #tpu.memory_space<semaphore_mem>>) {add = true}
        %dma_wait3A_129 = arith.constant 0 : i32
        %dma_wait3A_130 = arith.constant 0 : i32
        %dma_wait3A_131 = tpu.memref_slice %arg8[%dma_wait3A_129, %dma_wait3A_130] : memref<10016x128xf32, #tpu.memory_space<vmem_shared>> -> memref<10016x128xf32, #tpu.memory_space<vmem_shared>>
        tpu.wait_indirect_dma semaphore(%run_scoped3A : memref<!tpu.dma_semaphore, #tpu.memory_space<semaphore_mem>>) src(%arg22 : memref<128x128xf32, #tpu.memory_space<vmem>>) dst(%dma_wait3A_131 : memref<10016x128xf32, #tpu.memory_space<vmem_shared>>)
        tpu.yield
      }) : () -> ()
      %dma_wait3A_120 = arith.constant 0 : i32
      %dma_wait3A_121 = arith.constant 0 : i32
      %dma_wait3A_122 = tpu.memref_slice %arg2[%dma_wait3A_120, %dma_wait3A_121] : memref<10000x128xf32, #tpu.memory_space<hbm>> -> memref<10000x128xf32, #tpu.memory_space<hbm>>
      tpu.wait_indirect_dma semaphore(%arg38 : memref<!tpu.dma_semaphore, #tpu.memory_space<semaphore_mem>>) src(%dma_wait3A_122 : memref<10000x128xf32, #tpu.memory_space<hbm>>) dst(%arg23 : memref<128x128xf32, #tpu.memory_space<vmem>>)
      "tpu.region"() ({
        %run_scoped3A = tpu.sem_alloc : memref<!tpu.dma_semaphore, #tpu.memory_space<semaphore_mem>>
        %dma_start3A_126 = arith.constant 0 : i32
        %dma_start3A_127 = arith.constant 0 : i32
        %dma_start3A_128 = tpu.memref_slice %arg8[%dma_start3A_126, %dma_start3A_127] : memref<10016x128xf32, #tpu.memory_space<vmem_shared>> -> memref<10016x128xf32, #tpu.memory_space<vmem_shared>>
        tpu.enqueue_indirect_dma source(%arg23 : memref<128x128xf32, #tpu.memory_space<vmem>>) target(%dma_start3A_128 : memref<10016x128xf32, #tpu.memory_space<vmem_shared>>) offsets(%arg17 : memref<128xi32, #tpu.memory_space<vmem>>) semaphore(%run_scoped3A : memref<!tpu.dma_semaphore, #tpu.memory_space<semaphore_mem>>) {add = true}
        %dma_wait3A_129 = arith.constant 0 : i32
        %dma_wait3A_130 = arith.constant 0 : i32
        %dma_wait3A_131 = tpu.memref_slice %arg8[%dma_wait3A_129, %dma_wait3A_130] : memref<10016x128xf32, #tpu.memory_space<vmem_shared>> -> memref<10016x128xf32, #tpu.memory_space<vmem_shared>>
        tpu.wait_indirect_dma semaphore(%run_scoped3A : memref<!tpu.dma_semaphore, #tpu.memory_space<semaphore_mem>>) src(%arg23 : memref<128x128xf32, #tpu.memory_space<vmem>>) dst(%dma_wait3A_131 : memref<10016x128xf32, #tpu.memory_space<vmem_shared>>)
        tpu.yield
      }) : () -> ()
      %dma_wait3A_123 = arith.constant 0 : i32
      %dma_wait3A_124 = arith.constant 0 : i32
      %dma_wait3A_125 = tpu.memref_slice %arg2[%dma_wait3A_123, %dma_wait3A_124] : memref<10000x128xf32, #tpu.memory_space<hbm>> -> memref<10000x128xf32, #tpu.memory_space<hbm>>
      tpu.wait_indirect_dma semaphore(%arg36 : memref<!tpu.dma_semaphore, #tpu.memory_space<semaphore_mem>>) src(%dma_wait3A_125 : memref<10000x128xf32, #tpu.memory_space<hbm>>) dst(%arg21 : memref<128x128xf32, #tpu.memory_space<vmem>>)
      "tpu.region"() ({
        %run_scoped3A = tpu.sem_alloc : memref<!tpu.dma_semaphore, #tpu.memory_space<semaphore_mem>>
        %dma_start3A_126 = arith.constant 0 : i32
        %dma_start3A_127 = arith.constant 0 : i32
        %dma_start3A_128 = tpu.memref_slice %arg8[%dma_start3A_126, %dma_start3A_127] : memref<10016x128xf32, #tpu.memory_space<vmem_shared>> -> memref<10016x128xf32, #tpu.memory_space<vmem_shared>>
        tpu.enqueue_indirect_dma source(%arg21 : memref<128x128xf32, #tpu.memory_space<vmem>>) target(%dma_start3A_128 : memref<10016x128xf32, #tpu.memory_space<vmem_shared>>) offsets(%arg18 : memref<128xi32, #tpu.memory_space<vmem>>) semaphore(%run_scoped3A : memref<!tpu.dma_semaphore, #tpu.memory_space<semaphore_mem>>) {add = true}
        %dma_wait3A_129 = arith.constant 0 : i32
        %dma_wait3A_130 = arith.constant 0 : i32
        %dma_wait3A_131 = tpu.memref_slice %arg8[%dma_wait3A_129, %dma_wait3A_130] : memref<10016x128xf32, #tpu.memory_space<vmem_shared>> -> memref<10016x128xf32, #tpu.memory_space<vmem_shared>>
        tpu.wait_indirect_dma semaphore(%run_scoped3A : memref<!tpu.dma_semaphore, #tpu.memory_space<semaphore_mem>>) src(%arg21 : memref<128x128xf32, #tpu.memory_space<vmem>>) dst(%dma_wait3A_131 : memref<10016x128xf32, #tpu.memory_space<vmem_shared>>)
        tpu.yield
      }) : () -> ()
    } else {
    }
    %eq3A_14 = arith.constant 1 : i32
    %eq3A_15 = arith.cmpi eq, %arg0, %eq3A_14 : i32
    %convert_element_type3A_16 = arith.extui %eq3A_15 : i1 to i32
    %cond3A_17 = arith.constant 0 : i32
    %cond3A_18 = arith.cmpi ne, %convert_element_type3A_16, %cond3A_17 : i32
    scf.if %cond3A_18 {
      %add3A = arith.constant 0 : i32
      %add3A_32 = arith.addi %mul3A_8, %add3A : i32
      %dma_start3A = tpu.memref_slice %arg4[%add3A_32] : memref<327680xi32, #tpu.memory_space<hbm>> -> memref<128xi32, #tpu.memory_space<hbm>>
      %dma_start3A_33 = tpu.memref_slice %arg4[%add3A_32] : memref<327680xi32, #tpu.memory_space<hbm>> -> memref<128xi32, #tpu.memory_space<hbm>>
      tpu.enqueue_dma source(%dma_start3A_33 : memref<128xi32, #tpu.memory_space<hbm>>) target(%arg9 : memref<128xi32, #tpu.memory_space<vmem>>) target_semaphore(%arg24 : memref<!tpu.dma_semaphore, #tpu.memory_space<semaphore_mem>>)
      %dma_start3A_34 = tpu.memref_slice %arg5[%add3A_32] : memref<327680xi32, #tpu.memory_space<hbm>> -> memref<128xi32, #tpu.memory_space<hbm>>
      %dma_start3A_35 = tpu.memref_slice %arg5[%add3A_32] : memref<327680xi32, #tpu.memory_space<hbm>> -> memref<128xi32, #tpu.memory_space<hbm>>
      tpu.enqueue_dma source(%dma_start3A_35 : memref<128xi32, #tpu.memory_space<hbm>>) target(%arg15 : memref<128xi32, #tpu.memory_space<vmem>>) target_semaphore(%arg30 : memref<!tpu.dma_semaphore, #tpu.memory_space<semaphore_mem>>)
      %add3A_36 = arith.constant 128 : i32
      %add3A_37 = arith.addi %mul3A_8, %add3A_36 : i32
      %dma_start3A_38 = tpu.memref_slice %arg4[%add3A_37] : memref<327680xi32, #tpu.memory_space<hbm>> -> memref<128xi32, #tpu.memory_space<hbm>>
      %dma_start3A_39 = tpu.memref_slice %arg4[%add3A_37] : memref<327680xi32, #tpu.memory_space<hbm>> -> memref<128xi32, #tpu.memory_space<hbm>>
      tpu.enqueue_dma source(%dma_start3A_39 : memref<128xi32, #tpu.memory_space<hbm>>) target(%arg10 : memref<128xi32, #tpu.memory_space<vmem>>) target_semaphore(%arg25 : memref<!tpu.dma_semaphore, #tpu.memory_space<semaphore_mem>>)
      %dma_start3A_40 = tpu.memref_slice %arg5[%add3A_37] : memref<327680xi32, #tpu.memory_space<hbm>> -> memref<128xi32, #tpu.memory_space<hbm>>
      %dma_start3A_41 = tpu.memref_slice %arg5[%add3A_37] : memref<327680xi32, #tpu.memory_space<hbm>> -> memref<128xi32, #tpu.memory_space<hbm>>
      tpu.enqueue_dma source(%dma_start3A_41 : memref<128xi32, #tpu.memory_space<hbm>>) target(%arg16 : memref<128xi32, #tpu.memory_space<vmem>>) target_semaphore(%arg31 : memref<!tpu.dma_semaphore, #tpu.memory_space<semaphore_mem>>)
      %add3A_42 = arith.constant 256 : i32
      %add3A_43 = arith.addi %mul3A_8, %add3A_42 : i32
      %dma_start3A_44 = tpu.memref_slice %arg4[%add3A_43] : memref<327680xi32, #tpu.memory_space<hbm>> -> memref<128xi32, #tpu.memory_space<hbm>>
      %dma_start3A_45 = tpu.memref_slice %arg4[%add3A_43] : memref<327680xi32, #tpu.memory_space<hbm>> -> memref<128xi32, #tpu.memory_space<hbm>>
      tpu.enqueue_dma source(%dma_start3A_45 : memref<128xi32, #tpu.memory_space<hbm>>) target(%arg11 : memref<128xi32, #tpu.memory_space<vmem>>) target_semaphore(%arg26 : memref<!tpu.dma_semaphore, #tpu.memory_space<semaphore_mem>>)
      %dma_start3A_46 = tpu.memref_slice %arg5[%add3A_43] : memref<327680xi32, #tpu.memory_space<hbm>> -> memref<128xi32, #tpu.memory_space<hbm>>
      %dma_start3A_47 = tpu.memref_slice %arg5[%add3A_43] : memref<327680xi32, #tpu.memory_space<hbm>> -> memref<128xi32, #tpu.memory_space<hbm>>
      tpu.enqueue_dma source(%dma_start3A_47 : memref<128xi32, #tpu.memory_space<hbm>>) target(%arg17 : memref<128xi32, #tpu.memory_space<vmem>>) target_semaphore(%arg32 : memref<!tpu.dma_semaphore, #tpu.memory_space<semaphore_mem>>)
      %add3A_48 = arith.constant 384 : i32
      %add3A_49 = arith.addi %mul3A_8, %add3A_48 : i32
      %dma_start3A_50 = tpu.memref_slice %arg4[%add3A_49] : memref<327680xi32, #tpu.memory_space<hbm>> -> memref<128xi32, #tpu.memory_space<hbm>>
      %dma_start3A_51 = tpu.memref_slice %arg4[%add3A_49] : memref<327680xi32, #tpu.memory_space<hbm>> -> memref<128xi32, #tpu.memory_space<hbm>>
      tpu.enqueue_dma source(%dma_start3A_51 : memref<128xi32, #tpu.memory_space<hbm>>) target(%arg12 : memref<128xi32, #tpu.memory_space<vmem>>) target_semaphore(%arg27 : memref<!tpu.dma_semaphore, #tpu.memory_space<semaphore_mem>>)
      %dma_start3A_52 = tpu.memref_slice %arg5[%add3A_49] : memref<327680xi32, #tpu.memory_space<hbm>> -> memref<128xi32, #tpu.memory_space<hbm>>
      %dma_start3A_53 = tpu.memref_slice %arg5[%add3A_49] : memref<327680xi32, #tpu.memory_space<hbm>> -> memref<128xi32, #tpu.memory_space<hbm>>
      tpu.enqueue_dma source(%dma_start3A_53 : memref<128xi32, #tpu.memory_space<hbm>>) target(%arg18 : memref<128xi32, #tpu.memory_space<vmem>>) target_semaphore(%arg33 : memref<!tpu.dma_semaphore, #tpu.memory_space<semaphore_mem>>)
      %add3A_54 = arith.constant 512 : i32
      %add3A_55 = arith.addi %mul3A_8, %add3A_54 : i32
      %dma_start3A_56 = tpu.memref_slice %arg4[%add3A_55] : memref<327680xi32, #tpu.memory_space<hbm>> -> memref<128xi32, #tpu.memory_space<hbm>>
      %dma_start3A_57 = tpu.memref_slice %arg4[%add3A_55] : memref<327680xi32, #tpu.memory_space<hbm>> -> memref<128xi32, #tpu.memory_space<hbm>>
      tpu.enqueue_dma source(%dma_start3A_57 : memref<128xi32, #tpu.memory_space<hbm>>) target(%arg13 : memref<128xi32, #tpu.memory_space<vmem>>) target_semaphore(%arg28 : memref<!tpu.dma_semaphore, #tpu.memory_space<semaphore_mem>>)
      %dma_start3A_58 = tpu.memref_slice %arg5[%add3A_55] : memref<327680xi32, #tpu.memory_space<hbm>> -> memref<128xi32, #tpu.memory_space<hbm>>
      %dma_start3A_59 = tpu.memref_slice %arg5[%add3A_55] : memref<327680xi32, #tpu.memory_space<hbm>> -> memref<128xi32, #tpu.memory_space<hbm>>
      tpu.enqueue_dma source(%dma_start3A_59 : memref<128xi32, #tpu.memory_space<hbm>>) target(%arg19 : memref<128xi32, #tpu.memory_space<vmem>>) target_semaphore(%arg34 : memref<!tpu.dma_semaphore, #tpu.memory_space<semaphore_mem>>)
      %add3A_60 = arith.constant 640 : i32
      %add3A_61 = arith.addi %mul3A_8, %add3A_60 : i32
      %dma_start3A_62 = tpu.memref_slice %arg4[%add3A_61] : memref<327680xi32, #tpu.memory_space<hbm>> -> memref<128xi32, #tpu.memory_space<hbm>>
      %dma_start3A_63 = tpu.memref_slice %arg4[%add3A_61] : memref<327680xi32, #tpu.memory_space<hbm>> -> memref<128xi32, #tpu.memory_space<hbm>>
      tpu.enqueue_dma source(%dma_start3A_63 : memref<128xi32, #tpu.memory_space<hbm>>) target(%arg14 : memref<128xi32, #tpu.memory_space<vmem>>) target_semaphore(%arg29 : memref<!tpu.dma_semaphore, #tpu.memory_space<semaphore_mem>>)
      %dma_start3A_64 = tpu.memref_slice %arg5[%add3A_61] : memref<327680xi32, #tpu.memory_space<hbm>> -> memref<128xi32, #tpu.memory_space<hbm>>
      %dma_start3A_65 = tpu.memref_slice %arg5[%add3A_61] : memref<327680xi32, #tpu.memory_space<hbm>> -> memref<128xi32, #tpu.memory_space<hbm>>
      tpu.enqueue_dma source(%dma_start3A_65 : memref<128xi32, #tpu.memory_space<hbm>>) target(%arg20 : memref<128xi32, #tpu.memory_space<vmem>>) target_semaphore(%arg35 : memref<!tpu.dma_semaphore, #tpu.memory_space<semaphore_mem>>)
      %dma_wait3A = arith.constant 0 : i32
      %dma_wait3A_66 = tpu.memref_slice %arg4[%dma_wait3A] : memref<327680xi32, #tpu.memory_space<hbm>> -> memref<128xi32, #tpu.memory_space<hbm>>
      %dma_wait3A_67 = arith.constant 0 : i32
      %dma_wait3A_68 = tpu.memref_slice %arg4[%dma_wait3A_67] : memref<327680xi32, #tpu.memory_space<hbm>> -> memref<128xi32, #tpu.memory_space<hbm>>
      tpu.wait_dma2 semaphore(%arg24 : memref<!tpu.dma_semaphore, #tpu.memory_space<semaphore_mem>>) src(%dma_wait3A_68 : memref<128xi32, #tpu.memory_space<hbm>>) dst(%arg9 : memref<128xi32, #tpu.memory_space<vmem>>)
      %dma_wait3A_69 = arith.constant 0 : i32
      %dma_wait3A_70 = tpu.memref_slice %arg5[%dma_wait3A_69] : memref<327680xi32, #tpu.memory_space<hbm>> -> memref<128xi32, #tpu.memory_space<hbm>>
      %dma_wait3A_71 = arith.constant 0 : i32
      %dma_wait3A_72 = tpu.memref_slice %arg5[%dma_wait3A_71] : memref<327680xi32, #tpu.memory_space<hbm>> -> memref<128xi32, #tpu.memory_space<hbm>>
      tpu.wait_dma2 semaphore(%arg30 : memref<!tpu.dma_semaphore, #tpu.memory_space<semaphore_mem>>) src(%dma_wait3A_72 : memref<128xi32, #tpu.memory_space<hbm>>) dst(%arg15 : memref<128xi32, #tpu.memory_space<vmem>>)
      %dma_start3A_73 = arith.constant 0 : i32
      %dma_start3A_74 = arith.constant 0 : i32
      %dma_start3A_75 = tpu.memref_slice %arg3[%dma_start3A_73, %dma_start3A_74] : memref<10000x128xf32, #tpu.memory_space<hbm>> -> memref<10000x128xf32, #tpu.memory_space<hbm>>
      tpu.enqueue_indirect_dma source(%dma_start3A_75 : memref<10000x128xf32, #tpu.memory_space<hbm>>) target(%arg21 : memref<128x128xf32, #tpu.memory_space<vmem>>) offsets(%arg9 : memref<128xi32, #tpu.memory_space<vmem>>) semaphore(%arg36 : memref<!tpu.dma_semaphore, #tpu.memory_space<semaphore_mem>>)
      %dma_wait3A_76 = arith.constant 0 : i32
      %dma_wait3A_77 = tpu.memref_slice %arg4[%dma_wait3A_76] : memref<327680xi32, #tpu.memory_space<hbm>> -> memref<128xi32, #tpu.memory_space<hbm>>
      %dma_wait3A_78 = arith.constant 0 : i32
      %dma_wait3A_79 = tpu.memref_slice %arg4[%dma_wait3A_78] : memref<327680xi32, #tpu.memory_space<hbm>> -> memref<128xi32, #tpu.memory_space<hbm>>
      tpu.wait_dma2 semaphore(%arg25 : memref<!tpu.dma_semaphore, #tpu.memory_space<semaphore_mem>>) src(%dma_wait3A_79 : memref<128xi32, #tpu.memory_space<hbm>>) dst(%arg10 : memref<128xi32, #tpu.memory_space<vmem>>)
      %dma_wait3A_80 = arith.constant 0 : i32
      %dma_wait3A_81 = tpu.memref_slice %arg5[%dma_wait3A_80] : memref<327680xi32, #tpu.memory_space<hbm>> -> memref<128xi32, #tpu.memory_space<hbm>>
      %dma_wait3A_82 = arith.constant 0 : i32
      %dma_wait3A_83 = tpu.memref_slice %arg5[%dma_wait3A_82] : memref<327680xi32, #tpu.memory_space<hbm>> -> memref<128xi32, #tpu.memory_space<hbm>>
      tpu.wait_dma2 semaphore(%arg31 : memref<!tpu.dma_semaphore, #tpu.memory_space<semaphore_mem>>) src(%dma_wait3A_83 : memref<128xi32, #tpu.memory_space<hbm>>) dst(%arg16 : memref<128xi32, #tpu.memory_space<vmem>>)
      %dma_start3A_84 = arith.constant 0 : i32
      %dma_start3A_85 = arith.constant 0 : i32
      %dma_start3A_86 = tpu.memref_slice %arg3[%dma_start3A_84, %dma_start3A_85] : memref<10000x128xf32, #tpu.memory_space<hbm>> -> memref<10000x128xf32, #tpu.memory_space<hbm>>
      tpu.enqueue_indirect_dma source(%dma_start3A_86 : memref<10000x128xf32, #tpu.memory_space<hbm>>) target(%arg22 : memref<128x128xf32, #tpu.memory_space<vmem>>) offsets(%arg10 : memref<128xi32, #tpu.memory_space<vmem>>) semaphore(%arg37 : memref<!tpu.dma_semaphore, #tpu.memory_space<semaphore_mem>>)
      %scan3A = arith.constant 0 : i32
      %scan3A_87 = arith.constant 0 : i32
      %scan3A_88 = arith.constant 26 : i32
      %scan3A_89 = arith.addi %scan3A_87, %scan3A_88 : i32
      %scan3A_90 = arith.constant 1 : i32
      scf.for %scan3A_126 = %scan3A_87 to %scan3A_89 step %scan3A_90  : i32 {
        %mul3A_127 = arith.constant 6 : i32
        %mul3A_128 = arith.muli %scan3A_126, %mul3A_127 : i32
        %add3A_129 = arith.constant 0 : i32
        %add3A_130 = arith.addi %mul3A_128, %add3A_129 : i32
        %dma_wait3A_131 = arith.constant 0 : i32
        %dma_wait3A_132 = arith.constant 0 : i32
        %dma_wait3A_133 = tpu.memref_slice %arg3[%dma_wait3A_131, %dma_wait3A_132] : memref<10000x128xf32, #tpu.memory_space<hbm>> -> memref<10000x128xf32, #tpu.memory_space<hbm>>
        tpu.wait_indirect_dma semaphore(%arg36 : memref<!tpu.dma_semaphore, #tpu.memory_space<semaphore_mem>>) src(%dma_wait3A_133 : memref<10000x128xf32, #tpu.memory_space<hbm>>) dst(%arg21 : memref<128x128xf32, #tpu.memory_space<vmem>>)
        %add3A_134 = arith.constant 2 : i32
        %add3A_135 = arith.addi %add3A_130, %add3A_134 : i32
        %lt3A_136 = arith.constant 160 : i32
        %lt3A_137 = arith.cmpi slt, %add3A_135, %lt3A_136 : i32
        %convert_element_type3A_138 = arith.extui %lt3A_137 : i1 to i32
        %cond3A_139 = arith.constant 0 : i32
        %cond3A_140 = arith.cmpi ne, %convert_element_type3A_138, %cond3A_139 : i32
        scf.if %cond3A_140 {
          %dma_wait3A_253 = arith.constant 0 : i32
          %dma_wait3A_254 = tpu.memref_slice %arg4[%dma_wait3A_253] : memref<327680xi32, #tpu.memory_space<hbm>> -> memref<128xi32, #tpu.memory_space<hbm>>
          %dma_wait3A_255 = arith.constant 0 : i32
          %dma_wait3A_256 = tpu.memref_slice %arg4[%dma_wait3A_255] : memref<327680xi32, #tpu.memory_space<hbm>> -> memref<128xi32, #tpu.memory_space<hbm>>
          tpu.wait_dma2 semaphore(%arg26 : memref<!tpu.dma_semaphore, #tpu.memory_space<semaphore_mem>>) src(%dma_wait3A_256 : memref<128xi32, #tpu.memory_space<hbm>>) dst(%arg11 : memref<128xi32, #tpu.memory_space<vmem>>)
          %dma_wait3A_257 = arith.constant 0 : i32
          %dma_wait3A_258 = tpu.memref_slice %arg5[%dma_wait3A_257] : memref<327680xi32, #tpu.memory_space<hbm>> -> memref<128xi32, #tpu.memory_space<hbm>>
          %dma_wait3A_259 = arith.constant 0 : i32
          %dma_wait3A_260 = tpu.memref_slice %arg5[%dma_wait3A_259] : memref<327680xi32, #tpu.memory_space<hbm>> -> memref<128xi32, #tpu.memory_space<hbm>>
          tpu.wait_dma2 semaphore(%arg32 : memref<!tpu.dma_semaphore, #tpu.memory_space<semaphore_mem>>) src(%dma_wait3A_260 : memref<128xi32, #tpu.memory_space<hbm>>) dst(%arg17 : memref<128xi32, #tpu.memory_space<vmem>>)
          %dma_start3A_261 = arith.constant 0 : i32
          %dma_start3A_262 = arith.constant 0 : i32
          %dma_start3A_263 = tpu.memref_slice %arg3[%dma_start3A_261, %dma_start3A_262] : memref<10000x128xf32, #tpu.memory_space<hbm>> -> memref<10000x128xf32, #tpu.memory_space<hbm>>
          tpu.enqueue_indirect_dma source(%dma_start3A_263 : memref<10000x128xf32, #tpu.memory_space<hbm>>) target(%arg23 : memref<128x128xf32, #tpu.memory_space<vmem>>) offsets(%arg11 : memref<128xi32, #tpu.memory_space<vmem>>) semaphore(%arg38 : memref<!tpu.dma_semaphore, #tpu.memory_space<semaphore_mem>>)
        } else {
        }
        "tpu.region"() ({
          %run_scoped3A = tpu.sem_alloc : memref<!tpu.dma_semaphore, #tpu.memory_space<semaphore_mem>>
          %dma_start3A_253 = arith.constant 0 : i32
          %dma_start3A_254 = arith.constant 0 : i32
          %dma_start3A_255 = tpu.memref_slice %arg8[%dma_start3A_253, %dma_start3A_254] : memref<10016x128xf32, #tpu.memory_space<vmem_shared>> -> memref<10016x128xf32, #tpu.memory_space<vmem_shared>>
          tpu.enqueue_indirect_dma source(%arg21 : memref<128x128xf32, #tpu.memory_space<vmem>>) target(%dma_start3A_255 : memref<10016x128xf32, #tpu.memory_space<vmem_shared>>) offsets(%arg15 : memref<128xi32, #tpu.memory_space<vmem>>) semaphore(%run_scoped3A : memref<!tpu.dma_semaphore, #tpu.memory_space<semaphore_mem>>) {add = true}
          %dma_wait3A_256 = arith.constant 0 : i32
          %dma_wait3A_257 = arith.constant 0 : i32
          %dma_wait3A_258 = tpu.memref_slice %arg8[%dma_wait3A_256, %dma_wait3A_257] : memref<10016x128xf32, #tpu.memory_space<vmem_shared>> -> memref<10016x128xf32, #tpu.memory_space<vmem_shared>>
          tpu.wait_indirect_dma semaphore(%run_scoped3A : memref<!tpu.dma_semaphore, #tpu.memory_space<semaphore_mem>>) src(%arg21 : memref<128x128xf32, #tpu.memory_space<vmem>>) dst(%dma_wait3A_258 : memref<10016x128xf32, #tpu.memory_space<vmem_shared>>)
          tpu.yield
        }) : () -> ()
        %add3A_141 = arith.constant 6 : i32
        %add3A_142 = arith.addi %add3A_130, %add3A_141 : i32
        %lt3A_143 = arith.constant 160 : i32
        %lt3A_144 = arith.cmpi slt, %add3A_142, %lt3A_143 : i32
        %convert_element_type3A_145 = arith.extui %lt3A_144 : i1 to i32
        %cond3A_146 = arith.constant 0 : i32
        %cond3A_147 = arith.cmpi ne, %convert_element_type3A_145, %cond3A_146 : i32
        scf.if %cond3A_147 {
          %add3A_253 = arith.constant 6 : i32
          %add3A_254 = arith.addi %add3A_130, %add3A_253 : i32
          %mul3A_255 = arith.constant 128 : i32
          %mul3A_256 = arith.muli %add3A_254, %mul3A_255 : i32
          %add3A_257 = arith.addi %mul3A_8, %mul3A_256 : i32
          %dma_start3A_258 = tpu.memref_slice %arg4[%add3A_257] : memref<327680xi32, #tpu.memory_space<hbm>> -> memref<128xi32, #tpu.memory_space<hbm>>
          %dma_start3A_259 = tpu.memref_slice %arg4[%add3A_257] : memref<327680xi32, #tpu.memory_space<hbm>> -> memref<128xi32, #tpu.memory_space<hbm>>
          tpu.enqueue_dma source(%dma_start3A_259 : memref<128xi32, #tpu.memory_space<hbm>>) target(%arg9 : memref<128xi32, #tpu.memory_space<vmem>>) target_semaphore(%arg24 : memref<!tpu.dma_semaphore, #tpu.memory_space<semaphore_mem>>)
          %dma_start3A_260 = tpu.memref_slice %arg5[%add3A_257] : memref<327680xi32, #tpu.memory_space<hbm>> -> memref<128xi32, #tpu.memory_space<hbm>>
          %dma_start3A_261 = tpu.memref_slice %arg5[%add3A_257] : memref<327680xi32, #tpu.memory_space<hbm>> -> memref<128xi32, #tpu.memory_space<hbm>>
          tpu.enqueue_dma source(%dma_start3A_261 : memref<128xi32, #tpu.memory_space<hbm>>) target(%arg15 : memref<128xi32, #tpu.memory_space<vmem>>) target_semaphore(%arg30 : memref<!tpu.dma_semaphore, #tpu.memory_space<semaphore_mem>>)
        } else {
        }
        %mul3A_148 = arith.constant 6 : i32
        %mul3A_149 = arith.muli %scan3A_126, %mul3A_148 : i32
        %add3A_150 = arith.constant 1 : i32
        %add3A_151 = arith.addi %mul3A_149, %add3A_150 : i32
        %dma_wait3A_152 = arith.constant 0 : i32
        %dma_wait3A_153 = arith.constant 0 : i32
        %dma_wait3A_154 = tpu.memref_slice %arg3[%dma_wait3A_152, %dma_wait3A_153] : memref<10000x128xf32, #tpu.memory_space<hbm>> -> memref<10000x128xf32, #tpu.memory_space<hbm>>
        tpu.wait_indirect_dma semaphore(%arg37 : memref<!tpu.dma_semaphore, #tpu.memory_space<semaphore_mem>>) src(%dma_wait3A_154 : memref<10000x128xf32, #tpu.memory_space<hbm>>) dst(%arg22 : memref<128x128xf32, #tpu.memory_space<vmem>>)
        %add3A_155 = arith.constant 2 : i32
        %add3A_156 = arith.addi %add3A_151, %add3A_155 : i32
        %lt3A_157 = arith.constant 160 : i32
        %lt3A_158 = arith.cmpi slt, %add3A_156, %lt3A_157 : i32
        %convert_element_type3A_159 = arith.extui %lt3A_158 : i1 to i32
        %cond3A_160 = arith.constant 0 : i32
        %cond3A_161 = arith.cmpi ne, %convert_element_type3A_159, %cond3A_160 : i32
        scf.if %cond3A_161 {
          %dma_wait3A_253 = arith.constant 0 : i32
          %dma_wait3A_254 = tpu.memref_slice %arg4[%dma_wait3A_253] : memref<327680xi32, #tpu.memory_space<hbm>> -> memref<128xi32, #tpu.memory_space<hbm>>
          %dma_wait3A_255 = arith.constant 0 : i32
          %dma_wait3A_256 = tpu.memref_slice %arg4[%dma_wait3A_255] : memref<327680xi32, #tpu.memory_space<hbm>> -> memref<128xi32, #tpu.memory_space<hbm>>
          tpu.wait_dma2 semaphore(%arg27 : memref<!tpu.dma_semaphore, #tpu.memory_space<semaphore_mem>>) src(%dma_wait3A_256 : memref<128xi32, #tpu.memory_space<hbm>>) dst(%arg12 : memref<128xi32, #tpu.memory_space<vmem>>)
          %dma_wait3A_257 = arith.constant 0 : i32
          %dma_wait3A_258 = tpu.memref_slice %arg5[%dma_wait3A_257] : memref<327680xi32, #tpu.memory_space<hbm>> -> memref<128xi32, #tpu.memory_space<hbm>>
          %dma_wait3A_259 = arith.constant 0 : i32
          %dma_wait3A_260 = tpu.memref_slice %arg5[%dma_wait3A_259] : memref<327680xi32, #tpu.memory_space<hbm>> -> memref<128xi32, #tpu.memory_space<hbm>>
          tpu.wait_dma2 semaphore(%arg33 : memref<!tpu.dma_semaphore, #tpu.memory_space<semaphore_mem>>) src(%dma_wait3A_260 : memref<128xi32, #tpu.memory_space<hbm>>) dst(%arg18 : memref<128xi32, #tpu.memory_space<vmem>>)
          %dma_start3A_261 = arith.constant 0 : i32
          %dma_start3A_262 = arith.constant 0 : i32
          %dma_start3A_263 = tpu.memref_slice %arg3[%dma_start3A_261, %dma_start3A_262] : memref<10000x128xf32, #tpu.memory_space<hbm>> -> memref<10000x128xf32, #tpu.memory_space<hbm>>
          tpu.enqueue_indirect_dma source(%dma_start3A_263 : memref<10000x128xf32, #tpu.memory_space<hbm>>) target(%arg21 : memref<128x128xf32, #tpu.memory_space<vmem>>) offsets(%arg12 : memref<128xi32, #tpu.memory_space<vmem>>) semaphore(%arg36 : memref<!tpu.dma_semaphore, #tpu.memory_space<semaphore_mem>>)
        } else {
        }
        "tpu.region"() ({
          %run_scoped3A = tpu.sem_alloc : memref<!tpu.dma_semaphore, #tpu.memory_space<semaphore_mem>>
          %dma_start3A_253 = arith.constant 0 : i32
          %dma_start3A_254 = arith.constant 0 : i32
          %dma_start3A_255 = tpu.memref_slice %arg8[%dma_start3A_253, %dma_start3A_254] : memref<10016x128xf32, #tpu.memory_space<vmem_shared>> -> memref<10016x128xf32, #tpu.memory_space<vmem_shared>>
          tpu.enqueue_indirect_dma source(%arg22 : memref<128x128xf32, #tpu.memory_space<vmem>>) target(%dma_start3A_255 : memref<10016x128xf32, #tpu.memory_space<vmem_shared>>) offsets(%arg16 : memref<128xi32, #tpu.memory_space<vmem>>) semaphore(%run_scoped3A : memref<!tpu.dma_semaphore, #tpu.memory_space<semaphore_mem>>) {add = true}
          %dma_wait3A_256 = arith.constant 0 : i32
          %dma_wait3A_257 = arith.constant 0 : i32
          %dma_wait3A_258 = tpu.memref_slice %arg8[%dma_wait3A_256, %dma_wait3A_257] : memref<10016x128xf32, #tpu.memory_space<vmem_shared>> -> memref<10016x128xf32, #tpu.memory_space<vmem_shared>>
          tpu.wait_indirect_dma semaphore(%run_scoped3A : memref<!tpu.dma_semaphore, #tpu.memory_space<semaphore_mem>>) src(%arg22 : memref<128x128xf32, #tpu.memory_space<vmem>>) dst(%dma_wait3A_258 : memref<10016x128xf32, #tpu.memory_space<vmem_shared>>)
          tpu.yield
        }) : () -> ()
        %add3A_162 = arith.constant 6 : i32
        %add3A_163 = arith.addi %add3A_151, %add3A_162 : i32
        %lt3A_164 = arith.constant 160 : i32
        %lt3A_165 = arith.cmpi slt, %add3A_163, %lt3A_164 : i32
        %convert_element_type3A_166 = arith.extui %lt3A_165 : i1 to i32
        %cond3A_167 = arith.constant 0 : i32
        %cond3A_168 = arith.cmpi ne, %convert_element_type3A_166, %cond3A_167 : i32
        scf.if %cond3A_168 {
          %add3A_253 = arith.constant 6 : i32
          %add3A_254 = arith.addi %add3A_151, %add3A_253 : i32
          %mul3A_255 = arith.constant 128 : i32
          %mul3A_256 = arith.muli %add3A_254, %mul3A_255 : i32
          %add3A_257 = arith.addi %mul3A_8, %mul3A_256 : i32
          %dma_start3A_258 = tpu.memref_slice %arg4[%add3A_257] : memref<327680xi32, #tpu.memory_space<hbm>> -> memref<128xi32, #tpu.memory_space<hbm>>
          %dma_start3A_259 = tpu.memref_slice %arg4[%add3A_257] : memref<327680xi32, #tpu.memory_space<hbm>> -> memref<128xi32, #tpu.memory_space<hbm>>
          tpu.enqueue_dma source(%dma_start3A_259 : memref<128xi32, #tpu.memory_space<hbm>>) target(%arg10 : memref<128xi32, #tpu.memory_space<vmem>>) target_semaphore(%arg25 : memref<!tpu.dma_semaphore, #tpu.memory_space<semaphore_mem>>)
          %dma_start3A_260 = tpu.memref_slice %arg5[%add3A_257] : memref<327680xi32, #tpu.memory_space<hbm>> -> memref<128xi32, #tpu.memory_space<hbm>>
          %dma_start3A_261 = tpu.memref_slice %arg5[%add3A_257] : memref<327680xi32, #tpu.memory_space<hbm>> -> memref<128xi32, #tpu.memory_space<hbm>>
          tpu.enqueue_dma source(%dma_start3A_261 : memref<128xi32, #tpu.memory_space<hbm>>) target(%arg16 : memref<128xi32, #tpu.memory_space<vmem>>) target_semaphore(%arg31 : memref<!tpu.dma_semaphore, #tpu.memory_space<semaphore_mem>>)
        } else {
        }
        %mul3A_169 = arith.constant 6 : i32
        %mul3A_170 = arith.muli %scan3A_126, %mul3A_169 : i32
        %add3A_171 = arith.constant 2 : i32
        %add3A_172 = arith.addi %mul3A_170, %add3A_171 : i32
        %dma_wait3A_173 = arith.constant 0 : i32
        %dma_wait3A_174 = arith.constant 0 : i32
        %dma_wait3A_175 = tpu.memref_slice %arg3[%dma_wait3A_173, %dma_wait3A_174] : memref<10000x128xf32, #tpu.memory_space<hbm>> -> memref<10000x128xf32, #tpu.memory_space<hbm>>
        tpu.wait_indirect_dma semaphore(%arg38 : memref<!tpu.dma_semaphore, #tpu.memory_space<semaphore_mem>>) src(%dma_wait3A_175 : memref<10000x128xf32, #tpu.memory_space<hbm>>) dst(%arg23 : memref<128x128xf32, #tpu.memory_space<vmem>>)
        %add3A_176 = arith.constant 2 : i32
        %add3A_177 = arith.addi %add3A_172, %add3A_176 : i32
        %lt3A_178 = arith.constant 160 : i32
        %lt3A_179 = arith.cmpi slt, %add3A_177, %lt3A_178 : i32
        %convert_element_type3A_180 = arith.extui %lt3A_179 : i1 to i32
        %cond3A_181 = arith.constant 0 : i32
        %cond3A_182 = arith.cmpi ne, %convert_element_type3A_180, %cond3A_181 : i32
        scf.if %cond3A_182 {
          %dma_wait3A_253 = arith.constant 0 : i32
          %dma_wait3A_254 = tpu.memref_slice %arg4[%dma_wait3A_253] : memref<327680xi32, #tpu.memory_space<hbm>> -> memref<128xi32, #tpu.memory_space<hbm>>
          %dma_wait3A_255 = arith.constant 0 : i32
          %dma_wait3A_256 = tpu.memref_slice %arg4[%dma_wait3A_255] : memref<327680xi32, #tpu.memory_space<hbm>> -> memref<128xi32, #tpu.memory_space<hbm>>
          tpu.wait_dma2 semaphore(%arg28 : memref<!tpu.dma_semaphore, #tpu.memory_space<semaphore_mem>>) src(%dma_wait3A_256 : memref<128xi32, #tpu.memory_space<hbm>>) dst(%arg13 : memref<128xi32, #tpu.memory_space<vmem>>)
          %dma_wait3A_257 = arith.constant 0 : i32
          %dma_wait3A_258 = tpu.memref_slice %arg5[%dma_wait3A_257] : memref<327680xi32, #tpu.memory_space<hbm>> -> memref<128xi32, #tpu.memory_space<hbm>>
          %dma_wait3A_259 = arith.constant 0 : i32
          %dma_wait3A_260 = tpu.memref_slice %arg5[%dma_wait3A_259] : memref<327680xi32, #tpu.memory_space<hbm>> -> memref<128xi32, #tpu.memory_space<hbm>>
          tpu.wait_dma2 semaphore(%arg34 : memref<!tpu.dma_semaphore, #tpu.memory_space<semaphore_mem>>) src(%dma_wait3A_260 : memref<128xi32, #tpu.memory_space<hbm>>) dst(%arg19 : memref<128xi32, #tpu.memory_space<vmem>>)
          %dma_start3A_261 = arith.constant 0 : i32
          %dma_start3A_262 = arith.constant 0 : i32
          %dma_start3A_263 = tpu.memref_slice %arg3[%dma_start3A_261, %dma_start3A_262] : memref<10000x128xf32, #tpu.memory_space<hbm>> -> memref<10000x128xf32, #tpu.memory_space<hbm>>
          tpu.enqueue_indirect_dma source(%dma_start3A_263 : memref<10000x128xf32, #tpu.memory_space<hbm>>) target(%arg22 : memref<128x128xf32, #tpu.memory_space<vmem>>) offsets(%arg13 : memref<128xi32, #tpu.memory_space<vmem>>) semaphore(%arg37 : memref<!tpu.dma_semaphore, #tpu.memory_space<semaphore_mem>>)
        } else {
        }
        "tpu.region"() ({
          %run_scoped3A = tpu.sem_alloc : memref<!tpu.dma_semaphore, #tpu.memory_space<semaphore_mem>>
          %dma_start3A_253 = arith.constant 0 : i32
          %dma_start3A_254 = arith.constant 0 : i32
          %dma_start3A_255 = tpu.memref_slice %arg8[%dma_start3A_253, %dma_start3A_254] : memref<10016x128xf32, #tpu.memory_space<vmem_shared>> -> memref<10016x128xf32, #tpu.memory_space<vmem_shared>>
          tpu.enqueue_indirect_dma source(%arg23 : memref<128x128xf32, #tpu.memory_space<vmem>>) target(%dma_start3A_255 : memref<10016x128xf32, #tpu.memory_space<vmem_shared>>) offsets(%arg17 : memref<128xi32, #tpu.memory_space<vmem>>) semaphore(%run_scoped3A : memref<!tpu.dma_semaphore, #tpu.memory_space<semaphore_mem>>) {add = true}
          %dma_wait3A_256 = arith.constant 0 : i32
          %dma_wait3A_257 = arith.constant 0 : i32
          %dma_wait3A_258 = tpu.memref_slice %arg8[%dma_wait3A_256, %dma_wait3A_257] : memref<10016x128xf32, #tpu.memory_space<vmem_shared>> -> memref<10016x128xf32, #tpu.memory_space<vmem_shared>>
          tpu.wait_indirect_dma semaphore(%run_scoped3A : memref<!tpu.dma_semaphore, #tpu.memory_space<semaphore_mem>>) src(%arg23 : memref<128x128xf32, #tpu.memory_space<vmem>>) dst(%dma_wait3A_258 : memref<10016x128xf32, #tpu.memory_space<vmem_shared>>)
          tpu.yield
        }) : () -> ()
        %add3A_183 = arith.constant 6 : i32
        %add3A_184 = arith.addi %add3A_172, %add3A_183 : i32
        %lt3A_185 = arith.constant 160 : i32
        %lt3A_186 = arith.cmpi slt, %add3A_184, %lt3A_185 : i32
        %convert_element_type3A_187 = arith.extui %lt3A_186 : i1 to i32
        %cond3A_188 = arith.constant 0 : i32
        %cond3A_189 = arith.cmpi ne, %convert_element_type3A_187, %cond3A_188 : i32
        scf.if %cond3A_189 {
          %add3A_253 = arith.constant 6 : i32
          %add3A_254 = arith.addi %add3A_172, %add3A_253 : i32
          %mul3A_255 = arith.constant 128 : i32
          %mul3A_256 = arith.muli %add3A_254, %mul3A_255 : i32
          %add3A_257 = arith.addi %mul3A_8, %mul3A_256 : i32
          %dma_start3A_258 = tpu.memref_slice %arg4[%add3A_257] : memref<327680xi32, #tpu.memory_space<hbm>> -> memref<128xi32, #tpu.memory_space<hbm>>
          %dma_start3A_259 = tpu.memref_slice %arg4[%add3A_257] : memref<327680xi32, #tpu.memory_space<hbm>> -> memref<128xi32, #tpu.memory_space<hbm>>
          tpu.enqueue_dma source(%dma_start3A_259 : memref<128xi32, #tpu.memory_space<hbm>>) target(%arg11 : memref<128xi32, #tpu.memory_space<vmem>>) target_semaphore(%arg26 : memref<!tpu.dma_semaphore, #tpu.memory_space<semaphore_mem>>)
          %dma_start3A_260 = tpu.memref_slice %arg5[%add3A_257] : memref<327680xi32, #tpu.memory_space<hbm>> -> memref<128xi32, #tpu.memory_space<hbm>>
          %dma_start3A_261 = tpu.memref_slice %arg5[%add3A_257] : memref<327680xi32, #tpu.memory_space<hbm>> -> memref<128xi32, #tpu.memory_space<hbm>>
          tpu.enqueue_dma source(%dma_start3A_261 : memref<128xi32, #tpu.memory_space<hbm>>) target(%arg17 : memref<128xi32, #tpu.memory_space<vmem>>) target_semaphore(%arg32 : memref<!tpu.dma_semaphore, #tpu.memory_space<semaphore_mem>>)
        } else {
        }
        %mul3A_190 = arith.constant 6 : i32
        %mul3A_191 = arith.muli %scan3A_126, %mul3A_190 : i32
        %add3A_192 = arith.constant 3 : i32
        %add3A_193 = arith.addi %mul3A_191, %add3A_192 : i32
        %dma_wait3A_194 = arith.constant 0 : i32
        %dma_wait3A_195 = arith.constant 0 : i32
        %dma_wait3A_196 = tpu.memref_slice %arg3[%dma_wait3A_194, %dma_wait3A_195] : memref<10000x128xf32, #tpu.memory_space<hbm>> -> memref<10000x128xf32, #tpu.memory_space<hbm>>
        tpu.wait_indirect_dma semaphore(%arg36 : memref<!tpu.dma_semaphore, #tpu.memory_space<semaphore_mem>>) src(%dma_wait3A_196 : memref<10000x128xf32, #tpu.memory_space<hbm>>) dst(%arg21 : memref<128x128xf32, #tpu.memory_space<vmem>>)
        %add3A_197 = arith.constant 2 : i32
        %add3A_198 = arith.addi %add3A_193, %add3A_197 : i32
        %lt3A_199 = arith.constant 160 : i32
        %lt3A_200 = arith.cmpi slt, %add3A_198, %lt3A_199 : i32
        %convert_element_type3A_201 = arith.extui %lt3A_200 : i1 to i32
        %cond3A_202 = arith.constant 0 : i32
        %cond3A_203 = arith.cmpi ne, %convert_element_type3A_201, %cond3A_202 : i32
        scf.if %cond3A_203 {
          %dma_wait3A_253 = arith.constant 0 : i32
          %dma_wait3A_254 = tpu.memref_slice %arg4[%dma_wait3A_253] : memref<327680xi32, #tpu.memory_space<hbm>> -> memref<128xi32, #tpu.memory_space<hbm>>
          %dma_wait3A_255 = arith.constant 0 : i32
          %dma_wait3A_256 = tpu.memref_slice %arg4[%dma_wait3A_255] : memref<327680xi32, #tpu.memory_space<hbm>> -> memref<128xi32, #tpu.memory_space<hbm>>
          tpu.wait_dma2 semaphore(%arg29 : memref<!tpu.dma_semaphore, #tpu.memory_space<semaphore_mem>>) src(%dma_wait3A_256 : memref<128xi32, #tpu.memory_space<hbm>>) dst(%arg14 : memref<128xi32, #tpu.memory_space<vmem>>)
          %dma_wait3A_257 = arith.constant 0 : i32
          %dma_wait3A_258 = tpu.memref_slice %arg5[%dma_wait3A_257] : memref<327680xi32, #tpu.memory_space<hbm>> -> memref<128xi32, #tpu.memory_space<hbm>>
          %dma_wait3A_259 = arith.constant 0 : i32
          %dma_wait3A_260 = tpu.memref_slice %arg5[%dma_wait3A_259] : memref<327680xi32, #tpu.memory_space<hbm>> -> memref<128xi32, #tpu.memory_space<hbm>>
          tpu.wait_dma2 semaphore(%arg35 : memref<!tpu.dma_semaphore, #tpu.memory_space<semaphore_mem>>) src(%dma_wait3A_260 : memref<128xi32, #tpu.memory_space<hbm>>) dst(%arg20 : memref<128xi32, #tpu.memory_space<vmem>>)
          %dma_start3A_261 = arith.constant 0 : i32
          %dma_start3A_262 = arith.constant 0 : i32
          %dma_start3A_263 = tpu.memref_slice %arg3[%dma_start3A_261, %dma_start3A_262] : memref<10000x128xf32, #tpu.memory_space<hbm>> -> memref<10000x128xf32, #tpu.memory_space<hbm>>
          tpu.enqueue_indirect_dma source(%dma_start3A_263 : memref<10000x128xf32, #tpu.memory_space<hbm>>) target(%arg23 : memref<128x128xf32, #tpu.memory_space<vmem>>) offsets(%arg14 : memref<128xi32, #tpu.memory_space<vmem>>) semaphore(%arg38 : memref<!tpu.dma_semaphore, #tpu.memory_space<semaphore_mem>>)
        } else {
        }
        "tpu.region"() ({
          %run_scoped3A = tpu.sem_alloc : memref<!tpu.dma_semaphore, #tpu.memory_space<semaphore_mem>>
          %dma_start3A_253 = arith.constant 0 : i32
          %dma_start3A_254 = arith.constant 0 : i32
          %dma_start3A_255 = tpu.memref_slice %arg8[%dma_start3A_253, %dma_start3A_254] : memref<10016x128xf32, #tpu.memory_space<vmem_shared>> -> memref<10016x128xf32, #tpu.memory_space<vmem_shared>>
          tpu.enqueue_indirect_dma source(%arg21 : memref<128x128xf32, #tpu.memory_space<vmem>>) target(%dma_start3A_255 : memref<10016x128xf32, #tpu.memory_space<vmem_shared>>) offsets(%arg18 : memref<128xi32, #tpu.memory_space<vmem>>) semaphore(%run_scoped3A : memref<!tpu.dma_semaphore, #tpu.memory_space<semaphore_mem>>) {add = true}
          %dma_wait3A_256 = arith.constant 0 : i32
          %dma_wait3A_257 = arith.constant 0 : i32
          %dma_wait3A_258 = tpu.memref_slice %arg8[%dma_wait3A_256, %dma_wait3A_257] : memref<10016x128xf32, #tpu.memory_space<vmem_shared>> -> memref<10016x128xf32, #tpu.memory_space<vmem_shared>>
          tpu.wait_indirect_dma semaphore(%run_scoped3A : memref<!tpu.dma_semaphore, #tpu.memory_space<semaphore_mem>>) src(%arg21 : memref<128x128xf32, #tpu.memory_space<vmem>>) dst(%dma_wait3A_258 : memref<10016x128xf32, #tpu.memory_space<vmem_shared>>)
          tpu.yield
        }) : () -> ()
        %add3A_204 = arith.constant 6 : i32
        %add3A_205 = arith.addi %add3A_193, %add3A_204 : i32
        %lt3A_206 = arith.constant 160 : i32
        %lt3A_207 = arith.cmpi slt, %add3A_205, %lt3A_206 : i32
        %convert_element_type3A_208 = arith.extui %lt3A_207 : i1 to i32
        %cond3A_209 = arith.constant 0 : i32
        %cond3A_210 = arith.cmpi ne, %convert_element_type3A_208, %cond3A_209 : i32
        scf.if %cond3A_210 {
          %add3A_253 = arith.constant 6 : i32
          %add3A_254 = arith.addi %add3A_193, %add3A_253 : i32
          %mul3A_255 = arith.constant 128 : i32
          %mul3A_256 = arith.muli %add3A_254, %mul3A_255 : i32
          %add3A_257 = arith.addi %mul3A_8, %mul3A_256 : i32
          %dma_start3A_258 = tpu.memref_slice %arg4[%add3A_257] : memref<327680xi32, #tpu.memory_space<hbm>> -> memref<128xi32, #tpu.memory_space<hbm>>
          %dma_start3A_259 = tpu.memref_slice %arg4[%add3A_257] : memref<327680xi32, #tpu.memory_space<hbm>> -> memref<128xi32, #tpu.memory_space<hbm>>
          tpu.enqueue_dma source(%dma_start3A_259 : memref<128xi32, #tpu.memory_space<hbm>>) target(%arg12 : memref<128xi32, #tpu.memory_space<vmem>>) target_semaphore(%arg27 : memref<!tpu.dma_semaphore, #tpu.memory_space<semaphore_mem>>)
          %dma_start3A_260 = tpu.memref_slice %arg5[%add3A_257] : memref<327680xi32, #tpu.memory_space<hbm>> -> memref<128xi32, #tpu.memory_space<hbm>>
          %dma_start3A_261 = tpu.memref_slice %arg5[%add3A_257] : memref<327680xi32, #tpu.memory_space<hbm>> -> memref<128xi32, #tpu.memory_space<hbm>>
          tpu.enqueue_dma source(%dma_start3A_261 : memref<128xi32, #tpu.memory_space<hbm>>) target(%arg18 : memref<128xi32, #tpu.memory_space<vmem>>) target_semaphore(%arg33 : memref<!tpu.dma_semaphore, #tpu.memory_space<semaphore_mem>>)
        } else {
        }
        %mul3A_211 = arith.constant 6 : i32
        %mul3A_212 = arith.muli %scan3A_126, %mul3A_211 : i32
        %add3A_213 = arith.constant 4 : i32
        %add3A_214 = arith.addi %mul3A_212, %add3A_213 : i32
        %dma_wait3A_215 = arith.constant 0 : i32
        %dma_wait3A_216 = arith.constant 0 : i32
        %dma_wait3A_217 = tpu.memref_slice %arg3[%dma_wait3A_215, %dma_wait3A_216] : memref<10000x128xf32, #tpu.memory_space<hbm>> -> memref<10000x128xf32, #tpu.memory_space<hbm>>
        tpu.wait_indirect_dma semaphore(%arg37 : memref<!tpu.dma_semaphore, #tpu.memory_space<semaphore_mem>>) src(%dma_wait3A_217 : memref<10000x128xf32, #tpu.memory_space<hbm>>) dst(%arg22 : memref<128x128xf32, #tpu.memory_space<vmem>>)
        %add3A_218 = arith.constant 2 : i32
        %add3A_219 = arith.addi %add3A_214, %add3A_218 : i32
        %lt3A_220 = arith.constant 160 : i32
        %lt3A_221 = arith.cmpi slt, %add3A_219, %lt3A_220 : i32
        %convert_element_type3A_222 = arith.extui %lt3A_221 : i1 to i32
        %cond3A_223 = arith.constant 0 : i32
        %cond3A_224 = arith.cmpi ne, %convert_element_type3A_222, %cond3A_223 : i32
        scf.if %cond3A_224 {
          %dma_wait3A_253 = arith.constant 0 : i32
          %dma_wait3A_254 = tpu.memref_slice %arg4[%dma_wait3A_253] : memref<327680xi32, #tpu.memory_space<hbm>> -> memref<128xi32, #tpu.memory_space<hbm>>
          %dma_wait3A_255 = arith.constant 0 : i32
          %dma_wait3A_256 = tpu.memref_slice %arg4[%dma_wait3A_255] : memref<327680xi32, #tpu.memory_space<hbm>> -> memref<128xi32, #tpu.memory_space<hbm>>
          tpu.wait_dma2 semaphore(%arg24 : memref<!tpu.dma_semaphore, #tpu.memory_space<semaphore_mem>>) src(%dma_wait3A_256 : memref<128xi32, #tpu.memory_space<hbm>>) dst(%arg9 : memref<128xi32, #tpu.memory_space<vmem>>)
          %dma_wait3A_257 = arith.constant 0 : i32
          %dma_wait3A_258 = tpu.memref_slice %arg5[%dma_wait3A_257] : memref<327680xi32, #tpu.memory_space<hbm>> -> memref<128xi32, #tpu.memory_space<hbm>>
          %dma_wait3A_259 = arith.constant 0 : i32
          %dma_wait3A_260 = tpu.memref_slice %arg5[%dma_wait3A_259] : memref<327680xi32, #tpu.memory_space<hbm>> -> memref<128xi32, #tpu.memory_space<hbm>>
          tpu.wait_dma2 semaphore(%arg30 : memref<!tpu.dma_semaphore, #tpu.memory_space<semaphore_mem>>) src(%dma_wait3A_260 : memref<128xi32, #tpu.memory_space<hbm>>) dst(%arg15 : memref<128xi32, #tpu.memory_space<vmem>>)
          %dma_start3A_261 = arith.constant 0 : i32
          %dma_start3A_262 = arith.constant 0 : i32
          %dma_start3A_263 = tpu.memref_slice %arg3[%dma_start3A_261, %dma_start3A_262] : memref<10000x128xf32, #tpu.memory_space<hbm>> -> memref<10000x128xf32, #tpu.memory_space<hbm>>
          tpu.enqueue_indirect_dma source(%dma_start3A_263 : memref<10000x128xf32, #tpu.memory_space<hbm>>) target(%arg21 : memref<128x128xf32, #tpu.memory_space<vmem>>) offsets(%arg9 : memref<128xi32, #tpu.memory_space<vmem>>) semaphore(%arg36 : memref<!tpu.dma_semaphore, #tpu.memory_space<semaphore_mem>>)
        } else {
        }
        "tpu.region"() ({
          %run_scoped3A = tpu.sem_alloc : memref<!tpu.dma_semaphore, #tpu.memory_space<semaphore_mem>>
          %dma_start3A_253 = arith.constant 0 : i32
          %dma_start3A_254 = arith.constant 0 : i32
          %dma_start3A_255 = tpu.memref_slice %arg8[%dma_start3A_253, %dma_start3A_254] : memref<10016x128xf32, #tpu.memory_space<vmem_shared>> -> memref<10016x128xf32, #tpu.memory_space<vmem_shared>>
          tpu.enqueue_indirect_dma source(%arg22 : memref<128x128xf32, #tpu.memory_space<vmem>>) target(%dma_start3A_255 : memref<10016x128xf32, #tpu.memory_space<vmem_shared>>) offsets(%arg19 : memref<128xi32, #tpu.memory_space<vmem>>) semaphore(%run_scoped3A : memref<!tpu.dma_semaphore, #tpu.memory_space<semaphore_mem>>) {add = true}
          %dma_wait3A_256 = arith.constant 0 : i32
          %dma_wait3A_257 = arith.constant 0 : i32
          %dma_wait3A_258 = tpu.memref_slice %arg8[%dma_wait3A_256, %dma_wait3A_257] : memref<10016x128xf32, #tpu.memory_space<vmem_shared>> -> memref<10016x128xf32, #tpu.memory_space<vmem_shared>>
          tpu.wait_indirect_dma semaphore(%run_scoped3A : memref<!tpu.dma_semaphore, #tpu.memory_space<semaphore_mem>>) src(%arg22 : memref<128x128xf32, #tpu.memory_space<vmem>>) dst(%dma_wait3A_258 : memref<10016x128xf32, #tpu.memory_space<vmem_shared>>)
          tpu.yield
        }) : () -> ()
        %add3A_225 = arith.constant 6 : i32
        %add3A_226 = arith.addi %add3A_214, %add3A_225 : i32
        %lt3A_227 = arith.constant 160 : i32
        %lt3A_228 = arith.cmpi slt, %add3A_226, %lt3A_227 : i32
        %convert_element_type3A_229 = arith.extui %lt3A_228 : i1 to i32
        %cond3A_230 = arith.constant 0 : i32
        %cond3A_231 = arith.cmpi ne, %convert_element_type3A_229, %cond3A_230 : i32
        scf.if %cond3A_231 {
          %add3A_253 = arith.constant 6 : i32
          %add3A_254 = arith.addi %add3A_214, %add3A_253 : i32
          %mul3A_255 = arith.constant 128 : i32
          %mul3A_256 = arith.muli %add3A_254, %mul3A_255 : i32
          %add3A_257 = arith.addi %mul3A_8, %mul3A_256 : i32
          %dma_start3A_258 = tpu.memref_slice %arg4[%add3A_257] : memref<327680xi32, #tpu.memory_space<hbm>> -> memref<128xi32, #tpu.memory_space<hbm>>
          %dma_start3A_259 = tpu.memref_slice %arg4[%add3A_257] : memref<327680xi32, #tpu.memory_space<hbm>> -> memref<128xi32, #tpu.memory_space<hbm>>
          tpu.enqueue_dma source(%dma_start3A_259 : memref<128xi32, #tpu.memory_space<hbm>>) target(%arg13 : memref<128xi32, #tpu.memory_space<vmem>>) target_semaphore(%arg28 : memref<!tpu.dma_semaphore, #tpu.memory_space<semaphore_mem>>)
          %dma_start3A_260 = tpu.memref_slice %arg5[%add3A_257] : memref<327680xi32, #tpu.memory_space<hbm>> -> memref<128xi32, #tpu.memory_space<hbm>>
          %dma_start3A_261 = tpu.memref_slice %arg5[%add3A_257] : memref<327680xi32, #tpu.memory_space<hbm>> -> memref<128xi32, #tpu.memory_space<hbm>>
          tpu.enqueue_dma source(%dma_start3A_261 : memref<128xi32, #tpu.memory_space<hbm>>) target(%arg19 : memref<128xi32, #tpu.memory_space<vmem>>) target_semaphore(%arg34 : memref<!tpu.dma_semaphore, #tpu.memory_space<semaphore_mem>>)
        } else {
        }
        %mul3A_232 = arith.constant 6 : i32
        %mul3A_233 = arith.muli %scan3A_126, %mul3A_232 : i32
        %add3A_234 = arith.constant 5 : i32
        %add3A_235 = arith.addi %mul3A_233, %add3A_234 : i32
        %dma_wait3A_236 = arith.constant 0 : i32
        %dma_wait3A_237 = arith.constant 0 : i32
        %dma_wait3A_238 = tpu.memref_slice %arg3[%dma_wait3A_236, %dma_wait3A_237] : memref<10000x128xf32, #tpu.memory_space<hbm>> -> memref<10000x128xf32, #tpu.memory_space<hbm>>
        tpu.wait_indirect_dma semaphore(%arg38 : memref<!tpu.dma_semaphore, #tpu.memory_space<semaphore_mem>>) src(%dma_wait3A_238 : memref<10000x128xf32, #tpu.memory_space<hbm>>) dst(%arg23 : memref<128x128xf32, #tpu.memory_space<vmem>>)
        %add3A_239 = arith.constant 2 : i32
        %add3A_240 = arith.addi %add3A_235, %add3A_239 : i32
        %lt3A_241 = arith.constant 160 : i32
        %lt3A_242 = arith.cmpi slt, %add3A_240, %lt3A_241 : i32
        %convert_element_type3A_243 = arith.extui %lt3A_242 : i1 to i32
        %cond3A_244 = arith.constant 0 : i32
        %cond3A_245 = arith.cmpi ne, %convert_element_type3A_243, %cond3A_244 : i32
        scf.if %cond3A_245 {
          %dma_wait3A_253 = arith.constant 0 : i32
          %dma_wait3A_254 = tpu.memref_slice %arg4[%dma_wait3A_253] : memref<327680xi32, #tpu.memory_space<hbm>> -> memref<128xi32, #tpu.memory_space<hbm>>
          %dma_wait3A_255 = arith.constant 0 : i32
          %dma_wait3A_256 = tpu.memref_slice %arg4[%dma_wait3A_255] : memref<327680xi32, #tpu.memory_space<hbm>> -> memref<128xi32, #tpu.memory_space<hbm>>
          tpu.wait_dma2 semaphore(%arg25 : memref<!tpu.dma_semaphore, #tpu.memory_space<semaphore_mem>>) src(%dma_wait3A_256 : memref<128xi32, #tpu.memory_space<hbm>>) dst(%arg10 : memref<128xi32, #tpu.memory_space<vmem>>)
          %dma_wait3A_257 = arith.constant 0 : i32
          %dma_wait3A_258 = tpu.memref_slice %arg5[%dma_wait3A_257] : memref<327680xi32, #tpu.memory_space<hbm>> -> memref<128xi32, #tpu.memory_space<hbm>>
          %dma_wait3A_259 = arith.constant 0 : i32
          %dma_wait3A_260 = tpu.memref_slice %arg5[%dma_wait3A_259] : memref<327680xi32, #tpu.memory_space<hbm>> -> memref<128xi32, #tpu.memory_space<hbm>>
          tpu.wait_dma2 semaphore(%arg31 : memref<!tpu.dma_semaphore, #tpu.memory_space<semaphore_mem>>) src(%dma_wait3A_260 : memref<128xi32, #tpu.memory_space<hbm>>) dst(%arg16 : memref<128xi32, #tpu.memory_space<vmem>>)
          %dma_start3A_261 = arith.constant 0 : i32
          %dma_start3A_262 = arith.constant 0 : i32
          %dma_start3A_263 = tpu.memref_slice %arg3[%dma_start3A_261, %dma_start3A_262] : memref<10000x128xf32, #tpu.memory_space<hbm>> -> memref<10000x128xf32, #tpu.memory_space<hbm>>
          tpu.enqueue_indirect_dma source(%dma_start3A_263 : memref<10000x128xf32, #tpu.memory_space<hbm>>) target(%arg22 : memref<128x128xf32, #tpu.memory_space<vmem>>) offsets(%arg10 : memref<128xi32, #tpu.memory_space<vmem>>) semaphore(%arg37 : memref<!tpu.dma_semaphore, #tpu.memory_space<semaphore_mem>>)
        } else {
        }
        "tpu.region"() ({
          %run_scoped3A = tpu.sem_alloc : memref<!tpu.dma_semaphore, #tpu.memory_space<semaphore_mem>>
          %dma_start3A_253 = arith.constant 0 : i32
          %dma_start3A_254 = arith.constant 0 : i32
          %dma_start3A_255 = tpu.memref_slice %arg8[%dma_start3A_253, %dma_start3A_254] : memref<10016x128xf32, #tpu.memory_space<vmem_shared>> -> memref<10016x128xf32, #tpu.memory_space<vmem_shared>>
          tpu.enqueue_indirect_dma source(%arg23 : memref<128x128xf32, #tpu.memory_space<vmem>>) target(%dma_start3A_255 : memref<10016x128xf32, #tpu.memory_space<vmem_shared>>) offsets(%arg20 : memref<128xi32, #tpu.memory_space<vmem>>) semaphore(%run_scoped3A : memref<!tpu.dma_semaphore, #tpu.memory_space<semaphore_mem>>) {add = true}
          %dma_wait3A_256 = arith.constant 0 : i32
          %dma_wait3A_257 = arith.constant 0 : i32
          %dma_wait3A_258 = tpu.memref_slice %arg8[%dma_wait3A_256, %dma_wait3A_257] : memref<10016x128xf32, #tpu.memory_space<vmem_shared>> -> memref<10016x128xf32, #tpu.memory_space<vmem_shared>>
          tpu.wait_indirect_dma semaphore(%run_scoped3A : memref<!tpu.dma_semaphore, #tpu.memory_space<semaphore_mem>>) src(%arg23 : memref<128x128xf32, #tpu.memory_space<vmem>>) dst(%dma_wait3A_258 : memref<10016x128xf32, #tpu.memory_space<vmem_shared>>)
          tpu.yield
        }) : () -> ()
        %add3A_246 = arith.constant 6 : i32
        %add3A_247 = arith.addi %add3A_235, %add3A_246 : i32
        %lt3A_248 = arith.constant 160 : i32
        %lt3A_249 = arith.cmpi slt, %add3A_247, %lt3A_248 : i32
        %convert_element_type3A_250 = arith.extui %lt3A_249 : i1 to i32
        %cond3A_251 = arith.constant 0 : i32
        %cond3A_252 = arith.cmpi ne, %convert_element_type3A_250, %cond3A_251 : i32
        scf.if %cond3A_252 {
          %add3A_253 = arith.constant 6 : i32
          %add3A_254 = arith.addi %add3A_235, %add3A_253 : i32
          %mul3A_255 = arith.constant 128 : i32
          %mul3A_256 = arith.muli %add3A_254, %mul3A_255 : i32
          %add3A_257 = arith.addi %mul3A_8, %mul3A_256 : i32
          %dma_start3A_258 = tpu.memref_slice %arg4[%add3A_257] : memref<327680xi32, #tpu.memory_space<hbm>> -> memref<128xi32, #tpu.memory_space<hbm>>
          %dma_start3A_259 = tpu.memref_slice %arg4[%add3A_257] : memref<327680xi32, #tpu.memory_space<hbm>> -> memref<128xi32, #tpu.memory_space<hbm>>
          tpu.enqueue_dma source(%dma_start3A_259 : memref<128xi32, #tpu.memory_space<hbm>>) target(%arg14 : memref<128xi32, #tpu.memory_space<vmem>>) target_semaphore(%arg29 : memref<!tpu.dma_semaphore, #tpu.memory_space<semaphore_mem>>)
          %dma_start3A_260 = tpu.memref_slice %arg5[%add3A_257] : memref<327680xi32, #tpu.memory_space<hbm>> -> memref<128xi32, #tpu.memory_space<hbm>>
          %dma_start3A_261 = tpu.memref_slice %arg5[%add3A_257] : memref<327680xi32, #tpu.memory_space<hbm>> -> memref<128xi32, #tpu.memory_space<hbm>>
          tpu.enqueue_dma source(%dma_start3A_261 : memref<128xi32, #tpu.memory_space<hbm>>) target(%arg20 : memref<128xi32, #tpu.memory_space<vmem>>) target_semaphore(%arg35 : memref<!tpu.dma_semaphore, #tpu.memory_space<semaphore_mem>>)
        } else {
        }
      }
      %scan3A_91 = arith.constant 26 : i32
      %dma_wait3A_92 = arith.constant 0 : i32
      %dma_wait3A_93 = arith.constant 0 : i32
      %dma_wait3A_94 = tpu.memref_slice %arg3[%dma_wait3A_92, %dma_wait3A_93] : memref<10000x128xf32, #tpu.memory_space<hbm>> -> memref<10000x128xf32, #tpu.memory_space<hbm>>
      tpu.wait_indirect_dma semaphore(%arg36 : memref<!tpu.dma_semaphore, #tpu.memory_space<semaphore_mem>>) src(%dma_wait3A_94 : memref<10000x128xf32, #tpu.memory_space<hbm>>) dst(%arg21 : memref<128x128xf32, #tpu.memory_space<vmem>>)
      %dma_wait3A_95 = arith.constant 0 : i32
      %dma_wait3A_96 = tpu.memref_slice %arg4[%dma_wait3A_95] : memref<327680xi32, #tpu.memory_space<hbm>> -> memref<128xi32, #tpu.memory_space<hbm>>
      %dma_wait3A_97 = arith.constant 0 : i32
      %dma_wait3A_98 = tpu.memref_slice %arg4[%dma_wait3A_97] : memref<327680xi32, #tpu.memory_space<hbm>> -> memref<128xi32, #tpu.memory_space<hbm>>
      tpu.wait_dma2 semaphore(%arg26 : memref<!tpu.dma_semaphore, #tpu.memory_space<semaphore_mem>>) src(%dma_wait3A_98 : memref<128xi32, #tpu.memory_space<hbm>>) dst(%arg11 : memref<128xi32, #tpu.memory_space<vmem>>)
      %dma_wait3A_99 = arith.constant 0 : i32
      %dma_wait3A_100 = tpu.memref_slice %arg5[%dma_wait3A_99] : memref<327680xi32, #tpu.memory_space<hbm>> -> memref<128xi32, #tpu.memory_space<hbm>>
      %dma_wait3A_101 = arith.constant 0 : i32
      %dma_wait3A_102 = tpu.memref_slice %arg5[%dma_wait3A_101] : memref<327680xi32, #tpu.memory_space<hbm>> -> memref<128xi32, #tpu.memory_space<hbm>>
      tpu.wait_dma2 semaphore(%arg32 : memref<!tpu.dma_semaphore, #tpu.memory_space<semaphore_mem>>) src(%dma_wait3A_102 : memref<128xi32, #tpu.memory_space<hbm>>) dst(%arg17 : memref<128xi32, #tpu.memory_space<vmem>>)
      %dma_start3A_103 = arith.constant 0 : i32
      %dma_start3A_104 = arith.constant 0 : i32
      %dma_start3A_105 = tpu.memref_slice %arg3[%dma_start3A_103, %dma_start3A_104] : memref<10000x128xf32, #tpu.memory_space<hbm>> -> memref<10000x128xf32, #tpu.memory_space<hbm>>
      tpu.enqueue_indirect_dma source(%dma_start3A_105 : memref<10000x128xf32, #tpu.memory_space<hbm>>) target(%arg23 : memref<128x128xf32, #tpu.memory_space<vmem>>) offsets(%arg11 : memref<128xi32, #tpu.memory_space<vmem>>) semaphore(%arg38 : memref<!tpu.dma_semaphore, #tpu.memory_space<semaphore_mem>>)
      "tpu.region"() ({
        %run_scoped3A = tpu.sem_alloc : memref<!tpu.dma_semaphore, #tpu.memory_space<semaphore_mem>>
        %dma_start3A_126 = arith.constant 0 : i32
        %dma_start3A_127 = arith.constant 0 : i32
        %dma_start3A_128 = tpu.memref_slice %arg8[%dma_start3A_126, %dma_start3A_127] : memref<10016x128xf32, #tpu.memory_space<vmem_shared>> -> memref<10016x128xf32, #tpu.memory_space<vmem_shared>>
        tpu.enqueue_indirect_dma source(%arg21 : memref<128x128xf32, #tpu.memory_space<vmem>>) target(%dma_start3A_128 : memref<10016x128xf32, #tpu.memory_space<vmem_shared>>) offsets(%arg15 : memref<128xi32, #tpu.memory_space<vmem>>) semaphore(%run_scoped3A : memref<!tpu.dma_semaphore, #tpu.memory_space<semaphore_mem>>) {add = true}
        %dma_wait3A_129 = arith.constant 0 : i32
        %dma_wait3A_130 = arith.constant 0 : i32
        %dma_wait3A_131 = tpu.memref_slice %arg8[%dma_wait3A_129, %dma_wait3A_130] : memref<10016x128xf32, #tpu.memory_space<vmem_shared>> -> memref<10016x128xf32, #tpu.memory_space<vmem_shared>>
        tpu.wait_indirect_dma semaphore(%run_scoped3A : memref<!tpu.dma_semaphore, #tpu.memory_space<semaphore_mem>>) src(%arg21 : memref<128x128xf32, #tpu.memory_space<vmem>>) dst(%dma_wait3A_131 : memref<10016x128xf32, #tpu.memory_space<vmem_shared>>)
        tpu.yield
      }) : () -> ()
      %dma_wait3A_106 = arith.constant 0 : i32
      %dma_wait3A_107 = arith.constant 0 : i32
      %dma_wait3A_108 = tpu.memref_slice %arg3[%dma_wait3A_106, %dma_wait3A_107] : memref<10000x128xf32, #tpu.memory_space<hbm>> -> memref<10000x128xf32, #tpu.memory_space<hbm>>
      tpu.wait_indirect_dma semaphore(%arg37 : memref<!tpu.dma_semaphore, #tpu.memory_space<semaphore_mem>>) src(%dma_wait3A_108 : memref<10000x128xf32, #tpu.memory_space<hbm>>) dst(%arg22 : memref<128x128xf32, #tpu.memory_space<vmem>>)
      %dma_wait3A_109 = arith.constant 0 : i32
      %dma_wait3A_110 = tpu.memref_slice %arg4[%dma_wait3A_109] : memref<327680xi32, #tpu.memory_space<hbm>> -> memref<128xi32, #tpu.memory_space<hbm>>
      %dma_wait3A_111 = arith.constant 0 : i32
      %dma_wait3A_112 = tpu.memref_slice %arg4[%dma_wait3A_111] : memref<327680xi32, #tpu.memory_space<hbm>> -> memref<128xi32, #tpu.memory_space<hbm>>
      tpu.wait_dma2 semaphore(%arg27 : memref<!tpu.dma_semaphore, #tpu.memory_space<semaphore_mem>>) src(%dma_wait3A_112 : memref<128xi32, #tpu.memory_space<hbm>>) dst(%arg12 : memref<128xi32, #tpu.memory_space<vmem>>)
      %dma_wait3A_113 = arith.constant 0 : i32
      %dma_wait3A_114 = tpu.memref_slice %arg5[%dma_wait3A_113] : memref<327680xi32, #tpu.memory_space<hbm>> -> memref<128xi32, #tpu.memory_space<hbm>>
      %dma_wait3A_115 = arith.constant 0 : i32
      %dma_wait3A_116 = tpu.memref_slice %arg5[%dma_wait3A_115] : memref<327680xi32, #tpu.memory_space<hbm>> -> memref<128xi32, #tpu.memory_space<hbm>>
      tpu.wait_dma2 semaphore(%arg33 : memref<!tpu.dma_semaphore, #tpu.memory_space<semaphore_mem>>) src(%dma_wait3A_116 : memref<128xi32, #tpu.memory_space<hbm>>) dst(%arg18 : memref<128xi32, #tpu.memory_space<vmem>>)
      %dma_start3A_117 = arith.constant 0 : i32
      %dma_start3A_118 = arith.constant 0 : i32
      %dma_start3A_119 = tpu.memref_slice %arg3[%dma_start3A_117, %dma_start3A_118] : memref<10000x128xf32, #tpu.memory_space<hbm>> -> memref<10000x128xf32, #tpu.memory_space<hbm>>
      tpu.enqueue_indirect_dma source(%dma_start3A_119 : memref<10000x128xf32, #tpu.memory_space<hbm>>) target(%arg21 : memref<128x128xf32, #tpu.memory_space<vmem>>) offsets(%arg12 : memref<128xi32, #tpu.memory_space<vmem>>) semaphore(%arg36 : memref<!tpu.dma_semaphore, #tpu.memory_space<semaphore_mem>>)
      "tpu.region"() ({
        %run_scoped3A = tpu.sem_alloc : memref<!tpu.dma_semaphore, #tpu.memory_space<semaphore_mem>>
        %dma_start3A_126 = arith.constant 0 : i32
        %dma_start3A_127 = arith.constant 0 : i32
        %dma_start3A_128 = tpu.memref_slice %arg8[%dma_start3A_126, %dma_start3A_127] : memref<10016x128xf32, #tpu.memory_space<vmem_shared>> -> memref<10016x128xf32, #tpu.memory_space<vmem_shared>>
        tpu.enqueue_indirect_dma source(%arg22 : memref<128x128xf32, #tpu.memory_space<vmem>>) target(%dma_start3A_128 : memref<10016x128xf32, #tpu.memory_space<vmem_shared>>) offsets(%arg16 : memref<128xi32, #tpu.memory_space<vmem>>) semaphore(%run_scoped3A : memref<!tpu.dma_semaphore, #tpu.memory_space<semaphore_mem>>) {add = true}
        %dma_wait3A_129 = arith.constant 0 : i32
        %dma_wait3A_130 = arith.constant 0 : i32
        %dma_wait3A_131 = tpu.memref_slice %arg8[%dma_wait3A_129, %dma_wait3A_130] : memref<10016x128xf32, #tpu.memory_space<vmem_shared>> -> memref<10016x128xf32, #tpu.memory_space<vmem_shared>>
        tpu.wait_indirect_dma semaphore(%run_scoped3A : memref<!tpu.dma_semaphore, #tpu.memory_space<semaphore_mem>>) src(%arg22 : memref<128x128xf32, #tpu.memory_space<vmem>>) dst(%dma_wait3A_131 : memref<10016x128xf32, #tpu.memory_space<vmem_shared>>)
        tpu.yield
      }) : () -> ()
      %dma_wait3A_120 = arith.constant 0 : i32
      %dma_wait3A_121 = arith.constant 0 : i32
      %dma_wait3A_122 = tpu.memref_slice %arg3[%dma_wait3A_120, %dma_wait3A_121] : memref<10000x128xf32, #tpu.memory_space<hbm>> -> memref<10000x128xf32, #tpu.memory_space<hbm>>
      tpu.wait_indirect_dma semaphore(%arg38 : memref<!tpu.dma_semaphore, #tpu.memory_space<semaphore_mem>>) src(%dma_wait3A_122 : memref<10000x128xf32, #tpu.memory_space<hbm>>) dst(%arg23 : memref<128x128xf32, #tpu.memory_space<vmem>>)
      "tpu.region"() ({
        %run_scoped3A = tpu.sem_alloc : memref<!tpu.dma_semaphore, #tpu.memory_space<semaphore_mem>>
        %dma_start3A_126 = arith.constant 0 : i32
        %dma_start3A_127 = arith.constant 0 : i32
        %dma_start3A_128 = tpu.memref_slice %arg8[%dma_start3A_126, %dma_start3A_127] : memref<10016x128xf32, #tpu.memory_space<vmem_shared>> -> memref<10016x128xf32, #tpu.memory_space<vmem_shared>>
        tpu.enqueue_indirect_dma source(%arg23 : memref<128x128xf32, #tpu.memory_space<vmem>>) target(%dma_start3A_128 : memref<10016x128xf32, #tpu.memory_space<vmem_shared>>) offsets(%arg17 : memref<128xi32, #tpu.memory_space<vmem>>) semaphore(%run_scoped3A : memref<!tpu.dma_semaphore, #tpu.memory_space<semaphore_mem>>) {add = true}
        %dma_wait3A_129 = arith.constant 0 : i32
        %dma_wait3A_130 = arith.constant 0 : i32
        %dma_wait3A_131 = tpu.memref_slice %arg8[%dma_wait3A_129, %dma_wait3A_130] : memref<10016x128xf32, #tpu.memory_space<vmem_shared>> -> memref<10016x128xf32, #tpu.memory_space<vmem_shared>>
        tpu.wait_indirect_dma semaphore(%run_scoped3A : memref<!tpu.dma_semaphore, #tpu.memory_space<semaphore_mem>>) src(%arg23 : memref<128x128xf32, #tpu.memory_space<vmem>>) dst(%dma_wait3A_131 : memref<10016x128xf32, #tpu.memory_space<vmem_shared>>)
        tpu.yield
      }) : () -> ()
      %dma_wait3A_123 = arith.constant 0 : i32
      %dma_wait3A_124 = arith.constant 0 : i32
      %dma_wait3A_125 = tpu.memref_slice %arg3[%dma_wait3A_123, %dma_wait3A_124] : memref<10000x128xf32, #tpu.memory_space<hbm>> -> memref<10000x128xf32, #tpu.memory_space<hbm>>
      tpu.wait_indirect_dma semaphore(%arg36 : memref<!tpu.dma_semaphore, #tpu.memory_space<semaphore_mem>>) src(%dma_wait3A_125 : memref<10000x128xf32, #tpu.memory_space<hbm>>) dst(%arg21 : memref<128x128xf32, #tpu.memory_space<vmem>>)
      "tpu.region"() ({
        %run_scoped3A = tpu.sem_alloc : memref<!tpu.dma_semaphore, #tpu.memory_space<semaphore_mem>>
        %dma_start3A_126 = arith.constant 0 : i32
        %dma_start3A_127 = arith.constant 0 : i32
        %dma_start3A_128 = tpu.memref_slice %arg8[%dma_start3A_126, %dma_start3A_127] : memref<10016x128xf32, #tpu.memory_space<vmem_shared>> -> memref<10016x128xf32, #tpu.memory_space<vmem_shared>>
        tpu.enqueue_indirect_dma source(%arg21 : memref<128x128xf32, #tpu.memory_space<vmem>>) target(%dma_start3A_128 : memref<10016x128xf32, #tpu.memory_space<vmem_shared>>) offsets(%arg18 : memref<128xi32, #tpu.memory_space<vmem>>) semaphore(%run_scoped3A : memref<!tpu.dma_semaphore, #tpu.memory_space<semaphore_mem>>) {add = true}
        %dma_wait3A_129 = arith.constant 0 : i32
        %dma_wait3A_130 = arith.constant 0 : i32
        %dma_wait3A_131 = tpu.memref_slice %arg8[%dma_wait3A_129, %dma_wait3A_130] : memref<10016x128xf32, #tpu.memory_space<vmem_shared>> -> memref<10016x128xf32, #tpu.memory_space<vmem_shared>>
        tpu.wait_indirect_dma semaphore(%run_scoped3A : memref<!tpu.dma_semaphore, #tpu.memory_space<semaphore_mem>>) src(%arg21 : memref<128x128xf32, #tpu.memory_space<vmem>>) dst(%dma_wait3A_131 : memref<10016x128xf32, #tpu.memory_space<vmem_shared>>)
        tpu.yield
      }) : () -> ()
    } else {
    }
    %barrier3A_19 = arith.constant 0 : index
    tpu.barrier barrier_id(%barrier3A_19)
    %mul3A_20 = arith.constant 624 : i32
    %mul3A_21 = arith.muli %arg1, %mul3A_20 : i32
    %lt3A_22 = arith.constant 15 : i32
    %lt3A_23 = arith.cmpi slt, %arg1, %lt3A_22 : i32
    %convert_element_type3A_24 = arith.extui %lt3A_23 : i1 to i32
    %cond3A_25 = arith.constant 0 : i32
    %cond3A_26 = arith.cmpi ne, %convert_element_type3A_24, %cond3A_25 : i32
    scf.if %cond3A_26 {
      %mul3A_32 = arith.constant 10000 : i32
      %mul3A_33 = arith.muli %arg0, %mul3A_32 : i32
      %add3A = arith.addi %mul3A_33, %mul3A_21 : i32
      "tpu.region"() ({
        %run_scoped3A = tpu.sem_alloc : memref<!tpu.dma_semaphore, #tpu.memory_space<semaphore_mem>>
        %dma_start3A = arith.constant 0 : i32
        %dma_start3A_34 = tpu.memref_slice %arg7[%add3A, %dma_start3A] : memref<20000x128xf32, #tpu.memory_space<hbm>> -> memref<624x128xf32, #tpu.memory_space<hbm>>
        %dma_start3A_35 = arith.constant 0 : i32
        %dma_start3A_36 = tpu.memref_slice %arg8[%mul3A_21, %dma_start3A_35] : memref<10016x128xf32, #tpu.memory_space<vmem_shared>> -> memref<624x128xf32, #tpu.memory_space<vmem_shared>>
        tpu.enqueue_dma source(%dma_start3A_36 : memref<624x128xf32, #tpu.memory_space<vmem_shared>>) target(%dma_start3A_34 : memref<624x128xf32, #tpu.memory_space<hbm>>) target_semaphore(%run_scoped3A : memref<!tpu.dma_semaphore, #tpu.memory_space<semaphore_mem>>)
        %dma_wait3A = arith.constant 0 : i32
        %dma_wait3A_37 = tpu.memref_slice %arg7[%add3A, %dma_wait3A] : memref<20000x128xf32, #tpu.memory_space<hbm>> -> memref<624x128xf32, #tpu.memory_space<hbm>>
        %dma_wait3A_38 = arith.constant 0 : i32
        %dma_wait3A_39 = tpu.memref_slice %arg8[%mul3A_21, %dma_wait3A_38] : memref<10016x128xf32, #tpu.memory_space<vmem_shared>> -> memref<624x128xf32, #tpu.memory_space<vmem_shared>>
        tpu.wait_dma2 semaphore(%run_scoped3A : memref<!tpu.dma_semaphore, #tpu.memory_space<semaphore_mem>>) src(%dma_wait3A_39 : memref<624x128xf32, #tpu.memory_space<vmem_shared>>) dst(%dma_wait3A_37 : memref<624x128xf32, #tpu.memory_space<hbm>>)
        tpu.yield
      }) : () -> ()
    } else {
    }
    %eq3A_27 = arith.constant 15 : i32
    %eq3A_28 = arith.cmpi eq, %arg1, %eq3A_27 : i32
    %convert_element_type3A_29 = arith.extui %eq3A_28 : i1 to i32
    %cond3A_30 = arith.constant 0 : i32
    %cond3A_31 = arith.cmpi ne, %convert_element_type3A_29, %cond3A_30 : i32
    scf.if %cond3A_31 {
      %mul3A_32 = arith.constant 10000 : i32
      %mul3A_33 = arith.muli %arg0, %mul3A_32 : i32
      %add3A = arith.constant 9360 : i32
      %add3A_34 = arith.addi %mul3A_33, %add3A : i32
      "tpu.region"() ({
        %run_scoped3A = tpu.sem_alloc : memref<!tpu.dma_semaphore, #tpu.memory_space<semaphore_mem>>
        %dma_start3A = arith.constant 0 : i32
        %dma_start3A_35 = tpu.memref_slice %arg7[%add3A_34, %dma_start3A] : memref<20000x128xf32, #tpu.memory_space<hbm>> -> memref<640x128xf32, #tpu.memory_space<hbm>>
        %dma_start3A_36 = arith.constant 9360 : i32
        %dma_start3A_37 = arith.constant 0 : i32
        %dma_start3A_38 = tpu.memref_slice %arg8[%dma_start3A_36, %dma_start3A_37] : memref<10016x128xf32, #tpu.memory_space<vmem_shared>> -> memref<640x128xf32, #tpu.memory_space<vmem_shared>>
        tpu.enqueue_dma source(%dma_start3A_38 : memref<640x128xf32, #tpu.memory_space<vmem_shared>>) target(%dma_start3A_35 : memref<640x128xf32, #tpu.memory_space<hbm>>) target_semaphore(%run_scoped3A : memref<!tpu.dma_semaphore, #tpu.memory_space<semaphore_mem>>)
        %dma_wait3A = arith.constant 0 : i32
        %dma_wait3A_39 = tpu.memref_slice %arg7[%add3A_34, %dma_wait3A] : memref<20000x128xf32, #tpu.memory_space<hbm>> -> memref<640x128xf32, #tpu.memory_space<hbm>>
        %dma_wait3A_40 = arith.constant 9360 : i32
        %dma_wait3A_41 = arith.constant 0 : i32
        %dma_wait3A_42 = tpu.memref_slice %arg8[%dma_wait3A_40, %dma_wait3A_41] : memref<10016x128xf32, #tpu.memory_space<vmem_shared>> -> memref<640x128xf32, #tpu.memory_space<vmem_shared>>
        tpu.wait_dma2 semaphore(%run_scoped3A : memref<!tpu.dma_semaphore, #tpu.memory_space<semaphore_mem>>) src(%dma_wait3A_42 : memref<640x128xf32, #tpu.memory_space<vmem_shared>>) dst(%dma_wait3A_39 : memref<640x128xf32, #tpu.memory_space<hbm>>)
        tpu.yield
      }) : () -> ()
    } else {
    }
    return
  }
}

module attributes {stable_mosaic.version = 14 : i64} {
  func.func @body(%arg0: i32, %arg1: i32, %arg2: memref<2x2000x128xf32, #tpu.memory_space<vmem>>, %arg3: memref<2000x128xf32, #tpu.memory_space<vmem>>, %arg4: memref<128x256xf32, #tpu.memory_space<vmem>>, %arg5: memref<128x256xf32, #tpu.memory_space<vmem>>, %arg6: memref<1x256xf32, #tpu.memory_space<vmem>>, %arg7: memref<1x256xf32, #tpu.memory_space<vmem>>, %arg8: memref<1x256xf32, #tpu.memory_space<vmem>>, %arg9: memref<2000x128xf32, #tpu.memory_space<vmem>>, %arg10: memref<2000x128xf32, #tpu.memory_space<vmem>>, %arg11: memref<10000x256xf32, #tpu.memory_space<vmem>>, %arg12: memref<1x256xf32, #tpu.memory_space<vmem>>, %arg13: memref<1x256xf32, #tpu.memory_space<vmem>>) attributes {dimension_semantics = [#tpu.dimension_semantics<arbitrary>, #tpu.dimension_semantics<arbitrary>], iteration_bounds = array<i64: 2, 5>, scalar_prefetch = 0 : i64, scratch_operands = 3 : i64, tpu.core_type = #tpu.core_type<tc>, window_params = [{transform_indices = @transform_0, window_bounds = array<i64: 2, 2000, 128>}, {transform_indices = @transform_1, window_bounds = array<i64: 2000, 128>}, {pipeline_mode = #tpu.pipeline_mode<synchronous>, transform_indices = @transform_2, window_bounds = array<i64: 128, 256>}, {pipeline_mode = #tpu.pipeline_mode<synchronous>, transform_indices = @transform_3, window_bounds = array<i64: 128, 256>}, {pipeline_mode = #tpu.pipeline_mode<synchronous>, transform_indices = @transform_4, window_bounds = array<i64: 1, 256>}, {pipeline_mode = #tpu.pipeline_mode<synchronous>, transform_indices = @transform_5, window_bounds = array<i64: 1, 256>}, {pipeline_mode = #tpu.pipeline_mode<synchronous>, transform_indices = @transform_6, window_bounds = array<i64: 1, 256>}, {transform_indices = @transform_7, window_bounds = array<i64: 2000, 128>}, {transform_indices = @transform_8, window_bounds = array<i64: 2000, 128>}]} {
    %eq3A = arith.constant 0 : i32
    %eq3A_0 = arith.cmpi eq, %arg0, %eq3A : i32
    %convert_element_type3A = arith.extui %eq3A_0 : i1 to i32
    %cond3A = arith.constant 0 : i32
    %cond3A_1 = arith.cmpi ne, %convert_element_type3A, %cond3A : i32
    scf.if %cond3A_1 {
      %get3A = arith.constant 0 : index
      %get3A_7 = arith.constant 0 : index
      %get3A_8 = arith.constant 0 : index
      %get3A_9 = vector.load %arg2[%get3A, %get3A_7, %get3A_8] : memref<2x2000x128xf32, #tpu.memory_space<vmem>>, vector<1x2000x128xf32>
      %get3A_10 = vector.shape_cast %get3A_9 : vector<1x2000x128xf32> to vector<2000x128xf32>
      %get3A_11 = arith.constant 1 : index
      %get3A_12 = arith.constant 0 : index
      %get3A_13 = arith.constant 0 : index
      %get3A_14 = vector.load %arg2[%get3A_11, %get3A_12, %get3A_13] : memref<2x2000x128xf32, #tpu.memory_space<vmem>>, vector<1x2000x128xf32>
      %get3A_15 = vector.shape_cast %get3A_14 : vector<1x2000x128xf32> to vector<2000x128xf32>
      %add3A = arith.addf %get3A_10, %get3A_15 : vector<2000x128xf32>
      %get3A_16 = arith.constant 0 : index
      %get3A_17 = arith.constant 0 : index
      %get3A_18 = vector.load %arg4[%get3A_16, %get3A_17] : memref<128x256xf32, #tpu.memory_space<vmem>>, vector<128x256xf32>
      %dot_general3A = arith.constant dense<0.000000e+00> : vector<2000x256xf32>
      %dot_general3A_19 = tpu.matmul %add3A, %get3A_18, %dot_general3A {dimension_numbers = #tpu.dot_dimension_numbers<[1], [0], [0], [1], [0, 0, 1, 1], [], []>, transpose_lhs_hint = false} : vector<2000x128xf32>, vector<128x256xf32>, vector<2000x256xf32> -> vector<2000x256xf32>
      %get3A_20 = arith.constant 0 : index
      %get3A_21 = arith.constant 0 : index
      %get3A_22 = vector.load %arg3[%get3A_20, %get3A_21] : memref<2000x128xf32, #tpu.memory_space<vmem>>, vector<2000x128xf32>
      %get3A_23 = arith.constant 0 : index
      %get3A_24 = arith.constant 0 : index
      %get3A_25 = vector.load %arg5[%get3A_23, %get3A_24] : memref<128x256xf32, #tpu.memory_space<vmem>>, vector<128x256xf32>
      %dot_general3A_26 = arith.constant dense<0.000000e+00> : vector<2000x256xf32>
      %dot_general3A_27 = tpu.matmul %get3A_22, %get3A_25, %dot_general3A_26 {dimension_numbers = #tpu.dot_dimension_numbers<[1], [0], [0], [1], [0, 0, 1, 1], [], []>, transpose_lhs_hint = false} : vector<2000x128xf32>, vector<128x256xf32>, vector<2000x256xf32> -> vector<2000x256xf32>
      %add3A_28 = arith.addf %dot_general3A_19, %dot_general3A_27 : vector<2000x256xf32>
      %get3A_29 = arith.constant 0 : index
      %get3A_30 = arith.constant 0 : index
      %get3A_31 = vector.load %arg6[%get3A_29, %get3A_30] : memref<1x256xf32, #tpu.memory_space<vmem>>, vector<1x256xf32>
      %add3A_32 = vector.broadcast %get3A_31 : vector<1x256xf32> to vector<2000x256xf32>
      %add3A_33 = arith.addf %add3A_28, %add3A_32 : vector<2000x256xf32>
      %mul3A = arith.constant 2000 : i32
      %mul3A_34 = arith.muli %arg1, %mul3A : i32
      %swap3A = arith.index_cast %mul3A_34 : i32 to index
      %swap3A_35 = arith.constant 0 : index
      %swap3A_36 = vector.load %arg11[%swap3A, %swap3A_35] : memref<10000x256xf32, #tpu.memory_space<vmem>>, vector<2000x256xf32>
      tpu.vector_store %arg11[%swap3A, %swap3A_35], %add3A_33 {strides = array<i32>} : memref<10000x256xf32, #tpu.memory_space<vmem>>, vector<2000x256xf32>,
      %eq3A_37 = arith.constant 0 : i32
      %eq3A_38 = arith.cmpi eq, %arg1, %eq3A_37 : i32
      %convert_element_type3A_39 = arith.extui %eq3A_38 : i1 to i32
      %cond3A_40 = arith.constant 0 : i32
      %cond3A_41 = arith.cmpi ne, %convert_element_type3A_39, %cond3A_40 : i32
      scf.if %cond3A_41 {
        %broadcast_in_dim3A_61 = arith.constant 0.000000e+00 : f32
        %broadcast_in_dim3A_62 = vector.broadcast %broadcast_in_dim3A_61 : f32 to vector<1x256xf32>
        %swap3A_63 = arith.constant 0 : index
        %swap3A_64 = arith.constant 0 : index
        %swap3A_65 = vector.load %arg12[%swap3A_63, %swap3A_64] : memref<1x256xf32, #tpu.memory_space<vmem>>, vector<1x256xf32>
        tpu.vector_store %arg12[%swap3A_63, %swap3A_64], %broadcast_in_dim3A_62 {strides = array<i32>} : memref<1x256xf32, #tpu.memory_space<vmem>>, vector<1x256xf32>,
        %broadcast_in_dim3A_66 = arith.constant 0.000000e+00 : f32
        %broadcast_in_dim3A_67 = vector.broadcast %broadcast_in_dim3A_66 : f32 to vector<1x256xf32>
        %swap3A_68 = arith.constant 0 : index
        %swap3A_69 = arith.constant 0 : index
        %swap3A_70 = vector.load %arg13[%swap3A_68, %swap3A_69] : memref<1x256xf32, #tpu.memory_space<vmem>>, vector<1x256xf32>
        tpu.vector_store %arg13[%swap3A_68, %swap3A_69], %broadcast_in_dim3A_67 {strides = array<i32>} : memref<1x256xf32, #tpu.memory_space<vmem>>, vector<1x256xf32>,
      } else {
      }
      %get3A_42 = arith.constant 0 : index
      %get3A_43 = arith.constant 0 : index
      %get3A_44 = vector.load %arg12[%get3A_42, %get3A_43] : memref<1x256xf32, #tpu.memory_space<vmem>>, vector<1x256xf32>
      %reduce_sum3A = arith.constant dense<0.000000e+00> : vector<256xf32>
      %reduce_sum3A_45 = vector.multi_reduction <add>, %add3A_33, %reduce_sum3A [0] : vector<2000x256xf32> to vector<256xf32>
      %broadcast_in_dim3A = vector.shape_cast %reduce_sum3A_45 : vector<256xf32> to vector<1x256xf32>
      %add3A_46 = arith.addf %get3A_44, %broadcast_in_dim3A : vector<1x256xf32>
      %swap3A_47 = arith.constant 0 : index
      %swap3A_48 = arith.constant 0 : index
      %swap3A_49 = vector.load %arg12[%swap3A_47, %swap3A_48] : memref<1x256xf32, #tpu.memory_space<vmem>>, vector<1x256xf32>
      tpu.vector_store %arg12[%swap3A_47, %swap3A_48], %add3A_46 {strides = array<i32>} : memref<1x256xf32, #tpu.memory_space<vmem>>, vector<1x256xf32>,
      %get3A_50 = arith.constant 0 : index
      %get3A_51 = arith.constant 0 : index
      %get3A_52 = vector.load %arg13[%get3A_50, %get3A_51] : memref<1x256xf32, #tpu.memory_space<vmem>>, vector<1x256xf32>
      %mul3A_53 = arith.mulf %add3A_33, %add3A_33 : vector<2000x256xf32>
      %reduce_sum3A_54 = arith.constant dense<0.000000e+00> : vector<256xf32>
      %reduce_sum3A_55 = vector.multi_reduction <add>, %mul3A_53, %reduce_sum3A_54 [0] : vector<2000x256xf32> to vector<256xf32>
      %broadcast_in_dim3A_56 = vector.shape_cast %reduce_sum3A_55 : vector<256xf32> to vector<1x256xf32>
      %add3A_57 = arith.addf %get3A_52, %broadcast_in_dim3A_56 : vector<1x256xf32>
      %swap3A_58 = arith.constant 0 : index
      %swap3A_59 = arith.constant 0 : index
      %swap3A_60 = vector.load %arg13[%swap3A_58, %swap3A_59] : memref<1x256xf32, #tpu.memory_space<vmem>>, vector<1x256xf32>
      tpu.vector_store %arg13[%swap3A_58, %swap3A_59], %add3A_57 {strides = array<i32>} : memref<1x256xf32, #tpu.memory_space<vmem>>, vector<1x256xf32>,
    } else {
    }
    %eq3A_2 = arith.constant 1 : i32
    %eq3A_3 = arith.cmpi eq, %arg0, %eq3A_2 : i32
    %convert_element_type3A_4 = arith.extui %eq3A_3 : i1 to i32
    %cond3A_5 = arith.constant 0 : i32
    %cond3A_6 = arith.cmpi ne, %convert_element_type3A_4, %cond3A_5 : i32
    scf.if %cond3A_6 {
      %get3A = arith.constant 0 : index
      %get3A_7 = arith.constant 0 : index
      %get3A_8 = vector.load %arg12[%get3A, %get3A_7] : memref<1x256xf32, #tpu.memory_space<vmem>>, vector<1x256xf32>
      %mul3A = arith.constant 9.99999974E-5 : f32
      %mul3A_9 = vector.broadcast %mul3A : f32 to vector<1x256xf32>
      %mul3A_10 = arith.mulf %get3A_8, %mul3A_9 : vector<1x256xf32>
      %get3A_11 = arith.constant 0 : index
      %get3A_12 = arith.constant 0 : index
      %get3A_13 = vector.load %arg13[%get3A_11, %get3A_12] : memref<1x256xf32, #tpu.memory_space<vmem>>, vector<1x256xf32>
      %mul3A_14 = arith.constant 9.99999974E-5 : f32
      %mul3A_15 = vector.broadcast %mul3A_14 : f32 to vector<1x256xf32>
      %mul3A_16 = arith.mulf %get3A_13, %mul3A_15 : vector<1x256xf32>
      %mul3A_17 = arith.mulf %mul3A_10, %mul3A_10 : vector<1x256xf32>
      %sub3A = arith.subf %mul3A_16, %mul3A_17 : vector<1x256xf32>
      %add3A = arith.constant 9.99999974E-6 : f32
      %add3A_18 = vector.broadcast %add3A : f32 to vector<1x256xf32>
      %add3A_19 = arith.addf %sub3A, %add3A_18 : vector<1x256xf32>
      %rsqrt3A = math.rsqrt %add3A_19 : vector<1x256xf32>
      %get3A_20 = arith.constant 0 : index
      %get3A_21 = arith.constant 0 : index
      %get3A_22 = vector.load %arg7[%get3A_20, %get3A_21] : memref<1x256xf32, #tpu.memory_space<vmem>>, vector<1x256xf32>
      %mul3A_23 = arith.mulf %rsqrt3A, %get3A_22 : vector<1x256xf32>
      %mul3A_24 = arith.constant 2000 : i32
      %mul3A_25 = arith.muli %arg1, %mul3A_24 : i32
      %get3A_26 = arith.index_cast %mul3A_25 : i32 to index
      %get3A_27 = arith.constant 0 : index
      %get3A_28 = vector.load %arg11[%get3A_26, %get3A_27] : memref<10000x256xf32, #tpu.memory_space<vmem>>, vector<2000x256xf32>
      %sub3A_29 = vector.broadcast %mul3A_10 : vector<1x256xf32> to vector<2000x256xf32>
      %sub3A_30 = arith.subf %get3A_28, %sub3A_29 : vector<2000x256xf32>
      %mul3A_31 = vector.broadcast %mul3A_23 : vector<1x256xf32> to vector<2000x256xf32>
      %mul3A_32 = arith.mulf %sub3A_30, %mul3A_31 : vector<2000x256xf32>
      %get3A_33 = arith.constant 0 : index
      %get3A_34 = arith.constant 0 : index
      %get3A_35 = vector.load %arg8[%get3A_33, %get3A_34] : memref<1x256xf32, #tpu.memory_space<vmem>>, vector<1x256xf32>
      %add3A_36 = vector.broadcast %get3A_35 : vector<1x256xf32> to vector<2000x256xf32>
      %add3A_37 = arith.addf %mul3A_32, %add3A_36 : vector<2000x256xf32>
      %max3A = arith.constant 0.000000e+00 : f32
      %max3A_38 = vector.broadcast %max3A : f32 to vector<2000x256xf32>
      %max3A_39 = arith.maximumf %add3A_37, %max3A_38 : vector<2000x256xf32>
      %slice3A = vector.extract_strided_slice %max3A_39 {offsets = [0, 0], sizes = [2000, 128], strides = [1, 1]} : vector<2000x256xf32> to vector<2000x128xf32>
      %swap3A = arith.constant 0 : index
      %swap3A_40 = arith.constant 0 : index
      %swap3A_41 = vector.load %arg9[%swap3A, %swap3A_40] : memref<2000x128xf32, #tpu.memory_space<vmem>>, vector<2000x128xf32>
      tpu.vector_store %arg9[%swap3A, %swap3A_40], %slice3A {strides = array<i32>} : memref<2000x128xf32, #tpu.memory_space<vmem>>, vector<2000x128xf32>,
      %slice3A_42 = vector.extract_strided_slice %max3A_39 {offsets = [0, 128], sizes = [2000, 128], strides = [1, 1]} : vector<2000x256xf32> to vector<2000x128xf32>
      %swap3A_43 = arith.constant 0 : index
      %swap3A_44 = arith.constant 0 : index
      %swap3A_45 = vector.load %arg10[%swap3A_43, %swap3A_44] : memref<2000x128xf32, #tpu.memory_space<vmem>>, vector<2000x128xf32>
      tpu.vector_store %arg10[%swap3A_43, %swap3A_44], %slice3A_42 {strides = array<i32>} : memref<2000x128xf32, #tpu.memory_space<vmem>>, vector<2000x128xf32>,
    } else {
    }
    return
  }
  func.func @transform_0(%arg0: i32, %arg1: i32) -> (i32, i32, i32) {
    %sub3A = arith.constant 1 : i32
    %sub3A_0 = arith.subi %sub3A, %arg0 : i32
    %mul3A = arith.muli %arg1, %sub3A_0 : i32
    %c0_i32 = arith.constant 0 : i32
    %c0_i32_1 = arith.constant 0 : i32
    %c0_i32_2 = arith.constant 0 : i32
    return %c0_i32, %mul3A, %c0_i32_1 : i32, i32, i32
  }
  func.func @transform_1(%arg0: i32, %arg1: i32) -> (i32, i32) {
    %sub3A = arith.constant 1 : i32
    %sub3A_0 = arith.subi %sub3A, %arg0 : i32
    %mul3A = arith.muli %arg1, %sub3A_0 : i32
    %c0_i32 = arith.constant 0 : i32
    %c0_i32_1 = arith.constant 0 : i32
    return %mul3A, %c0_i32 : i32, i32
  }
  func.func @transform_2(%arg0: i32, %arg1: i32) -> (i32, i32) {
    %c0_i32 = arith.constant 0 : i32
    %c0_i32_0 = arith.constant 0 : i32
    %c0_i32_1 = arith.constant 0 : i32
    return %c0_i32, %c0_i32_0 : i32, i32
  }
  func.func @transform_3(%arg0: i32, %arg1: i32) -> (i32, i32) {
    %c0_i32 = arith.constant 0 : i32
    %c0_i32_0 = arith.constant 0 : i32
    %c0_i32_1 = arith.constant 0 : i32
    return %c0_i32, %c0_i32_0 : i32, i32
  }
  func.func @transform_4(%arg0: i32, %arg1: i32) -> (i32, i32) {
    %c0_i32 = arith.constant 0 : i32
    %c0_i32_0 = arith.constant 0 : i32
    %c0_i32_1 = arith.constant 0 : i32
    return %c0_i32, %c0_i32_0 : i32, i32
  }
  func.func @transform_5(%arg0: i32, %arg1: i32) -> (i32, i32) {
    %c0_i32 = arith.constant 0 : i32
    %c0_i32_0 = arith.constant 0 : i32
    %c0_i32_1 = arith.constant 0 : i32
    return %c0_i32, %c0_i32_0 : i32, i32
  }
  func.func @transform_6(%arg0: i32, %arg1: i32) -> (i32, i32) {
    %c0_i32 = arith.constant 0 : i32
    %c0_i32_0 = arith.constant 0 : i32
    %c0_i32_1 = arith.constant 0 : i32
    return %c0_i32, %c0_i32_0 : i32, i32
  }
  func.func @transform_7(%arg0: i32, %arg1: i32) -> (i32, i32) {
    %c0_i32 = arith.constant 0 : i32
    %c0_i32_0 = arith.constant 0 : i32
    return %arg1, %c0_i32 : i32, i32
  }
  func.func @transform_8(%arg0: i32, %arg1: i32) -> (i32, i32) {
    %c0_i32 = arith.constant 0 : i32
    %c0_i32_0 = arith.constant 0 : i32
    return %arg1, %c0_i32 : i32, i32
  }
}

module attributes {stable_mosaic.version = 14 : i64} {
  func.func @body(%arg0: i32, %arg1: i32, %arg2: memref<2x2000x128xf32, #tpu.memory_space<vmem>>, %arg3: memref<2000x128xf32, #tpu.memory_space<vmem>>, %arg4: memref<2000x128xf32, #tpu.memory_space<vmem>>, %arg5: memref<256x256xf32, #tpu.memory_space<vmem>>, %arg6: memref<256x256xf32, #tpu.memory_space<vmem>>, %arg7: memref<1x256xf32, #tpu.memory_space<vmem>>, %arg8: memref<1x256xf32, #tpu.memory_space<vmem>>, %arg9: memref<1x256xf32, #tpu.memory_space<vmem>>, %arg10: memref<1x1x2000xi32, #tpu.memory_space<vmem>>, %arg11: memref<2000x128xf32, #tpu.memory_space<vmem>>, %arg12: memref<2000x128xf32, #tpu.memory_space<vmem>>, %arg13: memref<64x256xf32, #tpu.memory_space<vmem>>, %arg14: memref<64x1xf32, #tpu.memory_space<vmem>>, %arg15: memref<10000x256xf32, #tpu.memory_space<vmem>>, %arg16: memref<1x256xf32, #tpu.memory_space<vmem>>, %arg17: memref<1x256xf32, #tpu.memory_space<vmem>>, %arg18: memref<64x256xf32, #tpu.memory_space<vmem>>, %arg19: memref<64x1xf32, #tpu.memory_space<vmem>>) attributes {dimension_semantics = [#tpu.dimension_semantics<arbitrary>, #tpu.dimension_semantics<arbitrary>], iteration_bounds = array<i64: 2, 5>, scalar_prefetch = 0 : i64, scratch_operands = 5 : i64, tpu.core_type = #tpu.core_type<tc>, window_params = [{transform_indices = @transform_0, window_bounds = array<i64: 2, 2000, 128>}, {transform_indices = @transform_1, window_bounds = array<i64: 2000, 128>}, {transform_indices = @transform_2, window_bounds = array<i64: 2000, 128>}, {pipeline_mode = #tpu.pipeline_mode<synchronous>, transform_indices = @transform_3, window_bounds = array<i64: 256, 256>}, {pipeline_mode = #tpu.pipeline_mode<synchronous>, transform_indices = @transform_4, window_bounds = array<i64: 256, 256>}, {pipeline_mode = #tpu.pipeline_mode<synchronous>, transform_indices = @transform_5, window_bounds = array<i64: 1, 256>}, {pipeline_mode = #tpu.pipeline_mode<synchronous>, transform_indices = @transform_6, window_bounds = array<i64: 1, 256>}, {pipeline_mode = #tpu.pipeline_mode<synchronous>, transform_indices = @transform_7, window_bounds = array<i64: 1, 256>}, {transform_indices = @transform_8, window_bounds = array<i64: 1, 1, 2000>}, {transform_indices = @transform_9, window_bounds = array<i64: 2000, 128>}, {transform_indices = @transform_10, window_bounds = array<i64: 2000, 128>}, {pipeline_mode = #tpu.pipeline_mode<synchronous>, transform_indices = @transform_11, window_bounds = array<i64: 64, 256>}, {pipeline_mode = #tpu.pipeline_mode<synchronous>, transform_indices = @transform_12, window_bounds = array<i64: 64, 1>}]} {
    %eq3A = arith.constant 0 : i32
    %eq3A_0 = arith.cmpi eq, %arg0, %eq3A : i32
    %convert_element_type3A = arith.extui %eq3A_0 : i1 to i32
    %cond3A = arith.constant 0 : i32
    %cond3A_1 = arith.cmpi ne, %convert_element_type3A, %cond3A : i32
    scf.if %cond3A_1 {
      %get3A = arith.constant 0 : index
      %get3A_7 = arith.constant 0 : index
      %get3A_8 = arith.constant 0 : index
      %get3A_9 = vector.load %arg2[%get3A, %get3A_7, %get3A_8] : memref<2x2000x128xf32, #tpu.memory_space<vmem>>, vector<1x2000x128xf32>
      %get3A_10 = vector.shape_cast %get3A_9 : vector<1x2000x128xf32> to vector<2000x128xf32>
      %get3A_11 = arith.constant 0 : index
      %get3A_12 = arith.constant 0 : index
      %get3A_13 = vector.load %arg5[%get3A_11, %get3A_12] : memref<256x256xf32, #tpu.memory_space<vmem>>, vector<128x256xf32>
      %dot_general3A = arith.constant dense<0.000000e+00> : vector<2000x256xf32>
      %dot_general3A_14 = tpu.matmul %get3A_10, %get3A_13, %dot_general3A {dimension_numbers = #tpu.dot_dimension_numbers<[1], [0], [0], [1], [0, 0, 1, 1], [], []>, transpose_lhs_hint = false} : vector<2000x128xf32>, vector<128x256xf32>, vector<2000x256xf32> -> vector<2000x256xf32>
      %get3A_15 = arith.constant 1 : index
      %get3A_16 = arith.constant 0 : index
      %get3A_17 = arith.constant 0 : index
      %get3A_18 = vector.load %arg2[%get3A_15, %get3A_16, %get3A_17] : memref<2x2000x128xf32, #tpu.memory_space<vmem>>, vector<1x2000x128xf32>
      %get3A_19 = vector.shape_cast %get3A_18 : vector<1x2000x128xf32> to vector<2000x128xf32>
      %get3A_20 = arith.constant 128 : index
      %get3A_21 = arith.constant 0 : index
      %get3A_22 = vector.load %arg5[%get3A_20, %get3A_21] : memref<256x256xf32, #tpu.memory_space<vmem>>, vector<128x256xf32>
      %dot_general3A_23 = arith.constant dense<0.000000e+00> : vector<2000x256xf32>
      %dot_general3A_24 = tpu.matmul %get3A_19, %get3A_22, %dot_general3A_23 {dimension_numbers = #tpu.dot_dimension_numbers<[1], [0], [0], [1], [0, 0, 1, 1], [], []>, transpose_lhs_hint = false} : vector<2000x128xf32>, vector<128x256xf32>, vector<2000x256xf32> -> vector<2000x256xf32>
      %add3A = arith.addf %dot_general3A_14, %dot_general3A_24 : vector<2000x256xf32>
      %get3A_25 = arith.constant 0 : index
      %get3A_26 = arith.constant 0 : index
      %get3A_27 = vector.load %arg3[%get3A_25, %get3A_26] : memref<2000x128xf32, #tpu.memory_space<vmem>>, vector<2000x128xf32>
      %get3A_28 = arith.constant 0 : index
      %get3A_29 = arith.constant 0 : index
      %get3A_30 = vector.load %arg6[%get3A_28, %get3A_29] : memref<256x256xf32, #tpu.memory_space<vmem>>, vector<128x256xf32>
      %dot_general3A_31 = arith.constant dense<0.000000e+00> : vector<2000x256xf32>
      %dot_general3A_32 = tpu.matmul %get3A_27, %get3A_30, %dot_general3A_31 {dimension_numbers = #tpu.dot_dimension_numbers<[1], [0], [0], [1], [0, 0, 1, 1], [], []>, transpose_lhs_hint = false} : vector<2000x128xf32>, vector<128x256xf32>, vector<2000x256xf32> -> vector<2000x256xf32>
      %add3A_33 = arith.addf %add3A, %dot_general3A_32 : vector<2000x256xf32>
      %get3A_34 = arith.constant 0 : index
      %get3A_35 = arith.constant 0 : index
      %get3A_36 = vector.load %arg4[%get3A_34, %get3A_35] : memref<2000x128xf32, #tpu.memory_space<vmem>>, vector<2000x128xf32>
      %get3A_37 = arith.constant 128 : index
      %get3A_38 = arith.constant 0 : index
      %get3A_39 = vector.load %arg6[%get3A_37, %get3A_38] : memref<256x256xf32, #tpu.memory_space<vmem>>, vector<128x256xf32>
      %dot_general3A_40 = arith.constant dense<0.000000e+00> : vector<2000x256xf32>
      %dot_general3A_41 = tpu.matmul %get3A_36, %get3A_39, %dot_general3A_40 {dimension_numbers = #tpu.dot_dimension_numbers<[1], [0], [0], [1], [0, 0, 1, 1], [], []>, transpose_lhs_hint = false} : vector<2000x128xf32>, vector<128x256xf32>, vector<2000x256xf32> -> vector<2000x256xf32>
      %add3A_42 = arith.addf %add3A_33, %dot_general3A_41 : vector<2000x256xf32>
      %get3A_43 = arith.constant 0 : index
      %get3A_44 = arith.constant 0 : index
      %get3A_45 = vector.load %arg7[%get3A_43, %get3A_44] : memref<1x256xf32, #tpu.memory_space<vmem>>, vector<1x256xf32>
      %add3A_46 = vector.broadcast %get3A_45 : vector<1x256xf32> to vector<2000x256xf32>
      %add3A_47 = arith.addf %add3A_42, %add3A_46 : vector<2000x256xf32>
      %mul3A = arith.constant 2000 : i32
      %mul3A_48 = arith.muli %arg1, %mul3A : i32
      %swap3A = arith.index_cast %mul3A_48 : i32 to index
      %swap3A_49 = arith.constant 0 : index
      %swap3A_50 = vector.load %arg15[%swap3A, %swap3A_49] : memref<10000x256xf32, #tpu.memory_space<vmem>>, vector<2000x256xf32>
      tpu.vector_store %arg15[%swap3A, %swap3A_49], %add3A_47 {strides = array<i32>} : memref<10000x256xf32, #tpu.memory_space<vmem>>, vector<2000x256xf32>,
      %eq3A_51 = arith.constant 0 : i32
      %eq3A_52 = arith.cmpi eq, %arg1, %eq3A_51 : i32
      %convert_element_type3A_53 = arith.extui %eq3A_52 : i1 to i32
      %cond3A_54 = arith.constant 0 : i32
      %cond3A_55 = arith.cmpi ne, %convert_element_type3A_53, %cond3A_54 : i32
      scf.if %cond3A_55 {
        %broadcast_in_dim3A_75 = arith.constant 0.000000e+00 : f32
        %broadcast_in_dim3A_76 = vector.broadcast %broadcast_in_dim3A_75 : f32 to vector<1x256xf32>
        %swap3A_77 = arith.constant 0 : index
        %swap3A_78 = arith.constant 0 : index
        %swap3A_79 = vector.load %arg16[%swap3A_77, %swap3A_78] : memref<1x256xf32, #tpu.memory_space<vmem>>, vector<1x256xf32>
        tpu.vector_store %arg16[%swap3A_77, %swap3A_78], %broadcast_in_dim3A_76 {strides = array<i32>} : memref<1x256xf32, #tpu.memory_space<vmem>>, vector<1x256xf32>,
        %broadcast_in_dim3A_80 = arith.constant 0.000000e+00 : f32
        %broadcast_in_dim3A_81 = vector.broadcast %broadcast_in_dim3A_80 : f32 to vector<1x256xf32>
        %swap3A_82 = arith.constant 0 : index
        %swap3A_83 = arith.constant 0 : index
        %swap3A_84 = vector.load %arg17[%swap3A_82, %swap3A_83] : memref<1x256xf32, #tpu.memory_space<vmem>>, vector<1x256xf32>
        tpu.vector_store %arg17[%swap3A_82, %swap3A_83], %broadcast_in_dim3A_81 {strides = array<i32>} : memref<1x256xf32, #tpu.memory_space<vmem>>, vector<1x256xf32>,
      } else {
      }
      %get3A_56 = arith.constant 0 : index
      %get3A_57 = arith.constant 0 : index
      %get3A_58 = vector.load %arg16[%get3A_56, %get3A_57] : memref<1x256xf32, #tpu.memory_space<vmem>>, vector<1x256xf32>
      %reduce_sum3A = arith.constant dense<0.000000e+00> : vector<256xf32>
      %reduce_sum3A_59 = vector.multi_reduction <add>, %add3A_47, %reduce_sum3A [0] : vector<2000x256xf32> to vector<256xf32>
      %broadcast_in_dim3A = vector.shape_cast %reduce_sum3A_59 : vector<256xf32> to vector<1x256xf32>
      %add3A_60 = arith.addf %get3A_58, %broadcast_in_dim3A : vector<1x256xf32>
      %swap3A_61 = arith.constant 0 : index
      %swap3A_62 = arith.constant 0 : index
      %swap3A_63 = vector.load %arg16[%swap3A_61, %swap3A_62] : memref<1x256xf32, #tpu.memory_space<vmem>>, vector<1x256xf32>
      tpu.vector_store %arg16[%swap3A_61, %swap3A_62], %add3A_60 {strides = array<i32>} : memref<1x256xf32, #tpu.memory_space<vmem>>, vector<1x256xf32>,
      %get3A_64 = arith.constant 0 : index
      %get3A_65 = arith.constant 0 : index
      %get3A_66 = vector.load %arg17[%get3A_64, %get3A_65] : memref<1x256xf32, #tpu.memory_space<vmem>>, vector<1x256xf32>
      %mul3A_67 = arith.mulf %add3A_47, %add3A_47 : vector<2000x256xf32>
      %reduce_sum3A_68 = arith.constant dense<0.000000e+00> : vector<256xf32>
      %reduce_sum3A_69 = vector.multi_reduction <add>, %mul3A_67, %reduce_sum3A_68 [0] : vector<2000x256xf32> to vector<256xf32>
      %broadcast_in_dim3A_70 = vector.shape_cast %reduce_sum3A_69 : vector<256xf32> to vector<1x256xf32>
      %add3A_71 = arith.addf %get3A_66, %broadcast_in_dim3A_70 : vector<1x256xf32>
      %swap3A_72 = arith.constant 0 : index
      %swap3A_73 = arith.constant 0 : index
      %swap3A_74 = vector.load %arg17[%swap3A_72, %swap3A_73] : memref<1x256xf32, #tpu.memory_space<vmem>>, vector<1x256xf32>
      tpu.vector_store %arg17[%swap3A_72, %swap3A_73], %add3A_71 {strides = array<i32>} : memref<1x256xf32, #tpu.memory_space<vmem>>, vector<1x256xf32>,
    } else {
    }
    %eq3A_2 = arith.constant 1 : i32
    %eq3A_3 = arith.cmpi eq, %arg0, %eq3A_2 : i32
    %convert_element_type3A_4 = arith.extui %eq3A_3 : i1 to i32
    %cond3A_5 = arith.constant 0 : i32
    %cond3A_6 = arith.cmpi ne, %convert_element_type3A_4, %cond3A_5 : i32
    scf.if %cond3A_6 {
      %get3A = arith.constant 0 : index
      %get3A_7 = arith.constant 0 : index
      %get3A_8 = vector.load %arg16[%get3A, %get3A_7] : memref<1x256xf32, #tpu.memory_space<vmem>>, vector<1x256xf32>
      %mul3A = arith.constant 9.99999974E-5 : f32
      %mul3A_9 = vector.broadcast %mul3A : f32 to vector<1x256xf32>
      %mul3A_10 = arith.mulf %get3A_8, %mul3A_9 : vector<1x256xf32>
      %get3A_11 = arith.constant 0 : index
      %get3A_12 = arith.constant 0 : index
      %get3A_13 = vector.load %arg17[%get3A_11, %get3A_12] : memref<1x256xf32, #tpu.memory_space<vmem>>, vector<1x256xf32>
      %mul3A_14 = arith.constant 9.99999974E-5 : f32
      %mul3A_15 = vector.broadcast %mul3A_14 : f32 to vector<1x256xf32>
      %mul3A_16 = arith.mulf %get3A_13, %mul3A_15 : vector<1x256xf32>
      %mul3A_17 = arith.mulf %mul3A_10, %mul3A_10 : vector<1x256xf32>
      %sub3A = arith.subf %mul3A_16, %mul3A_17 : vector<1x256xf32>
      %add3A = arith.constant 9.99999974E-6 : f32
      %add3A_18 = vector.broadcast %add3A : f32 to vector<1x256xf32>
      %add3A_19 = arith.addf %sub3A, %add3A_18 : vector<1x256xf32>
      %rsqrt3A = math.rsqrt %add3A_19 : vector<1x256xf32>
      %get3A_20 = arith.constant 0 : index
      %get3A_21 = arith.constant 0 : index
      %get3A_22 = vector.load %arg8[%get3A_20, %get3A_21] : memref<1x256xf32, #tpu.memory_space<vmem>>, vector<1x256xf32>
      %mul3A_23 = arith.mulf %rsqrt3A, %get3A_22 : vector<1x256xf32>
      %mul3A_24 = arith.constant 2000 : i32
      %mul3A_25 = arith.muli %arg1, %mul3A_24 : i32
      %get3A_26 = arith.index_cast %mul3A_25 : i32 to index
      %get3A_27 = arith.constant 0 : index
      %get3A_28 = vector.load %arg15[%get3A_26, %get3A_27] : memref<10000x256xf32, #tpu.memory_space<vmem>>, vector<2000x256xf32>
      %sub3A_29 = vector.broadcast %mul3A_10 : vector<1x256xf32> to vector<2000x256xf32>
      %sub3A_30 = arith.subf %get3A_28, %sub3A_29 : vector<2000x256xf32>
      %mul3A_31 = vector.broadcast %mul3A_23 : vector<1x256xf32> to vector<2000x256xf32>
      %mul3A_32 = arith.mulf %sub3A_30, %mul3A_31 : vector<2000x256xf32>
      %get3A_33 = arith.constant 0 : index
      %get3A_34 = arith.constant 0 : index
      %get3A_35 = vector.load %arg9[%get3A_33, %get3A_34] : memref<1x256xf32, #tpu.memory_space<vmem>>, vector<1x256xf32>
      %add3A_36 = vector.broadcast %get3A_35 : vector<1x256xf32> to vector<2000x256xf32>
      %add3A_37 = arith.addf %mul3A_32, %add3A_36 : vector<2000x256xf32>
      %max3A = arith.constant 0.000000e+00 : f32
      %max3A_38 = vector.broadcast %max3A : f32 to vector<2000x256xf32>
      %max3A_39 = arith.maximumf %add3A_37, %max3A_38 : vector<2000x256xf32>
      %slice3A = vector.extract_strided_slice %max3A_39 {offsets = [0, 0], sizes = [2000, 128], strides = [1, 1]} : vector<2000x256xf32> to vector<2000x128xf32>
      %swap3A = arith.constant 0 : index
      %swap3A_40 = arith.constant 0 : index
      %swap3A_41 = vector.load %arg11[%swap3A, %swap3A_40] : memref<2000x128xf32, #tpu.memory_space<vmem>>, vector<2000x128xf32>
      tpu.vector_store %arg11[%swap3A, %swap3A_40], %slice3A {strides = array<i32>} : memref<2000x128xf32, #tpu.memory_space<vmem>>, vector<2000x128xf32>,
      %slice3A_42 = vector.extract_strided_slice %max3A_39 {offsets = [0, 128], sizes = [2000, 128], strides = [1, 1]} : vector<2000x256xf32> to vector<2000x128xf32>
      %swap3A_43 = arith.constant 0 : index
      %swap3A_44 = arith.constant 0 : index
      %swap3A_45 = vector.load %arg12[%swap3A_43, %swap3A_44] : memref<2000x128xf32, #tpu.memory_space<vmem>>, vector<2000x128xf32>
      tpu.vector_store %arg12[%swap3A_43, %swap3A_44], %slice3A_42 {strides = array<i32>} : memref<2000x128xf32, #tpu.memory_space<vmem>>, vector<2000x128xf32>,
      %get3A_46 = arith.constant 0 : index
      %get3A_47 = arith.constant 0 : index
      %get3A_48 = arith.constant 0 : index
      %get3A_49 = vector.load %arg10[%get3A_46, %get3A_47, %get3A_48] : memref<1x1x2000xi32, #tpu.memory_space<vmem>>, vector<1x1x2000xi32>
      %get3A_50 = vector.shape_cast %get3A_49 : vector<1x1x2000xi32> to vector<1x2000xi32>
      %iota3A = tpu.iota {dimensions = array<i32: 0>} : vector<64x2000xi32>
      %eq3A_51 = vector.broadcast %get3A_50 : vector<1x2000xi32> to vector<64x2000xi32>
      %eq3A_52 = arith.cmpi eq, %iota3A, %eq3A_51 : vector<64x2000xi32>
      %jit3A = arith.constant 1.000000e+00 : f32
      %jit3A_53 = arith.constant 0.000000e+00 : f32
      %broadcast_in_dim3A = vector.broadcast %jit3A : f32 to vector<64x2000xf32>
      %broadcast_in_dim3A_54 = vector.broadcast %jit3A_53 : f32 to vector<64x2000xf32>
      %select_n3A = arith.select %eq3A_52, %broadcast_in_dim3A, %broadcast_in_dim3A_54 : vector<64x2000xi1>, vector<64x2000xf32>
      %eq3A_55 = arith.constant 0 : i32
      %eq3A_56 = arith.cmpi eq, %arg1, %eq3A_55 : i32
      %convert_element_type3A_57 = arith.extui %eq3A_56 : i1 to i32
      %cond3A_58 = arith.constant 0 : i32
      %cond3A_59 = arith.cmpi ne, %convert_element_type3A_57, %cond3A_58 : i32
      scf.if %cond3A_59 {
        %broadcast_in_dim3A_89 = arith.constant 0.000000e+00 : f32
        %broadcast_in_dim3A_90 = vector.broadcast %broadcast_in_dim3A_89 : f32 to vector<64x256xf32>
        %swap3A_91 = arith.constant 0 : index
        %swap3A_92 = arith.constant 0 : index
        %swap3A_93 = vector.load %arg18[%swap3A_91, %swap3A_92] : memref<64x256xf32, #tpu.memory_space<vmem>>, vector<64x256xf32>
        tpu.vector_store %arg18[%swap3A_91, %swap3A_92], %broadcast_in_dim3A_90 {strides = array<i32>} : memref<64x256xf32, #tpu.memory_space<vmem>>, vector<64x256xf32>,
        %broadcast_in_dim3A_94 = arith.constant 0.000000e+00 : f32
        %broadcast_in_dim3A_95 = vector.broadcast %broadcast_in_dim3A_94 : f32 to vector<64x1xf32>
        %swap3A_96 = arith.constant 0 : index
        %swap3A_97 = arith.constant 0 : index
        %swap3A_98 = vector.load %arg19[%swap3A_96, %swap3A_97] : memref<64x1xf32, #tpu.memory_space<vmem>>, vector<64x1xf32>
        tpu.vector_store %arg19[%swap3A_96, %swap3A_97], %broadcast_in_dim3A_95 {strides = array<i32>} : memref<64x1xf32, #tpu.memory_space<vmem>>, vector<64x1xf32>,
      } else {
      }
      %get3A_60 = arith.constant 0 : index
      %get3A_61 = arith.constant 0 : index
      %get3A_62 = vector.load %arg18[%get3A_60, %get3A_61] : memref<64x256xf32, #tpu.memory_space<vmem>>, vector<64x256xf32>
      %dot_general3A = arith.constant dense<0.000000e+00> : vector<64x256xf32>
      %dot_general3A_63 = tpu.matmul %select_n3A, %max3A_39, %dot_general3A {dimension_numbers = #tpu.dot_dimension_numbers<[1], [0], [0], [1], [0, 0, 1, 1], [], []>, precision = #tpu.contract_precision<fp32>, transpose_lhs_hint = false} : vector<64x2000xf32>, vector<2000x256xf32>, vector<64x256xf32> -> vector<64x256xf32>
      %add3A_64 = arith.addf %get3A_62, %dot_general3A_63 : vector<64x256xf32>
      %swap3A_65 = arith.constant 0 : index
      %swap3A_66 = arith.constant 0 : index
      %swap3A_67 = vector.load %arg18[%swap3A_65, %swap3A_66] : memref<64x256xf32, #tpu.memory_space<vmem>>, vector<64x256xf32>
      tpu.vector_store %arg18[%swap3A_65, %swap3A_66], %add3A_64 {strides = array<i32>} : memref<64x256xf32, #tpu.memory_space<vmem>>, vector<64x256xf32>,
      %get3A_68 = arith.constant 0 : index
      %get3A_69 = arith.constant 0 : index
      %get3A_70 = vector.load %arg19[%get3A_68, %get3A_69] : memref<64x1xf32, #tpu.memory_space<vmem>>, vector<64x1xf32>
      %reduce_sum3A = arith.constant dense<0.000000e+00> : vector<64xf32>
      %reduce_sum3A_71 = vector.multi_reduction <add>, %select_n3A, %reduce_sum3A [1] : vector<64x2000xf32> to vector<64xf32>
      %broadcast_in_dim3A_72 = vector.shape_cast %reduce_sum3A_71 : vector<64xf32> to vector<64x1xf32>
      %add3A_73 = arith.addf %get3A_70, %broadcast_in_dim3A_72 : vector<64x1xf32>
      %swap3A_74 = arith.constant 0 : index
      %swap3A_75 = arith.constant 0 : index
      %swap3A_76 = vector.load %arg19[%swap3A_74, %swap3A_75] : memref<64x1xf32, #tpu.memory_space<vmem>>, vector<64x1xf32>
      tpu.vector_store %arg19[%swap3A_74, %swap3A_75], %add3A_73 {strides = array<i32>} : memref<64x1xf32, #tpu.memory_space<vmem>>, vector<64x1xf32>,
      %get3A_77 = arith.constant 0 : index
      %get3A_78 = arith.constant 0 : index
      %get3A_79 = vector.load %arg18[%get3A_77, %get3A_78] : memref<64x256xf32, #tpu.memory_space<vmem>>, vector<64x256xf32>
      %swap3A_80 = arith.constant 0 : index
      %swap3A_81 = arith.constant 0 : index
      %swap3A_82 = vector.load %arg13[%swap3A_80, %swap3A_81] : memref<64x256xf32, #tpu.memory_space<vmem>>, vector<64x256xf32>
      tpu.vector_store %arg13[%swap3A_80, %swap3A_81], %get3A_79 {strides = array<i32>} : memref<64x256xf32, #tpu.memory_space<vmem>>, vector<64x256xf32>,
      %get3A_83 = arith.constant 0 : index
      %get3A_84 = arith.constant 0 : index
      %get3A_85 = vector.load %arg19[%get3A_83, %get3A_84] : memref<64x1xf32, #tpu.memory_space<vmem>>, vector<64x1xf32>
      %swap3A_86 = arith.constant 0 : index
      %swap3A_87 = arith.constant 0 : index
      %swap3A_88 = vector.load %arg14[%swap3A_86, %swap3A_87] : memref<64x1xf32, #tpu.memory_space<vmem>>, vector<64x1xf32>
      tpu.vector_store %arg14[%swap3A_86, %swap3A_87], %get3A_85 {strides = array<i32>} : memref<64x1xf32, #tpu.memory_space<vmem>>, vector<64x1xf32>,
    } else {
    }
    return
  }
  func.func @transform_0(%arg0: i32, %arg1: i32) -> (i32, i32, i32) {
    %sub3A = arith.constant 1 : i32
    %sub3A_0 = arith.subi %sub3A, %arg0 : i32
    %mul3A = arith.muli %arg1, %sub3A_0 : i32
    %c0_i32 = arith.constant 0 : i32
    %c0_i32_1 = arith.constant 0 : i32
    %c0_i32_2 = arith.constant 0 : i32
    return %c0_i32, %mul3A, %c0_i32_1 : i32, i32, i32
  }
  func.func @transform_1(%arg0: i32, %arg1: i32) -> (i32, i32) {
    %sub3A = arith.constant 1 : i32
    %sub3A_0 = arith.subi %sub3A, %arg0 : i32
    %mul3A = arith.muli %arg1, %sub3A_0 : i32
    %c0_i32 = arith.constant 0 : i32
    %c0_i32_1 = arith.constant 0 : i32
    return %mul3A, %c0_i32 : i32, i32
  }
  func.func @transform_2(%arg0: i32, %arg1: i32) -> (i32, i32) {
    %sub3A = arith.constant 1 : i32
    %sub3A_0 = arith.subi %sub3A, %arg0 : i32
    %mul3A = arith.muli %arg1, %sub3A_0 : i32
    %c0_i32 = arith.constant 0 : i32
    %c0_i32_1 = arith.constant 0 : i32
    return %mul3A, %c0_i32 : i32, i32
  }
  func.func @transform_3(%arg0: i32, %arg1: i32) -> (i32, i32) {
    %c0_i32 = arith.constant 0 : i32
    %c0_i32_0 = arith.constant 0 : i32
    %c0_i32_1 = arith.constant 0 : i32
    return %c0_i32, %c0_i32_0 : i32, i32
  }
  func.func @transform_4(%arg0: i32, %arg1: i32) -> (i32, i32) {
    %c0_i32 = arith.constant 0 : i32
    %c0_i32_0 = arith.constant 0 : i32
    %c0_i32_1 = arith.constant 0 : i32
    return %c0_i32, %c0_i32_0 : i32, i32
  }
  func.func @transform_5(%arg0: i32, %arg1: i32) -> (i32, i32) {
    %c0_i32 = arith.constant 0 : i32
    %c0_i32_0 = arith.constant 0 : i32
    %c0_i32_1 = arith.constant 0 : i32
    return %c0_i32, %c0_i32_0 : i32, i32
  }
  func.func @transform_6(%arg0: i32, %arg1: i32) -> (i32, i32) {
    %c0_i32 = arith.constant 0 : i32
    %c0_i32_0 = arith.constant 0 : i32
    %c0_i32_1 = arith.constant 0 : i32
    return %c0_i32, %c0_i32_0 : i32, i32
  }
  func.func @transform_7(%arg0: i32, %arg1: i32) -> (i32, i32) {
    %c0_i32 = arith.constant 0 : i32
    %c0_i32_0 = arith.constant 0 : i32
    %c0_i32_1 = arith.constant 0 : i32
    return %c0_i32, %c0_i32_0 : i32, i32
  }
  func.func @transform_8(%arg0: i32, %arg1: i32) -> (i32, i32, i32) {
    %mul3A = arith.muli %arg1, %arg0 : i32
    %c0_i32 = arith.constant 0 : i32
    %c0_i32_0 = arith.constant 0 : i32
    %c0_i32_1 = arith.constant 0 : i32
    return %mul3A, %c0_i32, %c0_i32_0 : i32, i32, i32
  }
  func.func @transform_9(%arg0: i32, %arg1: i32) -> (i32, i32) {
    %c0_i32 = arith.constant 0 : i32
    %c0_i32_0 = arith.constant 0 : i32
    return %arg1, %c0_i32 : i32, i32
  }
  func.func @transform_10(%arg0: i32, %arg1: i32) -> (i32, i32) {
    %c0_i32 = arith.constant 0 : i32
    %c0_i32_0 = arith.constant 0 : i32
    return %arg1, %c0_i32 : i32, i32
  }
  func.func @transform_11(%arg0: i32, %arg1: i32) -> (i32, i32) {
    %c0_i32 = arith.constant 0 : i32
    %c0_i32_0 = arith.constant 0 : i32
    %c0_i32_1 = arith.constant 0 : i32
    return %c0_i32, %c0_i32_0 : i32, i32
  }
  func.func @transform_12(%arg0: i32, %arg1: i32) -> (i32, i32) {
    %c0_i32 = arith.constant 0 : i32
    %c0_i32_0 = arith.constant 0 : i32
    %c0_i32_1 = arith.constant 0 : i32
    return %c0_i32, %c0_i32_0 : i32, i32
  }
}

module attributes {stable_mosaic.version = 14 : i64} {
  func.func @_head_body(%arg0: memref<64x256xf32, #tpu.memory_space<vmem>>, %arg1: memref<64x1xf32, #tpu.memory_space<vmem>>, %arg2: memref<256x256xf32, #tpu.memory_space<vmem>>, %arg3: memref<1x256xf32, #tpu.memory_space<vmem>>, %arg4: memref<1x256xf32, #tpu.memory_space<vmem>>, %arg5: memref<1x256xf32, #tpu.memory_space<vmem>>, %arg6: memref<256x128xf32, #tpu.memory_space<vmem>>, %arg7: memref<1x128xf32, #tpu.memory_space<vmem>>, %arg8: memref<1x128xf32, #tpu.memory_space<vmem>>, %arg9: memref<1x128xf32, #tpu.memory_space<vmem>>, %arg10: memref<128x1xf32, #tpu.memory_space<vmem>>, %arg11: memref<1x1xf32, #tpu.memory_space<vmem>>, %arg12: memref<64x1xf32, #tpu.memory_space<vmem>>) attributes {dimension_semantics = [], scalar_prefetch = 0 : i64, scratch_operands = 0 : i64, tpu.core_type = #tpu.core_type<tc>} {
    %get3A = arith.constant 0 : index
    %get3A_0 = arith.constant 0 : index
    %get3A_1 = vector.load %arg1[%get3A, %get3A_0] : memref<64x1xf32, #tpu.memory_space<vmem>>, vector<64x1xf32>
    %max3A = arith.constant 1.000000e+00 : f32
    %max3A_2 = vector.broadcast %max3A : f32 to vector<64x1xf32>
    %max3A_3 = arith.maximumf %get3A_1, %max3A_2 : vector<64x1xf32>
    %get3A_4 = arith.constant 0 : index
    %get3A_5 = arith.constant 0 : index
    %get3A_6 = vector.load %arg0[%get3A_4, %get3A_5] : memref<64x256xf32, #tpu.memory_space<vmem>>, vector<64x256xf32>
    %div3A = vector.broadcast %max3A_3 : vector<64x1xf32> to vector<64x256xf32>
    %div3A_7 = arith.divf %get3A_6, %div3A : vector<64x256xf32>
    %get3A_8 = arith.constant 0 : index
    %get3A_9 = arith.constant 0 : index
    %get3A_10 = vector.load %arg2[%get3A_8, %get3A_9] : memref<256x256xf32, #tpu.memory_space<vmem>>, vector<256x256xf32>
    %dot_general3A = arith.constant dense<0.000000e+00> : vector<64x256xf32>
    %dot_general3A_11 = tpu.matmul %div3A_7, %get3A_10, %dot_general3A {dimension_numbers = #tpu.dot_dimension_numbers<[1], [0], [0], [1], [0, 0, 1, 1], [], []>, transpose_lhs_hint = false} : vector<64x256xf32>, vector<256x256xf32>, vector<64x256xf32> -> vector<64x256xf32>
    %get3A_12 = arith.constant 0 : index
    %get3A_13 = arith.constant 0 : index
    %get3A_14 = vector.load %arg3[%get3A_12, %get3A_13] : memref<1x256xf32, #tpu.memory_space<vmem>>, vector<1x256xf32>
    %add3A = vector.broadcast %get3A_14 : vector<1x256xf32> to vector<64x256xf32>
    %add3A_15 = arith.addf %dot_general3A_11, %add3A : vector<64x256xf32>
    %reduce_sum3A = arith.constant dense<0.000000e+00> : vector<256xf32>
    %reduce_sum3A_16 = vector.multi_reduction <add>, %add3A_15, %reduce_sum3A [0] : vector<64x256xf32> to vector<256xf32>
    %broadcast_in_dim3A = vector.shape_cast %reduce_sum3A_16 : vector<256xf32> to vector<1x256xf32>
    %div3A_17 = arith.constant 6.400000e+01 : f32
    %div3A_18 = vector.broadcast %div3A_17 : f32 to vector<1x256xf32>
    %div3A_19 = arith.divf %broadcast_in_dim3A, %div3A_18 : vector<1x256xf32>
    %sub3A = vector.broadcast %div3A_19 : vector<1x256xf32> to vector<64x256xf32>
    %sub3A_20 = arith.subf %add3A_15, %sub3A : vector<64x256xf32>
    %integer_pow3A = arith.mulf %sub3A_20, %sub3A_20 : vector<64x256xf32>
    %reduce_sum3A_21 = arith.constant dense<0.000000e+00> : vector<256xf32>
    %reduce_sum3A_22 = vector.multi_reduction <add>, %integer_pow3A, %reduce_sum3A_21 [0] : vector<64x256xf32> to vector<256xf32>
    %broadcast_in_dim3A_23 = vector.shape_cast %reduce_sum3A_22 : vector<256xf32> to vector<1x256xf32>
    %div3A_24 = arith.constant 6.400000e+01 : f32
    %div3A_25 = vector.broadcast %div3A_24 : f32 to vector<1x256xf32>
    %div3A_26 = arith.divf %broadcast_in_dim3A_23, %div3A_25 : vector<1x256xf32>
    %sub3A_27 = vector.broadcast %div3A_19 : vector<1x256xf32> to vector<64x256xf32>
    %sub3A_28 = arith.subf %add3A_15, %sub3A_27 : vector<64x256xf32>
    %add3A_29 = arith.constant 9.99999974E-6 : f32
    %add3A_30 = vector.broadcast %add3A_29 : f32 to vector<1x256xf32>
    %add3A_31 = arith.addf %div3A_26, %add3A_30 : vector<1x256xf32>
    %rsqrt3A = math.rsqrt %add3A_31 : vector<1x256xf32>
    %mul3A = vector.broadcast %rsqrt3A : vector<1x256xf32> to vector<64x256xf32>
    %mul3A_32 = arith.mulf %sub3A_28, %mul3A : vector<64x256xf32>
    %get3A_33 = arith.constant 0 : index
    %get3A_34 = arith.constant 0 : index
    %get3A_35 = vector.load %arg4[%get3A_33, %get3A_34] : memref<1x256xf32, #tpu.memory_space<vmem>>, vector<1x256xf32>
    %mul3A_36 = vector.broadcast %get3A_35 : vector<1x256xf32> to vector<64x256xf32>
    %mul3A_37 = arith.mulf %mul3A_32, %mul3A_36 : vector<64x256xf32>
    %get3A_38 = arith.constant 0 : index
    %get3A_39 = arith.constant 0 : index
    %get3A_40 = vector.load %arg5[%get3A_38, %get3A_39] : memref<1x256xf32, #tpu.memory_space<vmem>>, vector<1x256xf32>
    %add3A_41 = vector.broadcast %get3A_40 : vector<1x256xf32> to vector<64x256xf32>
    %add3A_42 = arith.addf %mul3A_37, %add3A_41 : vector<64x256xf32>
    %max3A_43 = arith.constant 0.000000e+00 : f32
    %max3A_44 = vector.broadcast %max3A_43 : f32 to vector<64x256xf32>
    %max3A_45 = arith.maximumf %add3A_42, %max3A_44 : vector<64x256xf32>
    %get3A_46 = arith.constant 0 : index
    %get3A_47 = arith.constant 0 : index
    %get3A_48 = vector.load %arg6[%get3A_46, %get3A_47] : memref<256x128xf32, #tpu.memory_space<vmem>>, vector<256x128xf32>
    %dot_general3A_49 = arith.constant dense<0.000000e+00> : vector<64x128xf32>
    %dot_general3A_50 = tpu.matmul %max3A_45, %get3A_48, %dot_general3A_49 {dimension_numbers = #tpu.dot_dimension_numbers<[1], [0], [0], [1], [0, 0, 1, 1], [], []>, transpose_lhs_hint = false} : vector<64x256xf32>, vector<256x128xf32>, vector<64x128xf32> -> vector<64x128xf32>
    %get3A_51 = arith.constant 0 : index
    %get3A_52 = arith.constant 0 : index
    %get3A_53 = vector.load %arg7[%get3A_51, %get3A_52] : memref<1x128xf32, #tpu.memory_space<vmem>>, vector<1x128xf32>
    %add3A_54 = vector.broadcast %get3A_53 : vector<1x128xf32> to vector<64x128xf32>
    %add3A_55 = arith.addf %dot_general3A_50, %add3A_54 : vector<64x128xf32>
    %reduce_sum3A_56 = arith.constant dense<0.000000e+00> : vector<128xf32>
    %reduce_sum3A_57 = vector.multi_reduction <add>, %add3A_55, %reduce_sum3A_56 [0] : vector<64x128xf32> to vector<128xf32>
    %broadcast_in_dim3A_58 = vector.shape_cast %reduce_sum3A_57 : vector<128xf32> to vector<1x128xf32>
    %div3A_59 = arith.constant 6.400000e+01 : f32
    %div3A_60 = vector.broadcast %div3A_59 : f32 to vector<1x128xf32>
    %div3A_61 = arith.divf %broadcast_in_dim3A_58, %div3A_60 : vector<1x128xf32>
    %sub3A_62 = vector.broadcast %div3A_61 : vector<1x128xf32> to vector<64x128xf32>
    %sub3A_63 = arith.subf %add3A_55, %sub3A_62 : vector<64x128xf32>
    %integer_pow3A_64 = arith.mulf %sub3A_63, %sub3A_63 : vector<64x128xf32>
    %reduce_sum3A_65 = arith.constant dense<0.000000e+00> : vector<128xf32>
    %reduce_sum3A_66 = vector.multi_reduction <add>, %integer_pow3A_64, %reduce_sum3A_65 [0] : vector<64x128xf32> to vector<128xf32>
    %broadcast_in_dim3A_67 = vector.shape_cast %reduce_sum3A_66 : vector<128xf32> to vector<1x128xf32>
    %div3A_68 = arith.constant 6.400000e+01 : f32
    %div3A_69 = vector.broadcast %div3A_68 : f32 to vector<1x128xf32>
    %div3A_70 = arith.divf %broadcast_in_dim3A_67, %div3A_69 : vector<1x128xf32>
    %sub3A_71 = vector.broadcast %div3A_61 : vector<1x128xf32> to vector<64x128xf32>
    %sub3A_72 = arith.subf %add3A_55, %sub3A_71 : vector<64x128xf32>
    %add3A_73 = arith.constant 9.99999974E-6 : f32
    %add3A_74 = vector.broadcast %add3A_73 : f32 to vector<1x128xf32>
    %add3A_75 = arith.addf %div3A_70, %add3A_74 : vector<1x128xf32>
    %rsqrt3A_76 = math.rsqrt %add3A_75 : vector<1x128xf32>
    %mul3A_77 = vector.broadcast %rsqrt3A_76 : vector<1x128xf32> to vector<64x128xf32>
    %mul3A_78 = arith.mulf %sub3A_72, %mul3A_77 : vector<64x128xf32>
    %get3A_79 = arith.constant 0 : index
    %get3A_80 = arith.constant 0 : index
    %get3A_81 = vector.load %arg8[%get3A_79, %get3A_80] : memref<1x128xf32, #tpu.memory_space<vmem>>, vector<1x128xf32>
    %mul3A_82 = vector.broadcast %get3A_81 : vector<1x128xf32> to vector<64x128xf32>
    %mul3A_83 = arith.mulf %mul3A_78, %mul3A_82 : vector<64x128xf32>
    %get3A_84 = arith.constant 0 : index
    %get3A_85 = arith.constant 0 : index
    %get3A_86 = vector.load %arg9[%get3A_84, %get3A_85] : memref<1x128xf32, #tpu.memory_space<vmem>>, vector<1x128xf32>
    %add3A_87 = vector.broadcast %get3A_86 : vector<1x128xf32> to vector<64x128xf32>
    %add3A_88 = arith.addf %mul3A_83, %add3A_87 : vector<64x128xf32>
    %max3A_89 = arith.constant 0.000000e+00 : f32
    %max3A_90 = vector.broadcast %max3A_89 : f32 to vector<64x128xf32>
    %max3A_91 = arith.maximumf %add3A_88, %max3A_90 : vector<64x128xf32>
    %get3A_92 = arith.constant 0 : index
    %get3A_93 = arith.constant 0 : index
    %get3A_94 = vector.load %arg10[%get3A_92, %get3A_93] : memref<128x1xf32, #tpu.memory_space<vmem>>, vector<128x1xf32>
    %dot_general3A_95 = arith.constant dense<0.000000e+00> : vector<64x1xf32>
    %dot_general3A_96 = tpu.matmul %max3A_91, %get3A_94, %dot_general3A_95 {dimension_numbers = #tpu.dot_dimension_numbers<[1], [0], [0], [1], [0, 0, 1, 1], [], []>, transpose_lhs_hint = false} : vector<64x128xf32>, vector<128x1xf32>, vector<64x1xf32> -> vector<64x1xf32>
    %get3A_97 = arith.constant 0 : index
    %get3A_98 = arith.constant 0 : index
    %get3A_99 = vector.load %arg11[%get3A_97, %get3A_98] : memref<1x1xf32, #tpu.memory_space<vmem>>, vector<1x1xf32>
    %add3A_100 = vector.broadcast %get3A_99 : vector<1x1xf32> to vector<64x1xf32>
    %add3A_101 = arith.addf %dot_general3A_96, %add3A_100 : vector<64x1xf32>
    %swap3A = arith.constant 0 : index
    %swap3A_102 = arith.constant 0 : index
    %swap3A_103 = vector.load %arg12[%swap3A, %swap3A_102] : memref<64x1xf32, #tpu.memory_space<vmem>>, vector<64x1xf32>
    tpu.vector_store %arg12[%swap3A, %swap3A_102], %add3A_101 {strides = array<i32>} : memref<64x1xf32, #tpu.memory_space<vmem>>, vector<64x1xf32>,
    return
  }
}

</mosaic_0001>

<sc_bundles>
// kernel: kernel.10.cloned.1.call-start
scs
__scs_entry_jumppad:
0x0: {  	(pc) =	sbr.rel $0x88, $3  }
0x1: {  	(tag) =	ssettag $0x0;
	lr =	simm.s32 $0x1  }
0x2: {  	[smem:$0x3F8A] =	sst lr;
	_ =	strace $0xD0000000  }
0x3: {  	_ = 	snop  }
0x4: {  	_ = 	snop  }
0x5: {  	_ = 	snop  }
0x6: {  	_ = 	snop  }
0x7: {  	_ = 	snop  }
__scs_overlays_trampoline_lowered:
0x8: {  	[smem:$0x3F99] =	sst s0  }
0x9: {  	[smem:$0x3F9A] =	sst s1  }
0xa: {  	[smem:$0x3F9B] =	sst s2  }
0xb: {  	[smem:$0x3F9C] =	sst s3  }
0xc: {  	[smem:$0x3F9D] =	sst s4  }
0xd: {  	[smem:$0x3F9E] =	sst s5  }
0xe: {  	[smem:$0x3F9F] =	sst s6  }
0xf: {  	[smem:$0x3FA0] =	sst s7  }
0x10: {  	[smem:$0x3FA1] =	sst s8  }
0x11: {  	[smem:$0x3FA2] =	sst s9;
	s0 =	simm.s32 @!p0 $0x0  }
0x12: {  	s1 =	sld [smem:$0x3F88];
	s0 =	simm.s32 @p0 $0x1  }
0x13: {  	[smem:$0x3FA3] =	sst s0;
	s0 =	simm.s32 @!p1 $0x0  }
0x14: {  	s2 =	sld [smem:$0x3F87];
	s0 =	simm.s32 @p1 $0x1  }
0x15: {  	[smem:$0x3FA4] =	sst s0;
	s0 =	simm.s32 @!p2 $0x0  }
0x16: {  	s3 =	sld [smem:$0x3FDB];
	s0 =	simm.s32 @p2 $0x1  }
0x17: {  	s4 =	simm.s32 $0x1BF5;
	[smem:$0x3FA6] =	sst s0  }
0x18: {  	s0 =	sld [smem:$0x3F89];
	_ =	swait.ge [sflag:s4], $0x0  }
0x19: {  	s7 =	sld [smem:$0x3F8A]  }
0x1a: {  	s8 =	sadd.s32 $0xFFFFE003, lr  }
0x1b: {  	s9 =	sadd.s32 $0xFFFFFEF7, lr;
	s5 =	simm.s32 $0xFFFFFFFF;
	p2 =	slt.u32 s8, $0xFFFFF086  }
0x1c: {  	p1 =	slt.u32 s9, $0xF7A;
	s5 =	simm.s32 @!p2 $0x0  }
0x1d: {  	s5 =	simm.s32 @p1 $0x1;
	p0 =	seq.s32 s7, s2  }
0x1e: {  	s7 =	smul.u32 @!p0 $0xF7A, s2;
	p2 =	seq.s32 @!p0 s5, $0x0  }
0x1f: {  	s9 =	smul.u32 $0xF7A, s1;
	s8 =	simm.s32 @!p0 $0x1BF5;
	p2 =	por !p2, p0  }
0x20: {  	[sflag:s8] =	ssyncset.s32 @!p0 $0xFFFFF086;
	s6 =	sadd.s32 @!p0 s3, s7;
	s7 =	simm.s32 @!p0 $0x108  }
0x21: {  	s3 =	sadd.s32 s3, s9;
	s6 =	sadd.s32 @!p0 $0x88, s6;
	s7 =	simm.s32 @p2 $0x1082  }
0x22: {  	[simem:s7], [sflag:s8] =	dma.local @!p0 [hbm:s6], $0xF7A  }
0x23: {  	s9 =	sor.u32 $0xD0000000, s2;
	s6 =	simm.s32 $0x108;
	_ =	swait.ge @!p0 [sflag:s8], $0x0  }
0x24: {  	s3 =	sadd.s32 $0x88, s3;
	s6 =	simm.s32 @!p1 $0x1082;
	[sflag:s4] =	ssyncset.s32 $0xFFFFF086  }
0x25: {  	[simem:s6], [sflag:s4] =	dma.local [hbm:s3], $0xF7A  }
0x26: {  	[smem:$0x3F8A] =	sst s1;
	(tag) =	ssettag s2;
	_ =	strace s9  }
0x27: {  	s1 =	sld [smem:$0x3F9A]  }
0x28: {  	s2 =	sld [smem:$0x3F9B]  }
0x29: {  	s4 =	sld [smem:$0x3F9D]  }
0x2a: {  	p0 =	seq.s32 s5, $0x0;
	s5 =	sld [smem:$0x3F9E]  }
0x2b: {  	s6 =	sld [smem:$0x3F9F]  }
0x2c: {  	s7 =	sld [smem:$0x3FA0]  }
0x2d: {  	s3 =	simm.s32 $0x108;
	s8 =	sld [smem:$0x3FA1]  }
0x2e: {  	s3 =	simm.s32 @!p0 $0x1082;
	s9 =	sld [smem:$0x3FA2]  }
0x2f: {  	lr =	sadd.s32 s0, s3;
	s0 =	sld [smem:$0x3F99]  }
0x30: {  	s3 =	sld [smem:$0x3F9C]  }
0x31: {  	[smem:$0x3FA5] =	sst s10  }
0x32: {  	s10 =	sld [smem:$0x3FA3];
	_ =	sdelay $0x3  }
0x33: {  	p0 =	seq.s32 s10, $0x1;
	s10 =	sld [smem:$0x3FA5];
	_ =	sdelay $0x3  }
0x34: {  	[smem:$0x3FA5] =	sst s10  }
0x35: {  	s10 =	sld [smem:$0x3FA4];
	_ =	sdelay $0x3  }
0x36: {  	p1 =	seq.s32 s10, $0x1;
	s10 =	sld [smem:$0x3FA5];
	_ =	sdelay $0x3  }
0x37: {  	[smem:$0x3FA5] =	sst s10  }
0x38: {  	s10 =	sld [smem:$0x3FA6]  }
0x39: {  	_ = 	snop;
	(pc) =	sbr.ind lr, $3  }
0x3a: {  	_ = 	snop  }
0x3b: {  	_ = 	snop  }
0x3c: {  	p2 =	seq.s32 s10, $0x1;
	s10 =	sld [smem:$0x3FA5]  }
0x3d: {  	_ =	shalt  }
0x3e: {  	_ =	shalt  }
0x3f: {  	_ =	shalt  }
0x40: {  	_ =	shalt  }
0x41: {  	_ =	shalt  }
0x42: {  	_ =	shalt  }
0x43: {  	_ =	shalt  }
0x44: {  	_ =	shalt  }
0x45: {  	_ =	shalt  }
0x46: {  	_ =	shalt  }
0x47: {  	_ =	shalt  }
0x48: {  	_ =	shalt  }
0x49: {  	_ =	shalt  }
0x4a: {  	_ =	shalt  }
0x4b: {  	_ =	shalt  }
0x4c: {  	_ =	shalt  }
0x4d: {  	_ =	shalt  }
0x4e: {  	_ =	shalt  }
0x4f: {  	_ =	shalt  }
0x50: {  	_ =	shalt  }
0x51: {  	_ =	shalt  }
0x52: {  	_ =	shalt  }
0x53: {  	_ =	shalt  }
0x54: {  	_ =	shalt  }
0x55: {  	_ =	shalt  }
0x56: {  	_ =	shalt  }
0x57: {  	_ =	shalt  }
0x58: {  	_ =	shalt  }
0x59: {  	_ =	shalt  }
0x5a: {  	_ =	shalt  }
0x5b: {  	_ =	shalt  }
0x5c: {  	_ =	shalt  }
0x5d: {  	_ =	shalt  }
0x5e: {  	_ =	shalt  }
0x5f: {  	_ =	shalt  }
0x60: {  	_ =	shalt  }
0x61: {  	_ =	shalt  }
0x62: {  	_ =	shalt  }
0x63: {  	_ =	shalt  }
0x64: {  	_ =	shalt  }
0x65: {  	_ =	shalt  }
0x66: {  	_ =	shalt  }
0x67: {  	_ =	shalt  }
0x68: {  	_ =	shalt  }
0x69: {  	_ =	shalt  }
0x6a: {  	_ =	shalt  }
0x6b: {  	_ =	shalt  }
0x6c: {  	_ =	shalt  }
0x6d: {  	_ =	shalt  }
0x6e: {  	_ =	shalt  }
0x6f: {  	_ =	shalt  }
0x70: {  	_ =	shalt  }
0x71: {  	_ =	shalt  }
0x72: {  	_ =	shalt  }
0x73: {  	_ =	shalt  }
0x74: {  	_ =	shalt  }
0x75: {  	_ =	shalt  }
0x76: {  	_ =	shalt  }
0x77: {  	_ =	shalt  }
0x78: {  	_ =	shalt  }
0x79: {  	_ =	shalt  }
0x7a: {  	_ =	shalt  }
0x7b: {  	_ =	shalt  }
0x7c: {  	_ =	shalt  }
0x7d: {  	_ =	shalt  }
0x7e: {  	_ =	shalt  }
0x7f: {  	_ =	shalt  }
0x80: {  	_ =	shalt  }
0x81: {  	_ =	shalt  }
0x82: {  	_ =	shalt  }
0x83: {  	_ =	shalt  }
0x84: {  	_ =	shalt  }
0x85: {  	_ =	shalt  }
0x86: {  	_ =	shalt  }
0x87: {  	_ =	shalt  }
.Lfunc_end0:
.L_simem_size_0:
called_computation.1_lowered:
.L_overlay_start_0:
0x88: {  	s2 =	sld [smem:$0x3FD9]  }
0x89: {  	s3 =	sld [smem:$0x3FFE];
	_ =	sdelay $0x1  }
0x8a: {  	s1 =	srdreg.scid  }
0x8b: {  	s0 =	sand.u32 $0x1, s1  }
0x8c: {  	s16 =	sshll.u32 s0, $0xA;
	s2 =	sadd.s32 s3, s2  }
0x8d: {  	s2 =	sadd.s32 s2, s16  }
0x8e: {  	[smem:$0x3FB1] =	sst s2  }
0x8f: {  	_ = 	snop  }
0x90: {  	(tm) =	ssettm $0x1  }
0x91: {  	s17 =	sld [smem:$0x3FFB];
	_ =	sdelay $0x3  }
0x92: {  	_ =	strace s17  }
0x93: {  	s2 =	sld [smem:$0x3FFC];
	_ =	sdelay $0x3  }
0x94: {  	_ =	strace s2  }
0x95: {  	s2 =	sld [smem:$0x3FFD];
	_ =	sdelay $0x3  }
0x96: {  	_ =	strace s2  }
0x97: {  	_ =	strace $0x8FFFFFFF  }
0x98: {  	s18 =	sld [smem:$0x3FDB];
	_ =	sdelay $0x1  }
0x99: {  	s19 =	simm.s32 $_scs_section_size  }
0x9a: {  	s4 =	simm.s32 $_size__tile_overlayer_lowered;
	s5 =	simm.s32 $_tile_overlayer_lowered  }
0x9b: {  	s22 =	simm.s32 $0x1BFF;
	s21 =	sshll.u32 s5, $0x1;
	s2 =	sadd.s32 s19, s18  }
0x9c: {  	s6 =	simm.s32 $0x0;
	s20 =	sshll.u32 s4, $0x1;
	s4 =	sadd.s32 s21, s2  }
0x9d: {  	[timem:s6], [sflag:s22] =	dma.local [hbm:s4], s20  }
0x9e: {  	_ =	swait.ge [sflag:s22], s20  }
0x9f: {  	s3 =	ssub.s32 $0x0, s20;
	[sflag:s22] =	ssyncset.done $0x0  }
0xa0: {  	[sflag:s22] =	ssyncadd.s32 s3;
	_ =	sdelay $0x1  }
0xa1: {  	s23 =	simm.s32 $0x1B8B  }
0xa2: {  	_ =	swait.ge [sflag:s23], $0x1  }
0xa3: {  	[sflag:s23] =	ssyncset.done $0x0  }
0xa4: {  	s25 =	simm.s32 $0x1B8E;
	s24 =	sld [smem:$0x3FFE];
	[sflag:s23] =	ssyncadd.s32 $0xFFFFFFFF  }
0xa5: {  	s26 =	simm.s32 $execute0_lowered;
	[smem:$0x3FD2] =	sst s25  }
0xa6: {  	s4 =	sshll.u32 s26, $0x1;
	_ =	strace $0x80000049;
	[dreg:$0x1] =	wrdreg $0xFFFFFFFF  }
0xa7: {  	s28 =	simm.s32 $_size_execute0_lowered;
	s2 =	sadd.s32 s2, s4;
	[dreg:$0x0] =	wrdreg $0x0  }
0xa8: {  	s4 =	sshll.u32 s28, $0x1;
	[dreg:$0x2] =	wrdreg s2  }
0xa9: {  	[dreg:$0x3] =	wrdreg s4  }
0xaa: {  	[dreg:$0x4] =	wrdreg $0xC0  }
0xab: {  	_ =	task [dreg:s6], $0x5FFFF  }
0xac: {  	[dreg:$0x1] =	wrdreg $0xFFFFFFFF  }
0xad: {  	[dreg:$0x0] =	wrdreg $0x60  }
0xae: {  	[dreg:$0x2] =	wrdreg s24  }
0xaf: {  	[dreg:$0x3] =	wrdreg $0x0  }
0xb0: {  	[dreg:$0x4] =	wrdreg $0x9  }
0xb1: {  	_ =	task.clear_ibuf [dreg:s6], $0x5FFFF;
	_ =	strace $0x90000049  }
0xb2: {  	s29 =	simm.s32 $0x9;
	_ =	strace $0x8000004B  }
0xb3: {  	_ =	swait.ge [sflag:s29], $0x1  }
0xb4: {  	[sflag:s29] =	ssyncadd.s32 $0xFFFFFFFF  }
0xb5: {  	_ =	strace $0x9000004B  }
0xb6: {  	_ =	sfence  }
0xb7: {  	s30 =	sld [smem:$0x0];
	_ =	sdelay $0x2  }
0xb8: {  	s31 =	sshll.u32 s1, $0xD;
	s1 =	sshrl.u32 s1, $0x2  }
0xb9: {  	s3 =	sand.u32 $0x4000, s31;
	s1 =	sadd.s32 s1, s30  }
0xba: {  	s0 =	sor.u32 s3, s0;
	s1 =	sshll.u32 s1, $0x11  }
0xbb: {  	s0 =	sor.u32 s1, s0  }
0xbc: {  	s0 =	sadd.s32 $0x8F2B, s0  }
0xbd: {  	[sflag:s0] =	ssyncadd.remote.s32 $0x1  }
0xbe: {  	_ =	sfence.sel $0xFFFF  }
0xbf: {  	[dreg:$0x0] =	wrdreg $0xFFFFFFFF;
	(pc) =	sbr.abs _section_cstart, $3  }
0xc0: {  	[dreg:$0x1] =	wrdreg $0xFFFFFFFF  }
0xc1: {  	_ =	task.clear_ibuf [dreg:s6], $0x2FFFF;
	_ =	strace $0x9FFFFFFF  }
0xc2: {  	(tm) =	ssettm $0x7FFFFFFF  }
0xc3: {  	_ =	shalt  }
tec
execute0_lowered:
.L_overlay_start_1:
0x0: {  	(tag) =	ssettag $0x1  }
0x1: {  	s0 =	rddreg [dreg:$0x0]  }
0x2: {  	s1 =	rddreg [dreg:$0x1];
	s3 =	simm.s32 $0x0  }
0x3: {  	s14 =	stileid.u32;
	s2 =	srdreg.scid;
	s31 =	simm.s32 $0x13A80  }
0x4: {  	s29 =	simm.s32 $0x6;
	s30 =	simm.s32 $0xC;
	s28 =	simm.s32 $0x0  }
0x5: {  	[smem:$0x7FF] =	sst s3;
	s4 =	sadd.s32 $0x3FA00, s0;
	s6 =	smul.u32 $0x4E000, s14  }
0x6: {  	s5 =	sadd.s32 $0x4800, s0;
	s2 =	sand.u32 $0x1, s2;
	s9 =	smul.u32 $0x5000, s14  }
0x7: {  	s7 =	sadd.s32 $0xE800, s0;
	s10 =	smul.u32 $0x2700, s14;
	s11 =	sadd.s32 $0x8DE00, s0  }
0x8: {  	s21 =	smul.u32 $0xA00, s14;
	p1 =	seq.s32 s14, $0xF;
	s14 =	simm.s32 $0x13F00  }
0x9: {  	_ =	strace $0x8000004A;
	s8 =	ssub.s32 $0x2, s2;
	s18 =	smul.u32 $0x27100, s2  }
0xa: {  	p0 =	seq.s32 s2, $0x1;
	s2 =	smul.u32 $0x138800, s2;
	s12 =	sshrl.u32 s8, $0x1  }
0xb: {  	s6 =	sshrl.u32 s6, $0x2;
	s9 =	sshrl.u32 s9, $0x3;
	s8 =	ssub.s32 s8, s12  }
0xc: {  	s23 =	sadd.s32 s5, s9;
	s24 =	sor.u32 $0x10, s9;
	s13 =	sadd.s32 s7, s9  }
0xd: {  	s26 =	sor.u32 $0x20, s9;
	s16 =	sor.u32 $0x30, s9;
	s19 =	sor.u32 $0x40, s9  }
0xe: {  	s9 =	sor.u32 $0x50, s9;
	s20 =	sadd.s32 s10, s18;
	[dreg:$0x3] =	wrdreg s23  }
0xf: {  	s2 =	sshrl.u32 s2, $0x3;
	s6 =	sadd.s32 s6, s1;
	[dreg:$0x4] =	wrdreg s13  }
0x10: {  	s18 =	sadd.s32 s21, s7;
	s25 =	sadd.s32 s5, s24;
	[dreg:$0x10] =	wrdreg s6  }
0x11: {  	s12 =	sadd.s32 s7, s24;
	s15 =	sadd.s32 s5, s26;
	[dreg:$0x5] =	wrdreg s25  }
0x12: {  	s13 =	sadd.s32 s7, s26;
	s17 =	sadd.s32 s5, s16;
	[dreg:$0x6] =	wrdreg s12  }
0x13: {  	s2 =	sadd.s32 s11, s2;
	s22 =	sadd.s32 s5, s9;
	[dreg:$0x7] =	wrdreg s15  }
0x14: {  	s9 =	sadd.s32 s7, s9;
	s23 =	sadd.s32 s10, s0;
	[dreg:$0x8] =	wrdreg s13  }
0x15: {  	s26 =	sadd.s32 $0x124800, s1;
	s6 =	simm.s32 $0x13900;
	[dreg:$0x9] =	wrdreg s17  }
0x16: {  	s10 =	simm.s32 $0x13D00;
	s12 =	sadd.s32 s7, s16;
	[dreg:$0xe] =	wrdreg s22  }
0x17: {  	s15 =	sadd.s32 s5, s19;
	[dreg:$0xf] =	wrdreg s9;
	s24 =	sadd.s32 $0x24900, s2  }
0x18: {  	s25 =	smax.u32 s8, $0x1;
	[dreg:$0x15] =	wrdreg s26;
	s13 =	simm.s32 $0x80  }
0x19: {  	s16 =	simm.s32 $0x8;
	s17 =	simm.s32 $0x17F00;
	s22 =	simm.s32 $0x3  }
0x1a: {  	s26 =	simm.s32 $0xE;
	s8 =	simm.s32 $0xA;
	[dreg:$0xa] =	wrdreg s12  }
0x1b: {  	s9 =	simm.s32 $0xF;
	[dreg:$0xb] =	wrdreg s15;
	s12 =	sadd.s32 s7, s19  }
0x1c: {  	s19 =	sadd.s32 s21, s5;
	s5 =	sadd.s32 $0x18800, s23;
	[dreg:$0x13] =	wrdreg s24  }
0x1d: {  	[dreg:$0x14] =	wrdreg s25;
	s15 =	simm.s32 $0x13D80;
	s21 =	simm.s32 $0xD  }
.Ltmp0:
0x1e: {  	s23 =	simm.s32 $0x9;
	s24 =	simm.s32 $0x1BF00;
	(pc) =	sbr.rel .LBB2_1-.Ltmp0, $4  }
0x1f: {  	s25 =	simm.s32 $0x10;
	s7 =	simm.s32 $0x4;
	[dreg:$0xc] =	wrdreg s12  }
0x20: {  	s12 =	sadd.s32 s11, s20;
	s20 =	sadd.s32 $0x66C00, s0;
	[dreg:$0x11] =	wrdreg s5  }
0x21: {  	s0 =	sadd.s32 $0x3D100, s0;
	s11 =	simm.s32 $0x13C00;
	[dreg:$0xd] =	wrdreg s12  }
0x22: {  	s5 =	simm.s32 $0x13980;
	[dreg:$0x12] =	wrdreg s0;
	s12 =	simm.s32 $0x13C80  }
.LBB2_8:
0x23: {  	s0 =	smov.u32 s20;
	s6 =	simm.s32 $0x13900;
	s28 =	rddreg [dreg:$0x16]  }
.LBB2_9:
0x24: {  	_ =	swait.ge [sflag:s21], $0x4000  }
0x25: {  	[sflag:s21] =	ssyncset.done $0x0  }
0x26: {  	[sflag:s21] =	ssyncadd.s32 $0xFFFFC000  }
0x27: {  	_ =	swait.ge [sflag:s22], $0x80  }
0x28: {  	[sflag:s22] =	ssyncset.done $0x0  }
0x29: {  	[sflag:s22] =	ssyncadd.s32 $0xFFFFFF80  }
0x2a: {  	_ =	swait.ge [sflag:s23], $0x80  }
0x2b: {  	[sflag:s23] =	ssyncset.done $0x0  }
0x2c: {  	s2 =	simm.s32 $0x13A00;
	[sflag:s23] =	ssyncadd.s32 $0xFFFFFF80  }
0x2d: {  	[tilespmem:s24], [sflag:$0xF] =	stream.indirect.gather [hbm4b:s0+s13], $0x80, s2, s13, $0xb8;
	[tilespmem:$0x1FF00] =	vst v63  }
0x2e: {  	s11 =	simm.s32 $0x13C00  }
0x2f: {  	[spmem:s1] =	stream.indirect.scatter.add.f32 [tilespmem:s14], [sflag:$0x10], $0x80, s11, s13, $0xb8;
	[tilespmem:$0x1FF00] =	vst v63  }
0x30: {  	_ =	swait.ge [sflag:s25], $0x4000  }
0x31: {  	[sflag:s25] =	ssyncset.done $0x0  }
0x32: {  	[sflag:s25] =	ssyncadd.s32 $0xFFFFC000  }
0x33: {  	_ =	swait.ge [sflag:s26], $0x4000  }
0x34: {  	[sflag:s26] =	ssyncset.done $0x0  }
0x35: {  	[sflag:s26] =	ssyncadd.s32 $0xFFFFC000  }
0x36: {  	_ =	swait.ge [sflag:s7], $0x80  }
0x37: {  	[sflag:s7] =	ssyncset.done $0x0  }
0x38: {  	[sflag:s7] =	ssyncadd.s32 $0xFFFFFF80  }
0x39: {  	_ =	swait.ge [sflag:s8], $0x80  }
0x3a: {  	[sflag:s8] =	ssyncset.done $0x0  }
0x3b: {  	s31 =	simm.s32 $0x13A80;
	[sflag:s8] =	ssyncadd.s32 $0xFFFFFF80  }
0x3c: {  	[tilespmem:s14], [sflag:$0xD] =	stream.indirect.gather [hbm4b:s0+s13], $0x80, s31, s13, $0xb8;
	[tilespmem:$0x1FF00] =	vst v63  }
0x3d: {  	s12 =	simm.s32 $0x13C80  }
0x3e: {  	[spmem:s1] =	stream.indirect.scatter.add.f32 [tilespmem:s17], [sflag:$0x10], $0x80, s12, s13, $0xb8;
	[tilespmem:$0x1FF00] =	vst v63  }
0x3f: {  	_ =	swait.ge [sflag:s25], $0x4000  }
0x40: {  	[sflag:s25] =	ssyncset.done $0x0  }
0x41: {  	[sflag:s25] =	ssyncadd.s32 $0xFFFFC000  }
0x42: {  	_ =	swait.ge [sflag:s9], $0x4000  }
0x43: {  	[sflag:s9] =	ssyncset.done $0x0  }
0x44: {  	[sflag:s9] =	ssyncadd.s32 $0xFFFFC000  }
0x45: {  	[spmem:s1] =	stream.indirect.scatter.add.f32 [tilespmem:s24], [sflag:$0x10], $0x80, s10, s13, $0xb8;
	[tilespmem:$0x1FF00] =	vst v63  }
0x46: {  	_ =	swait.ge [sflag:s25], $0x4000  }
0x47: {  	[sflag:s25] =	ssyncset.done $0x0  }
0x48: {  	[sflag:s25] =	ssyncadd.s32 $0xFFFFC000  }
0x49: {  	_ =	swait.ge [sflag:s21], $0x4000  }
0x4a: {  	[sflag:s21] =	ssyncset.done $0x0  }
0x4b: {  	[sflag:s21] =	ssyncadd.s32 $0xFFFFC000  }
0x4c: {  	[spmem:s1] =	stream.indirect.scatter.add.f32 [tilespmem:s14], [sflag:$0x10], $0x80, s15, s13, $0xb8;
	[tilespmem:$0x1FF00] =	vst v63  }
0x4d: {  	_ =	swait.ge [sflag:s25], $0x4000  }
0x4e: {  	[sflag:s25] =	ssyncset.done $0x0  }
0x4f: {  	[sflag:s25] =	ssyncadd.s32 $0xFFFFC000  }
0x50: {  	[bflag:$0x0] =	sbarrier.arrive $0xFFFF  }
0x51: {  	s2 =	rddreg [dreg:$0x13]  }
0x52: {  	s0 =	simm.s32 @p1 $0x1FD0;
	s5 =	rddreg [dreg:$0x17]  }
0x53: {  	[hbm:s2], [sflag:s0] =	dma.local @p1 [spmem:s5], $0x2800  }
0x54: {  	s0 =	simm.s32 @p1 $0x10  }
0x55: {  	_ =	swait.ge @p1 [sflag:s0], $0x2800  }
0x56: {  	s2 =	rddreg [dreg:$0x18]  }
0x57: {  	[sflag:s0] =	ssyncset.done @p1 $0x0;
	s5 =	rddreg [dreg:$0x19]  }
0x58: {  	[sflag:s0] =	ssyncadd.s32 @p1 $0xFFFFD800;
	s0 =	rddreg [dreg:$0xd]  }
0x59: {  	[hbm:s0], [sflag:s2] =	dma.local @!p1 [spmem:s5], $0x2700  }
0x5a: {  	s0 =	simm.s32 @!p1 $0x10  }
0x5b: {  	_ =	swait.ge @!p1 [sflag:s0], $0x2700  }
0x5c: {  	s28 =	sadd.s32 $0x1, s28;
	s5 =	rddreg [dreg:$0x14]  }
0x5d: {  	p2 =	sne.s32 s28, s5  }
.Ltmp1:
0x5e: {  	_ = 	snop;
	(pc) =	sbr.rel @!p2 .LBB2_10-.Ltmp1, $3  }
0x5f: {  	_ =	sdelay $0x1  }
0x60: {  	[sflag:s0] =	ssyncset.done @!p1 $0x0  }
0x61: {  	[sflag:s0] =	ssyncadd.s32 @!p1 $0xFFFFD900;
	s5 =	simm.s32 $0x13980  }
.LBB2_1:
0x62: {  	[dreg:$0x16] =	wrdreg s28  }
0x63: {  	s0 =	rddreg [dreg:$0x15]  }
0x64: {  	s2 =	rddreg [dreg:$0x12];
	s28 =	sshrl.u32 @p1 s0, $0x3  }
0x65: {  	s0 =	simm.s32 @p1 $0x1FD0;
	[dreg:$0x17] =	wrdreg s28  }
0x66: {  	[spmem:s28], [sflag:s0] =	dma.local @p1 [hbm:s2], $0x2900  }
0x67: {  	s0 =	simm.s32 @p1 $0x10  }
0x68: {  	s2 =	stileid.u32;
	_ =	swait.ge @p1 [sflag:s0], $0x2900  }
0x69: {  	s2 =	sshll.u32 @!p1 s2, $0x6;
	[sflag:s0] =	ssyncset.done @p1 $0x0  }
0x6a: {  	s2 =	sor.u32 @!p1 $0x1C10, s2;
	[sflag:s0] =	ssyncadd.s32 @p1 $0xFFFFD700;
	s0 =	rddreg [dreg:$0x10]  }
0x6b: {  	[dreg:$0x18] =	wrdreg s2  }
0x6c: {  	s28 =	sshrl.u32 @!p1 s0, $0x3;
	s0 =	rddreg [dreg:$0x11]  }
0x6d: {  	[dreg:$0x19] =	wrdreg s28  }
0x6e: {  	[spmem:s28], [sflag:s2] =	dma.local @!p1 [hbm:s0], $0x2700  }
0x6f: {  	s0 =	simm.s32 @!p1 $0x10  }
0x70: {  	_ =	swait.ge @!p1 [sflag:s0], $0x2700  }
0x71: {  	[sflag:s0] =	ssyncset.done @!p1 $0x0  }
0x72: {  	[sflag:s0] =	ssyncadd.s32 @!p1 $0xFFFFD900  }
0x73: {  	[bflag:$0x0] =	sbarrier.arrive $0xFFFF  }
0x74: {  	s2 =	rddreg [dreg:$0x3]  }
0x75: {  	[tilespmem:s6], [sflag:$0x1] =	stream.linear.gather [hbm4b:s2+s3], $0x80, $0x38;
	[tilespmem:$0x1FF00] =	vst v63  }
0x76: {  	s28 =	rddreg [dreg:$0x4]  }
0x77: {  	[tilespmem:s11], [sflag:$0x7] =	stream.linear.gather [hbm4b:s28+s3], $0x80, $0x38;
	[tilespmem:$0x1FF00] =	vst v63  }
0x78: {  	s2 =	rddreg [dreg:$0x5]  }
0x79: {  	[tilespmem:s5], [sflag:$0x2] =	stream.linear.gather [hbm4b:s2+s3], $0x80, $0x38;
	[tilespmem:$0x1FF00] =	vst v63  }
0x7a: {  	s28 =	rddreg [dreg:$0x6]  }
0x7b: {  	[tilespmem:s12], [sflag:$0x8] =	stream.linear.gather [hbm4b:s28+s3], $0x80, $0x38;
	[tilespmem:$0x1FF00] =	vst v63  }
0x7c: {  	s2 =	rddreg [dreg:$0x7];
	s12 =	simm.s32 $0x13A00  }
0x7d: {  	[tilespmem:s12], [sflag:$0x3] =	stream.linear.gather [hbm4b:s2+s3], $0x80, $0x38;
	[tilespmem:$0x1FF00] =	vst v63  }
0x7e: {  	s28 =	rddreg [dreg:$0x8]  }
0x7f: {  	[tilespmem:s10], [sflag:$0x9] =	stream.linear.gather [hbm4b:s28+s3], $0x80, $0x38;
	[tilespmem:$0x1FF00] =	vst v63  }
0x80: {  	s2 =	rddreg [dreg:$0x9]  }
0x81: {  	[tilespmem:s31], [sflag:$0x4] =	stream.linear.gather [hbm4b:s2+s3], $0x80, $0x38;
	[tilespmem:$0x1FF00] =	vst v63  }
0x82: {  	s10 =	rddreg [dreg:$0xa]  }
0x83: {  	[tilespmem:s15], [sflag:$0xA] =	stream.linear.gather [hbm4b:s10+s3], $0x80, $0x38;
	[tilespmem:$0x1FF00] =	vst v63  }
0x84: {  	s12 =	rddreg [dreg:$0xb];
	s15 =	simm.s32 $0x13B00  }
0x85: {  	[tilespmem:s15], [sflag:$0x5] =	stream.linear.gather [hbm4b:s12+s3], $0x80, $0x38;
	[tilespmem:$0x1FF00] =	vst v63  }
0x86: {  	s28 =	rddreg [dreg:$0xc];
	s31 =	simm.s32 $0x13E00  }
0x87: {  	[tilespmem:s31], [sflag:$0xB] =	stream.linear.gather [hbm4b:s28+s3], $0x80, $0x38;
	[tilespmem:$0x1FF00] =	vst v63  }
0x88: {  	s2 =	rddreg [dreg:$0xe];
	s10 =	simm.s32 $0x13B80  }
0x89: {  	[tilespmem:s10], [sflag:$0x6] =	stream.linear.gather [hbm4b:s2+s3], $0x80, $0x38;
	[tilespmem:$0x1FF00] =	vst v63  }
0x8a: {  	s12 =	rddreg [dreg:$0xf];
	s15 =	simm.s32 $0x13E80;
	s28 =	simm.s32 $0x1  }
0x8b: {  	[tilespmem:s15], [sflag:$0xC] =	stream.linear.gather [hbm4b:s12+s3], $0x80, $0x38;
	[tilespmem:$0x1FF00] =	vst v63  }
0x8c: {  	_ =	swait.ge [sflag:s28], $0x80  }
.Ltmp2:
0x8d: {  	[sflag:s28] =	ssyncset.done $0x0;
	(pc) =	sbr.rel @!p0 .LBB2_2-.Ltmp2, $4  }
0x8e: {  	s31 =	simm.s32 $0x7;
	[sflag:s28] =	ssyncadd.s32 $0xFFFFFF80  }
0x8f: {  	_ =	swait.ge [sflag:s31], $0x80  }
0x90: {  	[sflag:s31] =	ssyncset.done $0x0  }
0x91: {  	s12 =	simm.s32 $0x13A80;
	[sflag:s31] =	ssyncadd.s32 $0xFFFFFF80  }
0x92: {  	[tilespmem:s14], [sflag:$0xD] =	stream.indirect.gather [hbm4b:s20+s13], $0x80, s6, s13, $0xb8;
	[tilespmem:$0x1FF00] =	vst v63  }
0x93: {  	s0 =	simm.s32 $0x2  }
0x94: {  	_ =	swait.ge [sflag:s0], $0x80  }
0x95: {  	[sflag:s0] =	ssyncset.done $0x0  }
0x96: {  	[sflag:s0] =	ssyncadd.s32 $0xFFFFFF80  }
0x97: {  	_ =	swait.ge [sflag:s16], $0x80  }
0x98: {  	[sflag:s16] =	ssyncset.done $0x0  }
0x99: {  	s31 =	simm.s32 $0x0;
	s28 =	simm.s32 $0x13E80;
	[sflag:s16] =	ssyncadd.s32 $0xFFFFFF80  }
0x9a: {  	[tilespmem:s17], [sflag:$0xE] =	stream.indirect.gather [hbm4b:s20+s13], $0x80, s5, s13, $0xb8;
	[tilespmem:$0x1FF00] =	vst v63  }
.LBB2_7:
0x9b: {  	_ =	swait.ge [sflag:s21], $0x4000  }
0x9c: {  	[sflag:s21] =	ssyncset.done $0x0  }
0x9d: {  	[sflag:s21] =	ssyncadd.s32 $0xFFFFC000  }
0x9e: {  	_ =	swait.ge [sflag:s22], $0x80  }
0x9f: {  	[sflag:s22] =	ssyncset.done $0x0  }
0xa0: {  	[sflag:s22] =	ssyncadd.s32 $0xFFFFFF80  }
0xa1: {  	_ =	swait.ge [sflag:s23], $0x80  }
0xa2: {  	[sflag:s23] =	ssyncset.done $0x0  }
0xa3: {  	s10 =	simm.s32 $0x13A00;
	[sflag:s23] =	ssyncadd.s32 $0xFFFFFF80  }
0xa4: {  	[tilespmem:s24], [sflag:$0xF] =	stream.indirect.gather [hbm4b:s20+s13], $0x80, s10, s13, $0xb8;
	[tilespmem:$0x1FF00] =	vst v63  }
0xa5: {  	_ = 	snop  }
0xa6: {  	[spmem:s1] =	stream.indirect.scatter.add.f32 [tilespmem:s14], [sflag:$0x10], $0x80, s11, s13, $0xb8;
	[tilespmem:$0x1FF00] =	vst v63  }
0xa7: {  	_ =	swait.ge [sflag:s25], $0x4000  }
0xa8: {  	s0 =	sadd.s32 s31, s19;
	[sflag:s25] =	ssyncset.done $0x0  }
0xa9: {  	s2 =	sadd.s32 $0x60, s0;
	[sflag:s25] =	ssyncadd.s32 $0xFFFFC000  }
0xaa: {  	[tilespmem:s6], [sflag:$0x1] =	stream.linear.gather [hbm4b:s2+s3], $0x80, $0x38;
	[tilespmem:$0x1FF00] =	vst v63  }
0xab: {  	s2 =	sadd.s32 s31, s18  }
0xac: {  	s5 =	sadd.s32 $0x60, s2  }
0xad: {  	[tilespmem:s11], [sflag:$0x7] =	stream.linear.gather [hbm4b:s5+s3], $0x80, $0x38;
	[tilespmem:$0x1FF00] =	vst v63  }
0xae: {  	_ =	swait.ge [sflag:s26], $0x4000  }
0xaf: {  	[sflag:s26] =	ssyncset.done $0x0  }
0xb0: {  	[sflag:s26] =	ssyncadd.s32 $0xFFFFC000  }
0xb1: {  	_ =	swait.ge [sflag:s7], $0x80  }
0xb2: {  	[sflag:s7] =	ssyncset.done $0x0  }
0xb3: {  	[sflag:s7] =	ssyncadd.s32 $0xFFFFFF80  }
0xb4: {  	_ =	swait.ge [sflag:s8], $0x80  }
0xb5: {  	[sflag:s8] =	ssyncset.done $0x0  }
0xb6: {  	[sflag:s8] =	ssyncadd.s32 $0xFFFFFF80  }
0xb7: {  	[tilespmem:s14], [sflag:$0xD] =	stream.indirect.gather [hbm4b:s20+s13], $0x80, s12, s13, $0xb8;
	[tilespmem:$0x1FF00] =	vst v63  }
0xb8: {  	s11 =	simm.s32 $0x13C80  }
0xb9: {  	[spmem:s1] =	stream.indirect.scatter.add.f32 [tilespmem:s17], [sflag:$0x10], $0x80, s11, s13, $0xb8;
	[tilespmem:$0x1FF00] =	vst v63  }
0xba: {  	_ =	swait.ge [sflag:s25], $0x4000  }
0xbb: {  	[sflag:s25] =	ssyncset.done $0x0  }
0xbc: {  	s5 =	sadd.s32 $0x70, s0;
	s12 =	simm.s32 $0x13980;
	[sflag:s25] =	ssyncadd.s32 $0xFFFFC000  }
0xbd: {  	[tilespmem:s12], [sflag:$0x2] =	stream.linear.gather [hbm4b:s5+s3], $0x80, $0x38;
	[tilespmem:$0x1FF00] =	vst v63  }
0xbe: {  	s5 =	sadd.s32 $0x70, s2  }
0xbf: {  	[tilespmem:s11], [sflag:$0x8] =	stream.linear.gather [hbm4b:s5+s3], $0x80, $0x38;
	[tilespmem:$0x1FF00] =	vst v63  }
0xc0: {  	_ =	swait.ge [sflag:s9], $0x4000  }
0xc1: {  	[sflag:s9] =	ssyncset.done $0x0  }
0xc2: {  	s11 =	simm.s32 $0x5;
	[sflag:s9] =	ssyncadd.s32 $0xFFFFC000  }
0xc3: {  	_ =	swait.ge [sflag:s11], $0x80  }
0xc4: {  	[sflag:s11] =	ssyncset.done $0x0  }
0xc5: {  	[sflag:s11] =	ssyncadd.s32 $0xFFFFFF80;
	s11 =	simm.s32 $0xB  }
0xc6: {  	_ =	swait.ge [sflag:s11], $0x80  }
0xc7: {  	[sflag:s11] =	ssyncset.done $0x0  }
0xc8: {  	[sflag:s11] =	ssyncadd.s32 $0xFFFFFF80;
	s11 =	simm.s32 $0x13B00  }
0xc9: {  	[tilespmem:s17], [sflag:$0xE] =	stream.indirect.gather [hbm4b:s20+s13], $0x80, s11, s13, $0xb8;
	[tilespmem:$0x1FF00] =	vst v63  }
0xca: {  	s11 =	simm.s32 $0x13D00  }
0xcb: {  	[spmem:s1] =	stream.indirect.scatter.add.f32 [tilespmem:s24], [sflag:$0x10], $0x80, s11, s13, $0xb8;
	[tilespmem:$0x1FF00] =	vst v63  }
0xcc: {  	_ =	swait.ge [sflag:s25], $0x4000  }
0xcd: {  	[sflag:s25] =	ssyncset.done $0x0  }
0xce: {  	s11 =	sadd.s32 $0x80, s0;
	[sflag:s25] =	ssyncadd.s32 $0xFFFFC000  }
0xcf: {  	[tilespmem:s10], [sflag:$0x3] =	stream.linear.gather [hbm4b:s11+s3], $0x80, $0x38;
	[tilespmem:$0x1FF00] =	vst v63  }
0xd0: {  	s10 =	simm.s32 $0x13D00;
	s11 =	sadd.s32 $0x80, s2  }
0xd1: {  	[tilespmem:s10], [sflag:$0x9] =	stream.linear.gather [hbm4b:s11+s3], $0x80, $0x38;
	[tilespmem:$0x1FF00] =	vst v63  }
0xd2: {  	_ =	swait.ge [sflag:s21], $0x4000  }
0xd3: {  	[sflag:s21] =	ssyncset.done $0x0  }
0xd4: {  	[sflag:s21] =	ssyncadd.s32 $0xFFFFC000  }
0xd5: {  	_ =	swait.ge [sflag:s29], $0x80  }
0xd6: {  	[sflag:s29] =	ssyncset.done $0x0  }
0xd7: {  	[sflag:s29] =	ssyncadd.s32 $0xFFFFFF80  }
0xd8: {  	_ =	swait.ge [sflag:s30], $0x80  }
0xd9: {  	[sflag:s30] =	ssyncset.done $0x0  }
0xda: {  	s11 =	simm.s32 $0x13B80;
	[sflag:s30] =	ssyncadd.s32 $0xFFFFFF80  }
0xdb: {  	[tilespmem:s24], [sflag:$0xF] =	stream.indirect.gather [hbm4b:s20+s13], $0x80, s11, s13, $0xb8;
	[tilespmem:$0x1FF00] =	vst v63  }
0xdc: {  	s11 =	simm.s32 $0x13D80  }
0xdd: {  	[spmem:s1] =	stream.indirect.scatter.add.f32 [tilespmem:s14], [sflag:$0x10], $0x80, s11, s13, $0xb8;
	[tilespmem:$0x1FF00] =	vst v63  }
0xde: {  	_ =	swait.ge [sflag:s25], $0x4000  }
0xdf: {  	[sflag:s25] =	ssyncset.done $0x0  }
0xe0: {  	s15 =	simm.s32 $0x13A80;
	s11 =	sadd.s32 $0x90, s0;
	[sflag:s25] =	ssyncadd.s32 $0xFFFFC000  }
0xe1: {  	[tilespmem:s15], [sflag:$0x4] =	stream.linear.gather [hbm4b:s11+s3], $0x80, $0x38;
	[tilespmem:$0x1FF00] =	vst v63  }
0xe2: {  	s15 =	simm.s32 $0x13D80;
	s11 =	sadd.s32 $0x90, s2  }
0xe3: {  	[tilespmem:s15], [sflag:$0xA] =	stream.linear.gather [hbm4b:s11+s3], $0x80, $0x38;
	[tilespmem:$0x1FF00] =	vst v63  }
0xe4: {  	_ =	swait.ge [sflag:s26], $0x4000  }
0xe5: {  	[sflag:s26] =	ssyncset.done $0x0  }
0xe6: {  	s11 =	simm.s32 $0x1;
	[sflag:s26] =	ssyncadd.s32 $0xFFFFC000  }
0xe7: {  	_ =	swait.ge [sflag:s11], $0x80  }
0xe8: {  	[sflag:s11] =	ssyncset.done $0x0  }
0xe9: {  	[sflag:s11] =	ssyncadd.s32 $0xFFFFFF80;
	s11 =	simm.s32 $0x7  }
0xea: {  	_ =	swait.ge [sflag:s11], $0x80  }
0xeb: {  	[sflag:s11] =	ssyncset.done $0x0  }
0xec: {  	[sflag:s11] =	ssyncadd.s32 $0xFFFFFF80  }
0xed: {  	[tilespmem:s14], [sflag:$0xD] =	stream.indirect.gather [hbm4b:s20+s13], $0x80, s6, s13, $0xb8;
	[tilespmem:$0x1FF00] =	vst v63  }
0xee: {  	p2 =	seq.s32 s31, $0x960;
	s6 =	simm.s32 $0x13E00  }
0xef: {  	[spmem:s1] =	stream.indirect.scatter.add.f32 [tilespmem:s17], [sflag:$0x10], $0x80, s6, s13, $0xb8;
	[tilespmem:$0x1FF00] =	vst v63  }
0xf0: {  	s5 =	sadd.s32 @!p2 s31, s19;
	_ =	swait.ge [sflag:s25], $0x4000  }
0xf1: {  	s5 =	sadd.s32 @!p2 $0xA0, s5;
	[sflag:s25] =	ssyncset.done $0x0  }
0xf2: {  	s11 =	simm.s32 @!p2 $0x13B00;
	s6 =	simm.s32 @!p2 $0x0;
	[sflag:s25] =	ssyncadd.s32 $0xFFFFC000  }
0xf3: {  	[tilespmem:s11], [sflag:$0x5] =	stream.linear.gather @!p2 [hbm4b:s5+s6], $0x80, $0x38;
	[tilespmem:$0x1FF00] =	vst v63  }
0xf4: {  	s5 =	sadd.s32 @!p2 s31, s18  }
0xf5: {  	s11 =	simm.s32 @!p2 $0x13E00;
	s5 =	sadd.s32 @!p2 $0xA0, s5  }
0xf6: {  	[tilespmem:s11], [sflag:$0xB] =	stream.linear.gather @!p2 [hbm4b:s5+s6], $0x80, $0x38;
	[tilespmem:$0x1FF00] =	vst v63  }
0xf7: {  	_ =	swait.ge [sflag:s9], $0x4000  }
0xf8: {  	[sflag:s9] =	ssyncset.done $0x0  }
0xf9: {  	s11 =	simm.s32 $0x2;
	[sflag:s9] =	ssyncadd.s32 $0xFFFFC000  }
0xfa: {  	_ =	swait.ge [sflag:s11], $0x80  }
0xfb: {  	[sflag:s11] =	ssyncset.done $0x0  }
0xfc: {  	[sflag:s11] =	ssyncadd.s32 $0xFFFFFF80  }
0xfd: {  	_ =	swait.ge [sflag:s16], $0x80  }
0xfe: {  	[sflag:s16] =	ssyncset.done $0x0  }
0xff: {  	[sflag:s16] =	ssyncadd.s32 $0xFFFFFF80  }
0x100: {  	[tilespmem:s17], [sflag:$0xE] =	stream.indirect.gather [hbm4b:s20+s13], $0x80, s12, s13, $0xb8;
	[tilespmem:$0x1FF00] =	vst v63  }
.Ltmp3:
0x101: {  	_ = 	snop;
	(pc) =	sbr.rel @p2 .LBB2_8-.Ltmp3, $4  }
0x102: {  	[spmem:s1] =	stream.indirect.scatter.add.f32 [tilespmem:s24], [sflag:$0x10], $0x80, s28, s13, $0xb8;
	[tilespmem:$0x1FF00] =	vst v63  }
0x103: {  	_ =	swait.ge [sflag:s25], $0x4000  }
0x104: {  	[sflag:s25] =	ssyncset.done $0x0  }
0x105: {  	s5 =	simm.s32 $0x13E80;
	[sflag:s25] =	ssyncadd.s32 $0xFFFFC000  }
.Ltmp4:
0x106: {  	s0 =	sadd.s32 $0xB0, s0;
	s6 =	simm.s32 $0x13B80;
	(pc) =	sbr.rel .LBB2_7-.Ltmp4, $4  }
0x107: {  	s15 =	sadd.s32 $0xB0, s2;
	s31 =	sadd.s32 $0x60, s31;
	s11 =	simm.s32 $0x13C00  }
0x108: {  	[tilespmem:s6], [sflag:$0x6] =	stream.linear.gather [hbm4b:s0+s3], $0x80, $0x38;
	[tilespmem:$0x1FF00] =	vst v63  }
0x109: {  	s12 =	simm.s32 $0x13A80;
	s28 =	simm.s32 $0x13E80;
	s6 =	simm.s32 $0x13900  }
0x10a: {  	[tilespmem:s5], [sflag:$0xC] =	stream.linear.gather [hbm4b:s15+s3], $0x80, $0x38;
	[tilespmem:$0x1FF00] =	vst v63  }
.LBB2_2:
0x10b: {  	[tilespmem:s14], [sflag:$0xD] =	stream.indirect.gather [hbm4b:s4+s13], $0x80, s6, s13, $0xb8;
	[tilespmem:$0x1FF00] =	vst v63  }
0x10c: {  	s0 =	simm.s32 $0x2  }
0x10d: {  	_ =	swait.ge [sflag:s0], $0x80  }
0x10e: {  	[sflag:s0] =	ssyncset.done $0x0  }
0x10f: {  	[sflag:s0] =	ssyncadd.s32 $0xFFFFFF80  }
0x110: {  	_ =	swait.ge [sflag:s16], $0x80  }
0x111: {  	[sflag:s16] =	ssyncset.done $0x0  }
0x112: {  	s31 =	simm.s32 $0x0;
	s28 =	simm.s32 $0x13E80;
	[sflag:s16] =	ssyncadd.s32 $0xFFFFFF80  }
0x113: {  	[tilespmem:s17], [sflag:$0xE] =	stream.indirect.gather [hbm4b:s4+s13], $0x80, s5, s13, $0xb8;
	[tilespmem:$0x1FF00] =	vst v63  }
.LBB2_3:
0x114: {  	_ =	swait.ge [sflag:s21], $0x4000  }
0x115: {  	[sflag:s21] =	ssyncset.done $0x0  }
0x116: {  	[sflag:s21] =	ssyncadd.s32 $0xFFFFC000  }
0x117: {  	_ =	swait.ge [sflag:s22], $0x80  }
0x118: {  	[sflag:s22] =	ssyncset.done $0x0  }
0x119: {  	[sflag:s22] =	ssyncadd.s32 $0xFFFFFF80  }
0x11a: {  	_ =	swait.ge [sflag:s23], $0x80  }
0x11b: {  	[sflag:s23] =	ssyncset.done $0x0  }
0x11c: {  	s10 =	simm.s32 $0x13A00;
	[sflag:s23] =	ssyncadd.s32 $0xFFFFFF80  }
0x11d: {  	[tilespmem:s24], [sflag:$0xF] =	stream.indirect.gather [hbm4b:s4+s13], $0x80, s10, s13, $0xb8;
	[tilespmem:$0x1FF00] =	vst v63  }
0x11e: {  	_ = 	snop  }
0x11f: {  	[spmem:s1] =	stream.indirect.scatter.add.f32 [tilespmem:s14], [sflag:$0x10], $0x80, s11, s13, $0xb8;
	[tilespmem:$0x1FF00] =	vst v63  }
0x120: {  	_ =	swait.ge [sflag:s25], $0x4000  }
0x121: {  	s0 =	sadd.s32 s31, s19;
	[sflag:s25] =	ssyncset.done $0x0  }
0x122: {  	s2 =	sadd.s32 $0x60, s0;
	[sflag:s25] =	ssyncadd.s32 $0xFFFFC000  }
0x123: {  	[tilespmem:s6], [sflag:$0x1] =	stream.linear.gather [hbm4b:s2+s3], $0x80, $0x38;
	[tilespmem:$0x1FF00] =	vst v63  }
0x124: {  	s2 =	sadd.s32 s31, s18  }
0x125: {  	s5 =	sadd.s32 $0x60, s2  }
0x126: {  	[tilespmem:s11], [sflag:$0x7] =	stream.linear.gather [hbm4b:s5+s3], $0x80, $0x38;
	[tilespmem:$0x1FF00] =	vst v63  }
0x127: {  	_ =	swait.ge [sflag:s26], $0x4000  }
0x128: {  	[sflag:s26] =	ssyncset.done $0x0  }
0x129: {  	[sflag:s26] =	ssyncadd.s32 $0xFFFFC000  }
0x12a: {  	_ =	swait.ge [sflag:s7], $0x80  }
0x12b: {  	[sflag:s7] =	ssyncset.done $0x0  }
0x12c: {  	[sflag:s7] =	ssyncadd.s32 $0xFFFFFF80  }
0x12d: {  	_ =	swait.ge [sflag:s8], $0x80  }
0x12e: {  	[sflag:s8] =	ssyncset.done $0x0  }
0x12f: {  	[sflag:s8] =	ssyncadd.s32 $0xFFFFFF80  }
0x130: {  	[tilespmem:s14], [sflag:$0xD] =	stream.indirect.gather [hbm4b:s4+s13], $0x80, s12, s13, $0xb8;
	[tilespmem:$0x1FF00] =	vst v63  }
0x131: {  	s11 =	simm.s32 $0x13C80  }
0x132: {  	[spmem:s1] =	stream.indirect.scatter.add.f32 [tilespmem:s17], [sflag:$0x10], $0x80, s11, s13, $0xb8;
	[tilespmem:$0x1FF00] =	vst v63  }
0x133: {  	_ =	swait.ge [sflag:s25], $0x4000  }
0x134: {  	[sflag:s25] =	ssyncset.done $0x0  }
0x135: {  	s5 =	sadd.s32 $0x70, s0;
	s12 =	simm.s32 $0x13980;
	[sflag:s25] =	ssyncadd.s32 $0xFFFFC000  }
0x136: {  	[tilespmem:s12], [sflag:$0x2] =	stream.linear.gather [hbm4b:s5+s3], $0x80, $0x38;
	[tilespmem:$0x1FF00] =	vst v63  }
0x137: {  	s5 =	sadd.s32 $0x70, s2  }
0x138: {  	[tilespmem:s11], [sflag:$0x8] =	stream.linear.gather [hbm4b:s5+s3], $0x80, $0x38;
	[tilespmem:$0x1FF00] =	vst v63  }
0x139: {  	_ =	swait.ge [sflag:s9], $0x4000  }
0x13a: {  	[sflag:s9] =	ssyncset.done $0x0  }
0x13b: {  	s11 =	simm.s32 $0x5;
	[sflag:s9] =	ssyncadd.s32 $0xFFFFC000  }
0x13c: {  	_ =	swait.ge [sflag:s11], $0x80  }
0x13d: {  	[sflag:s11] =	ssyncset.done $0x0  }
0x13e: {  	[sflag:s11] =	ssyncadd.s32 $0xFFFFFF80;
	s11 =	simm.s32 $0xB  }
0x13f: {  	_ =	swait.ge [sflag:s11], $0x80  }
0x140: {  	[sflag:s11] =	ssyncset.done $0x0  }
0x141: {  	[sflag:s11] =	ssyncadd.s32 $0xFFFFFF80;
	s11 =	simm.s32 $0x13B00  }
0x142: {  	[tilespmem:s17], [sflag:$0xE] =	stream.indirect.gather [hbm4b:s4+s13], $0x80, s11, s13, $0xb8;
	[tilespmem:$0x1FF00] =	vst v63  }
0x143: {  	s11 =	simm.s32 $0x13D00  }
0x144: {  	[spmem:s1] =	stream.indirect.scatter.add.f32 [tilespmem:s24], [sflag:$0x10], $0x80, s11, s13, $0xb8;
	[tilespmem:$0x1FF00] =	vst v63  }
0x145: {  	_ =	swait.ge [sflag:s25], $0x4000  }
0x146: {  	[sflag:s25] =	ssyncset.done $0x0  }
0x147: {  	s11 =	sadd.s32 $0x80, s0;
	[sflag:s25] =	ssyncadd.s32 $0xFFFFC000  }
0x148: {  	[tilespmem:s10], [sflag:$0x3] =	stream.linear.gather [hbm4b:s11+s3], $0x80, $0x38;
	[tilespmem:$0x1FF00] =	vst v63  }
0x149: {  	s10 =	simm.s32 $0x13D00;
	s11 =	sadd.s32 $0x80, s2  }
0x14a: {  	[tilespmem:s10], [sflag:$0x9] =	stream.linear.gather [hbm4b:s11+s3], $0x80, $0x38;
	[tilespmem:$0x1FF00] =	vst v63  }
0x14b: {  	_ =	swait.ge [sflag:s21], $0x4000  }
0x14c: {  	[sflag:s21] =	ssyncset.done $0x0  }
0x14d: {  	[sflag:s21] =	ssyncadd.s32 $0xFFFFC000  }
0x14e: {  	_ =	swait.ge [sflag:s29], $0x80  }
0x14f: {  	[sflag:s29] =	ssyncset.done $0x0  }
0x150: {  	[sflag:s29] =	ssyncadd.s32 $0xFFFFFF80  }
0x151: {  	_ =	swait.ge [sflag:s30], $0x80  }
0x152: {  	[sflag:s30] =	ssyncset.done $0x0  }
0x153: {  	s11 =	simm.s32 $0x13B80;
	[sflag:s30] =	ssyncadd.s32 $0xFFFFFF80  }
0x154: {  	[tilespmem:s24], [sflag:$0xF] =	stream.indirect.gather [hbm4b:s4+s13], $0x80, s11, s13, $0xb8;
	[tilespmem:$0x1FF00] =	vst v63  }
0x155: {  	s11 =	simm.s32 $0x13D80  }
0x156: {  	[spmem:s1] =	stream.indirect.scatter.add.f32 [tilespmem:s14], [sflag:$0x10], $0x80, s11, s13, $0xb8;
	[tilespmem:$0x1FF00] =	vst v63  }
0x157: {  	_ =	swait.ge [sflag:s25], $0x4000  }
0x158: {  	[sflag:s25] =	ssyncset.done $0x0  }
0x159: {  	s15 =	simm.s32 $0x13A80;
	s11 =	sadd.s32 $0x90, s0;
	[sflag:s25] =	ssyncadd.s32 $0xFFFFC000  }
0x15a: {  	[tilespmem:s15], [sflag:$0x4] =	stream.linear.gather [hbm4b:s11+s3], $0x80, $0x38;
	[tilespmem:$0x1FF00] =	vst v63  }
0x15b: {  	s15 =	simm.s32 $0x13D80;
	s11 =	sadd.s32 $0x90, s2  }
0x15c: {  	[tilespmem:s15], [sflag:$0xA] =	stream.linear.gather [hbm4b:s11+s3], $0x80, $0x38;
	[tilespmem:$0x1FF00] =	vst v63  }
0x15d: {  	_ =	swait.ge [sflag:s26], $0x4000  }
0x15e: {  	[sflag:s26] =	ssyncset.done $0x0  }
0x15f: {  	s11 =	simm.s32 $0x1;
	[sflag:s26] =	ssyncadd.s32 $0xFFFFC000  }
0x160: {  	_ =	swait.ge [sflag:s11], $0x80  }
0x161: {  	[sflag:s11] =	ssyncset.done $0x0  }
0x162: {  	[sflag:s11] =	ssyncadd.s32 $0xFFFFFF80;
	s11 =	simm.s32 $0x7  }
0x163: {  	_ =	swait.ge [sflag:s11], $0x80  }
0x164: {  	[sflag:s11] =	ssyncset.done $0x0  }
0x165: {  	[sflag:s11] =	ssyncadd.s32 $0xFFFFFF80  }
0x166: {  	[tilespmem:s14], [sflag:$0xD] =	stream.indirect.gather [hbm4b:s4+s13], $0x80, s6, s13, $0xb8;
	[tilespmem:$0x1FF00] =	vst v63  }
0x167: {  	p2 =	seq.s32 s31, $0x960;
	s6 =	simm.s32 $0x13E00  }
0x168: {  	[spmem:s1] =	stream.indirect.scatter.add.f32 [tilespmem:s17], [sflag:$0x10], $0x80, s6, s13, $0xb8;
	[tilespmem:$0x1FF00] =	vst v63  }
0x169: {  	s5 =	sadd.s32 @!p2 s31, s19;
	_ =	swait.ge [sflag:s25], $0x4000  }
0x16a: {  	s5 =	sadd.s32 @!p2 $0xA0, s5;
	[sflag:s25] =	ssyncset.done $0x0  }
0x16b: {  	s11 =	simm.s32 @!p2 $0x13B00;
	s6 =	simm.s32 @!p2 $0x0;
	[sflag:s25] =	ssyncadd.s32 $0xFFFFC000  }
0x16c: {  	[tilespmem:s11], [sflag:$0x5] =	stream.linear.gather @!p2 [hbm4b:s5+s6], $0x80, $0x38;
	[tilespmem:$0x1FF00] =	vst v63  }
0x16d: {  	s5 =	sadd.s32 @!p2 s31, s18  }
0x16e: {  	s11 =	simm.s32 @!p2 $0x13E00;
	s5 =	sadd.s32 @!p2 $0xA0, s5  }
0x16f: {  	[tilespmem:s11], [sflag:$0xB] =	stream.linear.gather @!p2 [hbm4b:s5+s6], $0x80, $0x38;
	[tilespmem:$0x1FF00] =	vst v63  }
0x170: {  	_ =	swait.ge [sflag:s9], $0x4000  }
0x171: {  	[sflag:s9] =	ssyncset.done $0x0  }
0x172: {  	s11 =	simm.s32 $0x2;
	[sflag:s9] =	ssyncadd.s32 $0xFFFFC000  }
0x173: {  	_ =	swait.ge [sflag:s11], $0x80  }
0x174: {  	[sflag:s11] =	ssyncset.done $0x0  }
0x175: {  	[sflag:s11] =	ssyncadd.s32 $0xFFFFFF80  }
0x176: {  	_ =	swait.ge [sflag:s16], $0x80  }
0x177: {  	[sflag:s16] =	ssyncset.done $0x0  }
0x178: {  	[sflag:s16] =	ssyncadd.s32 $0xFFFFFF80  }
0x179: {  	[tilespmem:s17], [sflag:$0xE] =	stream.indirect.gather [hbm4b:s4+s13], $0x80, s12, s13, $0xb8;
	[tilespmem:$0x1FF00] =	vst v63  }
.Ltmp5:
0x17a: {  	_ = 	snop;
	(pc) =	sbr.rel @p2 .LBB2_4-.Ltmp5, $4  }
0x17b: {  	[spmem:s1] =	stream.indirect.scatter.add.f32 [tilespmem:s24], [sflag:$0x10], $0x80, s28, s13, $0xb8;
	[tilespmem:$0x1FF00] =	vst v63  }
0x17c: {  	_ =	swait.ge [sflag:s25], $0x4000  }
0x17d: {  	[sflag:s25] =	ssyncset.done $0x0  }
0x17e: {  	s5 =	simm.s32 $0x13E80;
	[sflag:s25] =	ssyncadd.s32 $0xFFFFC000  }
.Ltmp6:
0x17f: {  	s0 =	sadd.s32 $0xB0, s0;
	s6 =	simm.s32 $0x13B80;
	(pc) =	sbr.rel .LBB2_3-.Ltmp6, $4  }
0x180: {  	s15 =	sadd.s32 $0xB0, s2;
	s31 =	sadd.s32 $0x60, s31;
	s11 =	simm.s32 $0x13C00  }
0x181: {  	[tilespmem:s6], [sflag:$0x6] =	stream.linear.gather [hbm4b:s0+s3], $0x80, $0x38;
	[tilespmem:$0x1FF00] =	vst v63  }
0x182: {  	s12 =	simm.s32 $0x13A80;
	s28 =	simm.s32 $0x13E80;
	s6 =	simm.s32 $0x13900  }
0x183: {  	[tilespmem:s5], [sflag:$0xC] =	stream.linear.gather [hbm4b:s15+s3], $0x80, $0x38;
	[tilespmem:$0x1FF00] =	vst v63  }
.LBB2_4:
.Ltmp7:
0x184: {  	(pc) =	sbr.rel .LBB2_9-.Ltmp7, $2  }
0x185: {  	_ =	sdelay $0x2  }
0x186: {  	s0 =	smov.u32 s4;
	s6 =	simm.s32 $0x13900;
	s28 =	rddreg [dreg:$0x16]  }
.LBB2_10:
0x187: {  	_ =	sfence.sel $0x180000  }
0x188: {  	[bflag:$0x0] =	sbarrier.arrive $0xFFFF  }
0x189: {  	_ =	strace $0x9000004A  }
0x18a: {  	s0 =	stileid.u32;
	[bflag:$0x2] =	sbarrier.arrive $0xFFFF  }
0x18b: {  	p0 =	sne.s32 s0, $0x0;
	s0 =	rddreg [dreg:$0x2]  }
0x18c: {  	s0 =	sadd.s32 @!p0 $0x100000, s0  }
0x18d: {  	[sflag:s0] =	ssyncadd.tile.s32 @!p0 $0x1;
	_ =	shalt  }
.Lfunc_end2:
_tile_overlayer_lowered:
.L_overlay_start_2:
0x18e: {  	(tag) =	ssettag $0x2  }
0x18f: {  	s0 =	rddreg [dreg:$0x0];
	s2 =	stileid.u32  }
0x190: {  	s1 =	rddreg [dreg:$0x1];
	p0 =	sne.s32 s2, $0x0  }
0x191: {  	s3 =	rddreg [dreg:$0x2];
	[bflag:$0x3] =	sbarrier.arrive $0xFFFF;
	s2 =	simm.s32 @!p0 $0x1C10  }
0x192: {  	[timem:s3], [sflag:s2] =	dma.local @!p0 [hbm:s0], s1  }
0x193: {  	s0 =	simm.s32 @!p0 $0x10  }
0x194: {  	_ =	swait.ge @!p0 [sflag:s0], s1  }
0x195: {  	s1 =	ssub.s32 @!p0 $0x0, s1;
	[sflag:s0] =	ssyncset.done @!p0 $0x0  }
0x196: {  	[sflag:s0] =	ssyncadd.s32 @!p0 s1  }
0x197: {  	[bflag:$0x3] =	sbarrier.arrive $0xFFFF  }
0x198: {  	_ =	shalt  }

// kernel: kernel.7.cloned.1.call-start
scs
__scs_entry_jumppad:
0x0: {  	(pc) =	sbr.rel $0x88, $3  }
0x1: {  	(tag) =	ssettag $0x0;
	lr =	simm.s32 $0x1  }
0x2: {  	[smem:$0x3F8A] =	sst lr;
	_ =	strace $0xD0000000  }
0x3: {  	_ = 	snop  }
0x4: {  	_ = 	snop  }
0x5: {  	_ = 	snop  }
0x6: {  	_ = 	snop  }
0x7: {  	_ = 	snop  }
__scs_overlays_trampoline_lowered:
0x8: {  	[smem:$0x3F99] =	sst s0  }
0x9: {  	[smem:$0x3F9A] =	sst s1  }
0xa: {  	[smem:$0x3F9B] =	sst s2  }
0xb: {  	[smem:$0x3F9C] =	sst s3  }
0xc: {  	[smem:$0x3F9D] =	sst s4  }
0xd: {  	[smem:$0x3F9E] =	sst s5  }
0xe: {  	[smem:$0x3F9F] =	sst s6  }
0xf: {  	[smem:$0x3FA0] =	sst s7  }
0x10: {  	[smem:$0x3FA1] =	sst s8  }
0x11: {  	[smem:$0x3FA2] =	sst s9;
	s0 =	simm.s32 @!p0 $0x0  }
0x12: {  	s1 =	sld [smem:$0x3F88];
	s0 =	simm.s32 @p0 $0x1  }
0x13: {  	[smem:$0x3FA3] =	sst s0;
	s0 =	simm.s32 @!p1 $0x0  }
0x14: {  	s2 =	sld [smem:$0x3F87];
	s0 =	simm.s32 @p1 $0x1  }
0x15: {  	[smem:$0x3FA4] =	sst s0;
	s0 =	simm.s32 @!p2 $0x0  }
0x16: {  	s3 =	sld [smem:$0x3FDB];
	s0 =	simm.s32 @p2 $0x1  }
0x17: {  	s4 =	simm.s32 $0x1BF5;
	[smem:$0x3FA6] =	sst s0  }
0x18: {  	s0 =	sld [smem:$0x3F89];
	_ =	swait.ge [sflag:s4], $0x0  }
0x19: {  	s7 =	sld [smem:$0x3F8A]  }
0x1a: {  	s8 =	sadd.s32 $0xFFFFE003, lr  }
0x1b: {  	s9 =	sadd.s32 $0xFFFFFEF7, lr;
	s5 =	simm.s32 $0xFFFFFFFF;
	p2 =	slt.u32 s8, $0xFFFFF086  }
0x1c: {  	p1 =	slt.u32 s9, $0xF7A;
	s5 =	simm.s32 @!p2 $0x0  }
0x1d: {  	s5 =	simm.s32 @p1 $0x1;
	p0 =	seq.s32 s7, s2  }
0x1e: {  	s7 =	smul.u32 @!p0 $0xF7A, s2;
	p2 =	seq.s32 @!p0 s5, $0x0  }
0x1f: {  	s9 =	smul.u32 $0xF7A, s1;
	s8 =	simm.s32 @!p0 $0x1BF5;
	p2 =	por !p2, p0  }
0x20: {  	[sflag:s8] =	ssyncset.s32 @!p0 $0xFFFFF086;
	s6 =	sadd.s32 @!p0 s3, s7;
	s7 =	simm.s32 @!p0 $0x108  }
0x21: {  	s3 =	sadd.s32 s3, s9;
	s6 =	sadd.s32 @!p0 $0x88, s6;
	s7 =	simm.s32 @p2 $0x1082  }
0x22: {  	[simem:s7], [sflag:s8] =	dma.local @!p0 [hbm:s6], $0xF7A  }
0x23: {  	s9 =	sor.u32 $0xD0000000, s2;
	s6 =	simm.s32 $0x108;
	_ =	swait.ge @!p0 [sflag:s8], $0x0  }
0x24: {  	s3 =	sadd.s32 $0x88, s3;
	s6 =	simm.s32 @!p1 $0x1082;
	[sflag:s4] =	ssyncset.s32 $0xFFFFF086  }
0x25: {  	[simem:s6], [sflag:s4] =	dma.local [hbm:s3], $0xF7A  }
0x26: {  	[smem:$0x3F8A] =	sst s1;
	(tag) =	ssettag s2;
	_ =	strace s9  }
0x27: {  	s1 =	sld [smem:$0x3F9A]  }
0x28: {  	s2 =	sld [smem:$0x3F9B]  }
0x29: {  	s4 =	sld [smem:$0x3F9D]  }
0x2a: {  	p0 =	seq.s32 s5, $0x0;
	s5 =	sld [smem:$0x3F9E]  }
0x2b: {  	s6 =	sld [smem:$0x3F9F]  }
0x2c: {  	s7 =	sld [smem:$0x3FA0]  }
0x2d: {  	s3 =	simm.s32 $0x108;
	s8 =	sld [smem:$0x3FA1]  }
0x2e: {  	s3 =	simm.s32 @!p0 $0x1082;
	s9 =	sld [smem:$0x3FA2]  }
0x2f: {  	lr =	sadd.s32 s0, s3;
	s0 =	sld [smem:$0x3F99]  }
0x30: {  	s3 =	sld [smem:$0x3F9C]  }
0x31: {  	[smem:$0x3FA5] =	sst s10  }
0x32: {  	s10 =	sld [smem:$0x3FA3];
	_ =	sdelay $0x3  }
0x33: {  	p0 =	seq.s32 s10, $0x1;
	s10 =	sld [smem:$0x3FA5];
	_ =	sdelay $0x3  }
0x34: {  	[smem:$0x3FA5] =	sst s10  }
0x35: {  	s10 =	sld [smem:$0x3FA4];
	_ =	sdelay $0x3  }
0x36: {  	p1 =	seq.s32 s10, $0x1;
	s10 =	sld [smem:$0x3FA5];
	_ =	sdelay $0x3  }
0x37: {  	[smem:$0x3FA5] =	sst s10  }
0x38: {  	s10 =	sld [smem:$0x3FA6]  }
0x39: {  	_ = 	snop;
	(pc) =	sbr.ind lr, $3  }
0x3a: {  	_ = 	snop  }
0x3b: {  	_ = 	snop  }
0x3c: {  	p2 =	seq.s32 s10, $0x1;
	s10 =	sld [smem:$0x3FA5]  }
0x3d: {  	_ =	shalt  }
0x3e: {  	_ =	shalt  }
0x3f: {  	_ =	shalt  }
0x40: {  	_ =	shalt  }
0x41: {  	_ =	shalt  }
0x42: {  	_ =	shalt  }
0x43: {  	_ =	shalt  }
0x44: {  	_ =	shalt  }
0x45: {  	_ =	shalt  }
0x46: {  	_ =	shalt  }
0x47: {  	_ =	shalt  }
0x48: {  	_ =	shalt  }
0x49: {  	_ =	shalt  }
0x4a: {  	_ =	shalt  }
0x4b: {  	_ =	shalt  }
0x4c: {  	_ =	shalt  }
0x4d: {  	_ =	shalt  }
0x4e: {  	_ =	shalt  }
0x4f: {  	_ =	shalt  }
0x50: {  	_ =	shalt  }
0x51: {  	_ =	shalt  }
0x52: {  	_ =	shalt  }
0x53: {  	_ =	shalt  }
0x54: {  	_ =	shalt  }
0x55: {  	_ =	shalt  }
0x56: {  	_ =	shalt  }
0x57: {  	_ =	shalt  }
0x58: {  	_ =	shalt  }
0x59: {  	_ =	shalt  }
0x5a: {  	_ =	shalt  }
0x5b: {  	_ =	shalt  }
0x5c: {  	_ =	shalt  }
0x5d: {  	_ =	shalt  }
0x5e: {  	_ =	shalt  }
0x5f: {  	_ =	shalt  }
0x60: {  	_ =	shalt  }
0x61: {  	_ =	shalt  }
0x62: {  	_ =	shalt  }
0x63: {  	_ =	shalt  }
0x64: {  	_ =	shalt  }
0x65: {  	_ =	shalt  }
0x66: {  	_ =	shalt  }
0x67: {  	_ =	shalt  }
0x68: {  	_ =	shalt  }
0x69: {  	_ =	shalt  }
0x6a: {  	_ =	shalt  }
0x6b: {  	_ =	shalt  }
0x6c: {  	_ =	shalt  }
0x6d: {  	_ =	shalt  }
0x6e: {  	_ =	shalt  }
0x6f: {  	_ =	shalt  }
0x70: {  	_ =	shalt  }
0x71: {  	_ =	shalt  }
0x72: {  	_ =	shalt  }
0x73: {  	_ =	shalt  }
0x74: {  	_ =	shalt  }
0x75: {  	_ =	shalt  }
0x76: {  	_ =	shalt  }
0x77: {  	_ =	shalt  }
0x78: {  	_ =	shalt  }
0x79: {  	_ =	shalt  }
0x7a: {  	_ =	shalt  }
0x7b: {  	_ =	shalt  }
0x7c: {  	_ =	shalt  }
0x7d: {  	_ =	shalt  }
0x7e: {  	_ =	shalt  }
0x7f: {  	_ =	shalt  }
0x80: {  	_ =	shalt  }
0x81: {  	_ =	shalt  }
0x82: {  	_ =	shalt  }
0x83: {  	_ =	shalt  }
0x84: {  	_ =	shalt  }
0x85: {  	_ =	shalt  }
0x86: {  	_ =	shalt  }
0x87: {  	_ =	shalt  }
.Lfunc_end0:
.L_simem_size_0:
called_computation_lowered:
.L_overlay_start_0:
0x88: {  	s2 =	sld [smem:$0x3FD9]  }
0x89: {  	s3 =	sld [smem:$0x3FFE];
	_ =	sdelay $0x1  }
0x8a: {  	s1 =	srdreg.scid  }
0x8b: {  	s0 =	sand.u32 $0x1, s1  }
0x8c: {  	s17 =	sshll.u32 s0, $0xA;
	s2 =	sadd.s32 s3, s2  }
0x8d: {  	s2 =	sadd.s32 s2, s17  }
0x8e: {  	[smem:$0x3FB1] =	sst s2  }
0x8f: {  	_ = 	snop  }
0x90: {  	s2 =	sld [smem:$0x3FC9];
	(tm) =	ssettm $0x1  }
0x91: {  	s18 =	sld [smem:$0x3FFB];
	_ =	sdelay $0x3  }
0x92: {  	_ =	strace s18  }
0x93: {  	s3 =	sld [smem:$0x3FFC];
	_ =	sdelay $0x3  }
0x94: {  	_ =	strace s3  }
0x95: {  	s3 =	sld [smem:$0x3FFD];
	_ =	sdelay $0x3  }
0x96: {  	_ =	strace s3  }
0x97: {  	_ =	strace $0x8FFFFFFF  }
0x98: {  	s19 =	sld [smem:$0x3FDB];
	_ =	sdelay $0x1  }
0x99: {  	s4 =	simm.s32 $_scs_section_size  }
0x9a: {  	s5 =	simm.s32 $_size__tile_overlayer_lowered;
	s6 =	simm.s32 $_tile_overlayer_lowered  }
0x9b: {  	s22 =	simm.s32 $0x1BFF;
	s21 =	sshll.u32 s6, $0x1;
	s3 =	sadd.s32 s4, s19  }
0x9c: {  	s7 =	simm.s32 $0x0;
	s20 =	sshll.u32 s5, $0x1;
	s5 =	sadd.s32 s21, s3  }
0x9d: {  	[timem:s7], [sflag:s22] =	dma.local [hbm:s5], s20  }
0x9e: {  	_ =	swait.ge [sflag:s22], s20  }
0x9f: {  	s4 =	ssub.s32 $0x0, s20;
	[sflag:s22] =	ssyncset.done $0x0  }
0xa0: {  	[sflag:s22] =	ssyncadd.s32 s4;
	_ =	sdelay $0x1  }
0xa1: {  	s23 =	simm.s32 $0x1B8B  }
0xa2: {  	_ =	swait.ge [sflag:s23], $0x1  }
0xa3: {  	[sflag:s23] =	ssyncset.done $0x0  }
0xa4: {  	s25 =	simm.s32 $0x1B8E;
	s24 =	sld [smem:$0x3FFE];
	[sflag:s23] =	ssyncadd.s32 $0xFFFFFFFF  }
0xa5: {  	s26 =	simm.s32 $execute0_lowered;
	[smem:$0x3FD2] =	sst s25  }
0xa6: {  	s5 =	sshll.u32 s26, $0x1;
	_ =	strace $0x80000046;
	[dreg:$0x1] =	wrdreg $0xFFFFFFFF  }
0xa7: {  	s28 =	simm.s32 $_size_execute0_lowered;
	s3 =	sadd.s32 s3, s5;
	[dreg:$0x0] =	wrdreg $0x0  }
0xa8: {  	s5 =	sshll.u32 s28, $0x1;
	[dreg:$0x2] =	wrdreg s3  }
0xa9: {  	[dreg:$0x3] =	wrdreg s5  }
0xaa: {  	[dreg:$0x4] =	wrdreg $0xC0  }
0xab: {  	_ =	task [dreg:s7], $0x5FFFF  }
0xac: {  	[dreg:$0x1] =	wrdreg $0xFFFFFFFF  }
0xad: {  	[dreg:$0x0] =	wrdreg $0x60  }
0xae: {  	[dreg:$0x2] =	wrdreg s2  }
0xaf: {  	[dreg:$0x3] =	wrdreg s24  }
0xb0: {  	[dreg:$0x4] =	wrdreg $0x0  }
0xb1: {  	[dreg:$0x5] =	wrdreg $0x9  }
0xb2: {  	_ =	task.clear_ibuf [dreg:s7], $0x6FFFF;
	_ =	strace $0x90000046  }
0xb3: {  	s29 =	simm.s32 $0x9;
	_ =	strace $0x80000048  }
0xb4: {  	_ =	swait.ge [sflag:s29], $0x1  }
0xb5: {  	[sflag:s29] =	ssyncadd.s32 $0xFFFFFFFF  }
0xb6: {  	_ =	strace $0x90000048  }
0xb7: {  	_ =	sfence  }
0xb8: {  	s30 =	sld [smem:$0x0];
	_ =	sdelay $0x2  }
0xb9: {  	s31 =	sshll.u32 s1, $0xD;
	s1 =	sshrl.u32 s1, $0x2  }
0xba: {  	s3 =	sand.u32 $0x4000, s31;
	s1 =	sadd.s32 s1, s30  }
0xbb: {  	s0 =	sor.u32 s3, s0;
	s1 =	sshll.u32 s1, $0x11  }
0xbc: {  	s0 =	sor.u32 s1, s0  }
0xbd: {  	s0 =	sadd.s32 $0x8F2B, s0  }
0xbe: {  	[sflag:s0] =	ssyncadd.remote.s32 $0x1  }
0xbf: {  	_ =	sfence.sel $0xFFFF  }
0xc0: {  	[dreg:$0x0] =	wrdreg $0xFFFFFFFF;
	(pc) =	sbr.abs _section_cstart, $3  }
0xc1: {  	[dreg:$0x1] =	wrdreg $0xFFFFFFFF  }
0xc2: {  	_ =	task.clear_ibuf [dreg:s7], $0x2FFFF;
	_ =	strace $0x9FFFFFFF  }
0xc3: {  	(tm) =	ssettm $0x7FFFFFFF  }
tec
execute0_lowered:
.L_overlay_start_1:
0x0: {  	(tag) =	ssettag $0x1  }
0x1: {  	s0 =	srdreg.scid;
	s12 =	stileid.u32  }
0x2: {  	s1 =	simm.s32 $0x0;
	s29 =	rddreg [dreg:$0x2];
	s30 =	simm.s32 $0x13C80  }
0x3: {  	s2 =	sand.u32 $0x1, s0;
	s0 =	rddreg [dreg:$0x1];
	s4 =	smul.u32 $0x2800, s12  }
0x4: {  	s31 =	simm.s32 $0x13980;
	[smem:$0x7FF] =	sst s1;
	s3 =	smul.u32 $0x28000, s2  }
0x5: {  	p0 =	seq.s32 s12, $0xF;
	s5 =	sadd.s32 $0x4800, s0;
	s20 =	smul.u32 $0x27100, s2  }
0x6: {  	s6 =	sadd.s32 $0xE800, s0;
	s7 =	ssub.s32 $0x2, s2;
	s2 =	smul.u32 $0x138800, s2  }
0x7: {  	s10 =	sadd.s32 $0x3FA00, s0;
	s8 =	sshrl.u32 s7, $0x1;
	s3 =	sadd.s32 s4, s3  }
0x8: {  	s4 =	smul.u32 $0x2700, s12;
	s7 =	ssub.s32 s7, s8;
	s2 =	sshrl.u32 s2, $0x3  }
0x9: {  	s9 =	sshrl.u32 s3, $0x3;
	s25 =	sor.u32 $0x580, s3;
	s26 =	sor.u32 $0x500, s3  }
0xa: {  	s2 =	sadd.s32 s10, s2;
	s28 =	sor.u32 $0x10, s9;
	s11 =	sadd.s32 s5, s9  }
0xb: {  	s13 =	sadd.s32 s6, s9;
	s15 =	sor.u32 $0x20, s9;
	[dreg:$0x4] =	wrdreg s11  }
0xc: {  	s16 =	sor.u32 $0x30, s9;
	s23 =	sadd.s32 s4, s20;
	[dreg:$0x5] =	wrdreg s13  }
0xd: {  	s14 =	sadd.s32 s5, s28;
	s24 =	sadd.s32 s10, s23;
	s23 =	rddreg [dreg:$0x0]  }
0xe: {  	s19 =	sor.u32 $0x40, s9;
	s8 =	sadd.s32 s6, s28;
	[dreg:$0x6] =	wrdreg s14  }
0xf: {  	s22 =	sor.u32 $0x50, s9;
	s13 =	sadd.s32 s5, s15;
	[dreg:$0x7] =	wrdreg s8  }
0x10: {  	s20 =	smul.u32 $0x4E000, s12;
	s17 =	sadd.s32 s5, s16;
	[dreg:$0x8] =	wrdreg s13  }
0x11: {  	s4 =	sadd.s32 s4, s0;
	s18 =	sadd.s32 s6, s16;
	[dreg:$0xa] =	wrdreg s17  }
0x12: {  	s0 =	sadd.s32 $0x3D100, s0;
	s21 =	sadd.s32 s5, s19;
	[dreg:$0xb] =	wrdreg s18  }
0x13: {  	s12 =	simm.s32 $0xD;
	s9 =	sadd.s32 s5, s22;
	[dreg:$0xc] =	wrdreg s21  }
0x14: {  	s10 =	simm.s32 $0x8;
	s8 =	sadd.s32 s6, s15;
	[dreg:$0xe] =	wrdreg s9  }
0x15: {  	[dreg:$0x10] =	wrdreg s24;
	s9 =	sshrl.u32 s26, $0x3;
	s13 =	sor.u32 $0x480, s3  }
0x16: {  	s14 =	sor.u32 $0x400, s3;
	s17 =	sor.u32 $0x380, s3;
	s3 =	sor.u32 $0x300, s3  }
0x17: {  	s24 =	sadd.s32 $0x18800, s4;
	s26 =	smax.u32 s7, $0x1;
	s4 =	simm.s32 $0x13F00  }
0x18: {  	s7 =	simm.s32 $0x0;
	[dreg:$0x9] =	wrdreg s8;
	s8 =	sadd.s32 s6, s19  }
0x19: {  	s11 =	sadd.s32 s9, s6;
	s9 =	sadd.s32 s9, s5;
	[dreg:$0xd] =	wrdreg s8  }
0x1a: {  	s16 =	sshrl.u32 s14, $0x3;
	s19 =	sshrl.u32 s17, $0x3;
	[dreg:$0x13] =	wrdreg s11  }
0x1b: {  	s3 =	sshrl.u32 s3, $0x3;
	s8 =	sadd.s32 s6, s22;
	[dreg:$0x14] =	wrdreg s9  }
0x1c: {  	s14 =	simm.s32 $0x9;
	s18 =	sadd.s32 s16, s6;
	[dreg:$0xf] =	wrdreg s8  }
0x1d: {  	s21 =	sadd.s32 s19, s6;
	s8 =	sshrl.u32 s25, $0x3;
	[dreg:$0x17] =	wrdreg s18  }
0x1e: {  	[dreg:$0x19] =	wrdreg s21;
	s28 =	sadd.s32 s8, s6;
	s8 =	sadd.s32 s8, s5  }
0x1f: {  	s17 =	simm.s32 $0xE;
	[dreg:$0x12] =	wrdreg s8;
	s8 =	sshrl.u32 s13, $0x3  }
0x20: {  	s22 =	sshrl.u32 s20, $0x2;
	[dreg:$0x11] =	wrdreg s28;
	s15 =	sadd.s32 s8, s6  }
0x21: {  	s9 =	simm.s32 $0x2;
	s8 =	sadd.s32 s8, s5;
	[dreg:$0x15] =	wrdreg s15  }
0x22: {  	s11 =	simm.s32 $0x17F00;
	s6 =	sadd.s32 s3, s6;
	[dreg:$0x16] =	wrdreg s8  }
0x23: {  	s20 =	simm.s32 $0xF;
	s3 =	sadd.s32 s3, s5;
	[dreg:$0x1b] =	wrdreg s6  }
0x24: {  	s25 =	sadd.s32 $0x24900, s2;
	s8 =	sadd.s32 s16, s5;
	[dreg:$0x1c] =	wrdreg s3  }
0x25: {  	s2 =	simm.s32 $0x7;
	[dreg:$0x18] =	wrdreg s8;
	s8 =	sadd.s32 s19, s5  }
0x26: {  	s18 =	simm.s32 $0x4;
	s3 =	sadd.s32 s22, s29;
	[dreg:$0x1a] =	wrdreg s8  }
0x27: {  	s21 =	simm.s32 $0x5;
	_ =	strace $0x80000047;
	[dreg:$0x1d] =	wrdreg s3  }
0x28: {  	s28 =	sadd.s32 $0x124800, s29;
	s13 =	simm.s32 $0x3;
	[dreg:$0x1e] =	wrdreg s24  }
.Ltmp0:
0x29: {  	s15 =	simm.s32 $0x1BF00;
	[dreg:$0x1f] =	wrdreg s0;
	(pc) =	sbr.rel .LBB2_1-.Ltmp0, $4  }
0x2a: {  	s16 =	simm.s32 $0x10;
	s22 =	simm.s32 $0xB;
	[smem:$0x7FB] =	sst s25  }
0x2b: {  	s19 =	simm.s32 $0xA;
	s8 =	simm.s32 $0x13B80;
	[smem:$0x7FC] =	sst s26  }
0x2c: {  	[smem:$0x7FD] =	sst s28;
	s24 =	simm.s32 $0x13E80;
	s0 =	simm.s32 $0x1  }
0x2d: {  	s3 =	simm.s32 $0x80;
	s25 =	simm.s32 $0x6;
	s26 =	simm.s32 $0xC  }
.LBB2_4:
0x2e: {  	_ =	swait.ge [sflag:s12], $0x4000  }
0x2f: {  	[sflag:s12] =	ssyncset.done $0x0  }
0x30: {  	s5 =	simm.s32 $0x13C00;
	[sflag:s12] =	ssyncadd.s32 $0xFFFFC000  }
0x31: {  	[spmem:s29] =	stream.indirect.scatter.add.f32 [tilespmem:s4], [sflag:$0x10], $0x80, s5, s3, $0xb8;
	[tilespmem:$0x1FF00] =	vst v63  }
0x32: {  	_ =	swait.ge [sflag:s16], $0x4000  }
0x33: {  	[sflag:s16] =	ssyncset.done $0x0  }
0x34: {  	[sflag:s16] =	ssyncadd.s32 $0xFFFFC000  }
0x35: {  	_ =	swait.ge [sflag:s17], $0x4000  }
0x36: {  	[sflag:s17] =	ssyncset.done $0x0  }
0x37: {  	s30 =	simm.s32 $0x13C80;
	[sflag:s17] =	ssyncadd.s32 $0xFFFFC000  }
0x38: {  	[spmem:s29] =	stream.indirect.scatter.add.f32 [tilespmem:s11], [sflag:$0x10], $0x80, s30, s3, $0xb8;
	[tilespmem:$0x1FF00] =	vst v63  }
0x39: {  	_ =	swait.ge [sflag:s16], $0x4000  }
0x3a: {  	[sflag:s16] =	ssyncset.done $0x0  }
0x3b: {  	[sflag:s16] =	ssyncadd.s32 $0xFFFFC000  }
0x3c: {  	[bflag:$0x0] =	sbarrier.arrive $0xFFFF  }
0x3d: {  	s6 =	sld [smem:$0x7FB]  }
0x3e: {  	s7 =	sld [smem:$0x7F8];
	_ =	sdelay $0x1  }
0x3f: {  	s5 =	simm.s32 @p0 $0x1FD0  }
0x40: {  	[hbm:s6], [sflag:s5] =	dma.local @p0 [spmem:s7], $0x2800  }
0x41: {  	s5 =	simm.s32 @p0 $0x10  }
0x42: {  	_ =	swait.ge @p0 [sflag:s5], $0x2800  }
0x43: {  	s6 =	sld [smem:$0x7F9]  }
0x44: {  	s7 =	sld [smem:$0x7FA]  }
0x45: {  	[sflag:s5] =	ssyncset.done @p0 $0x0  }
0x46: {  	[sflag:s5] =	ssyncadd.s32 @p0 $0xFFFFD800;
	s5 =	rddreg [dreg:$0x10]  }
0x47: {  	[hbm:s5], [sflag:s6] =	dma.local @!p0 [spmem:s7], $0x2700  }
0x48: {  	s5 =	simm.s32 @!p0 $0x10  }
0x49: {  	_ =	swait.ge @!p0 [sflag:s5], $0x2700  }
0x4a: {  	s8 =	sld [smem:$0x7F7]  }
0x4b: {  	s28 =	sld [smem:$0x7FC];
	_ =	sdelay $0x1  }
0x4c: {  	s7 =	sadd.s32 $0x1, s8  }
0x4d: {  	p1 =	sne.s32 s7, s28  }
.Ltmp1:
0x4e: {  	_ = 	snop;
	(pc) =	sbr.rel @!p1 .LBB2_5-.Ltmp1, $3  }
0x4f: {  	_ =	sdelay $0x1  }
0x50: {  	[sflag:s5] =	ssyncset.done @!p0 $0x0  }
0x51: {  	[sflag:s5] =	ssyncadd.s32 @!p0 $0xFFFFD900;
	s8 =	simm.s32 $0x13B80  }
.LBB2_1:
0x52: {  	s5 =	sld [smem:$0x7FD];
	_ =	sdelay $0x1  }
0x53: {  	[smem:$0x7F7] =	sst s7  }
0x54: {  	s6 =	sshrl.u32 @p0 s5, $0x3;
	s5 =	rddreg [dreg:$0x1f]  }
0x55: {  	s28 =	simm.s32 @p0 $0x1FD0;
	[smem:$0x7F8] =	sst s6  }
0x56: {  	[spmem:s6], [sflag:s28] =	dma.local @p0 [hbm:s5], $0x2900  }
0x57: {  	s6 =	simm.s32 @p0 $0x10  }
0x58: {  	_ =	swait.ge @p0 [sflag:s6], $0x2900  }
0x59: {  	s5 =	stileid.u32;
	[sflag:s6] =	ssyncset.done @p0 $0x0  }
0x5a: {  	s28 =	sshll.u32 @!p0 s5, $0x6;
	s5 =	rddreg [dreg:$0x1d];
	[sflag:s6] =	ssyncadd.s32 @p0 $0xFFFFD700  }
0x5b: {  	s6 =	sor.u32 @!p0 $0x1C10, s28;
	s28 =	sshrl.u32 @!p0 s5, $0x3;
	s5 =	rddreg [dreg:$0x1e]  }
0x5c: {  	[smem:$0x7F9] =	sst s6  }
0x5d: {  	[smem:$0x7FA] =	sst s28  }
0x5e: {  	[spmem:s28], [sflag:s6] =	dma.local @!p0 [hbm:s5], $0x2700  }
0x5f: {  	s28 =	simm.s32 @!p0 $0x10  }
0x60: {  	_ =	swait.ge @!p0 [sflag:s28], $0x2700  }
0x61: {  	[sflag:s28] =	ssyncset.done @!p0 $0x0  }
0x62: {  	[sflag:s28] =	ssyncadd.s32 @!p0 $0xFFFFD900  }
0x63: {  	[bflag:$0x0] =	sbarrier.arrive $0xFFFF  }
0x64: {  	s6 =	simm.s32 $0x13900;
	s5 =	rddreg [dreg:$0x4]  }
0x65: {  	[tilespmem:s6], [sflag:$0x1] =	stream.linear.gather [hbm4b:s5+s1], $0x80, $0x38;
	[tilespmem:$0x1FF00] =	vst v63  }
0x66: {  	s7 =	simm.s32 $0x13C00;
	s5 =	rddreg [dreg:$0x5]  }
0x67: {  	[tilespmem:s7], [sflag:$0x7] =	stream.linear.gather [hbm4b:s5+s1], $0x80, $0x38;
	[tilespmem:$0x1FF00] =	vst v63  }
0x68: {  	s5 =	rddreg [dreg:$0x6];
	s7 =	simm.s32 $0x13980  }
0x69: {  	[tilespmem:s7], [sflag:$0x2] =	stream.linear.gather [hbm4b:s5+s1], $0x80, $0x38;
	[tilespmem:$0x1FF00] =	vst v63  }
0x6a: {  	s5 =	rddreg [dreg:$0x7]  }
0x6b: {  	[tilespmem:s30], [sflag:$0x8] =	stream.linear.gather [hbm4b:s5+s1], $0x80, $0x38;
	[tilespmem:$0x1FF00] =	vst v63  }
0x6c: {  	s28 =	simm.s32 $0x13A00;
	s30 =	rddreg [dreg:$0x8]  }
0x6d: {  	[tilespmem:s28], [sflag:$0x3] =	stream.linear.gather [hbm4b:s30+s1], $0x80, $0x38;
	[tilespmem:$0x1FF00] =	vst v63  }
0x6e: {  	s30 =	rddreg [dreg:$0x9];
	s28 =	simm.s32 $0x13D00  }
0x6f: {  	[tilespmem:s28], [sflag:$0x9] =	stream.linear.gather [hbm4b:s30+s1], $0x80, $0x38;
	[tilespmem:$0x1FF00] =	vst v63  }
0x70: {  	s30 =	rddreg [dreg:$0xa];
	s28 =	simm.s32 $0x13A80  }
0x71: {  	[tilespmem:s28], [sflag:$0x4] =	stream.linear.gather [hbm4b:s30+s1], $0x80, $0x38;
	[tilespmem:$0x1FF00] =	vst v63  }
0x72: {  	s30 =	rddreg [dreg:$0xb];
	s28 =	simm.s32 $0x13D80  }
0x73: {  	[tilespmem:s28], [sflag:$0xA] =	stream.linear.gather [hbm4b:s30+s1], $0x80, $0x38;
	[tilespmem:$0x1FF00] =	vst v63  }
0x74: {  	s30 =	rddreg [dreg:$0xc];
	s28 =	simm.s32 $0x13B00  }
0x75: {  	[tilespmem:s28], [sflag:$0x5] =	stream.linear.gather [hbm4b:s30+s1], $0x80, $0x38;
	[tilespmem:$0x1FF00] =	vst v63  }
0x76: {  	s30 =	rddreg [dreg:$0xd];
	s28 =	simm.s32 $0x13E00  }
0x77: {  	[tilespmem:s28], [sflag:$0xB] =	stream.linear.gather [hbm4b:s30+s1], $0x80, $0x38;
	[tilespmem:$0x1FF00] =	vst v63  }
0x78: {  	s30 =	rddreg [dreg:$0xe]  }
0x79: {  	[tilespmem:s8], [sflag:$0x6] =	stream.linear.gather [hbm4b:s30+s1], $0x80, $0x38;
	[tilespmem:$0x1FF00] =	vst v63  }
0x7a: {  	s30 =	rddreg [dreg:$0xf]  }
0x7b: {  	[tilespmem:s24], [sflag:$0xC] =	stream.linear.gather [hbm4b:s30+s1], $0x80, $0x38;
	[tilespmem:$0x1FF00] =	vst v63  }
0x7c: {  	_ =	swait.ge [sflag:s0], $0x80  }
0x7d: {  	[sflag:s0] =	ssyncset.done $0x0  }
0x7e: {  	[sflag:s0] =	ssyncadd.s32 $0xFFFFFF80  }
0x7f: {  	_ =	swait.ge [sflag:s2], $0x80  }
0x80: {  	[sflag:s2] =	ssyncset.done $0x0  }
0x81: {  	[sflag:s2] =	ssyncadd.s32 $0xFFFFFF80  }
0x82: {  	[tilespmem:s4], [sflag:$0xD] =	stream.indirect.gather [hbm4b:s23+s3], $0x80, s6, s3, $0xb8;
	[tilespmem:$0x1FF00] =	vst v63  }
0x83: {  	_ =	swait.ge [sflag:s9], $0x80  }
0x84: {  	[sflag:s9] =	ssyncset.done $0x0  }
0x85: {  	[sflag:s9] =	ssyncadd.s32 $0xFFFFFF80  }
0x86: {  	_ =	swait.ge [sflag:s10], $0x80  }
0x87: {  	[sflag:s10] =	ssyncset.done $0x0  }
0x88: {  	s28 =	simm.s32 $0x0;
	s8 =	simm.s32 $0x13B80;
	[sflag:s10] =	ssyncadd.s32 $0xFFFFFF80  }
0x89: {  	[tilespmem:s11], [sflag:$0xE] =	stream.indirect.gather [hbm4b:s23+s3], $0x80, s7, s3, $0xb8;
	[tilespmem:$0x1FF00] =	vst v63  }
.LBB2_2:
0x8a: {  	_ =	swait.ge [sflag:s12], $0x4000  }
0x8b: {  	[sflag:s12] =	ssyncset.done $0x0  }
0x8c: {  	[sflag:s12] =	ssyncadd.s32 $0xFFFFC000  }
0x8d: {  	_ =	swait.ge [sflag:s13], $0x80  }
0x8e: {  	[sflag:s13] =	ssyncset.done $0x0  }
0x8f: {  	[sflag:s13] =	ssyncadd.s32 $0xFFFFFF80  }
0x90: {  	_ =	swait.ge [sflag:s14], $0x80  }
0x91: {  	[sflag:s14] =	ssyncset.done $0x0  }
0x92: {  	s5 =	simm.s32 $0x13A00;
	[sflag:s14] =	ssyncadd.s32 $0xFFFFFF80  }
0x93: {  	[tilespmem:s15], [sflag:$0xF] =	stream.indirect.gather [hbm4b:s23+s3], $0x80, s5, s3, $0xb8;
	[tilespmem:$0x1FF00] =	vst v63  }
0x94: {  	s6 =	simm.s32 $0x13C00  }
0x95: {  	[spmem:s29] =	stream.indirect.scatter.add.f32 [tilespmem:s4], [sflag:$0x10], $0x80, s6, s3, $0xb8;
	[tilespmem:$0x1FF00] =	vst v63  }
0x96: {  	_ =	swait.ge [sflag:s16], $0x4000  }
0x97: {  	[sflag:s16] =	ssyncset.done $0x0;
	s7 =	rddreg [dreg:$0x1c]  }
0x98: {  	[sflag:s16] =	ssyncadd.s32 $0xFFFFC000;
	s30 =	sadd.s32 s28, s7;
	s7 =	simm.s32 $0x13900  }
0x99: {  	[tilespmem:s7], [sflag:$0x1] =	stream.linear.gather [hbm4b:s30+s1], $0x80, $0x38;
	[tilespmem:$0x1FF00] =	vst v63  }
0x9a: {  	s30 =	rddreg [dreg:$0x1b]  }
0x9b: {  	s5 =	sadd.s32 s28, s30  }
0x9c: {  	[tilespmem:s6], [sflag:$0x7] =	stream.linear.gather [hbm4b:s5+s1], $0x80, $0x38;
	[tilespmem:$0x1FF00] =	vst v63  }
0x9d: {  	_ =	swait.ge [sflag:s17], $0x4000  }
0x9e: {  	[sflag:s17] =	ssyncset.done $0x0  }
0x9f: {  	[sflag:s17] =	ssyncadd.s32 $0xFFFFC000  }
0xa0: {  	_ =	swait.ge [sflag:s18], $0x80  }
0xa1: {  	[sflag:s18] =	ssyncset.done $0x0  }
0xa2: {  	[sflag:s18] =	ssyncadd.s32 $0xFFFFFF80  }
0xa3: {  	_ =	swait.ge [sflag:s19], $0x80  }
0xa4: {  	[sflag:s19] =	ssyncset.done $0x0  }
0xa5: {  	s6 =	simm.s32 $0x13A80;
	[sflag:s19] =	ssyncadd.s32 $0xFFFFFF80  }
0xa6: {  	[tilespmem:s4], [sflag:$0xD] =	stream.indirect.gather [hbm4b:s23+s3], $0x80, s6, s3, $0xb8;
	[tilespmem:$0x1FF00] =	vst v63  }
0xa7: {  	s6 =	simm.s32 $0x13C80  }
0xa8: {  	[spmem:s29] =	stream.indirect.scatter.add.f32 [tilespmem:s11], [sflag:$0x10], $0x80, s6, s3, $0xb8;
	[tilespmem:$0x1FF00] =	vst v63  }
0xa9: {  	_ =	swait.ge [sflag:s16], $0x4000  }
0xaa: {  	[sflag:s16] =	ssyncset.done $0x0;
	s30 =	rddreg [dreg:$0x1a]  }
0xab: {  	[sflag:s16] =	ssyncadd.s32 $0xFFFFC000;
	s5 =	sadd.s32 s28, s30;
	s30 =	rddreg [dreg:$0x19]  }
0xac: {  	[tilespmem:s31], [sflag:$0x2] =	stream.linear.gather [hbm4b:s5+s1], $0x80, $0x38;
	[tilespmem:$0x1FF00] =	vst v63  }
0xad: {  	s5 =	sadd.s32 s28, s30  }
0xae: {  	[tilespmem:s6], [sflag:$0x8] =	stream.linear.gather [hbm4b:s5+s1], $0x80, $0x38;
	[tilespmem:$0x1FF00] =	vst v63  }
0xaf: {  	_ =	swait.ge [sflag:s20], $0x4000  }
0xb0: {  	[sflag:s20] =	ssyncset.done $0x0  }
0xb1: {  	[sflag:s20] =	ssyncadd.s32 $0xFFFFC000  }
0xb2: {  	_ =	swait.ge [sflag:s21], $0x80  }
0xb3: {  	[sflag:s21] =	ssyncset.done $0x0  }
0xb4: {  	[sflag:s21] =	ssyncadd.s32 $0xFFFFFF80  }
0xb5: {  	_ =	swait.ge [sflag:s22], $0x80  }
0xb6: {  	[sflag:s22] =	ssyncset.done $0x0  }
0xb7: {  	s30 =	simm.s32 $0x13B00;
	[sflag:s22] =	ssyncadd.s32 $0xFFFFFF80  }
0xb8: {  	[tilespmem:s11], [sflag:$0xE] =	stream.indirect.gather [hbm4b:s23+s3], $0x80, s30, s3, $0xb8;
	[tilespmem:$0x1FF00] =	vst v63  }
0xb9: {  	s6 =	simm.s32 $0x13D00  }
0xba: {  	[spmem:s29] =	stream.indirect.scatter.add.f32 [tilespmem:s15], [sflag:$0x10], $0x80, s6, s3, $0xb8;
	[tilespmem:$0x1FF00] =	vst v63  }
0xbb: {  	p1 =	seq.s32 s28, $0x480;
	_ =	swait.ge [sflag:s16], $0x4000  }
0xbc: {  	s6 =	simm.s32 @!p1 $0x13A00;
	[sflag:s16] =	ssyncset.done $0x0;
	s5 =	rddreg [dreg:$0x18]  }
0xbd: {  	[sflag:s16] =	ssyncadd.s32 $0xFFFFC000;
	s30 =	sadd.s32 @!p1 s28, s5;
	s5 =	simm.s32 @!p1 $0x0  }
0xbe: {  	[tilespmem:s6], [sflag:$0x3] =	stream.linear.gather @!p1 [hbm4b:s30+s5], $0x80, $0x38;
	[tilespmem:$0x1FF00] =	vst v63  }
0xbf: {  	s6 =	rddreg [dreg:$0x17]  }
0xc0: {  	s30 =	simm.s32 @!p1 $0x13D00;
	s6 =	sadd.s32 @!p1 s28, s6  }
0xc1: {  	[tilespmem:s30], [sflag:$0x9] =	stream.linear.gather @!p1 [hbm4b:s6+s5], $0x80, $0x38;
	[tilespmem:$0x1FF00] =	vst v63  }
0xc2: {  	_ =	swait.ge [sflag:s12], $0x4000  }
0xc3: {  	[sflag:s12] =	ssyncset.done $0x0  }
0xc4: {  	[sflag:s12] =	ssyncadd.s32 $0xFFFFC000  }
0xc5: {  	_ =	swait.ge [sflag:s25], $0x80  }
0xc6: {  	[sflag:s25] =	ssyncset.done $0x0  }
0xc7: {  	[sflag:s25] =	ssyncadd.s32 $0xFFFFFF80  }
0xc8: {  	_ =	swait.ge [sflag:s26], $0x80  }
0xc9: {  	[sflag:s26] =	ssyncset.done $0x0  }
0xca: {  	[sflag:s26] =	ssyncadd.s32 $0xFFFFFF80  }
0xcb: {  	[tilespmem:s15], [sflag:$0xF] =	stream.indirect.gather [hbm4b:s23+s3], $0x80, s8, s3, $0xb8;
	[tilespmem:$0x1FF00] =	vst v63  }
0xcc: {  	s30 =	simm.s32 $0x13D80  }
0xcd: {  	[spmem:s29] =	stream.indirect.scatter.add.f32 [tilespmem:s4], [sflag:$0x10], $0x80, s30, s3, $0xb8;
	[tilespmem:$0x1FF00] =	vst v63  }
0xce: {  	_ =	swait.ge [sflag:s16], $0x4000  }
0xcf: {  	[sflag:s16] =	ssyncset.done $0x0;
	s6 =	rddreg [dreg:$0x16]  }
0xd0: {  	s30 =	simm.s32 @!p1 $0x13A80;
	[sflag:s16] =	ssyncadd.s32 $0xFFFFC000;
	s6 =	sadd.s32 @!p1 s28, s6  }
0xd1: {  	[tilespmem:s30], [sflag:$0x4] =	stream.linear.gather @!p1 [hbm4b:s6+s5], $0x80, $0x38;
	[tilespmem:$0x1FF00] =	vst v63  }
0xd2: {  	s6 =	rddreg [dreg:$0x15]  }
0xd3: {  	s30 =	simm.s32 @!p1 $0x13D80;
	s6 =	sadd.s32 @!p1 s28, s6  }
0xd4: {  	[tilespmem:s30], [sflag:$0xA] =	stream.linear.gather @!p1 [hbm4b:s6+s5], $0x80, $0x38;
	[tilespmem:$0x1FF00] =	vst v63  }
0xd5: {  	_ =	swait.ge [sflag:s17], $0x4000  }
0xd6: {  	[sflag:s17] =	ssyncset.done $0x0  }
0xd7: {  	[sflag:s17] =	ssyncadd.s32 $0xFFFFC000  }
0xd8: {  	_ =	swait.ge [sflag:s0], $0x80  }
0xd9: {  	[sflag:s0] =	ssyncset.done $0x0  }
0xda: {  	[sflag:s0] =	ssyncadd.s32 $0xFFFFFF80  }
0xdb: {  	_ =	swait.ge [sflag:s2], $0x80  }
0xdc: {  	[sflag:s2] =	ssyncset.done $0x0  }
0xdd: {  	[sflag:s2] =	ssyncadd.s32 $0xFFFFFF80  }
0xde: {  	[tilespmem:s4], [sflag:$0xD] =	stream.indirect.gather [hbm4b:s23+s3], $0x80, s7, s3, $0xb8;
	[tilespmem:$0x1FF00] =	vst v63  }
0xdf: {  	s30 =	simm.s32 $0x13E00  }
0xe0: {  	[spmem:s29] =	stream.indirect.scatter.add.f32 [tilespmem:s11], [sflag:$0x10], $0x80, s30, s3, $0xb8;
	[tilespmem:$0x1FF00] =	vst v63  }
0xe1: {  	_ =	swait.ge [sflag:s16], $0x4000  }
0xe2: {  	[sflag:s16] =	ssyncset.done $0x0;
	s6 =	rddreg [dreg:$0x14]  }
0xe3: {  	s30 =	simm.s32 @!p1 $0x13B00;
	[sflag:s16] =	ssyncadd.s32 $0xFFFFC000;
	s6 =	sadd.s32 @!p1 s28, s6  }
0xe4: {  	[tilespmem:s30], [sflag:$0x5] =	stream.linear.gather @!p1 [hbm4b:s6+s5], $0x80, $0x38;
	[tilespmem:$0x1FF00] =	vst v63  }
0xe5: {  	s6 =	rddreg [dreg:$0x13]  }
0xe6: {  	s30 =	simm.s32 @!p1 $0x13E00;
	s6 =	sadd.s32 @!p1 s28, s6  }
0xe7: {  	[tilespmem:s30], [sflag:$0xB] =	stream.linear.gather @!p1 [hbm4b:s6+s5], $0x80, $0x38;
	[tilespmem:$0x1FF00] =	vst v63  }
0xe8: {  	_ =	swait.ge [sflag:s20], $0x4000  }
0xe9: {  	[sflag:s20] =	ssyncset.done $0x0  }
0xea: {  	[sflag:s20] =	ssyncadd.s32 $0xFFFFC000  }
0xeb: {  	_ =	swait.ge [sflag:s9], $0x80  }
0xec: {  	[sflag:s9] =	ssyncset.done $0x0  }
0xed: {  	[sflag:s9] =	ssyncadd.s32 $0xFFFFFF80  }
0xee: {  	_ =	swait.ge [sflag:s10], $0x80  }
0xef: {  	[sflag:s10] =	ssyncset.done $0x0  }
0xf0: {  	[sflag:s10] =	ssyncadd.s32 $0xFFFFFF80  }
0xf1: {  	[tilespmem:s11], [sflag:$0xE] =	stream.indirect.gather [hbm4b:s23+s3], $0x80, s31, s3, $0xb8;
	[tilespmem:$0x1FF00] =	vst v63  }
.Ltmp2:
0xf2: {  	_ = 	snop;
	(pc) =	sbr.rel @p1 .LBB2_4-.Ltmp2, $4  }
0xf3: {  	[spmem:s29] =	stream.indirect.scatter.add.f32 [tilespmem:s15], [sflag:$0x10], $0x80, s24, s3, $0xb8;
	[tilespmem:$0x1FF00] =	vst v63  }
0xf4: {  	_ =	swait.ge [sflag:s16], $0x4000  }
0xf5: {  	[sflag:s16] =	ssyncset.done $0x0  }
0xf6: {  	[sflag:s16] =	ssyncadd.s32 $0xFFFFC000  }
.Ltmp3:
0xf7: {  	s5 =	rddreg [dreg:$0x12];
	(pc) =	sbr.rel .LBB2_2-.Ltmp3, $4  }
0xf8: {  	s30 =	rddreg [dreg:$0x11];
	s5 =	sadd.s32 s28, s5  }
0xf9: {  	[tilespmem:s8], [sflag:$0x6] =	stream.linear.gather [hbm4b:s5+s1], $0x80, $0x38;
	[tilespmem:$0x1FF00] =	vst v63  }
0xfa: {  	s5 =	sadd.s32 s28, s30;
	s28 =	sadd.s32 $0x60, s28  }
0xfb: {  	[tilespmem:s24], [sflag:$0xC] =	stream.linear.gather [hbm4b:s5+s1], $0x80, $0x38;
	[tilespmem:$0x1FF00] =	vst v63  }
.LBB2_5:
0xfc: {  	_ =	sfence.sel $0x180000  }
0xfd: {  	[bflag:$0x0] =	sbarrier.arrive $0xFFFF  }
0xfe: {  	_ =	strace $0x90000047  }
0xff: {  	s0 =	stileid.u32;
	[bflag:$0x2] =	sbarrier.arrive $0xFFFF  }
0x100: {  	p0 =	sne.s32 s0, $0x0;
	s0 =	rddreg [dreg:$0x3]  }
0x101: {  	s0 =	sadd.s32 @!p0 $0x100000, s0  }
0x102: {  	[sflag:s0] =	ssyncadd.tile.s32 @!p0 $0x1;
	_ =	shalt  }
.Lfunc_end2:
_tile_overlayer_lowered:
.L_overlay_start_2:
0x103: {  	(tag) =	ssettag $0x2  }
0x104: {  	s0 =	rddreg [dreg:$0x0];
	s2 =	stileid.u32  }
0x105: {  	s1 =	rddreg [dreg:$0x1];
	p0 =	sne.s32 s2, $0x0  }
0x106: {  	s3 =	rddreg [dreg:$0x2];
	[bflag:$0x3] =	sbarrier.arrive $0xFFFF;
	s2 =	simm.s32 @!p0 $0x1C10  }
0x107: {  	[timem:s3], [sflag:s2] =	dma.local @!p0 [hbm:s0], s1  }
0x108: {  	s0 =	simm.s32 @!p0 $0x10  }
0x109: {  	_ =	swait.ge @!p0 [sflag:s0], s1  }
0x10a: {  	s1 =	ssub.s32 @!p0 $0x0, s1;
	[sflag:s0] =	ssyncset.done @!p0 $0x0  }
0x10b: {  	[sflag:s0] =	ssyncadd.s32 @!p0 s1  }
0x10c: {  	[bflag:$0x3] =	sbarrier.arrive $0xFFFF  }
0x10d: {  	_ =	shalt  }

</sc_bundles>
